<compile_context>
chip_gen: v7x
topology: tpu7x:2x2x1
jax: 0.10.2.dev20260603
libtpu: 0.0.44.dev20260713+nightly
codegen_flags: <defaults>
</compile_context>

<pallas_src>
import functools

import jax
import jax.numpy as jnp
from jax import lax
from jax.experimental import pallas as pl
from jax.experimental.pallas import tpu as pltpu
from jax.experimental.pallas import tpu_sc as plsc

B = 4096
NI = 64
BPI = 32
UI = 32
UE = 65536
NH = 2
NCLS = 10
F = 64
IB = NI * BPI

BB = 512
PE = 4096

NW = 32


def _prep_body(thr_ref, hv_ref, oq_ref, out_ref):
    oq = oq_ref[0:1, :]
    src = oq // BPI
    tcol = oq % BPI
    i_iota = lax.broadcasted_iota(jnp.int32, (NI, IB), 0)
    sel_i = (i_iota == src).astype(jnp.float32)
    t_iota = lax.broadcasted_iota(jnp.int32, (BPI, IB), 0)
    sel_t = (t_iota == tcol).astype(jnp.float32)
    w2 = lax.dot_general(thr_ref[...], sel_t, (((1,), (0,)), ((), ())),
                         precision=lax.Precision.HIGHEST,
                         preferred_element_type=jnp.float32)
    rows = [jnp.sum(sel_i * w2, axis=0, keepdims=True)]
    q_iota = lax.broadcasted_iota(jnp.int32, (UI, IB), 1)
    j_iota = lax.broadcasted_iota(jnp.int32, (UI, IB), 0)
    sel_j = (j_iota == q_iota // F).astype(jnp.float32)
    for h in range(NH):
        rows.append(lax.dot_general(hv_ref[h:h + 1, :], sel_j,
                                    (((1,), (0,)), ((), ())),
                                    precision=lax.Precision.HIGHEST,
                                    preferred_element_type=jnp.float32))
    rows.append(jnp.zeros((8 - 1 - NH, IB), jnp.float32))
    out_ref[...] = jnp.concatenate(rows, axis=0)


def _prep(thresholds, hv_pad, oq_pad):
    return pl.pallas_call(
        _prep_body,
        grid=(1,),
        in_specs=[
            pl.BlockSpec((NI, BPI), lambda i: (0, 0)),
            pl.BlockSpec((8, BPI), lambda i: (0, 0)),
            pl.BlockSpec((8, IB), lambda i: (0, 0)),
        ],
        out_specs=pl.BlockSpec((8, IB), lambda i: (0, 0)),
        out_shape=jax.ShapeDtypeStruct((8, IB), jnp.float32),
    )(thresholds, hv_pad, oq_pad)


def _hash_body(x_ref, oq_ref, prep_ref, out_ref):
    src = oq_ref[0:1, :] // BPI
    i_iota = lax.broadcasted_iota(jnp.int32, (NI, IB), 0)
    sel_i = (i_iota == src).astype(jnp.bfloat16)
    x = x_ref[...]
    xh = x.astype(jnp.bfloat16)
    r1 = x - xh.astype(jnp.float32)
    xm = r1.astype(jnp.bfloat16)
    dn = (((1,), (0,)), ((), ()))
    xq = (lax.dot_general(xh, sel_i, dn, preferred_element_type=jnp.float32)
          + lax.dot_general(xm, sel_i, dn, preferred_element_type=jnp.float32))
    bits = xq >= prep_ref[0:1, :]
    f_off = lax.broadcasted_iota(jnp.int32, (x.shape[0], F), 1) * 128
    planes = []
    for h in range(NH):
        coef_i = prep_ref[1 + h:2 + h, :].astype(jnp.int32)
        sel = jnp.where(bits, coef_i, 0)
        w = IB
        while w > F:
            w //= 2
            sel = sel[:, :w] ^ sel[:, w:2 * w]
        planes.append(((sel >> 7) << 13) + f_off + (sel & 127))
    out_ref[...] = jnp.concatenate(planes, axis=1)


def _hash_indices(x, oq_pad, prep_rows):
    nb = x.shape[0]
    return pl.pallas_call(
        _hash_body,
        grid=(nb // BB,),
        in_specs=[
            pl.BlockSpec((BB, NI), lambda i: (i, 0)),
            pl.BlockSpec((8, IB), lambda i: (0, 0)),
            pl.BlockSpec((8, IB), lambda i: (0, 0)),
        ],
        out_specs=pl.BlockSpec((BB, NH * F), lambda i: (i, 0)),
        out_shape=jax.ShapeDtypeStruct((nb, NH * F), jnp.int32),
    )(x, oq_pad, prep_rows)


def _pack_body(d_ref, out_ref):
    w = jnp.zeros((F, PE), jnp.int32)
    for c in range(NCLS):
        w = w + (d_ref[c] >= 0).astype(jnp.int32) * (1 << c)
    for t in range(PE // 128):
        out_ref[t] = w[:, t * 128:(t + 1) * 128]


def _pack_table(data):
    return pl.pallas_call(
        _pack_body,
        grid=(UE // PE,),
        in_specs=[pl.BlockSpec((NCLS, F, PE), lambda e: (0, 0, e))],
        out_specs=pl.BlockSpec((PE // 128, F, 128), lambda e: (e, 0, 0)),
        out_shape=jax.ShapeDtypeStruct((UE // 128, F, 128), jnp.int32),
    )(data)


def _sc_gather(idx2d, table_flat):
    nrows = idx2d.shape[0]
    rows_w = nrows // NW

    def body(idx_hbm, table_hbm, out_hbm, idx_v, out_v, sem):
        wid = lax.axis_index("s") * 2 + lax.axis_index("c")
        base = wid * rows_w
        pltpu.sync_copy(idx_hbm.at[pl.ds(base, rows_w)], idx_v)
        descs = [pltpu.async_copy(table_hbm.at[idx_v.at[r]], out_v.at[r], sem)
                 for r in range(rows_w)]
        for d in descs:
            d.wait()
        pltpu.sync_copy(out_v, out_hbm.at[pl.ds(base, rows_w)])

    fn = functools.partial(
        pl.kernel,
        mesh=plsc.VectorSubcoreMesh(core_axis_name="c", subcore_axis_name="s"),
        out_type=jax.ShapeDtypeStruct((nrows, NH * F), jnp.int32),
        scratch_types=[
            pltpu.VMEM((rows_w, 128), jnp.int32),
            pltpu.VMEM((rows_w, 128), jnp.int32),
            pltpu.SemaphoreType.DMA,
        ],
    )(body)
    return fn(idx2d, table_flat)


def _reduce_body(g_ref, mask_ref, bias_ref, out_ref):
    w = g_ref[:, :F] & g_ref[:, F:]
    cols = []
    for c in range(NCLS):
        plane = ((w >> c) & 1).astype(jnp.float32)
        m = mask_ref[c:c + 1, :]
        cols.append(jnp.sum(plane * m, axis=1, keepdims=True))
    res = jnp.concatenate(cols, axis=1)
    out_ref[...] = res + bias_ref[0:1, :NCLS]


def _reduce(gathered, mask_pad, bias_pad):
    nb = gathered.shape[0]
    return pl.pallas_call(
        _reduce_body,
        grid=(1,),
        in_specs=[
            pl.BlockSpec((nb, NH * F), lambda i: (0, 0)),
            pl.BlockSpec((16, F), lambda i: (0, 0)),
            pl.BlockSpec((8, 16), lambda i: (0, 0)),
        ],
        out_specs=pl.BlockSpec((nb, NCLS), lambda i: (0, 0)),
        out_shape=jax.ShapeDtypeStruct((nb, NCLS), jnp.float32),
    )(gathered, mask_pad, bias_pad)


def kernel(x, thresholds, data, hash_values, input_order, mask, bias):
    oq = input_order.astype(jnp.int32).reshape(F, UI).T.reshape(1, IB)
    oq_pad = jnp.pad(oq, ((0, 7), (0, 0)))
    hv_pad = jnp.pad(hash_values.astype(jnp.float32), ((0, 8 - NH), (0, 0)))
    mask_pad = jnp.pad(mask, ((0, 16 - NCLS), (0, 0)))
    bias_pad = jnp.pad(bias.reshape(1, NCLS), ((0, 7), (0, 16 - NCLS)))

    prep_rows = _prep(thresholds, hv_pad, oq_pad)
    table = _pack_table(data).reshape(F * UE)
    halves = []
    for s in range(2):
        xs = x[s * (B // 2):(s + 1) * (B // 2)]
        gidx = _hash_indices(xs, oq_pad, prep_rows)
        gathered = _sc_gather(gidx, table)
        halves.append(_reduce(gathered, mask_pad, bias_pad))
    return jnp.concatenate(halves, axis=0)

# --- scband reference (transcript-rebuilt; emitter-appended) ---
"""Pipeline reference for scband-backprop-wi-sard-22952305230076 (READ-ONLY COPY).

The authoritative reference and input builder live on the scoring server;
editing this copy changes nothing except your own understanding.
"""

import jax, jax.numpy as jnp
import numpy as np

NUM_INPUTS = 64
NUM_CLASSES = 10
UNIT_INPUTS = 32
UNIT_ENTRIES = 65536
UNIT_HASHES = 2
BITS_PER_INPUT = 32
BATCH = 4096
INPUT_BITS = int(np.ceil(NUM_INPUTS * BITS_PER_INPUT / UNIT_INPUTS)) * UNIT_INPUTS
NULL_BITS = INPUT_BITS - NUM_INPUTS * BITS_PER_INPUT
FILTERS = INPUT_BITS // UNIT_INPUTS


def setup_inputs(seed: int = 0) -> dict:
    key = jax.random.key(seed)
    k1, k2, k3, k4, k5 = jax.random.split(key, 5)
    x = jax.random.normal(k1, (BATCH, NUM_INPUTS), dtype=jnp.float32)
    # thresholds are a non-trainable buffer computed in __init__ from train_data stats;
    # materialize an equivalent-scale buffer directly.
    thresholds = jax.random.uniform(k2, (NUM_INPUTS, BITS_PER_INPUT), minval=-1.0, maxval=1.0, dtype=jnp.float32)
    data = jax.random.uniform(k3, (NUM_CLASSES, FILTERS, UNIT_ENTRIES), minval=-1.0, maxval=1.0, dtype=jnp.float32)
    hash_values = jax.random.randint(k4, (UNIT_HASHES, UNIT_INPUTS), 0, UNIT_ENTRIES, dtype=jnp.int32)
    input_order = jax.random.permutation(k5, INPUT_BITS)
    mask = jnp.ones((NUM_CLASSES, FILTERS), dtype=jnp.float32)
    bias = jnp.zeros((NUM_CLASSES,), dtype=jnp.float32)
    return {"x": x, "thresholds": thresholds, "data": data, "hash_values": hash_values,
            "input_order": input_order, "mask": mask, "bias": bias}


def reference(x, thresholds, data, hash_values, input_order, mask, bias):
    B = x.shape[0]
    duplicated = jnp.broadcast_to(x[:, :, None], (B, NUM_INPUTS, BITS_PER_INPUT))
    binarized = (duplicated >= thresholds[None, :, :]).astype(jnp.int32).reshape(B, -1)
    padded = jnp.pad(binarized, ((0, 0), (0, NULL_BITS)))
    mapped = padded[:, input_order]
    hash_inputs = mapped.reshape(B * FILTERS, UNIT_INPUTS)
    # H3 hash: XOR over input bits of (bit * hash value)
    selected = hash_values[None, :, :] * hash_inputs[:, None, :]  # [D, H, unit_inputs]
    hash_out = selected[:, :, 0]
    for i in range(1, UNIT_INPUTS):
        hash_out = jnp.bitwise_xor(hash_out, selected[:, :, i])
    idx = hash_out.reshape(B, FILTERS, UNIT_HASHES).transpose(1, 0, 2).reshape(FILTERS, B * UNIT_HASHES)
    idx_full = jnp.broadcast_to(idx[None, :, :], (NUM_CLASSES, FILTERS, B * UNIT_HASHES))
    flat_lookup = jnp.take_along_axis(data, idx_full, axis=2)
    lookup = flat_lookup.reshape(NUM_CLASSES, FILTERS, B, UNIT_HASHES).transpose(2, 0, 1, 3)
    bin_lookup = (lookup >= 0).astype(jnp.float32)
    responses = jnp.min(bin_lookup, axis=-1)
    result = (responses * mask[None, :, :]).sum(axis=2) + bias[None, :]
    return result

if __name__ == "__main__":
    import jax
    _d = setup_inputs()
    print(jax.jit(kernel)(*tuple(_d.values())))

</pallas_src>

<mosaic_0001>
#map = affine_map<(d0, d1) -> (0, 0)>
#map1 = affine_map<(d0, d1) -> (0)>
module attributes {stable_mosaic.version = 14 : i64} {
  func.func @body(%arg0: i32, %arg1: i32, %arg2: memref<2048x128xi32, #tpu.memory_space<hbm>>, %arg3: memref<4194304xi32, #tpu.memory_space<hbm>>, %arg4: memref<2048x128xi32, #tpu.memory_space<hbm>>, %arg5: memref<64x128xi32, #tpu.memory_space<vmem>>, %arg6: memref<64x128xi32, #tpu.memory_space<vmem>>, %arg7: memref<!tpu.dma_semaphore, #tpu.memory_space<semaphore_mem>>) attributes {dimension_semantics = [#tpu.dimension_semantics<core_parallel>, #tpu.dimension_semantics<subcore_parallel>], iteration_bounds = array<i64: 2, 16>, scalar_prefetch = 0 : i64, scratch_operands = 3 : i64, tpu.core_type = #tpu.core_type<sc_vector_subcore>, window_params = [{transform_indices = #map}, {transform_indices = #map1}, {transform_indices = #map}]} {
    %mul3A = arith.constant 2 : i32
    %mul3A_0 = arith.muli %arg1, %mul3A : i32
    %add3A = arith.addi %mul3A_0, %arg0 : i32
    %mul3A_1 = arith.constant 64 : i32
    %mul3A_2 = arith.muli %add3A, %mul3A_1 : i32
    "tpu.region"() ({
      %run_scoped3A = tpu.sem_alloc : memref<!tpu.dma_semaphore, #tpu.memory_space<semaphore_mem>>
      %dma_start3A_1281 = arith.constant 0 : i32
      %dma_start3A_1282 = tpu.memref_slice %arg2[%mul3A_2, %dma_start3A_1281] : memref<2048x128xi32, #tpu.memory_space<hbm>> -> memref<64x128xi32, #tpu.memory_space<hbm>>
      %dma_start3A_1283 = arith.constant 0 : i32
      %dma_start3A_1284 = tpu.memref_slice %arg2[%mul3A_2, %dma_start3A_1283] : memref<2048x128xi32, #tpu.memory_space<hbm>> -> memref<64x128xi32, #tpu.memory_space<hbm>>
      tpu.enqueue_dma source(%dma_start3A_1284 : memref<64x128xi32, #tpu.memory_space<hbm>>) target(%arg5 : memref<64x128xi32, #tpu.memory_space<vmem>>) target_semaphore(%run_scoped3A : memref<!tpu.dma_semaphore, #tpu.memory_space<semaphore_mem>>)
      %dma_wait3A_1285 = arith.constant 0 : i32
      %dma_wait3A_1286 = tpu.memref_slice %arg2[%mul3A_2, %dma_wait3A_1285] : memref<2048x128xi32, #tpu.memory_space<hbm>> -> memref<64x128xi32, #tpu.memory_space<hbm>>
      %dma_wait3A_1287 = arith.constant 0 : i32
      %dma_wait3A_1288 = tpu.memref_slice %arg2[%mul3A_2, %dma_wait3A_1287] : memref<2048x128xi32, #tpu.memory_space<hbm>> -> memref<64x128xi32, #tpu.memory_space<hbm>>
      tpu.wait_dma2 semaphore(%run_scoped3A : memref<!tpu.dma_semaphore, #tpu.memory_space<semaphore_mem>>) src(%dma_wait3A_1288 : memref<64x128xi32, #tpu.memory_space<hbm>>) dst(%arg5 : memref<64x128xi32, #tpu.memory_space<vmem>>)
      tpu.yield
    }) : () -> ()
    %dma_start3A = arith.constant 0 : i32
    %dma_start3A_3 = arith.constant 0 : i32
    %dma_start3A_4 = arith.constant 0 : i32
    %dma_start3A_5 = tpu.memref_slice %arg6[%dma_start3A_3, %dma_start3A_4] : memref<64x128xi32, #tpu.memory_space<vmem>> -> memref<1x128xi32, #tpu.memory_space<vmem>>
    %dma_start3A_6 = tpu.memref_squeeze %dma_start3A_5 : memref<1x128xi32, #tpu.memory_space<vmem>> -> memref<128xi32, #tpu.memory_space<vmem>>
    %dma_start3A_7 = arith.constant 0 : i32
    %dma_start3A_8 = tpu.memref_slice %arg5[%dma_start3A, %dma_start3A_7] : memref<64x128xi32, #tpu.memory_space<vmem>> -> memref<1x128xi32, #tpu.memory_space<vmem>>
    %dma_start3A_9 = tpu.memref_squeeze %dma_start3A_8 : memref<1x128xi32, #tpu.memory_space<vmem>> -> memref<128xi32, #tpu.memory_space<vmem>>
    %dma_start3A_10 = arith.constant 0 : i32
    %dma_start3A_11 = tpu.memref_slice %arg3[%dma_start3A_10] : memref<4194304xi32, #tpu.memory_space<hbm>> -> memref<4194304xi32, #tpu.memory_space<hbm>>
    tpu.enqueue_indirect_dma source(%dma_start3A_11 : memref<4194304xi32, #tpu.memory_space<hbm>>) target(%dma_start3A_6 : memref<128xi32, #tpu.memory_space<vmem>>) offsets(%dma_start3A_9 : memref<128xi32, #tpu.memory_space<vmem>>) semaphore(%arg7 : memref<!tpu.dma_semaphore, #tpu.memory_space<semaphore_mem>>)
    %dma_start3A_12 = arith.constant 1 : i32
    %dma_start3A_13 = arith.constant 1 : i32
    %dma_start3A_14 = arith.constant 0 : i32
    %dma_start3A_15 = tpu.memref_slice %arg6[%dma_start3A_13, %dma_start3A_14] : memref<64x128xi32, #tpu.memory_space<vmem>> -> memref<1x128xi32, #tpu.memory_space<vmem>>
    %dma_start3A_16 = tpu.memref_squeeze %dma_start3A_15 : memref<1x128xi32, #tpu.memory_space<vmem>> -> memref<128xi32, #tpu.memory_space<vmem>>
    %dma_start3A_17 = arith.constant 0 : i32
    %dma_start3A_18 = tpu.memref_slice %arg5[%dma_start3A_12, %dma_start3A_17] : memref<64x128xi32, #tpu.memory_space<vmem>> -> memref<1x128xi32, #tpu.memory_space<vmem>>
    %dma_start3A_19 = tpu.memref_squeeze %dma_start3A_18 : memref<1x128xi32, #tpu.memory_space<vmem>> -> memref<128xi32, #tpu.memory_space<vmem>>
    %dma_start3A_20 = arith.constant 0 : i32
    %dma_start3A_21 = tpu.memref_slice %arg3[%dma_start3A_20] : memref<4194304xi32, #tpu.memory_space<hbm>> -> memref<4194304xi32, #tpu.memory_space<hbm>>
    tpu.enqueue_indirect_dma source(%dma_start3A_21 : memref<4194304xi32, #tpu.memory_space<hbm>>) target(%dma_start3A_16 : memref<128xi32, #tpu.memory_space<vmem>>) offsets(%dma_start3A_19 : memref<128xi32, #tpu.memory_space<vmem>>) semaphore(%arg7 : memref<!tpu.dma_semaphore, #tpu.memory_space<semaphore_mem>>)
    %dma_start3A_22 = arith.constant 2 : i32
    %dma_start3A_23 = arith.constant 2 : i32
    %dma_start3A_24 = arith.constant 0 : i32
    %dma_start3A_25 = tpu.memref_slice %arg6[%dma_start3A_23, %dma_start3A_24] : memref<64x128xi32, #tpu.memory_space<vmem>> -> memref<1x128xi32, #tpu.memory_space<vmem>>
    %dma_start3A_26 = tpu.memref_squeeze %dma_start3A_25 : memref<1x128xi32, #tpu.memory_space<vmem>> -> memref<128xi32, #tpu.memory_space<vmem>>
    %dma_start3A_27 = arith.constant 0 : i32
    %dma_start3A_28 = tpu.memref_slice %arg5[%dma_start3A_22, %dma_start3A_27] : memref<64x128xi32, #tpu.memory_space<vmem>> -> memref<1x128xi32, #tpu.memory_space<vmem>>
    %dma_start3A_29 = tpu.memref_squeeze %dma_start3A_28 : memref<1x128xi32, #tpu.memory_space<vmem>> -> memref<128xi32, #tpu.memory_space<vmem>>
    %dma_start3A_30 = arith.constant 0 : i32
    %dma_start3A_31 = tpu.memref_slice %arg3[%dma_start3A_30] : memref<4194304xi32, #tpu.memory_space<hbm>> -> memref<4194304xi32, #tpu.memory_space<hbm>>
    tpu.enqueue_indirect_dma source(%dma_start3A_31 : memref<4194304xi32, #tpu.memory_space<hbm>>) target(%dma_start3A_26 : memref<128xi32, #tpu.memory_space<vmem>>) offsets(%dma_start3A_29 : memref<128xi32, #tpu.memory_space<vmem>>) semaphore(%arg7 : memref<!tpu.dma_semaphore, #tpu.memory_space<semaphore_mem>>)
    %dma_start3A_32 = arith.constant 3 : i32
    %dma_start3A_33 = arith.constant 3 : i32
    %dma_start3A_34 = arith.constant 0 : i32
    %dma_start3A_35 = tpu.memref_slice %arg6[%dma_start3A_33, %dma_start3A_34] : memref<64x128xi32, #tpu.memory_space<vmem>> -> memref<1x128xi32, #tpu.memory_space<vmem>>
    %dma_start3A_36 = tpu.memref_squeeze %dma_start3A_35 : memref<1x128xi32, #tpu.memory_space<vmem>> -> memref<128xi32, #tpu.memory_space<vmem>>
    %dma_start3A_37 = arith.constant 0 : i32
    %dma_start3A_38 = tpu.memref_slice %arg5[%dma_start3A_32, %dma_start3A_37] : memref<64x128xi32, #tpu.memory_space<vmem>> -> memref<1x128xi32, #tpu.memory_space<vmem>>
    %dma_start3A_39 = tpu.memref_squeeze %dma_start3A_38 : memref<1x128xi32, #tpu.memory_space<vmem>> -> memref<128xi32, #tpu.memory_space<vmem>>
    %dma_start3A_40 = arith.constant 0 : i32
    %dma_start3A_41 = tpu.memref_slice %arg3[%dma_start3A_40] : memref<4194304xi32, #tpu.memory_space<hbm>> -> memref<4194304xi32, #tpu.memory_space<hbm>>
    tpu.enqueue_indirect_dma source(%dma_start3A_41 : memref<4194304xi32, #tpu.memory_space<hbm>>) target(%dma_start3A_36 : memref<128xi32, #tpu.memory_space<vmem>>) offsets(%dma_start3A_39 : memref<128xi32, #tpu.memory_space<vmem>>) semaphore(%arg7 : memref<!tpu.dma_semaphore, #tpu.memory_space<semaphore_mem>>)
    %dma_start3A_42 = arith.constant 4 : i32
    %dma_start3A_43 = arith.constant 4 : i32
    %dma_start3A_44 = arith.constant 0 : i32
    %dma_start3A_45 = tpu.memref_slice %arg6[%dma_start3A_43, %dma_start3A_44] : memref<64x128xi32, #tpu.memory_space<vmem>> -> memref<1x128xi32, #tpu.memory_space<vmem>>
    %dma_start3A_46 = tpu.memref_squeeze %dma_start3A_45 : memref<1x128xi32, #tpu.memory_space<vmem>> -> memref<128xi32, #tpu.memory_space<vmem>>
    %dma_start3A_47 = arith.constant 0 : i32
    %dma_start3A_48 = tpu.memref_slice %arg5[%dma_start3A_42, %dma_start3A_47] : memref<64x128xi32, #tpu.memory_space<vmem>> -> memref<1x128xi32, #tpu.memory_space<vmem>>
    %dma_start3A_49 = tpu.memref_squeeze %dma_start3A_48 : memref<1x128xi32, #tpu.memory_space<vmem>> -> memref<128xi32, #tpu.memory_space<vmem>>
    %dma_start3A_50 = arith.constant 0 : i32
    %dma_start3A_51 = tpu.memref_slice %arg3[%dma_start3A_50] : memref<4194304xi32, #tpu.memory_space<hbm>> -> memref<4194304xi32, #tpu.memory_space<hbm>>
    tpu.enqueue_indirect_dma source(%dma_start3A_51 : memref<4194304xi32, #tpu.memory_space<hbm>>) target(%dma_start3A_46 : memref<128xi32, #tpu.memory_space<vmem>>) offsets(%dma_start3A_49 : memref<128xi32, #tpu.memory_space<vmem>>) semaphore(%arg7 : memref<!tpu.dma_semaphore, #tpu.memory_space<semaphore_mem>>)
    %dma_start3A_52 = arith.constant 5 : i32
    %dma_start3A_53 = arith.constant 5 : i32
    %dma_start3A_54 = arith.constant 0 : i32
    %dma_start3A_55 = tpu.memref_slice %arg6[%dma_start3A_53, %dma_start3A_54] : memref<64x128xi32, #tpu.memory_space<vmem>> -> memref<1x128xi32, #tpu.memory_space<vmem>>
    %dma_start3A_56 = tpu.memref_squeeze %dma_start3A_55 : memref<1x128xi32, #tpu.memory_space<vmem>> -> memref<128xi32, #tpu.memory_space<vmem>>
    %dma_start3A_57 = arith.constant 0 : i32
    %dma_start3A_58 = tpu.memref_slice %arg5[%dma_start3A_52, %dma_start3A_57] : memref<64x128xi32, #tpu.memory_space<vmem>> -> memref<1x128xi32, #tpu.memory_space<vmem>>
    %dma_start3A_59 = tpu.memref_squeeze %dma_start3A_58 : memref<1x128xi32, #tpu.memory_space<vmem>> -> memref<128xi32, #tpu.memory_space<vmem>>
    %dma_start3A_60 = arith.constant 0 : i32
    %dma_start3A_61 = tpu.memref_slice %arg3[%dma_start3A_60] : memref<4194304xi32, #tpu.memory_space<hbm>> -> memref<4194304xi32, #tpu.memory_space<hbm>>
    tpu.enqueue_indirect_dma source(%dma_start3A_61 : memref<4194304xi32, #tpu.memory_space<hbm>>) target(%dma_start3A_56 : memref<128xi32, #tpu.memory_space<vmem>>) offsets(%dma_start3A_59 : memref<128xi32, #tpu.memory_space<vmem>>) semaphore(%arg7 : memref<!tpu.dma_semaphore, #tpu.memory_space<semaphore_mem>>)
    %dma_start3A_62 = arith.constant 6 : i32
    %dma_start3A_63 = arith.constant 6 : i32
    %dma_start3A_64 = arith.constant 0 : i32
    %dma_start3A_65 = tpu.memref_slice %arg6[%dma_start3A_63, %dma_start3A_64] : memref<64x128xi32, #tpu.memory_space<vmem>> -> memref<1x128xi32, #tpu.memory_space<vmem>>
    %dma_start3A_66 = tpu.memref_squeeze %dma_start3A_65 : memref<1x128xi32, #tpu.memory_space<vmem>> -> memref<128xi32, #tpu.memory_space<vmem>>
    %dma_start3A_67 = arith.constant 0 : i32
    %dma_start3A_68 = tpu.memref_slice %arg5[%dma_start3A_62, %dma_start3A_67] : memref<64x128xi32, #tpu.memory_space<vmem>> -> memref<1x128xi32, #tpu.memory_space<vmem>>
    %dma_start3A_69 = tpu.memref_squeeze %dma_start3A_68 : memref<1x128xi32, #tpu.memory_space<vmem>> -> memref<128xi32, #tpu.memory_space<vmem>>
    %dma_start3A_70 = arith.constant 0 : i32
    %dma_start3A_71 = tpu.memref_slice %arg3[%dma_start3A_70] : memref<4194304xi32, #tpu.memory_space<hbm>> -> memref<4194304xi32, #tpu.memory_space<hbm>>
    tpu.enqueue_indirect_dma source(%dma_start3A_71 : memref<4194304xi32, #tpu.memory_space<hbm>>) target(%dma_start3A_66 : memref<128xi32, #tpu.memory_space<vmem>>) offsets(%dma_start3A_69 : memref<128xi32, #tpu.memory_space<vmem>>) semaphore(%arg7 : memref<!tpu.dma_semaphore, #tpu.memory_space<semaphore_mem>>)
    %dma_start3A_72 = arith.constant 7 : i32
    %dma_start3A_73 = arith.constant 7 : i32
    %dma_start3A_74 = arith.constant 0 : i32
    %dma_start3A_75 = tpu.memref_slice %arg6[%dma_start3A_73, %dma_start3A_74] : memref<64x128xi32, #tpu.memory_space<vmem>> -> memref<1x128xi32, #tpu.memory_space<vmem>>
    %dma_start3A_76 = tpu.memref_squeeze %dma_start3A_75 : memref<1x128xi32, #tpu.memory_space<vmem>> -> memref<128xi32, #tpu.memory_space<vmem>>
    %dma_start3A_77 = arith.constant 0 : i32
    %dma_start3A_78 = tpu.memref_slice %arg5[%dma_start3A_72, %dma_start3A_77] : memref<64x128xi32, #tpu.memory_space<vmem>> -> memref<1x128xi32, #tpu.memory_space<vmem>>
    %dma_start3A_79 = tpu.memref_squeeze %dma_start3A_78 : memref<1x128xi32, #tpu.memory_space<vmem>> -> memref<128xi32, #tpu.memory_space<vmem>>
    %dma_start3A_80 = arith.constant 0 : i32
    %dma_start3A_81 = tpu.memref_slice %arg3[%dma_start3A_80] : memref<4194304xi32, #tpu.memory_space<hbm>> -> memref<4194304xi32, #tpu.memory_space<hbm>>
    tpu.enqueue_indirect_dma source(%dma_start3A_81 : memref<4194304xi32, #tpu.memory_space<hbm>>) target(%dma_start3A_76 : memref<128xi32, #tpu.memory_space<vmem>>) offsets(%dma_start3A_79 : memref<128xi32, #tpu.memory_space<vmem>>) semaphore(%arg7 : memref<!tpu.dma_semaphore, #tpu.memory_space<semaphore_mem>>)
    %dma_start3A_82 = arith.constant 8 : i32
    %dma_start3A_83 = arith.constant 8 : i32
    %dma_start3A_84 = arith.constant 0 : i32
    %dma_start3A_85 = tpu.memref_slice %arg6[%dma_start3A_83, %dma_start3A_84] : memref<64x128xi32, #tpu.memory_space<vmem>> -> memref<1x128xi32, #tpu.memory_space<vmem>>
    %dma_start3A_86 = tpu.memref_squeeze %dma_start3A_85 : memref<1x128xi32, #tpu.memory_space<vmem>> -> memref<128xi32, #tpu.memory_space<vmem>>
    %dma_start3A_87 = arith.constant 0 : i32
    %dma_start3A_88 = tpu.memref_slice %arg5[%dma_start3A_82, %dma_start3A_87] : memref<64x128xi32, #tpu.memory_space<vmem>> -> memref<1x128xi32, #tpu.memory_space<vmem>>
    %dma_start3A_89 = tpu.memref_squeeze %dma_start3A_88 : memref<1x128xi32, #tpu.memory_space<vmem>> -> memref<128xi32, #tpu.memory_space<vmem>>
    %dma_start3A_90 = arith.constant 0 : i32
    %dma_start3A_91 = tpu.memref_slice %arg3[%dma_start3A_90] : memref<4194304xi32, #tpu.memory_space<hbm>> -> memref<4194304xi32, #tpu.memory_space<hbm>>
    tpu.enqueue_indirect_dma source(%dma_start3A_91 : memref<4194304xi32, #tpu.memory_space<hbm>>) target(%dma_start3A_86 : memref<128xi32, #tpu.memory_space<vmem>>) offsets(%dma_start3A_89 : memref<128xi32, #tpu.memory_space<vmem>>) semaphore(%arg7 : memref<!tpu.dma_semaphore, #tpu.memory_space<semaphore_mem>>)
    %dma_start3A_92 = arith.constant 9 : i32
    %dma_start3A_93 = arith.constant 9 : i32
    %dma_start3A_94 = arith.constant 0 : i32
    %dma_start3A_95 = tpu.memref_slice %arg6[%dma_start3A_93, %dma_start3A_94] : memref<64x128xi32, #tpu.memory_space<vmem>> -> memref<1x128xi32, #tpu.memory_space<vmem>>
    %dma_start3A_96 = tpu.memref_squeeze %dma_start3A_95 : memref<1x128xi32, #tpu.memory_space<vmem>> -> memref<128xi32, #tpu.memory_space<vmem>>
    %dma_start3A_97 = arith.constant 0 : i32
    %dma_start3A_98 = tpu.memref_slice %arg5[%dma_start3A_92, %dma_start3A_97] : memref<64x128xi32, #tpu.memory_space<vmem>> -> memref<1x128xi32, #tpu.memory_space<vmem>>
    %dma_start3A_99 = tpu.memref_squeeze %dma_start3A_98 : memref<1x128xi32, #tpu.memory_space<vmem>> -> memref<128xi32, #tpu.memory_space<vmem>>
    %dma_start3A_100 = arith.constant 0 : i32
    %dma_start3A_101 = tpu.memref_slice %arg3[%dma_start3A_100] : memref<4194304xi32, #tpu.memory_space<hbm>> -> memref<4194304xi32, #tpu.memory_space<hbm>>
    tpu.enqueue_indirect_dma source(%dma_start3A_101 : memref<4194304xi32, #tpu.memory_space<hbm>>) target(%dma_start3A_96 : memref<128xi32, #tpu.memory_space<vmem>>) offsets(%dma_start3A_99 : memref<128xi32, #tpu.memory_space<vmem>>) semaphore(%arg7 : memref<!tpu.dma_semaphore, #tpu.memory_space<semaphore_mem>>)
    %dma_start3A_102 = arith.constant 10 : i32
    %dma_start3A_103 = arith.constant 10 : i32
    %dma_start3A_104 = arith.constant 0 : i32
    %dma_start3A_105 = tpu.memref_slice %arg6[%dma_start3A_103, %dma_start3A_104] : memref<64x128xi32, #tpu.memory_space<vmem>> -> memref<1x128xi32, #tpu.memory_space<vmem>>
    %dma_start3A_106 = tpu.memref_squeeze %dma_start3A_105 : memref<1x128xi32, #tpu.memory_space<vmem>> -> memref<128xi32, #tpu.memory_space<vmem>>
    %dma_start3A_107 = arith.constant 0 : i32
    %dma_start3A_108 = tpu.memref_slice %arg5[%dma_start3A_102, %dma_start3A_107] : memref<64x128xi32, #tpu.memory_space<vmem>> -> memref<1x128xi32, #tpu.memory_space<vmem>>
    %dma_start3A_109 = tpu.memref_squeeze %dma_start3A_108 : memref<1x128xi32, #tpu.memory_space<vmem>> -> memref<128xi32, #tpu.memory_space<vmem>>
    %dma_start3A_110 = arith.constant 0 : i32
    %dma_start3A_111 = tpu.memref_slice %arg3[%dma_start3A_110] : memref<4194304xi32, #tpu.memory_space<hbm>> -> memref<4194304xi32, #tpu.memory_space<hbm>>
    tpu.enqueue_indirect_dma source(%dma_start3A_111 : memref<4194304xi32, #tpu.memory_space<hbm>>) target(%dma_start3A_106 : memref<128xi32, #tpu.memory_space<vmem>>) offsets(%dma_start3A_109 : memref<128xi32, #tpu.memory_space<vmem>>) semaphore(%arg7 : memref<!tpu.dma_semaphore, #tpu.memory_space<semaphore_mem>>)
    %dma_start3A_112 = arith.constant 11 : i32
    %dma_start3A_113 = arith.constant 11 : i32
    %dma_start3A_114 = arith.constant 0 : i32
    %dma_start3A_115 = tpu.memref_slice %arg6[%dma_start3A_113, %dma_start3A_114] : memref<64x128xi32, #tpu.memory_space<vmem>> -> memref<1x128xi32, #tpu.memory_space<vmem>>
    %dma_start3A_116 = tpu.memref_squeeze %dma_start3A_115 : memref<1x128xi32, #tpu.memory_space<vmem>> -> memref<128xi32, #tpu.memory_space<vmem>>
    %dma_start3A_117 = arith.constant 0 : i32
    %dma_start3A_118 = tpu.memref_slice %arg5[%dma_start3A_112, %dma_start3A_117] : memref<64x128xi32, #tpu.memory_space<vmem>> -> memref<1x128xi32, #tpu.memory_space<vmem>>
    %dma_start3A_119 = tpu.memref_squeeze %dma_start3A_118 : memref<1x128xi32, #tpu.memory_space<vmem>> -> memref<128xi32, #tpu.memory_space<vmem>>
    %dma_start3A_120 = arith.constant 0 : i32
    %dma_start3A_121 = tpu.memref_slice %arg3[%dma_start3A_120] : memref<4194304xi32, #tpu.memory_space<hbm>> -> memref<4194304xi32, #tpu.memory_space<hbm>>
    tpu.enqueue_indirect_dma source(%dma_start3A_121 : memref<4194304xi32, #tpu.memory_space<hbm>>) target(%dma_start3A_116 : memref<128xi32, #tpu.memory_space<vmem>>) offsets(%dma_start3A_119 : memref<128xi32, #tpu.memory_space<vmem>>) semaphore(%arg7 : memref<!tpu.dma_semaphore, #tpu.memory_space<semaphore_mem>>)
    %dma_start3A_122 = arith.constant 12 : i32
    %dma_start3A_123 = arith.constant 12 : i32
    %dma_start3A_124 = arith.constant 0 : i32
    %dma_start3A_125 = tpu.memref_slice %arg6[%dma_start3A_123, %dma_start3A_124] : memref<64x128xi32, #tpu.memory_space<vmem>> -> memref<1x128xi32, #tpu.memory_space<vmem>>
    %dma_start3A_126 = tpu.memref_squeeze %dma_start3A_125 : memref<1x128xi32, #tpu.memory_space<vmem>> -> memref<128xi32, #tpu.memory_space<vmem>>
    %dma_start3A_127 = arith.constant 0 : i32
    %dma_start3A_128 = tpu.memref_slice %arg5[%dma_start3A_122, %dma_start3A_127] : memref<64x128xi32, #tpu.memory_space<vmem>> -> memref<1x128xi32, #tpu.memory_space<vmem>>
    %dma_start3A_129 = tpu.memref_squeeze %dma_start3A_128 : memref<1x128xi32, #tpu.memory_space<vmem>> -> memref<128xi32, #tpu.memory_space<vmem>>
    %dma_start3A_130 = arith.constant 0 : i32
    %dma_start3A_131 = tpu.memref_slice %arg3[%dma_start3A_130] : memref<4194304xi32, #tpu.memory_space<hbm>> -> memref<4194304xi32, #tpu.memory_space<hbm>>
    tpu.enqueue_indirect_dma source(%dma_start3A_131 : memref<4194304xi32, #tpu.memory_space<hbm>>) target(%dma_start3A_126 : memref<128xi32, #tpu.memory_space<vmem>>) offsets(%dma_start3A_129 : memref<128xi32, #tpu.memory_space<vmem>>) semaphore(%arg7 : memref<!tpu.dma_semaphore, #tpu.memory_space<semaphore_mem>>)
    %dma_start3A_132 = arith.constant 13 : i32
    %dma_start3A_133 = arith.constant 13 : i32
    %dma_start3A_134 = arith.constant 0 : i32
    %dma_start3A_135 = tpu.memref_slice %arg6[%dma_start3A_133, %dma_start3A_134] : memref<64x128xi32, #tpu.memory_space<vmem>> -> memref<1x128xi32, #tpu.memory_space<vmem>>
    %dma_start3A_136 = tpu.memref_squeeze %dma_start3A_135 : memref<1x128xi32, #tpu.memory_space<vmem>> -> memref<128xi32, #tpu.memory_space<vmem>>
    %dma_start3A_137 = arith.constant 0 : i32
    %dma_start3A_138 = tpu.memref_slice %arg5[%dma_start3A_132, %dma_start3A_137] : memref<64x128xi32, #tpu.memory_space<vmem>> -> memref<1x128xi32, #tpu.memory_space<vmem>>
    %dma_start3A_139 = tpu.memref_squeeze %dma_start3A_138 : memref<1x128xi32, #tpu.memory_space<vmem>> -> memref<128xi32, #tpu.memory_space<vmem>>
    %dma_start3A_140 = arith.constant 0 : i32
    %dma_start3A_141 = tpu.memref_slice %arg3[%dma_start3A_140] : memref<4194304xi32, #tpu.memory_space<hbm>> -> memref<4194304xi32, #tpu.memory_space<hbm>>
    tpu.enqueue_indirect_dma source(%dma_start3A_141 : memref<4194304xi32, #tpu.memory_space<hbm>>) target(%dma_start3A_136 : memref<128xi32, #tpu.memory_space<vmem>>) offsets(%dma_start3A_139 : memref<128xi32, #tpu.memory_space<vmem>>) semaphore(%arg7 : memref<!tpu.dma_semaphore, #tpu.memory_space<semaphore_mem>>)
    %dma_start3A_142 = arith.constant 14 : i32
    %dma_start3A_143 = arith.constant 14 : i32
    %dma_start3A_144 = arith.constant 0 : i32
    %dma_start3A_145 = tpu.memref_slice %arg6[%dma_start3A_143, %dma_start3A_144] : memref<64x128xi32, #tpu.memory_space<vmem>> -> memref<1x128xi32, #tpu.memory_space<vmem>>
    %dma_start3A_146 = tpu.memref_squeeze %dma_start3A_145 : memref<1x128xi32, #tpu.memory_space<vmem>> -> memref<128xi32, #tpu.memory_space<vmem>>
    %dma_start3A_147 = arith.constant 0 : i32
    %dma_start3A_148 = tpu.memref_slice %arg5[%dma_start3A_142, %dma_start3A_147] : memref<64x128xi32, #tpu.memory_space<vmem>> -> memref<1x128xi32, #tpu.memory_space<vmem>>
    %dma_start3A_149 = tpu.memref_squeeze %dma_start3A_148 : memref<1x128xi32, #tpu.memory_space<vmem>> -> memref<128xi32, #tpu.memory_space<vmem>>
    %dma_start3A_150 = arith.constant 0 : i32
    %dma_start3A_151 = tpu.memref_slice %arg3[%dma_start3A_150] : memref<4194304xi32, #tpu.memory_space<hbm>> -> memref<4194304xi32, #tpu.memory_space<hbm>>
    tpu.enqueue_indirect_dma source(%dma_start3A_151 : memref<4194304xi32, #tpu.memory_space<hbm>>) target(%dma_start3A_146 : memref<128xi32, #tpu.memory_space<vmem>>) offsets(%dma_start3A_149 : memref<128xi32, #tpu.memory_space<vmem>>) semaphore(%arg7 : memref<!tpu.dma_semaphore, #tpu.memory_space<semaphore_mem>>)
    %dma_start3A_152 = arith.constant 15 : i32
    %dma_start3A_153 = arith.constant 15 : i32
    %dma_start3A_154 = arith.constant 0 : i32
    %dma_start3A_155 = tpu.memref_slice %arg6[%dma_start3A_153, %dma_start3A_154] : memref<64x128xi32, #tpu.memory_space<vmem>> -> memref<1x128xi32, #tpu.memory_space<vmem>>
    %dma_start3A_156 = tpu.memref_squeeze %dma_start3A_155 : memref<1x128xi32, #tpu.memory_space<vmem>> -> memref<128xi32, #tpu.memory_space<vmem>>
    %dma_start3A_157 = arith.constant 0 : i32
    %dma_start3A_158 = tpu.memref_slice %arg5[%dma_start3A_152, %dma_start3A_157] : memref<64x128xi32, #tpu.memory_space<vmem>> -> memref<1x128xi32, #tpu.memory_space<vmem>>
    %dma_start3A_159 = tpu.memref_squeeze %dma_start3A_158 : memref<1x128xi32, #tpu.memory_space<vmem>> -> memref<128xi32, #tpu.memory_space<vmem>>
    %dma_start3A_160 = arith.constant 0 : i32
    %dma_start3A_161 = tpu.memref_slice %arg3[%dma_start3A_160] : memref<4194304xi32, #tpu.memory_space<hbm>> -> memref<4194304xi32, #tpu.memory_space<hbm>>
    tpu.enqueue_indirect_dma source(%dma_start3A_161 : memref<4194304xi32, #tpu.memory_space<hbm>>) target(%dma_start3A_156 : memref<128xi32, #tpu.memory_space<vmem>>) offsets(%dma_start3A_159 : memref<128xi32, #tpu.memory_space<vmem>>) semaphore(%arg7 : memref<!tpu.dma_semaphore, #tpu.memory_space<semaphore_mem>>)
    %dma_start3A_162 = arith.constant 16 : i32
    %dma_start3A_163 = arith.constant 16 : i32
    %dma_start3A_164 = arith.constant 0 : i32
    %dma_start3A_165 = tpu.memref_slice %arg6[%dma_start3A_163, %dma_start3A_164] : memref<64x128xi32, #tpu.memory_space<vmem>> -> memref<1x128xi32, #tpu.memory_space<vmem>>
    %dma_start3A_166 = tpu.memref_squeeze %dma_start3A_165 : memref<1x128xi32, #tpu.memory_space<vmem>> -> memref<128xi32, #tpu.memory_space<vmem>>
    %dma_start3A_167 = arith.constant 0 : i32
    %dma_start3A_168 = tpu.memref_slice %arg5[%dma_start3A_162, %dma_start3A_167] : memref<64x128xi32, #tpu.memory_space<vmem>> -> memref<1x128xi32, #tpu.memory_space<vmem>>
    %dma_start3A_169 = tpu.memref_squeeze %dma_start3A_168 : memref<1x128xi32, #tpu.memory_space<vmem>> -> memref<128xi32, #tpu.memory_space<vmem>>
    %dma_start3A_170 = arith.constant 0 : i32
    %dma_start3A_171 = tpu.memref_slice %arg3[%dma_start3A_170] : memref<4194304xi32, #tpu.memory_space<hbm>> -> memref<4194304xi32, #tpu.memory_space<hbm>>
    tpu.enqueue_indirect_dma source(%dma_start3A_171 : memref<4194304xi32, #tpu.memory_space<hbm>>) target(%dma_start3A_166 : memref<128xi32, #tpu.memory_space<vmem>>) offsets(%dma_start3A_169 : memref<128xi32, #tpu.memory_space<vmem>>) semaphore(%arg7 : memref<!tpu.dma_semaphore, #tpu.memory_space<semaphore_mem>>)
    %dma_start3A_172 = arith.constant 17 : i32
    %dma_start3A_173 = arith.constant 17 : i32
    %dma_start3A_174 = arith.constant 0 : i32
    %dma_start3A_175 = tpu.memref_slice %arg6[%dma_start3A_173, %dma_start3A_174] : memref<64x128xi32, #tpu.memory_space<vmem>> -> memref<1x128xi32, #tpu.memory_space<vmem>>
    %dma_start3A_176 = tpu.memref_squeeze %dma_start3A_175 : memref<1x128xi32, #tpu.memory_space<vmem>> -> memref<128xi32, #tpu.memory_space<vmem>>
    %dma_start3A_177 = arith.constant 0 : i32
    %dma_start3A_178 = tpu.memref_slice %arg5[%dma_start3A_172, %dma_start3A_177] : memref<64x128xi32, #tpu.memory_space<vmem>> -> memref<1x128xi32, #tpu.memory_space<vmem>>
    %dma_start3A_179 = tpu.memref_squeeze %dma_start3A_178 : memref<1x128xi32, #tpu.memory_space<vmem>> -> memref<128xi32, #tpu.memory_space<vmem>>
    %dma_start3A_180 = arith.constant 0 : i32
    %dma_start3A_181 = tpu.memref_slice %arg3[%dma_start3A_180] : memref<4194304xi32, #tpu.memory_space<hbm>> -> memref<4194304xi32, #tpu.memory_space<hbm>>
    tpu.enqueue_indirect_dma source(%dma_start3A_181 : memref<4194304xi32, #tpu.memory_space<hbm>>) target(%dma_start3A_176 : memref<128xi32, #tpu.memory_space<vmem>>) offsets(%dma_start3A_179 : memref<128xi32, #tpu.memory_space<vmem>>) semaphore(%arg7 : memref<!tpu.dma_semaphore, #tpu.memory_space<semaphore_mem>>)
    %dma_start3A_182 = arith.constant 18 : i32
    %dma_start3A_183 = arith.constant 18 : i32
    %dma_start3A_184 = arith.constant 0 : i32
    %dma_start3A_185 = tpu.memref_slice %arg6[%dma_start3A_183, %dma_start3A_184] : memref<64x128xi32, #tpu.memory_space<vmem>> -> memref<1x128xi32, #tpu.memory_space<vmem>>
    %dma_start3A_186 = tpu.memref_squeeze %dma_start3A_185 : memref<1x128xi32, #tpu.memory_space<vmem>> -> memref<128xi32, #tpu.memory_space<vmem>>
    %dma_start3A_187 = arith.constant 0 : i32
    %dma_start3A_188 = tpu.memref_slice %arg5[%dma_start3A_182, %dma_start3A_187] : memref<64x128xi32, #tpu.memory_space<vmem>> -> memref<1x128xi32, #tpu.memory_space<vmem>>
    %dma_start3A_189 = tpu.memref_squeeze %dma_start3A_188 : memref<1x128xi32, #tpu.memory_space<vmem>> -> memref<128xi32, #tpu.memory_space<vmem>>
    %dma_start3A_190 = arith.constant 0 : i32
    %dma_start3A_191 = tpu.memref_slice %arg3[%dma_start3A_190] : memref<4194304xi32, #tpu.memory_space<hbm>> -> memref<4194304xi32, #tpu.memory_space<hbm>>
    tpu.enqueue_indirect_dma source(%dma_start3A_191 : memref<4194304xi32, #tpu.memory_space<hbm>>) target(%dma_start3A_186 : memref<128xi32, #tpu.memory_space<vmem>>) offsets(%dma_start3A_189 : memref<128xi32, #tpu.memory_space<vmem>>) semaphore(%arg7 : memref<!tpu.dma_semaphore, #tpu.memory_space<semaphore_mem>>)
    %dma_start3A_192 = arith.constant 19 : i32
    %dma_start3A_193 = arith.constant 19 : i32
    %dma_start3A_194 = arith.constant 0 : i32
    %dma_start3A_195 = tpu.memref_slice %arg6[%dma_start3A_193, %dma_start3A_194] : memref<64x128xi32, #tpu.memory_space<vmem>> -> memref<1x128xi32, #tpu.memory_space<vmem>>
    %dma_start3A_196 = tpu.memref_squeeze %dma_start3A_195 : memref<1x128xi32, #tpu.memory_space<vmem>> -> memref<128xi32, #tpu.memory_space<vmem>>
    %dma_start3A_197 = arith.constant 0 : i32
    %dma_start3A_198 = tpu.memref_slice %arg5[%dma_start3A_192, %dma_start3A_197] : memref<64x128xi32, #tpu.memory_space<vmem>> -> memref<1x128xi32, #tpu.memory_space<vmem>>
    %dma_start3A_199 = tpu.memref_squeeze %dma_start3A_198 : memref<1x128xi32, #tpu.memory_space<vmem>> -> memref<128xi32, #tpu.memory_space<vmem>>
    %dma_start3A_200 = arith.constant 0 : i32
    %dma_start3A_201 = tpu.memref_slice %arg3[%dma_start3A_200] : memref<4194304xi32, #tpu.memory_space<hbm>> -> memref<4194304xi32, #tpu.memory_space<hbm>>
    tpu.enqueue_indirect_dma source(%dma_start3A_201 : memref<4194304xi32, #tpu.memory_space<hbm>>) target(%dma_start3A_196 : memref<128xi32, #tpu.memory_space<vmem>>) offsets(%dma_start3A_199 : memref<128xi32, #tpu.memory_space<vmem>>) semaphore(%arg7 : memref<!tpu.dma_semaphore, #tpu.memory_space<semaphore_mem>>)
    %dma_start3A_202 = arith.constant 20 : i32
    %dma_start3A_203 = arith.constant 20 : i32
    %dma_start3A_204 = arith.constant 0 : i32
    %dma_start3A_205 = tpu.memref_slice %arg6[%dma_start3A_203, %dma_start3A_204] : memref<64x128xi32, #tpu.memory_space<vmem>> -> memref<1x128xi32, #tpu.memory_space<vmem>>
    %dma_start3A_206 = tpu.memref_squeeze %dma_start3A_205 : memref<1x128xi32, #tpu.memory_space<vmem>> -> memref<128xi32, #tpu.memory_space<vmem>>
    %dma_start3A_207 = arith.constant 0 : i32
    %dma_start3A_208 = tpu.memref_slice %arg5[%dma_start3A_202, %dma_start3A_207] : memref<64x128xi32, #tpu.memory_space<vmem>> -> memref<1x128xi32, #tpu.memory_space<vmem>>
    %dma_start3A_209 = tpu.memref_squeeze %dma_start3A_208 : memref<1x128xi32, #tpu.memory_space<vmem>> -> memref<128xi32, #tpu.memory_space<vmem>>
    %dma_start3A_210 = arith.constant 0 : i32
    %dma_start3A_211 = tpu.memref_slice %arg3[%dma_start3A_210] : memref<4194304xi32, #tpu.memory_space<hbm>> -> memref<4194304xi32, #tpu.memory_space<hbm>>
    tpu.enqueue_indirect_dma source(%dma_start3A_211 : memref<4194304xi32, #tpu.memory_space<hbm>>) target(%dma_start3A_206 : memref<128xi32, #tpu.memory_space<vmem>>) offsets(%dma_start3A_209 : memref<128xi32, #tpu.memory_space<vmem>>) semaphore(%arg7 : memref<!tpu.dma_semaphore, #tpu.memory_space<semaphore_mem>>)
    %dma_start3A_212 = arith.constant 21 : i32
    %dma_start3A_213 = arith.constant 21 : i32
    %dma_start3A_214 = arith.constant 0 : i32
    %dma_start3A_215 = tpu.memref_slice %arg6[%dma_start3A_213, %dma_start3A_214] : memref<64x128xi32, #tpu.memory_space<vmem>> -> memref<1x128xi32, #tpu.memory_space<vmem>>
    %dma_start3A_216 = tpu.memref_squeeze %dma_start3A_215 : memref<1x128xi32, #tpu.memory_space<vmem>> -> memref<128xi32, #tpu.memory_space<vmem>>
    %dma_start3A_217 = arith.constant 0 : i32
    %dma_start3A_218 = tpu.memref_slice %arg5[%dma_start3A_212, %dma_start3A_217] : memref<64x128xi32, #tpu.memory_space<vmem>> -> memref<1x128xi32, #tpu.memory_space<vmem>>
    %dma_start3A_219 = tpu.memref_squeeze %dma_start3A_218 : memref<1x128xi32, #tpu.memory_space<vmem>> -> memref<128xi32, #tpu.memory_space<vmem>>
    %dma_start3A_220 = arith.constant 0 : i32
    %dma_start3A_221 = tpu.memref_slice %arg3[%dma_start3A_220] : memref<4194304xi32, #tpu.memory_space<hbm>> -> memref<4194304xi32, #tpu.memory_space<hbm>>
    tpu.enqueue_indirect_dma source(%dma_start3A_221 : memref<4194304xi32, #tpu.memory_space<hbm>>) target(%dma_start3A_216 : memref<128xi32, #tpu.memory_space<vmem>>) offsets(%dma_start3A_219 : memref<128xi32, #tpu.memory_space<vmem>>) semaphore(%arg7 : memref<!tpu.dma_semaphore, #tpu.memory_space<semaphore_mem>>)
    %dma_start3A_222 = arith.constant 22 : i32
    %dma_start3A_223 = arith.constant 22 : i32
    %dma_start3A_224 = arith.constant 0 : i32
    %dma_start3A_225 = tpu.memref_slice %arg6[%dma_start3A_223, %dma_start3A_224] : memref<64x128xi32, #tpu.memory_space<vmem>> -> memref<1x128xi32, #tpu.memory_space<vmem>>
    %dma_start3A_226 = tpu.memref_squeeze %dma_start3A_225 : memref<1x128xi32, #tpu.memory_space<vmem>> -> memref<128xi32, #tpu.memory_space<vmem>>
    %dma_start3A_227 = arith.constant 0 : i32
    %dma_start3A_228 = tpu.memref_slice %arg5[%dma_start3A_222, %dma_start3A_227] : memref<64x128xi32, #tpu.memory_space<vmem>> -> memref<1x128xi32, #tpu.memory_space<vmem>>
    %dma_start3A_229 = tpu.memref_squeeze %dma_start3A_228 : memref<1x128xi32, #tpu.memory_space<vmem>> -> memref<128xi32, #tpu.memory_space<vmem>>
    %dma_start3A_230 = arith.constant 0 : i32
    %dma_start3A_231 = tpu.memref_slice %arg3[%dma_start3A_230] : memref<4194304xi32, #tpu.memory_space<hbm>> -> memref<4194304xi32, #tpu.memory_space<hbm>>
    tpu.enqueue_indirect_dma source(%dma_start3A_231 : memref<4194304xi32, #tpu.memory_space<hbm>>) target(%dma_start3A_226 : memref<128xi32, #tpu.memory_space<vmem>>) offsets(%dma_start3A_229 : memref<128xi32, #tpu.memory_space<vmem>>) semaphore(%arg7 : memref<!tpu.dma_semaphore, #tpu.memory_space<semaphore_mem>>)
    %dma_start3A_232 = arith.constant 23 : i32
    %dma_start3A_233 = arith.constant 23 : i32
    %dma_start3A_234 = arith.constant 0 : i32
    %dma_start3A_235 = tpu.memref_slice %arg6[%dma_start3A_233, %dma_start3A_234] : memref<64x128xi32, #tpu.memory_space<vmem>> -> memref<1x128xi32, #tpu.memory_space<vmem>>
    %dma_start3A_236 = tpu.memref_squeeze %dma_start3A_235 : memref<1x128xi32, #tpu.memory_space<vmem>> -> memref<128xi32, #tpu.memory_space<vmem>>
    %dma_start3A_237 = arith.constant 0 : i32
    %dma_start3A_238 = tpu.memref_slice %arg5[%dma_start3A_232, %dma_start3A_237] : memref<64x128xi32, #tpu.memory_space<vmem>> -> memref<1x128xi32, #tpu.memory_space<vmem>>
    %dma_start3A_239 = tpu.memref_squeeze %dma_start3A_238 : memref<1x128xi32, #tpu.memory_space<vmem>> -> memref<128xi32, #tpu.memory_space<vmem>>
    %dma_start3A_240 = arith.constant 0 : i32
    %dma_start3A_241 = tpu.memref_slice %arg3[%dma_start3A_240] : memref<4194304xi32, #tpu.memory_space<hbm>> -> memref<4194304xi32, #tpu.memory_space<hbm>>
    tpu.enqueue_indirect_dma source(%dma_start3A_241 : memref<4194304xi32, #tpu.memory_space<hbm>>) target(%dma_start3A_236 : memref<128xi32, #tpu.memory_space<vmem>>) offsets(%dma_start3A_239 : memref<128xi32, #tpu.memory_space<vmem>>) semaphore(%arg7 : memref<!tpu.dma_semaphore, #tpu.memory_space<semaphore_mem>>)
    %dma_start3A_242 = arith.constant 24 : i32
    %dma_start3A_243 = arith.constant 24 : i32
    %dma_start3A_244 = arith.constant 0 : i32
    %dma_start3A_245 = tpu.memref_slice %arg6[%dma_start3A_243, %dma_start3A_244] : memref<64x128xi32, #tpu.memory_space<vmem>> -> memref<1x128xi32, #tpu.memory_space<vmem>>
    %dma_start3A_246 = tpu.memref_squeeze %dma_start3A_245 : memref<1x128xi32, #tpu.memory_space<vmem>> -> memref<128xi32, #tpu.memory_space<vmem>>
    %dma_start3A_247 = arith.constant 0 : i32
    %dma_start3A_248 = tpu.memref_slice %arg5[%dma_start3A_242, %dma_start3A_247] : memref<64x128xi32, #tpu.memory_space<vmem>> -> memref<1x128xi32, #tpu.memory_space<vmem>>
    %dma_start3A_249 = tpu.memref_squeeze %dma_start3A_248 : memref<1x128xi32, #tpu.memory_space<vmem>> -> memref<128xi32, #tpu.memory_space<vmem>>
    %dma_start3A_250 = arith.constant 0 : i32
    %dma_start3A_251 = tpu.memref_slice %arg3[%dma_start3A_250] : memref<4194304xi32, #tpu.memory_space<hbm>> -> memref<4194304xi32, #tpu.memory_space<hbm>>
    tpu.enqueue_indirect_dma source(%dma_start3A_251 : memref<4194304xi32, #tpu.memory_space<hbm>>) target(%dma_start3A_246 : memref<128xi32, #tpu.memory_space<vmem>>) offsets(%dma_start3A_249 : memref<128xi32, #tpu.memory_space<vmem>>) semaphore(%arg7 : memref<!tpu.dma_semaphore, #tpu.memory_space<semaphore_mem>>)
    %dma_start3A_252 = arith.constant 25 : i32
    %dma_start3A_253 = arith.constant 25 : i32
    %dma_start3A_254 = arith.constant 0 : i32
    %dma_start3A_255 = tpu.memref_slice %arg6[%dma_start3A_253, %dma_start3A_254] : memref<64x128xi32, #tpu.memory_space<vmem>> -> memref<1x128xi32, #tpu.memory_space<vmem>>
    %dma_start3A_256 = tpu.memref_squeeze %dma_start3A_255 : memref<1x128xi32, #tpu.memory_space<vmem>> -> memref<128xi32, #tpu.memory_space<vmem>>
    %dma_start3A_257 = arith.constant 0 : i32
    %dma_start3A_258 = tpu.memref_slice %arg5[%dma_start3A_252, %dma_start3A_257] : memref<64x128xi32, #tpu.memory_space<vmem>> -> memref<1x128xi32, #tpu.memory_space<vmem>>
    %dma_start3A_259 = tpu.memref_squeeze %dma_start3A_258 : memref<1x128xi32, #tpu.memory_space<vmem>> -> memref<128xi32, #tpu.memory_space<vmem>>
    %dma_start3A_260 = arith.constant 0 : i32
    %dma_start3A_261 = tpu.memref_slice %arg3[%dma_start3A_260] : memref<4194304xi32, #tpu.memory_space<hbm>> -> memref<4194304xi32, #tpu.memory_space<hbm>>
    tpu.enqueue_indirect_dma source(%dma_start3A_261 : memref<4194304xi32, #tpu.memory_space<hbm>>) target(%dma_start3A_256 : memref<128xi32, #tpu.memory_space<vmem>>) offsets(%dma_start3A_259 : memref<128xi32, #tpu.memory_space<vmem>>) semaphore(%arg7 : memref<!tpu.dma_semaphore, #tpu.memory_space<semaphore_mem>>)
    %dma_start3A_262 = arith.constant 26 : i32
    %dma_start3A_263 = arith.constant 26 : i32
    %dma_start3A_264 = arith.constant 0 : i32
    %dma_start3A_265 = tpu.memref_slice %arg6[%dma_start3A_263, %dma_start3A_264] : memref<64x128xi32, #tpu.memory_space<vmem>> -> memref<1x128xi32, #tpu.memory_space<vmem>>
    %dma_start3A_266 = tpu.memref_squeeze %dma_start3A_265 : memref<1x128xi32, #tpu.memory_space<vmem>> -> memref<128xi32, #tpu.memory_space<vmem>>
    %dma_start3A_267 = arith.constant 0 : i32
    %dma_start3A_268 = tpu.memref_slice %arg5[%dma_start3A_262, %dma_start3A_267] : memref<64x128xi32, #tpu.memory_space<vmem>> -> memref<1x128xi32, #tpu.memory_space<vmem>>
    %dma_start3A_269 = tpu.memref_squeeze %dma_start3A_268 : memref<1x128xi32, #tpu.memory_space<vmem>> -> memref<128xi32, #tpu.memory_space<vmem>>
    %dma_start3A_270 = arith.constant 0 : i32
    %dma_start3A_271 = tpu.memref_slice %arg3[%dma_start3A_270] : memref<4194304xi32, #tpu.memory_space<hbm>> -> memref<4194304xi32, #tpu.memory_space<hbm>>
    tpu.enqueue_indirect_dma source(%dma_start3A_271 : memref<4194304xi32, #tpu.memory_space<hbm>>) target(%dma_start3A_266 : memref<128xi32, #tpu.memory_space<vmem>>) offsets(%dma_start3A_269 : memref<128xi32, #tpu.memory_space<vmem>>) semaphore(%arg7 : memref<!tpu.dma_semaphore, #tpu.memory_space<semaphore_mem>>)
    %dma_start3A_272 = arith.constant 27 : i32
    %dma_start3A_273 = arith.constant 27 : i32
    %dma_start3A_274 = arith.constant 0 : i32
    %dma_start3A_275 = tpu.memref_slice %arg6[%dma_start3A_273, %dma_start3A_274] : memref<64x128xi32, #tpu.memory_space<vmem>> -> memref<1x128xi32, #tpu.memory_space<vmem>>
    %dma_start3A_276 = tpu.memref_squeeze %dma_start3A_275 : memref<1x128xi32, #tpu.memory_space<vmem>> -> memref<128xi32, #tpu.memory_space<vmem>>
    %dma_start3A_277 = arith.constant 0 : i32
    %dma_start3A_278 = tpu.memref_slice %arg5[%dma_start3A_272, %dma_start3A_277] : memref<64x128xi32, #tpu.memory_space<vmem>> -> memref<1x128xi32, #tpu.memory_space<vmem>>
    %dma_start3A_279 = tpu.memref_squeeze %dma_start3A_278 : memref<1x128xi32, #tpu.memory_space<vmem>> -> memref<128xi32, #tpu.memory_space<vmem>>
    %dma_start3A_280 = arith.constant 0 : i32
    %dma_start3A_281 = tpu.memref_slice %arg3[%dma_start3A_280] : memref<4194304xi32, #tpu.memory_space<hbm>> -> memref<4194304xi32, #tpu.memory_space<hbm>>
    tpu.enqueue_indirect_dma source(%dma_start3A_281 : memref<4194304xi32, #tpu.memory_space<hbm>>) target(%dma_start3A_276 : memref<128xi32, #tpu.memory_space<vmem>>) offsets(%dma_start3A_279 : memref<128xi32, #tpu.memory_space<vmem>>) semaphore(%arg7 : memref<!tpu.dma_semaphore, #tpu.memory_space<semaphore_mem>>)
    %dma_start3A_282 = arith.constant 28 : i32
    %dma_start3A_283 = arith.constant 28 : i32
    %dma_start3A_284 = arith.constant 0 : i32
    %dma_start3A_285 = tpu.memref_slice %arg6[%dma_start3A_283, %dma_start3A_284] : memref<64x128xi32, #tpu.memory_space<vmem>> -> memref<1x128xi32, #tpu.memory_space<vmem>>
    %dma_start3A_286 = tpu.memref_squeeze %dma_start3A_285 : memref<1x128xi32, #tpu.memory_space<vmem>> -> memref<128xi32, #tpu.memory_space<vmem>>
    %dma_start3A_287 = arith.constant 0 : i32
    %dma_start3A_288 = tpu.memref_slice %arg5[%dma_start3A_282, %dma_start3A_287] : memref<64x128xi32, #tpu.memory_space<vmem>> -> memref<1x128xi32, #tpu.memory_space<vmem>>
    %dma_start3A_289 = tpu.memref_squeeze %dma_start3A_288 : memref<1x128xi32, #tpu.memory_space<vmem>> -> memref<128xi32, #tpu.memory_space<vmem>>
    %dma_start3A_290 = arith.constant 0 : i32
    %dma_start3A_291 = tpu.memref_slice %arg3[%dma_start3A_290] : memref<4194304xi32, #tpu.memory_space<hbm>> -> memref<4194304xi32, #tpu.memory_space<hbm>>
    tpu.enqueue_indirect_dma source(%dma_start3A_291 : memref<4194304xi32, #tpu.memory_space<hbm>>) target(%dma_start3A_286 : memref<128xi32, #tpu.memory_space<vmem>>) offsets(%dma_start3A_289 : memref<128xi32, #tpu.memory_space<vmem>>) semaphore(%arg7 : memref<!tpu.dma_semaphore, #tpu.memory_space<semaphore_mem>>)
    %dma_start3A_292 = arith.constant 29 : i32
    %dma_start3A_293 = arith.constant 29 : i32
    %dma_start3A_294 = arith.constant 0 : i32
    %dma_start3A_295 = tpu.memref_slice %arg6[%dma_start3A_293, %dma_start3A_294] : memref<64x128xi32, #tpu.memory_space<vmem>> -> memref<1x128xi32, #tpu.memory_space<vmem>>
    %dma_start3A_296 = tpu.memref_squeeze %dma_start3A_295 : memref<1x128xi32, #tpu.memory_space<vmem>> -> memref<128xi32, #tpu.memory_space<vmem>>
    %dma_start3A_297 = arith.constant 0 : i32
    %dma_start3A_298 = tpu.memref_slice %arg5[%dma_start3A_292, %dma_start3A_297] : memref<64x128xi32, #tpu.memory_space<vmem>> -> memref<1x128xi32, #tpu.memory_space<vmem>>
    %dma_start3A_299 = tpu.memref_squeeze %dma_start3A_298 : memref<1x128xi32, #tpu.memory_space<vmem>> -> memref<128xi32, #tpu.memory_space<vmem>>
    %dma_start3A_300 = arith.constant 0 : i32
    %dma_start3A_301 = tpu.memref_slice %arg3[%dma_start3A_300] : memref<4194304xi32, #tpu.memory_space<hbm>> -> memref<4194304xi32, #tpu.memory_space<hbm>>
    tpu.enqueue_indirect_dma source(%dma_start3A_301 : memref<4194304xi32, #tpu.memory_space<hbm>>) target(%dma_start3A_296 : memref<128xi32, #tpu.memory_space<vmem>>) offsets(%dma_start3A_299 : memref<128xi32, #tpu.memory_space<vmem>>) semaphore(%arg7 : memref<!tpu.dma_semaphore, #tpu.memory_space<semaphore_mem>>)
    %dma_start3A_302 = arith.constant 30 : i32
    %dma_start3A_303 = arith.constant 30 : i32
    %dma_start3A_304 = arith.constant 0 : i32
    %dma_start3A_305 = tpu.memref_slice %arg6[%dma_start3A_303, %dma_start3A_304] : memref<64x128xi32, #tpu.memory_space<vmem>> -> memref<1x128xi32, #tpu.memory_space<vmem>>
    %dma_start3A_306 = tpu.memref_squeeze %dma_start3A_305 : memref<1x128xi32, #tpu.memory_space<vmem>> -> memref<128xi32, #tpu.memory_space<vmem>>
    %dma_start3A_307 = arith.constant 0 : i32
    %dma_start3A_308 = tpu.memref_slice %arg5[%dma_start3A_302, %dma_start3A_307] : memref<64x128xi32, #tpu.memory_space<vmem>> -> memref<1x128xi32, #tpu.memory_space<vmem>>
    %dma_start3A_309 = tpu.memref_squeeze %dma_start3A_308 : memref<1x128xi32, #tpu.memory_space<vmem>> -> memref<128xi32, #tpu.memory_space<vmem>>
    %dma_start3A_310 = arith.constant 0 : i32
    %dma_start3A_311 = tpu.memref_slice %arg3[%dma_start3A_310] : memref<4194304xi32, #tpu.memory_space<hbm>> -> memref<4194304xi32, #tpu.memory_space<hbm>>
    tpu.enqueue_indirect_dma source(%dma_start3A_311 : memref<4194304xi32, #tpu.memory_space<hbm>>) target(%dma_start3A_306 : memref<128xi32, #tpu.memory_space<vmem>>) offsets(%dma_start3A_309 : memref<128xi32, #tpu.memory_space<vmem>>) semaphore(%arg7 : memref<!tpu.dma_semaphore, #tpu.memory_space<semaphore_mem>>)
    %dma_start3A_312 = arith.constant 31 : i32
    %dma_start3A_313 = arith.constant 31 : i32
    %dma_start3A_314 = arith.constant 0 : i32
    %dma_start3A_315 = tpu.memref_slice %arg6[%dma_start3A_313, %dma_start3A_314] : memref<64x128xi32, #tpu.memory_space<vmem>> -> memref<1x128xi32, #tpu.memory_space<vmem>>
    %dma_start3A_316 = tpu.memref_squeeze %dma_start3A_315 : memref<1x128xi32, #tpu.memory_space<vmem>> -> memref<128xi32, #tpu.memory_space<vmem>>
    %dma_start3A_317 = arith.constant 0 : i32
    %dma_start3A_318 = tpu.memref_slice %arg5[%dma_start3A_312, %dma_start3A_317] : memref<64x128xi32, #tpu.memory_space<vmem>> -> memref<1x128xi32, #tpu.memory_space<vmem>>
    %dma_start3A_319 = tpu.memref_squeeze %dma_start3A_318 : memref<1x128xi32, #tpu.memory_space<vmem>> -> memref<128xi32, #tpu.memory_space<vmem>>
    %dma_start3A_320 = arith.constant 0 : i32
    %dma_start3A_321 = tpu.memref_slice %arg3[%dma_start3A_320] : memref<4194304xi32, #tpu.memory_space<hbm>> -> memref<4194304xi32, #tpu.memory_space<hbm>>
    tpu.enqueue_indirect_dma source(%dma_start3A_321 : memref<4194304xi32, #tpu.memory_space<hbm>>) target(%dma_start3A_316 : memref<128xi32, #tpu.memory_space<vmem>>) offsets(%dma_start3A_319 : memref<128xi32, #tpu.memory_space<vmem>>) semaphore(%arg7 : memref<!tpu.dma_semaphore, #tpu.memory_space<semaphore_mem>>)
    %dma_start3A_322 = arith.constant 32 : i32
    %dma_start3A_323 = arith.constant 32 : i32
    %dma_start3A_324 = arith.constant 0 : i32
    %dma_start3A_325 = tpu.memref_slice %arg6[%dma_start3A_323, %dma_start3A_324] : memref<64x128xi32, #tpu.memory_space<vmem>> -> memref<1x128xi32, #tpu.memory_space<vmem>>
    %dma_start3A_326 = tpu.memref_squeeze %dma_start3A_325 : memref<1x128xi32, #tpu.memory_space<vmem>> -> memref<128xi32, #tpu.memory_space<vmem>>
    %dma_start3A_327 = arith.constant 0 : i32
    %dma_start3A_328 = tpu.memref_slice %arg5[%dma_start3A_322, %dma_start3A_327] : memref<64x128xi32, #tpu.memory_space<vmem>> -> memref<1x128xi32, #tpu.memory_space<vmem>>
    %dma_start3A_329 = tpu.memref_squeeze %dma_start3A_328 : memref<1x128xi32, #tpu.memory_space<vmem>> -> memref<128xi32, #tpu.memory_space<vmem>>
    %dma_start3A_330 = arith.constant 0 : i32
    %dma_start3A_331 = tpu.memref_slice %arg3[%dma_start3A_330] : memref<4194304xi32, #tpu.memory_space<hbm>> -> memref<4194304xi32, #tpu.memory_space<hbm>>
    tpu.enqueue_indirect_dma source(%dma_start3A_331 : memref<4194304xi32, #tpu.memory_space<hbm>>) target(%dma_start3A_326 : memref<128xi32, #tpu.memory_space<vmem>>) offsets(%dma_start3A_329 : memref<128xi32, #tpu.memory_space<vmem>>) semaphore(%arg7 : memref<!tpu.dma_semaphore, #tpu.memory_space<semaphore_mem>>)
    %dma_start3A_332 = arith.constant 33 : i32
    %dma_start3A_333 = arith.constant 33 : i32
    %dma_start3A_334 = arith.constant 0 : i32
    %dma_start3A_335 = tpu.memref_slice %arg6[%dma_start3A_333, %dma_start3A_334] : memref<64x128xi32, #tpu.memory_space<vmem>> -> memref<1x128xi32, #tpu.memory_space<vmem>>
    %dma_start3A_336 = tpu.memref_squeeze %dma_start3A_335 : memref<1x128xi32, #tpu.memory_space<vmem>> -> memref<128xi32, #tpu.memory_space<vmem>>
    %dma_start3A_337 = arith.constant 0 : i32
    %dma_start3A_338 = tpu.memref_slice %arg5[%dma_start3A_332, %dma_start3A_337] : memref<64x128xi32, #tpu.memory_space<vmem>> -> memref<1x128xi32, #tpu.memory_space<vmem>>
    %dma_start3A_339 = tpu.memref_squeeze %dma_start3A_338 : memref<1x128xi32, #tpu.memory_space<vmem>> -> memref<128xi32, #tpu.memory_space<vmem>>
    %dma_start3A_340 = arith.constant 0 : i32
    %dma_start3A_341 = tpu.memref_slice %arg3[%dma_start3A_340] : memref<4194304xi32, #tpu.memory_space<hbm>> -> memref<4194304xi32, #tpu.memory_space<hbm>>
    tpu.enqueue_indirect_dma source(%dma_start3A_341 : memref<4194304xi32, #tpu.memory_space<hbm>>) target(%dma_start3A_336 : memref<128xi32, #tpu.memory_space<vmem>>) offsets(%dma_start3A_339 : memref<128xi32, #tpu.memory_space<vmem>>) semaphore(%arg7 : memref<!tpu.dma_semaphore, #tpu.memory_space<semaphore_mem>>)
    %dma_start3A_342 = arith.constant 34 : i32
    %dma_start3A_343 = arith.constant 34 : i32
    %dma_start3A_344 = arith.constant 0 : i32
    %dma_start3A_345 = tpu.memref_slice %arg6[%dma_start3A_343, %dma_start3A_344] : memref<64x128xi32, #tpu.memory_space<vmem>> -> memref<1x128xi32, #tpu.memory_space<vmem>>
    %dma_start3A_346 = tpu.memref_squeeze %dma_start3A_345 : memref<1x128xi32, #tpu.memory_space<vmem>> -> memref<128xi32, #tpu.memory_space<vmem>>
    %dma_start3A_347 = arith.constant 0 : i32
    %dma_start3A_348 = tpu.memref_slice %arg5[%dma_start3A_342, %dma_start3A_347] : memref<64x128xi32, #tpu.memory_space<vmem>> -> memref<1x128xi32, #tpu.memory_space<vmem>>
    %dma_start3A_349 = tpu.memref_squeeze %dma_start3A_348 : memref<1x128xi32, #tpu.memory_space<vmem>> -> memref<128xi32, #tpu.memory_space<vmem>>
    %dma_start3A_350 = arith.constant 0 : i32
    %dma_start3A_351 = tpu.memref_slice %arg3[%dma_start3A_350] : memref<4194304xi32, #tpu.memory_space<hbm>> -> memref<4194304xi32, #tpu.memory_space<hbm>>
    tpu.enqueue_indirect_dma source(%dma_start3A_351 : memref<4194304xi32, #tpu.memory_space<hbm>>) target(%dma_start3A_346 : memref<128xi32, #tpu.memory_space<vmem>>) offsets(%dma_start3A_349 : memref<128xi32, #tpu.memory_space<vmem>>) semaphore(%arg7 : memref<!tpu.dma_semaphore, #tpu.memory_space<semaphore_mem>>)
    %dma_start3A_352 = arith.constant 35 : i32
    %dma_start3A_353 = arith.constant 35 : i32
    %dma_start3A_354 = arith.constant 0 : i32
    %dma_start3A_355 = tpu.memref_slice %arg6[%dma_start3A_353, %dma_start3A_354] : memref<64x128xi32, #tpu.memory_space<vmem>> -> memref<1x128xi32, #tpu.memory_space<vmem>>
    %dma_start3A_356 = tpu.memref_squeeze %dma_start3A_355 : memref<1x128xi32, #tpu.memory_space<vmem>> -> memref<128xi32, #tpu.memory_space<vmem>>
    %dma_start3A_357 = arith.constant 0 : i32
    %dma_start3A_358 = tpu.memref_slice %arg5[%dma_start3A_352, %dma_start3A_357] : memref<64x128xi32, #tpu.memory_space<vmem>> -> memref<1x128xi32, #tpu.memory_space<vmem>>
    %dma_start3A_359 = tpu.memref_squeeze %dma_start3A_358 : memref<1x128xi32, #tpu.memory_space<vmem>> -> memref<128xi32, #tpu.memory_space<vmem>>
    %dma_start3A_360 = arith.constant 0 : i32
    %dma_start3A_361 = tpu.memref_slice %arg3[%dma_start3A_360] : memref<4194304xi32, #tpu.memory_space<hbm>> -> memref<4194304xi32, #tpu.memory_space<hbm>>
    tpu.enqueue_indirect_dma source(%dma_start3A_361 : memref<4194304xi32, #tpu.memory_space<hbm>>) target(%dma_start3A_356 : memref<128xi32, #tpu.memory_space<vmem>>) offsets(%dma_start3A_359 : memref<128xi32, #tpu.memory_space<vmem>>) semaphore(%arg7 : memref<!tpu.dma_semaphore, #tpu.memory_space<semaphore_mem>>)
    %dma_start3A_362 = arith.constant 36 : i32
    %dma_start3A_363 = arith.constant 36 : i32
    %dma_start3A_364 = arith.constant 0 : i32
    %dma_start3A_365 = tpu.memref_slice %arg6[%dma_start3A_363, %dma_start3A_364] : memref<64x128xi32, #tpu.memory_space<vmem>> -> memref<1x128xi32, #tpu.memory_space<vmem>>
    %dma_start3A_366 = tpu.memref_squeeze %dma_start3A_365 : memref<1x128xi32, #tpu.memory_space<vmem>> -> memref<128xi32, #tpu.memory_space<vmem>>
    %dma_start3A_367 = arith.constant 0 : i32
    %dma_start3A_368 = tpu.memref_slice %arg5[%dma_start3A_362, %dma_start3A_367] : memref<64x128xi32, #tpu.memory_space<vmem>> -> memref<1x128xi32, #tpu.memory_space<vmem>>
    %dma_start3A_369 = tpu.memref_squeeze %dma_start3A_368 : memref<1x128xi32, #tpu.memory_space<vmem>> -> memref<128xi32, #tpu.memory_space<vmem>>
    %dma_start3A_370 = arith.constant 0 : i32
    %dma_start3A_371 = tpu.memref_slice %arg3[%dma_start3A_370] : memref<4194304xi32, #tpu.memory_space<hbm>> -> memref<4194304xi32, #tpu.memory_space<hbm>>
    tpu.enqueue_indirect_dma source(%dma_start3A_371 : memref<4194304xi32, #tpu.memory_space<hbm>>) target(%dma_start3A_366 : memref<128xi32, #tpu.memory_space<vmem>>) offsets(%dma_start3A_369 : memref<128xi32, #tpu.memory_space<vmem>>) semaphore(%arg7 : memref<!tpu.dma_semaphore, #tpu.memory_space<semaphore_mem>>)
    %dma_start3A_372 = arith.constant 37 : i32
    %dma_start3A_373 = arith.constant 37 : i32
    %dma_start3A_374 = arith.constant 0 : i32
    %dma_start3A_375 = tpu.memref_slice %arg6[%dma_start3A_373, %dma_start3A_374] : memref<64x128xi32, #tpu.memory_space<vmem>> -> memref<1x128xi32, #tpu.memory_space<vmem>>
    %dma_start3A_376 = tpu.memref_squeeze %dma_start3A_375 : memref<1x128xi32, #tpu.memory_space<vmem>> -> memref<128xi32, #tpu.memory_space<vmem>>
    %dma_start3A_377 = arith.constant 0 : i32
    %dma_start3A_378 = tpu.memref_slice %arg5[%dma_start3A_372, %dma_start3A_377] : memref<64x128xi32, #tpu.memory_space<vmem>> -> memref<1x128xi32, #tpu.memory_space<vmem>>
    %dma_start3A_379 = tpu.memref_squeeze %dma_start3A_378 : memref<1x128xi32, #tpu.memory_space<vmem>> -> memref<128xi32, #tpu.memory_space<vmem>>
    %dma_start3A_380 = arith.constant 0 : i32
    %dma_start3A_381 = tpu.memref_slice %arg3[%dma_start3A_380] : memref<4194304xi32, #tpu.memory_space<hbm>> -> memref<4194304xi32, #tpu.memory_space<hbm>>
    tpu.enqueue_indirect_dma source(%dma_start3A_381 : memref<4194304xi32, #tpu.memory_space<hbm>>) target(%dma_start3A_376 : memref<128xi32, #tpu.memory_space<vmem>>) offsets(%dma_start3A_379 : memref<128xi32, #tpu.memory_space<vmem>>) semaphore(%arg7 : memref<!tpu.dma_semaphore, #tpu.memory_space<semaphore_mem>>)
    %dma_start3A_382 = arith.constant 38 : i32
    %dma_start3A_383 = arith.constant 38 : i32
    %dma_start3A_384 = arith.constant 0 : i32
    %dma_start3A_385 = tpu.memref_slice %arg6[%dma_start3A_383, %dma_start3A_384] : memref<64x128xi32, #tpu.memory_space<vmem>> -> memref<1x128xi32, #tpu.memory_space<vmem>>
    %dma_start3A_386 = tpu.memref_squeeze %dma_start3A_385 : memref<1x128xi32, #tpu.memory_space<vmem>> -> memref<128xi32, #tpu.memory_space<vmem>>
    %dma_start3A_387 = arith.constant 0 : i32
    %dma_start3A_388 = tpu.memref_slice %arg5[%dma_start3A_382, %dma_start3A_387] : memref<64x128xi32, #tpu.memory_space<vmem>> -> memref<1x128xi32, #tpu.memory_space<vmem>>
    %dma_start3A_389 = tpu.memref_squeeze %dma_start3A_388 : memref<1x128xi32, #tpu.memory_space<vmem>> -> memref<128xi32, #tpu.memory_space<vmem>>
    %dma_start3A_390 = arith.constant 0 : i32
    %dma_start3A_391 = tpu.memref_slice %arg3[%dma_start3A_390] : memref<4194304xi32, #tpu.memory_space<hbm>> -> memref<4194304xi32, #tpu.memory_space<hbm>>
    tpu.enqueue_indirect_dma source(%dma_start3A_391 : memref<4194304xi32, #tpu.memory_space<hbm>>) target(%dma_start3A_386 : memref<128xi32, #tpu.memory_space<vmem>>) offsets(%dma_start3A_389 : memref<128xi32, #tpu.memory_space<vmem>>) semaphore(%arg7 : memref<!tpu.dma_semaphore, #tpu.memory_space<semaphore_mem>>)
    %dma_start3A_392 = arith.constant 39 : i32
    %dma_start3A_393 = arith.constant 39 : i32
    %dma_start3A_394 = arith.constant 0 : i32
    %dma_start3A_395 = tpu.memref_slice %arg6[%dma_start3A_393, %dma_start3A_394] : memref<64x128xi32, #tpu.memory_space<vmem>> -> memref<1x128xi32, #tpu.memory_space<vmem>>
    %dma_start3A_396 = tpu.memref_squeeze %dma_start3A_395 : memref<1x128xi32, #tpu.memory_space<vmem>> -> memref<128xi32, #tpu.memory_space<vmem>>
    %dma_start3A_397 = arith.constant 0 : i32
    %dma_start3A_398 = tpu.memref_slice %arg5[%dma_start3A_392, %dma_start3A_397] : memref<64x128xi32, #tpu.memory_space<vmem>> -> memref<1x128xi32, #tpu.memory_space<vmem>>
    %dma_start3A_399 = tpu.memref_squeeze %dma_start3A_398 : memref<1x128xi32, #tpu.memory_space<vmem>> -> memref<128xi32, #tpu.memory_space<vmem>>
    %dma_start3A_400 = arith.constant 0 : i32
    %dma_start3A_401 = tpu.memref_slice %arg3[%dma_start3A_400] : memref<4194304xi32, #tpu.memory_space<hbm>> -> memref<4194304xi32, #tpu.memory_space<hbm>>
    tpu.enqueue_indirect_dma source(%dma_start3A_401 : memref<4194304xi32, #tpu.memory_space<hbm>>) target(%dma_start3A_396 : memref<128xi32, #tpu.memory_space<vmem>>) offsets(%dma_start3A_399 : memref<128xi32, #tpu.memory_space<vmem>>) semaphore(%arg7 : memref<!tpu.dma_semaphore, #tpu.memory_space<semaphore_mem>>)
    %dma_start3A_402 = arith.constant 40 : i32
    %dma_start3A_403 = arith.constant 40 : i32
    %dma_start3A_404 = arith.constant 0 : i32
    %dma_start3A_405 = tpu.memref_slice %arg6[%dma_start3A_403, %dma_start3A_404] : memref<64x128xi32, #tpu.memory_space<vmem>> -> memref<1x128xi32, #tpu.memory_space<vmem>>
    %dma_start3A_406 = tpu.memref_squeeze %dma_start3A_405 : memref<1x128xi32, #tpu.memory_space<vmem>> -> memref<128xi32, #tpu.memory_space<vmem>>
    %dma_start3A_407 = arith.constant 0 : i32
    %dma_start3A_408 = tpu.memref_slice %arg5[%dma_start3A_402, %dma_start3A_407] : memref<64x128xi32, #tpu.memory_space<vmem>> -> memref<1x128xi32, #tpu.memory_space<vmem>>
    %dma_start3A_409 = tpu.memref_squeeze %dma_start3A_408 : memref<1x128xi32, #tpu.memory_space<vmem>> -> memref<128xi32, #tpu.memory_space<vmem>>
    %dma_start3A_410 = arith.constant 0 : i32
    %dma_start3A_411 = tpu.memref_slice %arg3[%dma_start3A_410] : memref<4194304xi32, #tpu.memory_space<hbm>> -> memref<4194304xi32, #tpu.memory_space<hbm>>
    tpu.enqueue_indirect_dma source(%dma_start3A_411 : memref<4194304xi32, #tpu.memory_space<hbm>>) target(%dma_start3A_406 : memref<128xi32, #tpu.memory_space<vmem>>) offsets(%dma_start3A_409 : memref<128xi32, #tpu.memory_space<vmem>>) semaphore(%arg7 : memref<!tpu.dma_semaphore, #tpu.memory_space<semaphore_mem>>)
    %dma_start3A_412 = arith.constant 41 : i32
    %dma_start3A_413 = arith.constant 41 : i32
    %dma_start3A_414 = arith.constant 0 : i32
    %dma_start3A_415 = tpu.memref_slice %arg6[%dma_start3A_413, %dma_start3A_414] : memref<64x128xi32, #tpu.memory_space<vmem>> -> memref<1x128xi32, #tpu.memory_space<vmem>>
    %dma_start3A_416 = tpu.memref_squeeze %dma_start3A_415 : memref<1x128xi32, #tpu.memory_space<vmem>> -> memref<128xi32, #tpu.memory_space<vmem>>
    %dma_start3A_417 = arith.constant 0 : i32
    %dma_start3A_418 = tpu.memref_slice %arg5[%dma_start3A_412, %dma_start3A_417] : memref<64x128xi32, #tpu.memory_space<vmem>> -> memref<1x128xi32, #tpu.memory_space<vmem>>
    %dma_start3A_419 = tpu.memref_squeeze %dma_start3A_418 : memref<1x128xi32, #tpu.memory_space<vmem>> -> memref<128xi32, #tpu.memory_space<vmem>>
    %dma_start3A_420 = arith.constant 0 : i32
    %dma_start3A_421 = tpu.memref_slice %arg3[%dma_start3A_420] : memref<4194304xi32, #tpu.memory_space<hbm>> -> memref<4194304xi32, #tpu.memory_space<hbm>>
    tpu.enqueue_indirect_dma source(%dma_start3A_421 : memref<4194304xi32, #tpu.memory_space<hbm>>) target(%dma_start3A_416 : memref<128xi32, #tpu.memory_space<vmem>>) offsets(%dma_start3A_419 : memref<128xi32, #tpu.memory_space<vmem>>) semaphore(%arg7 : memref<!tpu.dma_semaphore, #tpu.memory_space<semaphore_mem>>)
    %dma_start3A_422 = arith.constant 42 : i32
    %dma_start3A_423 = arith.constant 42 : i32
    %dma_start3A_424 = arith.constant 0 : i32
    %dma_start3A_425 = tpu.memref_slice %arg6[%dma_start3A_423, %dma_start3A_424] : memref<64x128xi32, #tpu.memory_space<vmem>> -> memref<1x128xi32, #tpu.memory_space<vmem>>
    %dma_start3A_426 = tpu.memref_squeeze %dma_start3A_425 : memref<1x128xi32, #tpu.memory_space<vmem>> -> memref<128xi32, #tpu.memory_space<vmem>>
    %dma_start3A_427 = arith.constant 0 : i32
    %dma_start3A_428 = tpu.memref_slice %arg5[%dma_start3A_422, %dma_start3A_427] : memref<64x128xi32, #tpu.memory_space<vmem>> -> memref<1x128xi32, #tpu.memory_space<vmem>>
    %dma_start3A_429 = tpu.memref_squeeze %dma_start3A_428 : memref<1x128xi32, #tpu.memory_space<vmem>> -> memref<128xi32, #tpu.memory_space<vmem>>
    %dma_start3A_430 = arith.constant 0 : i32
    %dma_start3A_431 = tpu.memref_slice %arg3[%dma_start3A_430] : memref<4194304xi32, #tpu.memory_space<hbm>> -> memref<4194304xi32, #tpu.memory_space<hbm>>
    tpu.enqueue_indirect_dma source(%dma_start3A_431 : memref<4194304xi32, #tpu.memory_space<hbm>>) target(%dma_start3A_426 : memref<128xi32, #tpu.memory_space<vmem>>) offsets(%dma_start3A_429 : memref<128xi32, #tpu.memory_space<vmem>>) semaphore(%arg7 : memref<!tpu.dma_semaphore, #tpu.memory_space<semaphore_mem>>)
    %dma_start3A_432 = arith.constant 43 : i32
    %dma_start3A_433 = arith.constant 43 : i32
    %dma_start3A_434 = arith.constant 0 : i32
    %dma_start3A_435 = tpu.memref_slice %arg6[%dma_start3A_433, %dma_start3A_434] : memref<64x128xi32, #tpu.memory_space<vmem>> -> memref<1x128xi32, #tpu.memory_space<vmem>>
    %dma_start3A_436 = tpu.memref_squeeze %dma_start3A_435 : memref<1x128xi32, #tpu.memory_space<vmem>> -> memref<128xi32, #tpu.memory_space<vmem>>
    %dma_start3A_437 = arith.constant 0 : i32
    %dma_start3A_438 = tpu.memref_slice %arg5[%dma_start3A_432, %dma_start3A_437] : memref<64x128xi32, #tpu.memory_space<vmem>> -> memref<1x128xi32, #tpu.memory_space<vmem>>
    %dma_start3A_439 = tpu.memref_squeeze %dma_start3A_438 : memref<1x128xi32, #tpu.memory_space<vmem>> -> memref<128xi32, #tpu.memory_space<vmem>>
    %dma_start3A_440 = arith.constant 0 : i32
    %dma_start3A_441 = tpu.memref_slice %arg3[%dma_start3A_440] : memref<4194304xi32, #tpu.memory_space<hbm>> -> memref<4194304xi32, #tpu.memory_space<hbm>>
    tpu.enqueue_indirect_dma source(%dma_start3A_441 : memref<4194304xi32, #tpu.memory_space<hbm>>) target(%dma_start3A_436 : memref<128xi32, #tpu.memory_space<vmem>>) offsets(%dma_start3A_439 : memref<128xi32, #tpu.memory_space<vmem>>) semaphore(%arg7 : memref<!tpu.dma_semaphore, #tpu.memory_space<semaphore_mem>>)
    %dma_start3A_442 = arith.constant 44 : i32
    %dma_start3A_443 = arith.constant 44 : i32
    %dma_start3A_444 = arith.constant 0 : i32
    %dma_start3A_445 = tpu.memref_slice %arg6[%dma_start3A_443, %dma_start3A_444] : memref<64x128xi32, #tpu.memory_space<vmem>> -> memref<1x128xi32, #tpu.memory_space<vmem>>
    %dma_start3A_446 = tpu.memref_squeeze %dma_start3A_445 : memref<1x128xi32, #tpu.memory_space<vmem>> -> memref<128xi32, #tpu.memory_space<vmem>>
    %dma_start3A_447 = arith.constant 0 : i32
    %dma_start3A_448 = tpu.memref_slice %arg5[%dma_start3A_442, %dma_start3A_447] : memref<64x128xi32, #tpu.memory_space<vmem>> -> memref<1x128xi32, #tpu.memory_space<vmem>>
    %dma_start3A_449 = tpu.memref_squeeze %dma_start3A_448 : memref<1x128xi32, #tpu.memory_space<vmem>> -> memref<128xi32, #tpu.memory_space<vmem>>
    %dma_start3A_450 = arith.constant 0 : i32
    %dma_start3A_451 = tpu.memref_slice %arg3[%dma_start3A_450] : memref<4194304xi32, #tpu.memory_space<hbm>> -> memref<4194304xi32, #tpu.memory_space<hbm>>
    tpu.enqueue_indirect_dma source(%dma_start3A_451 : memref<4194304xi32, #tpu.memory_space<hbm>>) target(%dma_start3A_446 : memref<128xi32, #tpu.memory_space<vmem>>) offsets(%dma_start3A_449 : memref<128xi32, #tpu.memory_space<vmem>>) semaphore(%arg7 : memref<!tpu.dma_semaphore, #tpu.memory_space<semaphore_mem>>)
    %dma_start3A_452 = arith.constant 45 : i32
    %dma_start3A_453 = arith.constant 45 : i32
    %dma_start3A_454 = arith.constant 0 : i32
    %dma_start3A_455 = tpu.memref_slice %arg6[%dma_start3A_453, %dma_start3A_454] : memref<64x128xi32, #tpu.memory_space<vmem>> -> memref<1x128xi32, #tpu.memory_space<vmem>>
    %dma_start3A_456 = tpu.memref_squeeze %dma_start3A_455 : memref<1x128xi32, #tpu.memory_space<vmem>> -> memref<128xi32, #tpu.memory_space<vmem>>
    %dma_start3A_457 = arith.constant 0 : i32
    %dma_start3A_458 = tpu.memref_slice %arg5[%dma_start3A_452, %dma_start3A_457] : memref<64x128xi32, #tpu.memory_space<vmem>> -> memref<1x128xi32, #tpu.memory_space<vmem>>
    %dma_start3A_459 = tpu.memref_squeeze %dma_start3A_458 : memref<1x128xi32, #tpu.memory_space<vmem>> -> memref<128xi32, #tpu.memory_space<vmem>>
    %dma_start3A_460 = arith.constant 0 : i32
    %dma_start3A_461 = tpu.memref_slice %arg3[%dma_start3A_460] : memref<4194304xi32, #tpu.memory_space<hbm>> -> memref<4194304xi32, #tpu.memory_space<hbm>>
    tpu.enqueue_indirect_dma source(%dma_start3A_461 : memref<4194304xi32, #tpu.memory_space<hbm>>) target(%dma_start3A_456 : memref<128xi32, #tpu.memory_space<vmem>>) offsets(%dma_start3A_459 : memref<128xi32, #tpu.memory_space<vmem>>) semaphore(%arg7 : memref<!tpu.dma_semaphore, #tpu.memory_space<semaphore_mem>>)
    %dma_start3A_462 = arith.constant 46 : i32
    %dma_start3A_463 = arith.constant 46 : i32
    %dma_start3A_464 = arith.constant 0 : i32
    %dma_start3A_465 = tpu.memref_slice %arg6[%dma_start3A_463, %dma_start3A_464] : memref<64x128xi32, #tpu.memory_space<vmem>> -> memref<1x128xi32, #tpu.memory_space<vmem>>
    %dma_start3A_466 = tpu.memref_squeeze %dma_start3A_465 : memref<1x128xi32, #tpu.memory_space<vmem>> -> memref<128xi32, #tpu.memory_space<vmem>>
    %dma_start3A_467 = arith.constant 0 : i32
    %dma_start3A_468 = tpu.memref_slice %arg5[%dma_start3A_462, %dma_start3A_467] : memref<64x128xi32, #tpu.memory_space<vmem>> -> memref<1x128xi32, #tpu.memory_space<vmem>>
    %dma_start3A_469 = tpu.memref_squeeze %dma_start3A_468 : memref<1x128xi32, #tpu.memory_space<vmem>> -> memref<128xi32, #tpu.memory_space<vmem>>
    %dma_start3A_470 = arith.constant 0 : i32
    %dma_start3A_471 = tpu.memref_slice %arg3[%dma_start3A_470] : memref<4194304xi32, #tpu.memory_space<hbm>> -> memref<4194304xi32, #tpu.memory_space<hbm>>
    tpu.enqueue_indirect_dma source(%dma_start3A_471 : memref<4194304xi32, #tpu.memory_space<hbm>>) target(%dma_start3A_466 : memref<128xi32, #tpu.memory_space<vmem>>) offsets(%dma_start3A_469 : memref<128xi32, #tpu.memory_space<vmem>>) semaphore(%arg7 : memref<!tpu.dma_semaphore, #tpu.memory_space<semaphore_mem>>)
    %dma_start3A_472 = arith.constant 47 : i32
    %dma_start3A_473 = arith.constant 47 : i32
    %dma_start3A_474 = arith.constant 0 : i32
    %dma_start3A_475 = tpu.memref_slice %arg6[%dma_start3A_473, %dma_start3A_474] : memref<64x128xi32, #tpu.memory_space<vmem>> -> memref<1x128xi32, #tpu.memory_space<vmem>>
    %dma_start3A_476 = tpu.memref_squeeze %dma_start3A_475 : memref<1x128xi32, #tpu.memory_space<vmem>> -> memref<128xi32, #tpu.memory_space<vmem>>
    %dma_start3A_477 = arith.constant 0 : i32
    %dma_start3A_478 = tpu.memref_slice %arg5[%dma_start3A_472, %dma_start3A_477] : memref<64x128xi32, #tpu.memory_space<vmem>> -> memref<1x128xi32, #tpu.memory_space<vmem>>
    %dma_start3A_479 = tpu.memref_squeeze %dma_start3A_478 : memref<1x128xi32, #tpu.memory_space<vmem>> -> memref<128xi32, #tpu.memory_space<vmem>>
    %dma_start3A_480 = arith.constant 0 : i32
    %dma_start3A_481 = tpu.memref_slice %arg3[%dma_start3A_480] : memref<4194304xi32, #tpu.memory_space<hbm>> -> memref<4194304xi32, #tpu.memory_space<hbm>>
    tpu.enqueue_indirect_dma source(%dma_start3A_481 : memref<4194304xi32, #tpu.memory_space<hbm>>) target(%dma_start3A_476 : memref<128xi32, #tpu.memory_space<vmem>>) offsets(%dma_start3A_479 : memref<128xi32, #tpu.memory_space<vmem>>) semaphore(%arg7 : memref<!tpu.dma_semaphore, #tpu.memory_space<semaphore_mem>>)
    %dma_start3A_482 = arith.constant 48 : i32
    %dma_start3A_483 = arith.constant 48 : i32
    %dma_start3A_484 = arith.constant 0 : i32
    %dma_start3A_485 = tpu.memref_slice %arg6[%dma_start3A_483, %dma_start3A_484] : memref<64x128xi32, #tpu.memory_space<vmem>> -> memref<1x128xi32, #tpu.memory_space<vmem>>
    %dma_start3A_486 = tpu.memref_squeeze %dma_start3A_485 : memref<1x128xi32, #tpu.memory_space<vmem>> -> memref<128xi32, #tpu.memory_space<vmem>>
    %dma_start3A_487 = arith.constant 0 : i32
    %dma_start3A_488 = tpu.memref_slice %arg5[%dma_start3A_482, %dma_start3A_487] : memref<64x128xi32, #tpu.memory_space<vmem>> -> memref<1x128xi32, #tpu.memory_space<vmem>>
    %dma_start3A_489 = tpu.memref_squeeze %dma_start3A_488 : memref<1x128xi32, #tpu.memory_space<vmem>> -> memref<128xi32, #tpu.memory_space<vmem>>
    %dma_start3A_490 = arith.constant 0 : i32
    %dma_start3A_491 = tpu.memref_slice %arg3[%dma_start3A_490] : memref<4194304xi32, #tpu.memory_space<hbm>> -> memref<4194304xi32, #tpu.memory_space<hbm>>
    tpu.enqueue_indirect_dma source(%dma_start3A_491 : memref<4194304xi32, #tpu.memory_space<hbm>>) target(%dma_start3A_486 : memref<128xi32, #tpu.memory_space<vmem>>) offsets(%dma_start3A_489 : memref<128xi32, #tpu.memory_space<vmem>>) semaphore(%arg7 : memref<!tpu.dma_semaphore, #tpu.memory_space<semaphore_mem>>)
    %dma_start3A_492 = arith.constant 49 : i32
    %dma_start3A_493 = arith.constant 49 : i32
    %dma_start3A_494 = arith.constant 0 : i32
    %dma_start3A_495 = tpu.memref_slice %arg6[%dma_start3A_493, %dma_start3A_494] : memref<64x128xi32, #tpu.memory_space<vmem>> -> memref<1x128xi32, #tpu.memory_space<vmem>>
    %dma_start3A_496 = tpu.memref_squeeze %dma_start3A_495 : memref<1x128xi32, #tpu.memory_space<vmem>> -> memref<128xi32, #tpu.memory_space<vmem>>
    %dma_start3A_497 = arith.constant 0 : i32
    %dma_start3A_498 = tpu.memref_slice %arg5[%dma_start3A_492, %dma_start3A_497] : memref<64x128xi32, #tpu.memory_space<vmem>> -> memref<1x128xi32, #tpu.memory_space<vmem>>
    %dma_start3A_499 = tpu.memref_squeeze %dma_start3A_498 : memref<1x128xi32, #tpu.memory_space<vmem>> -> memref<128xi32, #tpu.memory_space<vmem>>
    %dma_start3A_500 = arith.constant 0 : i32
    %dma_start3A_501 = tpu.memref_slice %arg3[%dma_start3A_500] : memref<4194304xi32, #tpu.memory_space<hbm>> -> memref<4194304xi32, #tpu.memory_space<hbm>>
    tpu.enqueue_indirect_dma source(%dma_start3A_501 : memref<4194304xi32, #tpu.memory_space<hbm>>) target(%dma_start3A_496 : memref<128xi32, #tpu.memory_space<vmem>>) offsets(%dma_start3A_499 : memref<128xi32, #tpu.memory_space<vmem>>) semaphore(%arg7 : memref<!tpu.dma_semaphore, #tpu.memory_space<semaphore_mem>>)
    %dma_start3A_502 = arith.constant 50 : i32
    %dma_start3A_503 = arith.constant 50 : i32
    %dma_start3A_504 = arith.constant 0 : i32
    %dma_start3A_505 = tpu.memref_slice %arg6[%dma_start3A_503, %dma_start3A_504] : memref<64x128xi32, #tpu.memory_space<vmem>> -> memref<1x128xi32, #tpu.memory_space<vmem>>
    %dma_start3A_506 = tpu.memref_squeeze %dma_start3A_505 : memref<1x128xi32, #tpu.memory_space<vmem>> -> memref<128xi32, #tpu.memory_space<vmem>>
    %dma_start3A_507 = arith.constant 0 : i32
    %dma_start3A_508 = tpu.memref_slice %arg5[%dma_start3A_502, %dma_start3A_507] : memref<64x128xi32, #tpu.memory_space<vmem>> -> memref<1x128xi32, #tpu.memory_space<vmem>>
    %dma_start3A_509 = tpu.memref_squeeze %dma_start3A_508 : memref<1x128xi32, #tpu.memory_space<vmem>> -> memref<128xi32, #tpu.memory_space<vmem>>
    %dma_start3A_510 = arith.constant 0 : i32
    %dma_start3A_511 = tpu.memref_slice %arg3[%dma_start3A_510] : memref<4194304xi32, #tpu.memory_space<hbm>> -> memref<4194304xi32, #tpu.memory_space<hbm>>
    tpu.enqueue_indirect_dma source(%dma_start3A_511 : memref<4194304xi32, #tpu.memory_space<hbm>>) target(%dma_start3A_506 : memref<128xi32, #tpu.memory_space<vmem>>) offsets(%dma_start3A_509 : memref<128xi32, #tpu.memory_space<vmem>>) semaphore(%arg7 : memref<!tpu.dma_semaphore, #tpu.memory_space<semaphore_mem>>)
    %dma_start3A_512 = arith.constant 51 : i32
    %dma_start3A_513 = arith.constant 51 : i32
    %dma_start3A_514 = arith.constant 0 : i32
    %dma_start3A_515 = tpu.memref_slice %arg6[%dma_start3A_513, %dma_start3A_514] : memref<64x128xi32, #tpu.memory_space<vmem>> -> memref<1x128xi32, #tpu.memory_space<vmem>>
    %dma_start3A_516 = tpu.memref_squeeze %dma_start3A_515 : memref<1x128xi32, #tpu.memory_space<vmem>> -> memref<128xi32, #tpu.memory_space<vmem>>
    %dma_start3A_517 = arith.constant 0 : i32
    %dma_start3A_518 = tpu.memref_slice %arg5[%dma_start3A_512, %dma_start3A_517] : memref<64x128xi32, #tpu.memory_space<vmem>> -> memref<1x128xi32, #tpu.memory_space<vmem>>
    %dma_start3A_519 = tpu.memref_squeeze %dma_start3A_518 : memref<1x128xi32, #tpu.memory_space<vmem>> -> memref<128xi32, #tpu.memory_space<vmem>>
    %dma_start3A_520 = arith.constant 0 : i32
    %dma_start3A_521 = tpu.memref_slice %arg3[%dma_start3A_520] : memref<4194304xi32, #tpu.memory_space<hbm>> -> memref<4194304xi32, #tpu.memory_space<hbm>>
    tpu.enqueue_indirect_dma source(%dma_start3A_521 : memref<4194304xi32, #tpu.memory_space<hbm>>) target(%dma_start3A_516 : memref<128xi32, #tpu.memory_space<vmem>>) offsets(%dma_start3A_519 : memref<128xi32, #tpu.memory_space<vmem>>) semaphore(%arg7 : memref<!tpu.dma_semaphore, #tpu.memory_space<semaphore_mem>>)
    %dma_start3A_522 = arith.constant 52 : i32
    %dma_start3A_523 = arith.constant 52 : i32
    %dma_start3A_524 = arith.constant 0 : i32
    %dma_start3A_525 = tpu.memref_slice %arg6[%dma_start3A_523, %dma_start3A_524] : memref<64x128xi32, #tpu.memory_space<vmem>> -> memref<1x128xi32, #tpu.memory_space<vmem>>
    %dma_start3A_526 = tpu.memref_squeeze %dma_start3A_525 : memref<1x128xi32, #tpu.memory_space<vmem>> -> memref<128xi32, #tpu.memory_space<vmem>>
    %dma_start3A_527 = arith.constant 0 : i32
    %dma_start3A_528 = tpu.memref_slice %arg5[%dma_start3A_522, %dma_start3A_527] : memref<64x128xi32, #tpu.memory_space<vmem>> -> memref<1x128xi32, #tpu.memory_space<vmem>>
    %dma_start3A_529 = tpu.memref_squeeze %dma_start3A_528 : memref<1x128xi32, #tpu.memory_space<vmem>> -> memref<128xi32, #tpu.memory_space<vmem>>
    %dma_start3A_530 = arith.constant 0 : i32
    %dma_start3A_531 = tpu.memref_slice %arg3[%dma_start3A_530] : memref<4194304xi32, #tpu.memory_space<hbm>> -> memref<4194304xi32, #tpu.memory_space<hbm>>
    tpu.enqueue_indirect_dma source(%dma_start3A_531 : memref<4194304xi32, #tpu.memory_space<hbm>>) target(%dma_start3A_526 : memref<128xi32, #tpu.memory_space<vmem>>) offsets(%dma_start3A_529 : memref<128xi32, #tpu.memory_space<vmem>>) semaphore(%arg7 : memref<!tpu.dma_semaphore, #tpu.memory_space<semaphore_mem>>)
    %dma_start3A_532 = arith.constant 53 : i32
    %dma_start3A_533 = arith.constant 53 : i32
    %dma_start3A_534 = arith.constant 0 : i32
    %dma_start3A_535 = tpu.memref_slice %arg6[%dma_start3A_533, %dma_start3A_534] : memref<64x128xi32, #tpu.memory_space<vmem>> -> memref<1x128xi32, #tpu.memory_space<vmem>>
    %dma_start3A_536 = tpu.memref_squeeze %dma_start3A_535 : memref<1x128xi32, #tpu.memory_space<vmem>> -> memref<128xi32, #tpu.memory_space<vmem>>
    %dma_start3A_537 = arith.constant 0 : i32
    %dma_start3A_538 = tpu.memref_slice %arg5[%dma_start3A_532, %dma_start3A_537] : memref<64x128xi32, #tpu.memory_space<vmem>> -> memref<1x128xi32, #tpu.memory_space<vmem>>
    %dma_start3A_539 = tpu.memref_squeeze %dma_start3A_538 : memref<1x128xi32, #tpu.memory_space<vmem>> -> memref<128xi32, #tpu.memory_space<vmem>>
    %dma_start3A_540 = arith.constant 0 : i32
    %dma_start3A_541 = tpu.memref_slice %arg3[%dma_start3A_540] : memref<4194304xi32, #tpu.memory_space<hbm>> -> memref<4194304xi32, #tpu.memory_space<hbm>>
    tpu.enqueue_indirect_dma source(%dma_start3A_541 : memref<4194304xi32, #tpu.memory_space<hbm>>) target(%dma_start3A_536 : memref<128xi32, #tpu.memory_space<vmem>>) offsets(%dma_start3A_539 : memref<128xi32, #tpu.memory_space<vmem>>) semaphore(%arg7 : memref<!tpu.dma_semaphore, #tpu.memory_space<semaphore_mem>>)
    %dma_start3A_542 = arith.constant 54 : i32
    %dma_start3A_543 = arith.constant 54 : i32
    %dma_start3A_544 = arith.constant 0 : i32
    %dma_start3A_545 = tpu.memref_slice %arg6[%dma_start3A_543, %dma_start3A_544] : memref<64x128xi32, #tpu.memory_space<vmem>> -> memref<1x128xi32, #tpu.memory_space<vmem>>
    %dma_start3A_546 = tpu.memref_squeeze %dma_start3A_545 : memref<1x128xi32, #tpu.memory_space<vmem>> -> memref<128xi32, #tpu.memory_space<vmem>>
    %dma_start3A_547 = arith.constant 0 : i32
    %dma_start3A_548 = tpu.memref_slice %arg5[%dma_start3A_542, %dma_start3A_547] : memref<64x128xi32, #tpu.memory_space<vmem>> -> memref<1x128xi32, #tpu.memory_space<vmem>>
    %dma_start3A_549 = tpu.memref_squeeze %dma_start3A_548 : memref<1x128xi32, #tpu.memory_space<vmem>> -> memref<128xi32, #tpu.memory_space<vmem>>
    %dma_start3A_550 = arith.constant 0 : i32
    %dma_start3A_551 = tpu.memref_slice %arg3[%dma_start3A_550] : memref<4194304xi32, #tpu.memory_space<hbm>> -> memref<4194304xi32, #tpu.memory_space<hbm>>
    tpu.enqueue_indirect_dma source(%dma_start3A_551 : memref<4194304xi32, #tpu.memory_space<hbm>>) target(%dma_start3A_546 : memref<128xi32, #tpu.memory_space<vmem>>) offsets(%dma_start3A_549 : memref<128xi32, #tpu.memory_space<vmem>>) semaphore(%arg7 : memref<!tpu.dma_semaphore, #tpu.memory_space<semaphore_mem>>)
    %dma_start3A_552 = arith.constant 55 : i32
    %dma_start3A_553 = arith.constant 55 : i32
    %dma_start3A_554 = arith.constant 0 : i32
    %dma_start3A_555 = tpu.memref_slice %arg6[%dma_start3A_553, %dma_start3A_554] : memref<64x128xi32, #tpu.memory_space<vmem>> -> memref<1x128xi32, #tpu.memory_space<vmem>>
    %dma_start3A_556 = tpu.memref_squeeze %dma_start3A_555 : memref<1x128xi32, #tpu.memory_space<vmem>> -> memref<128xi32, #tpu.memory_space<vmem>>
    %dma_start3A_557 = arith.constant 0 : i32
    %dma_start3A_558 = tpu.memref_slice %arg5[%dma_start3A_552, %dma_start3A_557] : memref<64x128xi32, #tpu.memory_space<vmem>> -> memref<1x128xi32, #tpu.memory_space<vmem>>
    %dma_start3A_559 = tpu.memref_squeeze %dma_start3A_558 : memref<1x128xi32, #tpu.memory_space<vmem>> -> memref<128xi32, #tpu.memory_space<vmem>>
    %dma_start3A_560 = arith.constant 0 : i32
    %dma_start3A_561 = tpu.memref_slice %arg3[%dma_start3A_560] : memref<4194304xi32, #tpu.memory_space<hbm>> -> memref<4194304xi32, #tpu.memory_space<hbm>>
    tpu.enqueue_indirect_dma source(%dma_start3A_561 : memref<4194304xi32, #tpu.memory_space<hbm>>) target(%dma_start3A_556 : memref<128xi32, #tpu.memory_space<vmem>>) offsets(%dma_start3A_559 : memref<128xi32, #tpu.memory_space<vmem>>) semaphore(%arg7 : memref<!tpu.dma_semaphore, #tpu.memory_space<semaphore_mem>>)
    %dma_start3A_562 = arith.constant 56 : i32
    %dma_start3A_563 = arith.constant 56 : i32
    %dma_start3A_564 = arith.constant 0 : i32
    %dma_start3A_565 = tpu.memref_slice %arg6[%dma_start3A_563, %dma_start3A_564] : memref<64x128xi32, #tpu.memory_space<vmem>> -> memref<1x128xi32, #tpu.memory_space<vmem>>
    %dma_start3A_566 = tpu.memref_squeeze %dma_start3A_565 : memref<1x128xi32, #tpu.memory_space<vmem>> -> memref<128xi32, #tpu.memory_space<vmem>>
    %dma_start3A_567 = arith.constant 0 : i32
    %dma_start3A_568 = tpu.memref_slice %arg5[%dma_start3A_562, %dma_start3A_567] : memref<64x128xi32, #tpu.memory_space<vmem>> -> memref<1x128xi32, #tpu.memory_space<vmem>>
    %dma_start3A_569 = tpu.memref_squeeze %dma_start3A_568 : memref<1x128xi32, #tpu.memory_space<vmem>> -> memref<128xi32, #tpu.memory_space<vmem>>
    %dma_start3A_570 = arith.constant 0 : i32
    %dma_start3A_571 = tpu.memref_slice %arg3[%dma_start3A_570] : memref<4194304xi32, #tpu.memory_space<hbm>> -> memref<4194304xi32, #tpu.memory_space<hbm>>
    tpu.enqueue_indirect_dma source(%dma_start3A_571 : memref<4194304xi32, #tpu.memory_space<hbm>>) target(%dma_start3A_566 : memref<128xi32, #tpu.memory_space<vmem>>) offsets(%dma_start3A_569 : memref<128xi32, #tpu.memory_space<vmem>>) semaphore(%arg7 : memref<!tpu.dma_semaphore, #tpu.memory_space<semaphore_mem>>)
    %dma_start3A_572 = arith.constant 57 : i32
    %dma_start3A_573 = arith.constant 57 : i32
    %dma_start3A_574 = arith.constant 0 : i32
    %dma_start3A_575 = tpu.memref_slice %arg6[%dma_start3A_573, %dma_start3A_574] : memref<64x128xi32, #tpu.memory_space<vmem>> -> memref<1x128xi32, #tpu.memory_space<vmem>>
    %dma_start3A_576 = tpu.memref_squeeze %dma_start3A_575 : memref<1x128xi32, #tpu.memory_space<vmem>> -> memref<128xi32, #tpu.memory_space<vmem>>
    %dma_start3A_577 = arith.constant 0 : i32
    %dma_start3A_578 = tpu.memref_slice %arg5[%dma_start3A_572, %dma_start3A_577] : memref<64x128xi32, #tpu.memory_space<vmem>> -> memref<1x128xi32, #tpu.memory_space<vmem>>
    %dma_start3A_579 = tpu.memref_squeeze %dma_start3A_578 : memref<1x128xi32, #tpu.memory_space<vmem>> -> memref<128xi32, #tpu.memory_space<vmem>>
    %dma_start3A_580 = arith.constant 0 : i32
    %dma_start3A_581 = tpu.memref_slice %arg3[%dma_start3A_580] : memref<4194304xi32, #tpu.memory_space<hbm>> -> memref<4194304xi32, #tpu.memory_space<hbm>>
    tpu.enqueue_indirect_dma source(%dma_start3A_581 : memref<4194304xi32, #tpu.memory_space<hbm>>) target(%dma_start3A_576 : memref<128xi32, #tpu.memory_space<vmem>>) offsets(%dma_start3A_579 : memref<128xi32, #tpu.memory_space<vmem>>) semaphore(%arg7 : memref<!tpu.dma_semaphore, #tpu.memory_space<semaphore_mem>>)
    %dma_start3A_582 = arith.constant 58 : i32
    %dma_start3A_583 = arith.constant 58 : i32
    %dma_start3A_584 = arith.constant 0 : i32
    %dma_start3A_585 = tpu.memref_slice %arg6[%dma_start3A_583, %dma_start3A_584] : memref<64x128xi32, #tpu.memory_space<vmem>> -> memref<1x128xi32, #tpu.memory_space<vmem>>
    %dma_start3A_586 = tpu.memref_squeeze %dma_start3A_585 : memref<1x128xi32, #tpu.memory_space<vmem>> -> memref<128xi32, #tpu.memory_space<vmem>>
    %dma_start3A_587 = arith.constant 0 : i32
    %dma_start3A_588 = tpu.memref_slice %arg5[%dma_start3A_582, %dma_start3A_587] : memref<64x128xi32, #tpu.memory_space<vmem>> -> memref<1x128xi32, #tpu.memory_space<vmem>>
    %dma_start3A_589 = tpu.memref_squeeze %dma_start3A_588 : memref<1x128xi32, #tpu.memory_space<vmem>> -> memref<128xi32, #tpu.memory_space<vmem>>
    %dma_start3A_590 = arith.constant 0 : i32
    %dma_start3A_591 = tpu.memref_slice %arg3[%dma_start3A_590] : memref<4194304xi32, #tpu.memory_space<hbm>> -> memref<4194304xi32, #tpu.memory_space<hbm>>
    tpu.enqueue_indirect_dma source(%dma_start3A_591 : memref<4194304xi32, #tpu.memory_space<hbm>>) target(%dma_start3A_586 : memref<128xi32, #tpu.memory_space<vmem>>) offsets(%dma_start3A_589 : memref<128xi32, #tpu.memory_space<vmem>>) semaphore(%arg7 : memref<!tpu.dma_semaphore, #tpu.memory_space<semaphore_mem>>)
    %dma_start3A_592 = arith.constant 59 : i32
    %dma_start3A_593 = arith.constant 59 : i32
    %dma_start3A_594 = arith.constant 0 : i32
    %dma_start3A_595 = tpu.memref_slice %arg6[%dma_start3A_593, %dma_start3A_594] : memref<64x128xi32, #tpu.memory_space<vmem>> -> memref<1x128xi32, #tpu.memory_space<vmem>>
    %dma_start3A_596 = tpu.memref_squeeze %dma_start3A_595 : memref<1x128xi32, #tpu.memory_space<vmem>> -> memref<128xi32, #tpu.memory_space<vmem>>
    %dma_start3A_597 = arith.constant 0 : i32
    %dma_start3A_598 = tpu.memref_slice %arg5[%dma_start3A_592, %dma_start3A_597] : memref<64x128xi32, #tpu.memory_space<vmem>> -> memref<1x128xi32, #tpu.memory_space<vmem>>
    %dma_start3A_599 = tpu.memref_squeeze %dma_start3A_598 : memref<1x128xi32, #tpu.memory_space<vmem>> -> memref<128xi32, #tpu.memory_space<vmem>>
    %dma_start3A_600 = arith.constant 0 : i32
    %dma_start3A_601 = tpu.memref_slice %arg3[%dma_start3A_600] : memref<4194304xi32, #tpu.memory_space<hbm>> -> memref<4194304xi32, #tpu.memory_space<hbm>>
    tpu.enqueue_indirect_dma source(%dma_start3A_601 : memref<4194304xi32, #tpu.memory_space<hbm>>) target(%dma_start3A_596 : memref<128xi32, #tpu.memory_space<vmem>>) offsets(%dma_start3A_599 : memref<128xi32, #tpu.memory_space<vmem>>) semaphore(%arg7 : memref<!tpu.dma_semaphore, #tpu.memory_space<semaphore_mem>>)
    %dma_start3A_602 = arith.constant 60 : i32
    %dma_start3A_603 = arith.constant 60 : i32
    %dma_start3A_604 = arith.constant 0 : i32
    %dma_start3A_605 = tpu.memref_slice %arg6[%dma_start3A_603, %dma_start3A_604] : memref<64x128xi32, #tpu.memory_space<vmem>> -> memref<1x128xi32, #tpu.memory_space<vmem>>
    %dma_start3A_606 = tpu.memref_squeeze %dma_start3A_605 : memref<1x128xi32, #tpu.memory_space<vmem>> -> memref<128xi32, #tpu.memory_space<vmem>>
    %dma_start3A_607 = arith.constant 0 : i32
    %dma_start3A_608 = tpu.memref_slice %arg5[%dma_start3A_602, %dma_start3A_607] : memref<64x128xi32, #tpu.memory_space<vmem>> -> memref<1x128xi32, #tpu.memory_space<vmem>>
    %dma_start3A_609 = tpu.memref_squeeze %dma_start3A_608 : memref<1x128xi32, #tpu.memory_space<vmem>> -> memref<128xi32, #tpu.memory_space<vmem>>
    %dma_start3A_610 = arith.constant 0 : i32
    %dma_start3A_611 = tpu.memref_slice %arg3[%dma_start3A_610] : memref<4194304xi32, #tpu.memory_space<hbm>> -> memref<4194304xi32, #tpu.memory_space<hbm>>
    tpu.enqueue_indirect_dma source(%dma_start3A_611 : memref<4194304xi32, #tpu.memory_space<hbm>>) target(%dma_start3A_606 : memref<128xi32, #tpu.memory_space<vmem>>) offsets(%dma_start3A_609 : memref<128xi32, #tpu.memory_space<vmem>>) semaphore(%arg7 : memref<!tpu.dma_semaphore, #tpu.memory_space<semaphore_mem>>)
    %dma_start3A_612 = arith.constant 61 : i32
    %dma_start3A_613 = arith.constant 61 : i32
    %dma_start3A_614 = arith.constant 0 : i32
    %dma_start3A_615 = tpu.memref_slice %arg6[%dma_start3A_613, %dma_start3A_614] : memref<64x128xi32, #tpu.memory_space<vmem>> -> memref<1x128xi32, #tpu.memory_space<vmem>>
    %dma_start3A_616 = tpu.memref_squeeze %dma_start3A_615 : memref<1x128xi32, #tpu.memory_space<vmem>> -> memref<128xi32, #tpu.memory_space<vmem>>
    %dma_start3A_617 = arith.constant 0 : i32
    %dma_start3A_618 = tpu.memref_slice %arg5[%dma_start3A_612, %dma_start3A_617] : memref<64x128xi32, #tpu.memory_space<vmem>> -> memref<1x128xi32, #tpu.memory_space<vmem>>
    %dma_start3A_619 = tpu.memref_squeeze %dma_start3A_618 : memref<1x128xi32, #tpu.memory_space<vmem>> -> memref<128xi32, #tpu.memory_space<vmem>>
    %dma_start3A_620 = arith.constant 0 : i32
    %dma_start3A_621 = tpu.memref_slice %arg3[%dma_start3A_620] : memref<4194304xi32, #tpu.memory_space<hbm>> -> memref<4194304xi32, #tpu.memory_space<hbm>>
    tpu.enqueue_indirect_dma source(%dma_start3A_621 : memref<4194304xi32, #tpu.memory_space<hbm>>) target(%dma_start3A_616 : memref<128xi32, #tpu.memory_space<vmem>>) offsets(%dma_start3A_619 : memref<128xi32, #tpu.memory_space<vmem>>) semaphore(%arg7 : memref<!tpu.dma_semaphore, #tpu.memory_space<semaphore_mem>>)
    %dma_start3A_622 = arith.constant 62 : i32
    %dma_start3A_623 = arith.constant 62 : i32
    %dma_start3A_624 = arith.constant 0 : i32
    %dma_start3A_625 = tpu.memref_slice %arg6[%dma_start3A_623, %dma_start3A_624] : memref<64x128xi32, #tpu.memory_space<vmem>> -> memref<1x128xi32, #tpu.memory_space<vmem>>
    %dma_start3A_626 = tpu.memref_squeeze %dma_start3A_625 : memref<1x128xi32, #tpu.memory_space<vmem>> -> memref<128xi32, #tpu.memory_space<vmem>>
    %dma_start3A_627 = arith.constant 0 : i32
    %dma_start3A_628 = tpu.memref_slice %arg5[%dma_start3A_622, %dma_start3A_627] : memref<64x128xi32, #tpu.memory_space<vmem>> -> memref<1x128xi32, #tpu.memory_space<vmem>>
    %dma_start3A_629 = tpu.memref_squeeze %dma_start3A_628 : memref<1x128xi32, #tpu.memory_space<vmem>> -> memref<128xi32, #tpu.memory_space<vmem>>
    %dma_start3A_630 = arith.constant 0 : i32
    %dma_start3A_631 = tpu.memref_slice %arg3[%dma_start3A_630] : memref<4194304xi32, #tpu.memory_space<hbm>> -> memref<4194304xi32, #tpu.memory_space<hbm>>
    tpu.enqueue_indirect_dma source(%dma_start3A_631 : memref<4194304xi32, #tpu.memory_space<hbm>>) target(%dma_start3A_626 : memref<128xi32, #tpu.memory_space<vmem>>) offsets(%dma_start3A_629 : memref<128xi32, #tpu.memory_space<vmem>>) semaphore(%arg7 : memref<!tpu.dma_semaphore, #tpu.memory_space<semaphore_mem>>)
    %dma_start3A_632 = arith.constant 63 : i32
    %dma_start3A_633 = arith.constant 63 : i32
    %dma_start3A_634 = arith.constant 0 : i32
    %dma_start3A_635 = tpu.memref_slice %arg6[%dma_start3A_633, %dma_start3A_634] : memref<64x128xi32, #tpu.memory_space<vmem>> -> memref<1x128xi32, #tpu.memory_space<vmem>>
    %dma_start3A_636 = tpu.memref_squeeze %dma_start3A_635 : memref<1x128xi32, #tpu.memory_space<vmem>> -> memref<128xi32, #tpu.memory_space<vmem>>
    %dma_start3A_637 = arith.constant 0 : i32
    %dma_start3A_638 = tpu.memref_slice %arg5[%dma_start3A_632, %dma_start3A_637] : memref<64x128xi32, #tpu.memory_space<vmem>> -> memref<1x128xi32, #tpu.memory_space<vmem>>
    %dma_start3A_639 = tpu.memref_squeeze %dma_start3A_638 : memref<1x128xi32, #tpu.memory_space<vmem>> -> memref<128xi32, #tpu.memory_space<vmem>>
    %dma_start3A_640 = arith.constant 0 : i32
    %dma_start3A_641 = tpu.memref_slice %arg3[%dma_start3A_640] : memref<4194304xi32, #tpu.memory_space<hbm>> -> memref<4194304xi32, #tpu.memory_space<hbm>>
    tpu.enqueue_indirect_dma source(%dma_start3A_641 : memref<4194304xi32, #tpu.memory_space<hbm>>) target(%dma_start3A_636 : memref<128xi32, #tpu.memory_space<vmem>>) offsets(%dma_start3A_639 : memref<128xi32, #tpu.memory_space<vmem>>) semaphore(%arg7 : memref<!tpu.dma_semaphore, #tpu.memory_space<semaphore_mem>>)
    %dma_wait3A = arith.constant 0 : i32
    %dma_wait3A_642 = arith.constant 0 : i32
    %dma_wait3A_643 = arith.constant 0 : i32
    %dma_wait3A_644 = tpu.memref_slice %arg6[%dma_wait3A_642, %dma_wait3A_643] : memref<64x128xi32, #tpu.memory_space<vmem>> -> memref<1x128xi32, #tpu.memory_space<vmem>>
    %dma_wait3A_645 = tpu.memref_squeeze %dma_wait3A_644 : memref<1x128xi32, #tpu.memory_space<vmem>> -> memref<128xi32, #tpu.memory_space<vmem>>
    %dma_wait3A_646 = arith.constant 0 : i32
    %dma_wait3A_647 = tpu.memref_slice %arg5[%dma_wait3A, %dma_wait3A_646] : memref<64x128xi32, #tpu.memory_space<vmem>> -> memref<1x128xi32, #tpu.memory_space<vmem>>
    %dma_wait3A_648 = tpu.memref_squeeze %dma_wait3A_647 : memref<1x128xi32, #tpu.memory_space<vmem>> -> memref<128xi32, #tpu.memory_space<vmem>>
    %dma_wait3A_649 = arith.constant 0 : i32
    %dma_wait3A_650 = tpu.memref_slice %arg3[%dma_wait3A_649] : memref<4194304xi32, #tpu.memory_space<hbm>> -> memref<4194304xi32, #tpu.memory_space<hbm>>
    tpu.wait_indirect_dma semaphore(%arg7 : memref<!tpu.dma_semaphore, #tpu.memory_space<semaphore_mem>>) src(%dma_wait3A_650 : memref<4194304xi32, #tpu.memory_space<hbm>>) dst(%dma_wait3A_645 : memref<128xi32, #tpu.memory_space<vmem>>)
    %dma_wait3A_651 = arith.constant 1 : i32
    %dma_wait3A_652 = arith.constant 1 : i32
    %dma_wait3A_653 = arith.constant 0 : i32
    %dma_wait3A_654 = tpu.memref_slice %arg6[%dma_wait3A_652, %dma_wait3A_653] : memref<64x128xi32, #tpu.memory_space<vmem>> -> memref<1x128xi32, #tpu.memory_space<vmem>>
    %dma_wait3A_655 = tpu.memref_squeeze %dma_wait3A_654 : memref<1x128xi32, #tpu.memory_space<vmem>> -> memref<128xi32, #tpu.memory_space<vmem>>
    %dma_wait3A_656 = arith.constant 0 : i32
    %dma_wait3A_657 = tpu.memref_slice %arg5[%dma_wait3A_651, %dma_wait3A_656] : memref<64x128xi32, #tpu.memory_space<vmem>> -> memref<1x128xi32, #tpu.memory_space<vmem>>
    %dma_wait3A_658 = tpu.memref_squeeze %dma_wait3A_657 : memref<1x128xi32, #tpu.memory_space<vmem>> -> memref<128xi32, #tpu.memory_space<vmem>>
    %dma_wait3A_659 = arith.constant 0 : i32
    %dma_wait3A_660 = tpu.memref_slice %arg3[%dma_wait3A_659] : memref<4194304xi32, #tpu.memory_space<hbm>> -> memref<4194304xi32, #tpu.memory_space<hbm>>
    tpu.wait_indirect_dma semaphore(%arg7 : memref<!tpu.dma_semaphore, #tpu.memory_space<semaphore_mem>>) src(%dma_wait3A_660 : memref<4194304xi32, #tpu.memory_space<hbm>>) dst(%dma_wait3A_655 : memref<128xi32, #tpu.memory_space<vmem>>)
    %dma_wait3A_661 = arith.constant 2 : i32
    %dma_wait3A_662 = arith.constant 2 : i32
    %dma_wait3A_663 = arith.constant 0 : i32
    %dma_wait3A_664 = tpu.memref_slice %arg6[%dma_wait3A_662, %dma_wait3A_663] : memref<64x128xi32, #tpu.memory_space<vmem>> -> memref<1x128xi32, #tpu.memory_space<vmem>>
    %dma_wait3A_665 = tpu.memref_squeeze %dma_wait3A_664 : memref<1x128xi32, #tpu.memory_space<vmem>> -> memref<128xi32, #tpu.memory_space<vmem>>
    %dma_wait3A_666 = arith.constant 0 : i32
    %dma_wait3A_667 = tpu.memref_slice %arg5[%dma_wait3A_661, %dma_wait3A_666] : memref<64x128xi32, #tpu.memory_space<vmem>> -> memref<1x128xi32, #tpu.memory_space<vmem>>
    %dma_wait3A_668 = tpu.memref_squeeze %dma_wait3A_667 : memref<1x128xi32, #tpu.memory_space<vmem>> -> memref<128xi32, #tpu.memory_space<vmem>>
    %dma_wait3A_669 = arith.constant 0 : i32
    %dma_wait3A_670 = tpu.memref_slice %arg3[%dma_wait3A_669] : memref<4194304xi32, #tpu.memory_space<hbm>> -> memref<4194304xi32, #tpu.memory_space<hbm>>
    tpu.wait_indirect_dma semaphore(%arg7 : memref<!tpu.dma_semaphore, #tpu.memory_space<semaphore_mem>>) src(%dma_wait3A_670 : memref<4194304xi32, #tpu.memory_space<hbm>>) dst(%dma_wait3A_665 : memref<128xi32, #tpu.memory_space<vmem>>)
    %dma_wait3A_671 = arith.constant 3 : i32
    %dma_wait3A_672 = arith.constant 3 : i32
    %dma_wait3A_673 = arith.constant 0 : i32
    %dma_wait3A_674 = tpu.memref_slice %arg6[%dma_wait3A_672, %dma_wait3A_673] : memref<64x128xi32, #tpu.memory_space<vmem>> -> memref<1x128xi32, #tpu.memory_space<vmem>>
    %dma_wait3A_675 = tpu.memref_squeeze %dma_wait3A_674 : memref<1x128xi32, #tpu.memory_space<vmem>> -> memref<128xi32, #tpu.memory_space<vmem>>
    %dma_wait3A_676 = arith.constant 0 : i32
    %dma_wait3A_677 = tpu.memref_slice %arg5[%dma_wait3A_671, %dma_wait3A_676] : memref<64x128xi32, #tpu.memory_space<vmem>> -> memref<1x128xi32, #tpu.memory_space<vmem>>
    %dma_wait3A_678 = tpu.memref_squeeze %dma_wait3A_677 : memref<1x128xi32, #tpu.memory_space<vmem>> -> memref<128xi32, #tpu.memory_space<vmem>>
    %dma_wait3A_679 = arith.constant 0 : i32
    %dma_wait3A_680 = tpu.memref_slice %arg3[%dma_wait3A_679] : memref<4194304xi32, #tpu.memory_space<hbm>> -> memref<4194304xi32, #tpu.memory_space<hbm>>
    tpu.wait_indirect_dma semaphore(%arg7 : memref<!tpu.dma_semaphore, #tpu.memory_space<semaphore_mem>>) src(%dma_wait3A_680 : memref<4194304xi32, #tpu.memory_space<hbm>>) dst(%dma_wait3A_675 : memref<128xi32, #tpu.memory_space<vmem>>)
    %dma_wait3A_681 = arith.constant 4 : i32
    %dma_wait3A_682 = arith.constant 4 : i32
    %dma_wait3A_683 = arith.constant 0 : i32
    %dma_wait3A_684 = tpu.memref_slice %arg6[%dma_wait3A_682, %dma_wait3A_683] : memref<64x128xi32, #tpu.memory_space<vmem>> -> memref<1x128xi32, #tpu.memory_space<vmem>>
    %dma_wait3A_685 = tpu.memref_squeeze %dma_wait3A_684 : memref<1x128xi32, #tpu.memory_space<vmem>> -> memref<128xi32, #tpu.memory_space<vmem>>
    %dma_wait3A_686 = arith.constant 0 : i32
    %dma_wait3A_687 = tpu.memref_slice %arg5[%dma_wait3A_681, %dma_wait3A_686] : memref<64x128xi32, #tpu.memory_space<vmem>> -> memref<1x128xi32, #tpu.memory_space<vmem>>
    %dma_wait3A_688 = tpu.memref_squeeze %dma_wait3A_687 : memref<1x128xi32, #tpu.memory_space<vmem>> -> memref<128xi32, #tpu.memory_space<vmem>>
    %dma_wait3A_689 = arith.constant 0 : i32
    %dma_wait3A_690 = tpu.memref_slice %arg3[%dma_wait3A_689] : memref<4194304xi32, #tpu.memory_space<hbm>> -> memref<4194304xi32, #tpu.memory_space<hbm>>
    tpu.wait_indirect_dma semaphore(%arg7 : memref<!tpu.dma_semaphore, #tpu.memory_space<semaphore_mem>>) src(%dma_wait3A_690 : memref<4194304xi32, #tpu.memory_space<hbm>>) dst(%dma_wait3A_685 : memref<128xi32, #tpu.memory_space<vmem>>)
    %dma_wait3A_691 = arith.constant 5 : i32
    %dma_wait3A_692 = arith.constant 5 : i32
    %dma_wait3A_693 = arith.constant 0 : i32
    %dma_wait3A_694 = tpu.memref_slice %arg6[%dma_wait3A_692, %dma_wait3A_693] : memref<64x128xi32, #tpu.memory_space<vmem>> -> memref<1x128xi32, #tpu.memory_space<vmem>>
    %dma_wait3A_695 = tpu.memref_squeeze %dma_wait3A_694 : memref<1x128xi32, #tpu.memory_space<vmem>> -> memref<128xi32, #tpu.memory_space<vmem>>
    %dma_wait3A_696 = arith.constant 0 : i32
    %dma_wait3A_697 = tpu.memref_slice %arg5[%dma_wait3A_691, %dma_wait3A_696] : memref<64x128xi32, #tpu.memory_space<vmem>> -> memref<1x128xi32, #tpu.memory_space<vmem>>
    %dma_wait3A_698 = tpu.memref_squeeze %dma_wait3A_697 : memref<1x128xi32, #tpu.memory_space<vmem>> -> memref<128xi32, #tpu.memory_space<vmem>>
    %dma_wait3A_699 = arith.constant 0 : i32
    %dma_wait3A_700 = tpu.memref_slice %arg3[%dma_wait3A_699] : memref<4194304xi32, #tpu.memory_space<hbm>> -> memref<4194304xi32, #tpu.memory_space<hbm>>
    tpu.wait_indirect_dma semaphore(%arg7 : memref<!tpu.dma_semaphore, #tpu.memory_space<semaphore_mem>>) src(%dma_wait3A_700 : memref<4194304xi32, #tpu.memory_space<hbm>>) dst(%dma_wait3A_695 : memref<128xi32, #tpu.memory_space<vmem>>)
    %dma_wait3A_701 = arith.constant 6 : i32
    %dma_wait3A_702 = arith.constant 6 : i32
    %dma_wait3A_703 = arith.constant 0 : i32
    %dma_wait3A_704 = tpu.memref_slice %arg6[%dma_wait3A_702, %dma_wait3A_703] : memref<64x128xi32, #tpu.memory_space<vmem>> -> memref<1x128xi32, #tpu.memory_space<vmem>>
    %dma_wait3A_705 = tpu.memref_squeeze %dma_wait3A_704 : memref<1x128xi32, #tpu.memory_space<vmem>> -> memref<128xi32, #tpu.memory_space<vmem>>
    %dma_wait3A_706 = arith.constant 0 : i32
    %dma_wait3A_707 = tpu.memref_slice %arg5[%dma_wait3A_701, %dma_wait3A_706] : memref<64x128xi32, #tpu.memory_space<vmem>> -> memref<1x128xi32, #tpu.memory_space<vmem>>
    %dma_wait3A_708 = tpu.memref_squeeze %dma_wait3A_707 : memref<1x128xi32, #tpu.memory_space<vmem>> -> memref<128xi32, #tpu.memory_space<vmem>>
    %dma_wait3A_709 = arith.constant 0 : i32
    %dma_wait3A_710 = tpu.memref_slice %arg3[%dma_wait3A_709] : memref<4194304xi32, #tpu.memory_space<hbm>> -> memref<4194304xi32, #tpu.memory_space<hbm>>
    tpu.wait_indirect_dma semaphore(%arg7 : memref<!tpu.dma_semaphore, #tpu.memory_space<semaphore_mem>>) src(%dma_wait3A_710 : memref<4194304xi32, #tpu.memory_space<hbm>>) dst(%dma_wait3A_705 : memref<128xi32, #tpu.memory_space<vmem>>)
    %dma_wait3A_711 = arith.constant 7 : i32
    %dma_wait3A_712 = arith.constant 7 : i32
    %dma_wait3A_713 = arith.constant 0 : i32
    %dma_wait3A_714 = tpu.memref_slice %arg6[%dma_wait3A_712, %dma_wait3A_713] : memref<64x128xi32, #tpu.memory_space<vmem>> -> memref<1x128xi32, #tpu.memory_space<vmem>>
    %dma_wait3A_715 = tpu.memref_squeeze %dma_wait3A_714 : memref<1x128xi32, #tpu.memory_space<vmem>> -> memref<128xi32, #tpu.memory_space<vmem>>
    %dma_wait3A_716 = arith.constant 0 : i32
    %dma_wait3A_717 = tpu.memref_slice %arg5[%dma_wait3A_711, %dma_wait3A_716] : memref<64x128xi32, #tpu.memory_space<vmem>> -> memref<1x128xi32, #tpu.memory_space<vmem>>
    %dma_wait3A_718 = tpu.memref_squeeze %dma_wait3A_717 : memref<1x128xi32, #tpu.memory_space<vmem>> -> memref<128xi32, #tpu.memory_space<vmem>>
    %dma_wait3A_719 = arith.constant 0 : i32
    %dma_wait3A_720 = tpu.memref_slice %arg3[%dma_wait3A_719] : memref<4194304xi32, #tpu.memory_space<hbm>> -> memref<4194304xi32, #tpu.memory_space<hbm>>
    tpu.wait_indirect_dma semaphore(%arg7 : memref<!tpu.dma_semaphore, #tpu.memory_space<semaphore_mem>>) src(%dma_wait3A_720 : memref<4194304xi32, #tpu.memory_space<hbm>>) dst(%dma_wait3A_715 : memref<128xi32, #tpu.memory_space<vmem>>)
    %dma_wait3A_721 = arith.constant 8 : i32
    %dma_wait3A_722 = arith.constant 8 : i32
    %dma_wait3A_723 = arith.constant 0 : i32
    %dma_wait3A_724 = tpu.memref_slice %arg6[%dma_wait3A_722, %dma_wait3A_723] : memref<64x128xi32, #tpu.memory_space<vmem>> -> memref<1x128xi32, #tpu.memory_space<vmem>>
    %dma_wait3A_725 = tpu.memref_squeeze %dma_wait3A_724 : memref<1x128xi32, #tpu.memory_space<vmem>> -> memref<128xi32, #tpu.memory_space<vmem>>
    %dma_wait3A_726 = arith.constant 0 : i32
    %dma_wait3A_727 = tpu.memref_slice %arg5[%dma_wait3A_721, %dma_wait3A_726] : memref<64x128xi32, #tpu.memory_space<vmem>> -> memref<1x128xi32, #tpu.memory_space<vmem>>
    %dma_wait3A_728 = tpu.memref_squeeze %dma_wait3A_727 : memref<1x128xi32, #tpu.memory_space<vmem>> -> memref<128xi32, #tpu.memory_space<vmem>>
    %dma_wait3A_729 = arith.constant 0 : i32
    %dma_wait3A_730 = tpu.memref_slice %arg3[%dma_wait3A_729] : memref<4194304xi32, #tpu.memory_space<hbm>> -> memref<4194304xi32, #tpu.memory_space<hbm>>
    tpu.wait_indirect_dma semaphore(%arg7 : memref<!tpu.dma_semaphore, #tpu.memory_space<semaphore_mem>>) src(%dma_wait3A_730 : memref<4194304xi32, #tpu.memory_space<hbm>>) dst(%dma_wait3A_725 : memref<128xi32, #tpu.memory_space<vmem>>)
    %dma_wait3A_731 = arith.constant 9 : i32
    %dma_wait3A_732 = arith.constant 9 : i32
    %dma_wait3A_733 = arith.constant 0 : i32
    %dma_wait3A_734 = tpu.memref_slice %arg6[%dma_wait3A_732, %dma_wait3A_733] : memref<64x128xi32, #tpu.memory_space<vmem>> -> memref<1x128xi32, #tpu.memory_space<vmem>>
    %dma_wait3A_735 = tpu.memref_squeeze %dma_wait3A_734 : memref<1x128xi32, #tpu.memory_space<vmem>> -> memref<128xi32, #tpu.memory_space<vmem>>
    %dma_wait3A_736 = arith.constant 0 : i32
    %dma_wait3A_737 = tpu.memref_slice %arg5[%dma_wait3A_731, %dma_wait3A_736] : memref<64x128xi32, #tpu.memory_space<vmem>> -> memref<1x128xi32, #tpu.memory_space<vmem>>
    %dma_wait3A_738 = tpu.memref_squeeze %dma_wait3A_737 : memref<1x128xi32, #tpu.memory_space<vmem>> -> memref<128xi32, #tpu.memory_space<vmem>>
    %dma_wait3A_739 = arith.constant 0 : i32
    %dma_wait3A_740 = tpu.memref_slice %arg3[%dma_wait3A_739] : memref<4194304xi32, #tpu.memory_space<hbm>> -> memref<4194304xi32, #tpu.memory_space<hbm>>
    tpu.wait_indirect_dma semaphore(%arg7 : memref<!tpu.dma_semaphore, #tpu.memory_space<semaphore_mem>>) src(%dma_wait3A_740 : memref<4194304xi32, #tpu.memory_space<hbm>>) dst(%dma_wait3A_735 : memref<128xi32, #tpu.memory_space<vmem>>)
    %dma_wait3A_741 = arith.constant 10 : i32
    %dma_wait3A_742 = arith.constant 10 : i32
    %dma_wait3A_743 = arith.constant 0 : i32
    %dma_wait3A_744 = tpu.memref_slice %arg6[%dma_wait3A_742, %dma_wait3A_743] : memref<64x128xi32, #tpu.memory_space<vmem>> -> memref<1x128xi32, #tpu.memory_space<vmem>>
    %dma_wait3A_745 = tpu.memref_squeeze %dma_wait3A_744 : memref<1x128xi32, #tpu.memory_space<vmem>> -> memref<128xi32, #tpu.memory_space<vmem>>
    %dma_wait3A_746 = arith.constant 0 : i32
    %dma_wait3A_747 = tpu.memref_slice %arg5[%dma_wait3A_741, %dma_wait3A_746] : memref<64x128xi32, #tpu.memory_space<vmem>> -> memref<1x128xi32, #tpu.memory_space<vmem>>
    %dma_wait3A_748 = tpu.memref_squeeze %dma_wait3A_747 : memref<1x128xi32, #tpu.memory_space<vmem>> -> memref<128xi32, #tpu.memory_space<vmem>>
    %dma_wait3A_749 = arith.constant 0 : i32
    %dma_wait3A_750 = tpu.memref_slice %arg3[%dma_wait3A_749] : memref<4194304xi32, #tpu.memory_space<hbm>> -> memref<4194304xi32, #tpu.memory_space<hbm>>
    tpu.wait_indirect_dma semaphore(%arg7 : memref<!tpu.dma_semaphore, #tpu.memory_space<semaphore_mem>>) src(%dma_wait3A_750 : memref<4194304xi32, #tpu.memory_space<hbm>>) dst(%dma_wait3A_745 : memref<128xi32, #tpu.memory_space<vmem>>)
    %dma_wait3A_751 = arith.constant 11 : i32
    %dma_wait3A_752 = arith.constant 11 : i32
    %dma_wait3A_753 = arith.constant 0 : i32
    %dma_wait3A_754 = tpu.memref_slice %arg6[%dma_wait3A_752, %dma_wait3A_753] : memref<64x128xi32, #tpu.memory_space<vmem>> -> memref<1x128xi32, #tpu.memory_space<vmem>>
    %dma_wait3A_755 = tpu.memref_squeeze %dma_wait3A_754 : memref<1x128xi32, #tpu.memory_space<vmem>> -> memref<128xi32, #tpu.memory_space<vmem>>
    %dma_wait3A_756 = arith.constant 0 : i32
    %dma_wait3A_757 = tpu.memref_slice %arg5[%dma_wait3A_751, %dma_wait3A_756] : memref<64x128xi32, #tpu.memory_space<vmem>> -> memref<1x128xi32, #tpu.memory_space<vmem>>
    %dma_wait3A_758 = tpu.memref_squeeze %dma_wait3A_757 : memref<1x128xi32, #tpu.memory_space<vmem>> -> memref<128xi32, #tpu.memory_space<vmem>>
    %dma_wait3A_759 = arith.constant 0 : i32
    %dma_wait3A_760 = tpu.memref_slice %arg3[%dma_wait3A_759] : memref<4194304xi32, #tpu.memory_space<hbm>> -> memref<4194304xi32, #tpu.memory_space<hbm>>
    tpu.wait_indirect_dma semaphore(%arg7 : memref<!tpu.dma_semaphore, #tpu.memory_space<semaphore_mem>>) src(%dma_wait3A_760 : memref<4194304xi32, #tpu.memory_space<hbm>>) dst(%dma_wait3A_755 : memref<128xi32, #tpu.memory_space<vmem>>)
    %dma_wait3A_761 = arith.constant 12 : i32
    %dma_wait3A_762 = arith.constant 12 : i32
    %dma_wait3A_763 = arith.constant 0 : i32
    %dma_wait3A_764 = tpu.memref_slice %arg6[%dma_wait3A_762, %dma_wait3A_763] : memref<64x128xi32, #tpu.memory_space<vmem>> -> memref<1x128xi32, #tpu.memory_space<vmem>>
    %dma_wait3A_765 = tpu.memref_squeeze %dma_wait3A_764 : memref<1x128xi32, #tpu.memory_space<vmem>> -> memref<128xi32, #tpu.memory_space<vmem>>
    %dma_wait3A_766 = arith.constant 0 : i32
    %dma_wait3A_767 = tpu.memref_slice %arg5[%dma_wait3A_761, %dma_wait3A_766] : memref<64x128xi32, #tpu.memory_space<vmem>> -> memref<1x128xi32, #tpu.memory_space<vmem>>
    %dma_wait3A_768 = tpu.memref_squeeze %dma_wait3A_767 : memref<1x128xi32, #tpu.memory_space<vmem>> -> memref<128xi32, #tpu.memory_space<vmem>>
    %dma_wait3A_769 = arith.constant 0 : i32
    %dma_wait3A_770 = tpu.memref_slice %arg3[%dma_wait3A_769] : memref<4194304xi32, #tpu.memory_space<hbm>> -> memref<4194304xi32, #tpu.memory_space<hbm>>
    tpu.wait_indirect_dma semaphore(%arg7 : memref<!tpu.dma_semaphore, #tpu.memory_space<semaphore_mem>>) src(%dma_wait3A_770 : memref<4194304xi32, #tpu.memory_space<hbm>>) dst(%dma_wait3A_765 : memref<128xi32, #tpu.memory_space<vmem>>)
    %dma_wait3A_771 = arith.constant 13 : i32
    %dma_wait3A_772 = arith.constant 13 : i32
    %dma_wait3A_773 = arith.constant 0 : i32
    %dma_wait3A_774 = tpu.memref_slice %arg6[%dma_wait3A_772, %dma_wait3A_773] : memref<64x128xi32, #tpu.memory_space<vmem>> -> memref<1x128xi32, #tpu.memory_space<vmem>>
    %dma_wait3A_775 = tpu.memref_squeeze %dma_wait3A_774 : memref<1x128xi32, #tpu.memory_space<vmem>> -> memref<128xi32, #tpu.memory_space<vmem>>
    %dma_wait3A_776 = arith.constant 0 : i32
    %dma_wait3A_777 = tpu.memref_slice %arg5[%dma_wait3A_771, %dma_wait3A_776] : memref<64x128xi32, #tpu.memory_space<vmem>> -> memref<1x128xi32, #tpu.memory_space<vmem>>
    %dma_wait3A_778 = tpu.memref_squeeze %dma_wait3A_777 : memref<1x128xi32, #tpu.memory_space<vmem>> -> memref<128xi32, #tpu.memory_space<vmem>>
    %dma_wait3A_779 = arith.constant 0 : i32
    %dma_wait3A_780 = tpu.memref_slice %arg3[%dma_wait3A_779] : memref<4194304xi32, #tpu.memory_space<hbm>> -> memref<4194304xi32, #tpu.memory_space<hbm>>
    tpu.wait_indirect_dma semaphore(%arg7 : memref<!tpu.dma_semaphore, #tpu.memory_space<semaphore_mem>>) src(%dma_wait3A_780 : memref<4194304xi32, #tpu.memory_space<hbm>>) dst(%dma_wait3A_775 : memref<128xi32, #tpu.memory_space<vmem>>)
    %dma_wait3A_781 = arith.constant 14 : i32
    %dma_wait3A_782 = arith.constant 14 : i32
    %dma_wait3A_783 = arith.constant 0 : i32
    %dma_wait3A_784 = tpu.memref_slice %arg6[%dma_wait3A_782, %dma_wait3A_783] : memref<64x128xi32, #tpu.memory_space<vmem>> -> memref<1x128xi32, #tpu.memory_space<vmem>>
    %dma_wait3A_785 = tpu.memref_squeeze %dma_wait3A_784 : memref<1x128xi32, #tpu.memory_space<vmem>> -> memref<128xi32, #tpu.memory_space<vmem>>
    %dma_wait3A_786 = arith.constant 0 : i32
    %dma_wait3A_787 = tpu.memref_slice %arg5[%dma_wait3A_781, %dma_wait3A_786] : memref<64x128xi32, #tpu.memory_space<vmem>> -> memref<1x128xi32, #tpu.memory_space<vmem>>
    %dma_wait3A_788 = tpu.memref_squeeze %dma_wait3A_787 : memref<1x128xi32, #tpu.memory_space<vmem>> -> memref<128xi32, #tpu.memory_space<vmem>>
    %dma_wait3A_789 = arith.constant 0 : i32
    %dma_wait3A_790 = tpu.memref_slice %arg3[%dma_wait3A_789] : memref<4194304xi32, #tpu.memory_space<hbm>> -> memref<4194304xi32, #tpu.memory_space<hbm>>
    tpu.wait_indirect_dma semaphore(%arg7 : memref<!tpu.dma_semaphore, #tpu.memory_space<semaphore_mem>>) src(%dma_wait3A_790 : memref<4194304xi32, #tpu.memory_space<hbm>>) dst(%dma_wait3A_785 : memref<128xi32, #tpu.memory_space<vmem>>)
    %dma_wait3A_791 = arith.constant 15 : i32
    %dma_wait3A_792 = arith.constant 15 : i32
    %dma_wait3A_793 = arith.constant 0 : i32
    %dma_wait3A_794 = tpu.memref_slice %arg6[%dma_wait3A_792, %dma_wait3A_793] : memref<64x128xi32, #tpu.memory_space<vmem>> -> memref<1x128xi32, #tpu.memory_space<vmem>>
    %dma_wait3A_795 = tpu.memref_squeeze %dma_wait3A_794 : memref<1x128xi32, #tpu.memory_space<vmem>> -> memref<128xi32, #tpu.memory_space<vmem>>
    %dma_wait3A_796 = arith.constant 0 : i32
    %dma_wait3A_797 = tpu.memref_slice %arg5[%dma_wait3A_791, %dma_wait3A_796] : memref<64x128xi32, #tpu.memory_space<vmem>> -> memref<1x128xi32, #tpu.memory_space<vmem>>
    %dma_wait3A_798 = tpu.memref_squeeze %dma_wait3A_797 : memref<1x128xi32, #tpu.memory_space<vmem>> -> memref<128xi32, #tpu.memory_space<vmem>>
    %dma_wait3A_799 = arith.constant 0 : i32
    %dma_wait3A_800 = tpu.memref_slice %arg3[%dma_wait3A_799] : memref<4194304xi32, #tpu.memory_space<hbm>> -> memref<4194304xi32, #tpu.memory_space<hbm>>
    tpu.wait_indirect_dma semaphore(%arg7 : memref<!tpu.dma_semaphore, #tpu.memory_space<semaphore_mem>>) src(%dma_wait3A_800 : memref<4194304xi32, #tpu.memory_space<hbm>>) dst(%dma_wait3A_795 : memref<128xi32, #tpu.memory_space<vmem>>)
    %dma_wait3A_801 = arith.constant 16 : i32
    %dma_wait3A_802 = arith.constant 16 : i32
    %dma_wait3A_803 = arith.constant 0 : i32
    %dma_wait3A_804 = tpu.memref_slice %arg6[%dma_wait3A_802, %dma_wait3A_803] : memref<64x128xi32, #tpu.memory_space<vmem>> -> memref<1x128xi32, #tpu.memory_space<vmem>>
    %dma_wait3A_805 = tpu.memref_squeeze %dma_wait3A_804 : memref<1x128xi32, #tpu.memory_space<vmem>> -> memref<128xi32, #tpu.memory_space<vmem>>
    %dma_wait3A_806 = arith.constant 0 : i32
    %dma_wait3A_807 = tpu.memref_slice %arg5[%dma_wait3A_801, %dma_wait3A_806] : memref<64x128xi32, #tpu.memory_space<vmem>> -> memref<1x128xi32, #tpu.memory_space<vmem>>
    %dma_wait3A_808 = tpu.memref_squeeze %dma_wait3A_807 : memref<1x128xi32, #tpu.memory_space<vmem>> -> memref<128xi32, #tpu.memory_space<vmem>>
    %dma_wait3A_809 = arith.constant 0 : i32
    %dma_wait3A_810 = tpu.memref_slice %arg3[%dma_wait3A_809] : memref<4194304xi32, #tpu.memory_space<hbm>> -> memref<4194304xi32, #tpu.memory_space<hbm>>
    tpu.wait_indirect_dma semaphore(%arg7 : memref<!tpu.dma_semaphore, #tpu.memory_space<semaphore_mem>>) src(%dma_wait3A_810 : memref<4194304xi32, #tpu.memory_space<hbm>>) dst(%dma_wait3A_805 : memref<128xi32, #tpu.memory_space<vmem>>)
    %dma_wait3A_811 = arith.constant 17 : i32
    %dma_wait3A_812 = arith.constant 17 : i32
    %dma_wait3A_813 = arith.constant 0 : i32
    %dma_wait3A_814 = tpu.memref_slice %arg6[%dma_wait3A_812, %dma_wait3A_813] : memref<64x128xi32, #tpu.memory_space<vmem>> -> memref<1x128xi32, #tpu.memory_space<vmem>>
    %dma_wait3A_815 = tpu.memref_squeeze %dma_wait3A_814 : memref<1x128xi32, #tpu.memory_space<vmem>> -> memref<128xi32, #tpu.memory_space<vmem>>
    %dma_wait3A_816 = arith.constant 0 : i32
    %dma_wait3A_817 = tpu.memref_slice %arg5[%dma_wait3A_811, %dma_wait3A_816] : memref<64x128xi32, #tpu.memory_space<vmem>> -> memref<1x128xi32, #tpu.memory_space<vmem>>
    %dma_wait3A_818 = tpu.memref_squeeze %dma_wait3A_817 : memref<1x128xi32, #tpu.memory_space<vmem>> -> memref<128xi32, #tpu.memory_space<vmem>>
    %dma_wait3A_819 = arith.constant 0 : i32
    %dma_wait3A_820 = tpu.memref_slice %arg3[%dma_wait3A_819] : memref<4194304xi32, #tpu.memory_space<hbm>> -> memref<4194304xi32, #tpu.memory_space<hbm>>
    tpu.wait_indirect_dma semaphore(%arg7 : memref<!tpu.dma_semaphore, #tpu.memory_space<semaphore_mem>>) src(%dma_wait3A_820 : memref<4194304xi32, #tpu.memory_space<hbm>>) dst(%dma_wait3A_815 : memref<128xi32, #tpu.memory_space<vmem>>)
    %dma_wait3A_821 = arith.constant 18 : i32
    %dma_wait3A_822 = arith.constant 18 : i32
    %dma_wait3A_823 = arith.constant 0 : i32
    %dma_wait3A_824 = tpu.memref_slice %arg6[%dma_wait3A_822, %dma_wait3A_823] : memref<64x128xi32, #tpu.memory_space<vmem>> -> memref<1x128xi32, #tpu.memory_space<vmem>>
    %dma_wait3A_825 = tpu.memref_squeeze %dma_wait3A_824 : memref<1x128xi32, #tpu.memory_space<vmem>> -> memref<128xi32, #tpu.memory_space<vmem>>
    %dma_wait3A_826 = arith.constant 0 : i32
    %dma_wait3A_827 = tpu.memref_slice %arg5[%dma_wait3A_821, %dma_wait3A_826] : memref<64x128xi32, #tpu.memory_space<vmem>> -> memref<1x128xi32, #tpu.memory_space<vmem>>
    %dma_wait3A_828 = tpu.memref_squeeze %dma_wait3A_827 : memref<1x128xi32, #tpu.memory_space<vmem>> -> memref<128xi32, #tpu.memory_space<vmem>>
    %dma_wait3A_829 = arith.constant 0 : i32
    %dma_wait3A_830 = tpu.memref_slice %arg3[%dma_wait3A_829] : memref<4194304xi32, #tpu.memory_space<hbm>> -> memref<4194304xi32, #tpu.memory_space<hbm>>
    tpu.wait_indirect_dma semaphore(%arg7 : memref<!tpu.dma_semaphore, #tpu.memory_space<semaphore_mem>>) src(%dma_wait3A_830 : memref<4194304xi32, #tpu.memory_space<hbm>>) dst(%dma_wait3A_825 : memref<128xi32, #tpu.memory_space<vmem>>)
    %dma_wait3A_831 = arith.constant 19 : i32
    %dma_wait3A_832 = arith.constant 19 : i32
    %dma_wait3A_833 = arith.constant 0 : i32
    %dma_wait3A_834 = tpu.memref_slice %arg6[%dma_wait3A_832, %dma_wait3A_833] : memref<64x128xi32, #tpu.memory_space<vmem>> -> memref<1x128xi32, #tpu.memory_space<vmem>>
    %dma_wait3A_835 = tpu.memref_squeeze %dma_wait3A_834 : memref<1x128xi32, #tpu.memory_space<vmem>> -> memref<128xi32, #tpu.memory_space<vmem>>
    %dma_wait3A_836 = arith.constant 0 : i32
    %dma_wait3A_837 = tpu.memref_slice %arg5[%dma_wait3A_831, %dma_wait3A_836] : memref<64x128xi32, #tpu.memory_space<vmem>> -> memref<1x128xi32, #tpu.memory_space<vmem>>
    %dma_wait3A_838 = tpu.memref_squeeze %dma_wait3A_837 : memref<1x128xi32, #tpu.memory_space<vmem>> -> memref<128xi32, #tpu.memory_space<vmem>>
    %dma_wait3A_839 = arith.constant 0 : i32
    %dma_wait3A_840 = tpu.memref_slice %arg3[%dma_wait3A_839] : memref<4194304xi32, #tpu.memory_space<hbm>> -> memref<4194304xi32, #tpu.memory_space<hbm>>
    tpu.wait_indirect_dma semaphore(%arg7 : memref<!tpu.dma_semaphore, #tpu.memory_space<semaphore_mem>>) src(%dma_wait3A_840 : memref<4194304xi32, #tpu.memory_space<hbm>>) dst(%dma_wait3A_835 : memref<128xi32, #tpu.memory_space<vmem>>)
    %dma_wait3A_841 = arith.constant 20 : i32
    %dma_wait3A_842 = arith.constant 20 : i32
    %dma_wait3A_843 = arith.constant 0 : i32
    %dma_wait3A_844 = tpu.memref_slice %arg6[%dma_wait3A_842, %dma_wait3A_843] : memref<64x128xi32, #tpu.memory_space<vmem>> -> memref<1x128xi32, #tpu.memory_space<vmem>>
    %dma_wait3A_845 = tpu.memref_squeeze %dma_wait3A_844 : memref<1x128xi32, #tpu.memory_space<vmem>> -> memref<128xi32, #tpu.memory_space<vmem>>
    %dma_wait3A_846 = arith.constant 0 : i32
    %dma_wait3A_847 = tpu.memref_slice %arg5[%dma_wait3A_841, %dma_wait3A_846] : memref<64x128xi32, #tpu.memory_space<vmem>> -> memref<1x128xi32, #tpu.memory_space<vmem>>
    %dma_wait3A_848 = tpu.memref_squeeze %dma_wait3A_847 : memref<1x128xi32, #tpu.memory_space<vmem>> -> memref<128xi32, #tpu.memory_space<vmem>>
    %dma_wait3A_849 = arith.constant 0 : i32
    %dma_wait3A_850 = tpu.memref_slice %arg3[%dma_wait3A_849] : memref<4194304xi32, #tpu.memory_space<hbm>> -> memref<4194304xi32, #tpu.memory_space<hbm>>
    tpu.wait_indirect_dma semaphore(%arg7 : memref<!tpu.dma_semaphore, #tpu.memory_space<semaphore_mem>>) src(%dma_wait3A_850 : memref<4194304xi32, #tpu.memory_space<hbm>>) dst(%dma_wait3A_845 : memref<128xi32, #tpu.memory_space<vmem>>)
    %dma_wait3A_851 = arith.constant 21 : i32
    %dma_wait3A_852 = arith.constant 21 : i32
    %dma_wait3A_853 = arith.constant 0 : i32
    %dma_wait3A_854 = tpu.memref_slice %arg6[%dma_wait3A_852, %dma_wait3A_853] : memref<64x128xi32, #tpu.memory_space<vmem>> -> memref<1x128xi32, #tpu.memory_space<vmem>>
    %dma_wait3A_855 = tpu.memref_squeeze %dma_wait3A_854 : memref<1x128xi32, #tpu.memory_space<vmem>> -> memref<128xi32, #tpu.memory_space<vmem>>
    %dma_wait3A_856 = arith.constant 0 : i32
    %dma_wait3A_857 = tpu.memref_slice %arg5[%dma_wait3A_851, %dma_wait3A_856] : memref<64x128xi32, #tpu.memory_space<vmem>> -> memref<1x128xi32, #tpu.memory_space<vmem>>
    %dma_wait3A_858 = tpu.memref_squeeze %dma_wait3A_857 : memref<1x128xi32, #tpu.memory_space<vmem>> -> memref<128xi32, #tpu.memory_space<vmem>>
    %dma_wait3A_859 = arith.constant 0 : i32
    %dma_wait3A_860 = tpu.memref_slice %arg3[%dma_wait3A_859] : memref<4194304xi32, #tpu.memory_space<hbm>> -> memref<4194304xi32, #tpu.memory_space<hbm>>
    tpu.wait_indirect_dma semaphore(%arg7 : memref<!tpu.dma_semaphore, #tpu.memory_space<semaphore_mem>>) src(%dma_wait3A_860 : memref<4194304xi32, #tpu.memory_space<hbm>>) dst(%dma_wait3A_855 : memref<128xi32, #tpu.memory_space<vmem>>)
    %dma_wait3A_861 = arith.constant 22 : i32
    %dma_wait3A_862 = arith.constant 22 : i32
    %dma_wait3A_863 = arith.constant 0 : i32
    %dma_wait3A_864 = tpu.memref_slice %arg6[%dma_wait3A_862, %dma_wait3A_863] : memref<64x128xi32, #tpu.memory_space<vmem>> -> memref<1x128xi32, #tpu.memory_space<vmem>>
    %dma_wait3A_865 = tpu.memref_squeeze %dma_wait3A_864 : memref<1x128xi32, #tpu.memory_space<vmem>> -> memref<128xi32, #tpu.memory_space<vmem>>
    %dma_wait3A_866 = arith.constant 0 : i32
    %dma_wait3A_867 = tpu.memref_slice %arg5[%dma_wait3A_861, %dma_wait3A_866] : memref<64x128xi32, #tpu.memory_space<vmem>> -> memref<1x128xi32, #tpu.memory_space<vmem>>
    %dma_wait3A_868 = tpu.memref_squeeze %dma_wait3A_867 : memref<1x128xi32, #tpu.memory_space<vmem>> -> memref<128xi32, #tpu.memory_space<vmem>>
    %dma_wait3A_869 = arith.constant 0 : i32
    %dma_wait3A_870 = tpu.memref_slice %arg3[%dma_wait3A_869] : memref<4194304xi32, #tpu.memory_space<hbm>> -> memref<4194304xi32, #tpu.memory_space<hbm>>
    tpu.wait_indirect_dma semaphore(%arg7 : memref<!tpu.dma_semaphore, #tpu.memory_space<semaphore_mem>>) src(%dma_wait3A_870 : memref<4194304xi32, #tpu.memory_space<hbm>>) dst(%dma_wait3A_865 : memref<128xi32, #tpu.memory_space<vmem>>)
    %dma_wait3A_871 = arith.constant 23 : i32
    %dma_wait3A_872 = arith.constant 23 : i32
    %dma_wait3A_873 = arith.constant 0 : i32
    %dma_wait3A_874 = tpu.memref_slice %arg6[%dma_wait3A_872, %dma_wait3A_873] : memref<64x128xi32, #tpu.memory_space<vmem>> -> memref<1x128xi32, #tpu.memory_space<vmem>>
    %dma_wait3A_875 = tpu.memref_squeeze %dma_wait3A_874 : memref<1x128xi32, #tpu.memory_space<vmem>> -> memref<128xi32, #tpu.memory_space<vmem>>
    %dma_wait3A_876 = arith.constant 0 : i32
    %dma_wait3A_877 = tpu.memref_slice %arg5[%dma_wait3A_871, %dma_wait3A_876] : memref<64x128xi32, #tpu.memory_space<vmem>> -> memref<1x128xi32, #tpu.memory_space<vmem>>
    %dma_wait3A_878 = tpu.memref_squeeze %dma_wait3A_877 : memref<1x128xi32, #tpu.memory_space<vmem>> -> memref<128xi32, #tpu.memory_space<vmem>>
    %dma_wait3A_879 = arith.constant 0 : i32
    %dma_wait3A_880 = tpu.memref_slice %arg3[%dma_wait3A_879] : memref<4194304xi32, #tpu.memory_space<hbm>> -> memref<4194304xi32, #tpu.memory_space<hbm>>
    tpu.wait_indirect_dma semaphore(%arg7 : memref<!tpu.dma_semaphore, #tpu.memory_space<semaphore_mem>>) src(%dma_wait3A_880 : memref<4194304xi32, #tpu.memory_space<hbm>>) dst(%dma_wait3A_875 : memref<128xi32, #tpu.memory_space<vmem>>)
    %dma_wait3A_881 = arith.constant 24 : i32
    %dma_wait3A_882 = arith.constant 24 : i32
    %dma_wait3A_883 = arith.constant 0 : i32
    %dma_wait3A_884 = tpu.memref_slice %arg6[%dma_wait3A_882, %dma_wait3A_883] : memref<64x128xi32, #tpu.memory_space<vmem>> -> memref<1x128xi32, #tpu.memory_space<vmem>>
    %dma_wait3A_885 = tpu.memref_squeeze %dma_wait3A_884 : memref<1x128xi32, #tpu.memory_space<vmem>> -> memref<128xi32, #tpu.memory_space<vmem>>
    %dma_wait3A_886 = arith.constant 0 : i32
    %dma_wait3A_887 = tpu.memref_slice %arg5[%dma_wait3A_881, %dma_wait3A_886] : memref<64x128xi32, #tpu.memory_space<vmem>> -> memref<1x128xi32, #tpu.memory_space<vmem>>
    %dma_wait3A_888 = tpu.memref_squeeze %dma_wait3A_887 : memref<1x128xi32, #tpu.memory_space<vmem>> -> memref<128xi32, #tpu.memory_space<vmem>>
    %dma_wait3A_889 = arith.constant 0 : i32
    %dma_wait3A_890 = tpu.memref_slice %arg3[%dma_wait3A_889] : memref<4194304xi32, #tpu.memory_space<hbm>> -> memref<4194304xi32, #tpu.memory_space<hbm>>
    tpu.wait_indirect_dma semaphore(%arg7 : memref<!tpu.dma_semaphore, #tpu.memory_space<semaphore_mem>>) src(%dma_wait3A_890 : memref<4194304xi32, #tpu.memory_space<hbm>>) dst(%dma_wait3A_885 : memref<128xi32, #tpu.memory_space<vmem>>)
    %dma_wait3A_891 = arith.constant 25 : i32
    %dma_wait3A_892 = arith.constant 25 : i32
    %dma_wait3A_893 = arith.constant 0 : i32
    %dma_wait3A_894 = tpu.memref_slice %arg6[%dma_wait3A_892, %dma_wait3A_893] : memref<64x128xi32, #tpu.memory_space<vmem>> -> memref<1x128xi32, #tpu.memory_space<vmem>>
    %dma_wait3A_895 = tpu.memref_squeeze %dma_wait3A_894 : memref<1x128xi32, #tpu.memory_space<vmem>> -> memref<128xi32, #tpu.memory_space<vmem>>
    %dma_wait3A_896 = arith.constant 0 : i32
    %dma_wait3A_897 = tpu.memref_slice %arg5[%dma_wait3A_891, %dma_wait3A_896] : memref<64x128xi32, #tpu.memory_space<vmem>> -> memref<1x128xi32, #tpu.memory_space<vmem>>
    %dma_wait3A_898 = tpu.memref_squeeze %dma_wait3A_897 : memref<1x128xi32, #tpu.memory_space<vmem>> -> memref<128xi32, #tpu.memory_space<vmem>>
    %dma_wait3A_899 = arith.constant 0 : i32
    %dma_wait3A_900 = tpu.memref_slice %arg3[%dma_wait3A_899] : memref<4194304xi32, #tpu.memory_space<hbm>> -> memref<4194304xi32, #tpu.memory_space<hbm>>
    tpu.wait_indirect_dma semaphore(%arg7 : memref<!tpu.dma_semaphore, #tpu.memory_space<semaphore_mem>>) src(%dma_wait3A_900 : memref<4194304xi32, #tpu.memory_space<hbm>>) dst(%dma_wait3A_895 : memref<128xi32, #tpu.memory_space<vmem>>)
    %dma_wait3A_901 = arith.constant 26 : i32
    %dma_wait3A_902 = arith.constant 26 : i32
    %dma_wait3A_903 = arith.constant 0 : i32
    %dma_wait3A_904 = tpu.memref_slice %arg6[%dma_wait3A_902, %dma_wait3A_903] : memref<64x128xi32, #tpu.memory_space<vmem>> -> memref<1x128xi32, #tpu.memory_space<vmem>>
    %dma_wait3A_905 = tpu.memref_squeeze %dma_wait3A_904 : memref<1x128xi32, #tpu.memory_space<vmem>> -> memref<128xi32, #tpu.memory_space<vmem>>
    %dma_wait3A_906 = arith.constant 0 : i32
    %dma_wait3A_907 = tpu.memref_slice %arg5[%dma_wait3A_901, %dma_wait3A_906] : memref<64x128xi32, #tpu.memory_space<vmem>> -> memref<1x128xi32, #tpu.memory_space<vmem>>
    %dma_wait3A_908 = tpu.memref_squeeze %dma_wait3A_907 : memref<1x128xi32, #tpu.memory_space<vmem>> -> memref<128xi32, #tpu.memory_space<vmem>>
    %dma_wait3A_909 = arith.constant 0 : i32
    %dma_wait3A_910 = tpu.memref_slice %arg3[%dma_wait3A_909] : memref<4194304xi32, #tpu.memory_space<hbm>> -> memref<4194304xi32, #tpu.memory_space<hbm>>
    tpu.wait_indirect_dma semaphore(%arg7 : memref<!tpu.dma_semaphore, #tpu.memory_space<semaphore_mem>>) src(%dma_wait3A_910 : memref<4194304xi32, #tpu.memory_space<hbm>>) dst(%dma_wait3A_905 : memref<128xi32, #tpu.memory_space<vmem>>)
    %dma_wait3A_911 = arith.constant 27 : i32
    %dma_wait3A_912 = arith.constant 27 : i32
    %dma_wait3A_913 = arith.constant 0 : i32
    %dma_wait3A_914 = tpu.memref_slice %arg6[%dma_wait3A_912, %dma_wait3A_913] : memref<64x128xi32, #tpu.memory_space<vmem>> -> memref<1x128xi32, #tpu.memory_space<vmem>>
    %dma_wait3A_915 = tpu.memref_squeeze %dma_wait3A_914 : memref<1x128xi32, #tpu.memory_space<vmem>> -> memref<128xi32, #tpu.memory_space<vmem>>
    %dma_wait3A_916 = arith.constant 0 : i32
    %dma_wait3A_917 = tpu.memref_slice %arg5[%dma_wait3A_911, %dma_wait3A_916] : memref<64x128xi32, #tpu.memory_space<vmem>> -> memref<1x128xi32, #tpu.memory_space<vmem>>
    %dma_wait3A_918 = tpu.memref_squeeze %dma_wait3A_917 : memref<1x128xi32, #tpu.memory_space<vmem>> -> memref<128xi32, #tpu.memory_space<vmem>>
    %dma_wait3A_919 = arith.constant 0 : i32
    %dma_wait3A_920 = tpu.memref_slice %arg3[%dma_wait3A_919] : memref<4194304xi32, #tpu.memory_space<hbm>> -> memref<4194304xi32, #tpu.memory_space<hbm>>
    tpu.wait_indirect_dma semaphore(%arg7 : memref<!tpu.dma_semaphore, #tpu.memory_space<semaphore_mem>>) src(%dma_wait3A_920 : memref<4194304xi32, #tpu.memory_space<hbm>>) dst(%dma_wait3A_915 : memref<128xi32, #tpu.memory_space<vmem>>)
    %dma_wait3A_921 = arith.constant 28 : i32
    %dma_wait3A_922 = arith.constant 28 : i32
    %dma_wait3A_923 = arith.constant 0 : i32
    %dma_wait3A_924 = tpu.memref_slice %arg6[%dma_wait3A_922, %dma_wait3A_923] : memref<64x128xi32, #tpu.memory_space<vmem>> -> memref<1x128xi32, #tpu.memory_space<vmem>>
    %dma_wait3A_925 = tpu.memref_squeeze %dma_wait3A_924 : memref<1x128xi32, #tpu.memory_space<vmem>> -> memref<128xi32, #tpu.memory_space<vmem>>
    %dma_wait3A_926 = arith.constant 0 : i32
    %dma_wait3A_927 = tpu.memref_slice %arg5[%dma_wait3A_921, %dma_wait3A_926] : memref<64x128xi32, #tpu.memory_space<vmem>> -> memref<1x128xi32, #tpu.memory_space<vmem>>
    %dma_wait3A_928 = tpu.memref_squeeze %dma_wait3A_927 : memref<1x128xi32, #tpu.memory_space<vmem>> -> memref<128xi32, #tpu.memory_space<vmem>>
    %dma_wait3A_929 = arith.constant 0 : i32
    %dma_wait3A_930 = tpu.memref_slice %arg3[%dma_wait3A_929] : memref<4194304xi32, #tpu.memory_space<hbm>> -> memref<4194304xi32, #tpu.memory_space<hbm>>
    tpu.wait_indirect_dma semaphore(%arg7 : memref<!tpu.dma_semaphore, #tpu.memory_space<semaphore_mem>>) src(%dma_wait3A_930 : memref<4194304xi32, #tpu.memory_space<hbm>>) dst(%dma_wait3A_925 : memref<128xi32, #tpu.memory_space<vmem>>)
    %dma_wait3A_931 = arith.constant 29 : i32
    %dma_wait3A_932 = arith.constant 29 : i32
    %dma_wait3A_933 = arith.constant 0 : i32
    %dma_wait3A_934 = tpu.memref_slice %arg6[%dma_wait3A_932, %dma_wait3A_933] : memref<64x128xi32, #tpu.memory_space<vmem>> -> memref<1x128xi32, #tpu.memory_space<vmem>>
    %dma_wait3A_935 = tpu.memref_squeeze %dma_wait3A_934 : memref<1x128xi32, #tpu.memory_space<vmem>> -> memref<128xi32, #tpu.memory_space<vmem>>
    %dma_wait3A_936 = arith.constant 0 : i32
    %dma_wait3A_937 = tpu.memref_slice %arg5[%dma_wait3A_931, %dma_wait3A_936] : memref<64x128xi32, #tpu.memory_space<vmem>> -> memref<1x128xi32, #tpu.memory_space<vmem>>
    %dma_wait3A_938 = tpu.memref_squeeze %dma_wait3A_937 : memref<1x128xi32, #tpu.memory_space<vmem>> -> memref<128xi32, #tpu.memory_space<vmem>>
    %dma_wait3A_939 = arith.constant 0 : i32
    %dma_wait3A_940 = tpu.memref_slice %arg3[%dma_wait3A_939] : memref<4194304xi32, #tpu.memory_space<hbm>> -> memref<4194304xi32, #tpu.memory_space<hbm>>
    tpu.wait_indirect_dma semaphore(%arg7 : memref<!tpu.dma_semaphore, #tpu.memory_space<semaphore_mem>>) src(%dma_wait3A_940 : memref<4194304xi32, #tpu.memory_space<hbm>>) dst(%dma_wait3A_935 : memref<128xi32, #tpu.memory_space<vmem>>)
    %dma_wait3A_941 = arith.constant 30 : i32
    %dma_wait3A_942 = arith.constant 30 : i32
    %dma_wait3A_943 = arith.constant 0 : i32
    %dma_wait3A_944 = tpu.memref_slice %arg6[%dma_wait3A_942, %dma_wait3A_943] : memref<64x128xi32, #tpu.memory_space<vmem>> -> memref<1x128xi32, #tpu.memory_space<vmem>>
    %dma_wait3A_945 = tpu.memref_squeeze %dma_wait3A_944 : memref<1x128xi32, #tpu.memory_space<vmem>> -> memref<128xi32, #tpu.memory_space<vmem>>
    %dma_wait3A_946 = arith.constant 0 : i32
    %dma_wait3A_947 = tpu.memref_slice %arg5[%dma_wait3A_941, %dma_wait3A_946] : memref<64x128xi32, #tpu.memory_space<vmem>> -> memref<1x128xi32, #tpu.memory_space<vmem>>
    %dma_wait3A_948 = tpu.memref_squeeze %dma_wait3A_947 : memref<1x128xi32, #tpu.memory_space<vmem>> -> memref<128xi32, #tpu.memory_space<vmem>>
    %dma_wait3A_949 = arith.constant 0 : i32
    %dma_wait3A_950 = tpu.memref_slice %arg3[%dma_wait3A_949] : memref<4194304xi32, #tpu.memory_space<hbm>> -> memref<4194304xi32, #tpu.memory_space<hbm>>
    tpu.wait_indirect_dma semaphore(%arg7 : memref<!tpu.dma_semaphore, #tpu.memory_space<semaphore_mem>>) src(%dma_wait3A_950 : memref<4194304xi32, #tpu.memory_space<hbm>>) dst(%dma_wait3A_945 : memref<128xi32, #tpu.memory_space<vmem>>)
    %dma_wait3A_951 = arith.constant 31 : i32
    %dma_wait3A_952 = arith.constant 31 : i32
    %dma_wait3A_953 = arith.constant 0 : i32
    %dma_wait3A_954 = tpu.memref_slice %arg6[%dma_wait3A_952, %dma_wait3A_953] : memref<64x128xi32, #tpu.memory_space<vmem>> -> memref<1x128xi32, #tpu.memory_space<vmem>>
    %dma_wait3A_955 = tpu.memref_squeeze %dma_wait3A_954 : memref<1x128xi32, #tpu.memory_space<vmem>> -> memref<128xi32, #tpu.memory_space<vmem>>
    %dma_wait3A_956 = arith.constant 0 : i32
    %dma_wait3A_957 = tpu.memref_slice %arg5[%dma_wait3A_951, %dma_wait3A_956] : memref<64x128xi32, #tpu.memory_space<vmem>> -> memref<1x128xi32, #tpu.memory_space<vmem>>
    %dma_wait3A_958 = tpu.memref_squeeze %dma_wait3A_957 : memref<1x128xi32, #tpu.memory_space<vmem>> -> memref<128xi32, #tpu.memory_space<vmem>>
    %dma_wait3A_959 = arith.constant 0 : i32
    %dma_wait3A_960 = tpu.memref_slice %arg3[%dma_wait3A_959] : memref<4194304xi32, #tpu.memory_space<hbm>> -> memref<4194304xi32, #tpu.memory_space<hbm>>
    tpu.wait_indirect_dma semaphore(%arg7 : memref<!tpu.dma_semaphore, #tpu.memory_space<semaphore_mem>>) src(%dma_wait3A_960 : memref<4194304xi32, #tpu.memory_space<hbm>>) dst(%dma_wait3A_955 : memref<128xi32, #tpu.memory_space<vmem>>)
    %dma_wait3A_961 = arith.constant 32 : i32
    %dma_wait3A_962 = arith.constant 32 : i32
    %dma_wait3A_963 = arith.constant 0 : i32
    %dma_wait3A_964 = tpu.memref_slice %arg6[%dma_wait3A_962, %dma_wait3A_963] : memref<64x128xi32, #tpu.memory_space<vmem>> -> memref<1x128xi32, #tpu.memory_space<vmem>>
    %dma_wait3A_965 = tpu.memref_squeeze %dma_wait3A_964 : memref<1x128xi32, #tpu.memory_space<vmem>> -> memref<128xi32, #tpu.memory_space<vmem>>
    %dma_wait3A_966 = arith.constant 0 : i32
    %dma_wait3A_967 = tpu.memref_slice %arg5[%dma_wait3A_961, %dma_wait3A_966] : memref<64x128xi32, #tpu.memory_space<vmem>> -> memref<1x128xi32, #tpu.memory_space<vmem>>
    %dma_wait3A_968 = tpu.memref_squeeze %dma_wait3A_967 : memref<1x128xi32, #tpu.memory_space<vmem>> -> memref<128xi32, #tpu.memory_space<vmem>>
    %dma_wait3A_969 = arith.constant 0 : i32
    %dma_wait3A_970 = tpu.memref_slice %arg3[%dma_wait3A_969] : memref<4194304xi32, #tpu.memory_space<hbm>> -> memref<4194304xi32, #tpu.memory_space<hbm>>
    tpu.wait_indirect_dma semaphore(%arg7 : memref<!tpu.dma_semaphore, #tpu.memory_space<semaphore_mem>>) src(%dma_wait3A_970 : memref<4194304xi32, #tpu.memory_space<hbm>>) dst(%dma_wait3A_965 : memref<128xi32, #tpu.memory_space<vmem>>)
    %dma_wait3A_971 = arith.constant 33 : i32
    %dma_wait3A_972 = arith.constant 33 : i32
    %dma_wait3A_973 = arith.constant 0 : i32
    %dma_wait3A_974 = tpu.memref_slice %arg6[%dma_wait3A_972, %dma_wait3A_973] : memref<64x128xi32, #tpu.memory_space<vmem>> -> memref<1x128xi32, #tpu.memory_space<vmem>>
    %dma_wait3A_975 = tpu.memref_squeeze %dma_wait3A_974 : memref<1x128xi32, #tpu.memory_space<vmem>> -> memref<128xi32, #tpu.memory_space<vmem>>
    %dma_wait3A_976 = arith.constant 0 : i32
    %dma_wait3A_977 = tpu.memref_slice %arg5[%dma_wait3A_971, %dma_wait3A_976] : memref<64x128xi32, #tpu.memory_space<vmem>> -> memref<1x128xi32, #tpu.memory_space<vmem>>
    %dma_wait3A_978 = tpu.memref_squeeze %dma_wait3A_977 : memref<1x128xi32, #tpu.memory_space<vmem>> -> memref<128xi32, #tpu.memory_space<vmem>>
    %dma_wait3A_979 = arith.constant 0 : i32
    %dma_wait3A_980 = tpu.memref_slice %arg3[%dma_wait3A_979] : memref<4194304xi32, #tpu.memory_space<hbm>> -> memref<4194304xi32, #tpu.memory_space<hbm>>
    tpu.wait_indirect_dma semaphore(%arg7 : memref<!tpu.dma_semaphore, #tpu.memory_space<semaphore_mem>>) src(%dma_wait3A_980 : memref<4194304xi32, #tpu.memory_space<hbm>>) dst(%dma_wait3A_975 : memref<128xi32, #tpu.memory_space<vmem>>)
    %dma_wait3A_981 = arith.constant 34 : i32
    %dma_wait3A_982 = arith.constant 34 : i32
    %dma_wait3A_983 = arith.constant 0 : i32
    %dma_wait3A_984 = tpu.memref_slice %arg6[%dma_wait3A_982, %dma_wait3A_983] : memref<64x128xi32, #tpu.memory_space<vmem>> -> memref<1x128xi32, #tpu.memory_space<vmem>>
    %dma_wait3A_985 = tpu.memref_squeeze %dma_wait3A_984 : memref<1x128xi32, #tpu.memory_space<vmem>> -> memref<128xi32, #tpu.memory_space<vmem>>
    %dma_wait3A_986 = arith.constant 0 : i32
    %dma_wait3A_987 = tpu.memref_slice %arg5[%dma_wait3A_981, %dma_wait3A_986] : memref<64x128xi32, #tpu.memory_space<vmem>> -> memref<1x128xi32, #tpu.memory_space<vmem>>
    %dma_wait3A_988 = tpu.memref_squeeze %dma_wait3A_987 : memref<1x128xi32, #tpu.memory_space<vmem>> -> memref<128xi32, #tpu.memory_space<vmem>>
    %dma_wait3A_989 = arith.constant 0 : i32
    %dma_wait3A_990 = tpu.memref_slice %arg3[%dma_wait3A_989] : memref<4194304xi32, #tpu.memory_space<hbm>> -> memref<4194304xi32, #tpu.memory_space<hbm>>
    tpu.wait_indirect_dma semaphore(%arg7 : memref<!tpu.dma_semaphore, #tpu.memory_space<semaphore_mem>>) src(%dma_wait3A_990 : memref<4194304xi32, #tpu.memory_space<hbm>>) dst(%dma_wait3A_985 : memref<128xi32, #tpu.memory_space<vmem>>)
    %dma_wait3A_991 = arith.constant 35 : i32
    %dma_wait3A_992 = arith.constant 35 : i32
    %dma_wait3A_993 = arith.constant 0 : i32
    %dma_wait3A_994 = tpu.memref_slice %arg6[%dma_wait3A_992, %dma_wait3A_993] : memref<64x128xi32, #tpu.memory_space<vmem>> -> memref<1x128xi32, #tpu.memory_space<vmem>>
    %dma_wait3A_995 = tpu.memref_squeeze %dma_wait3A_994 : memref<1x128xi32, #tpu.memory_space<vmem>> -> memref<128xi32, #tpu.memory_space<vmem>>
    %dma_wait3A_996 = arith.constant 0 : i32
    %dma_wait3A_997 = tpu.memref_slice %arg5[%dma_wait3A_991, %dma_wait3A_996] : memref<64x128xi32, #tpu.memory_space<vmem>> -> memref<1x128xi32, #tpu.memory_space<vmem>>
    %dma_wait3A_998 = tpu.memref_squeeze %dma_wait3A_997 : memref<1x128xi32, #tpu.memory_space<vmem>> -> memref<128xi32, #tpu.memory_space<vmem>>
    %dma_wait3A_999 = arith.constant 0 : i32
    %dma_wait3A_1000 = tpu.memref_slice %arg3[%dma_wait3A_999] : memref<4194304xi32, #tpu.memory_space<hbm>> -> memref<4194304xi32, #tpu.memory_space<hbm>>
    tpu.wait_indirect_dma semaphore(%arg7 : memref<!tpu.dma_semaphore, #tpu.memory_space<semaphore_mem>>) src(%dma_wait3A_1000 : memref<4194304xi32, #tpu.memory_space<hbm>>) dst(%dma_wait3A_995 : memref<128xi32, #tpu.memory_space<vmem>>)
    %dma_wait3A_1001 = arith.constant 36 : i32
    %dma_wait3A_1002 = arith.constant 36 : i32
    %dma_wait3A_1003 = arith.constant 0 : i32
    %dma_wait3A_1004 = tpu.memref_slice %arg6[%dma_wait3A_1002, %dma_wait3A_1003] : memref<64x128xi32, #tpu.memory_space<vmem>> -> memref<1x128xi32, #tpu.memory_space<vmem>>
    %dma_wait3A_1005 = tpu.memref_squeeze %dma_wait3A_1004 : memref<1x128xi32, #tpu.memory_space<vmem>> -> memref<128xi32, #tpu.memory_space<vmem>>
    %dma_wait3A_1006 = arith.constant 0 : i32
    %dma_wait3A_1007 = tpu.memref_slice %arg5[%dma_wait3A_1001, %dma_wait3A_1006] : memref<64x128xi32, #tpu.memory_space<vmem>> -> memref<1x128xi32, #tpu.memory_space<vmem>>
    %dma_wait3A_1008 = tpu.memref_squeeze %dma_wait3A_1007 : memref<1x128xi32, #tpu.memory_space<vmem>> -> memref<128xi32, #tpu.memory_space<vmem>>
    %dma_wait3A_1009 = arith.constant 0 : i32
    %dma_wait3A_1010 = tpu.memref_slice %arg3[%dma_wait3A_1009] : memref<4194304xi32, #tpu.memory_space<hbm>> -> memref<4194304xi32, #tpu.memory_space<hbm>>
    tpu.wait_indirect_dma semaphore(%arg7 : memref<!tpu.dma_semaphore, #tpu.memory_space<semaphore_mem>>) src(%dma_wait3A_1010 : memref<4194304xi32, #tpu.memory_space<hbm>>) dst(%dma_wait3A_1005 : memref<128xi32, #tpu.memory_space<vmem>>)
    %dma_wait3A_1011 = arith.constant 37 : i32
    %dma_wait3A_1012 = arith.constant 37 : i32
    %dma_wait3A_1013 = arith.constant 0 : i32
    %dma_wait3A_1014 = tpu.memref_slice %arg6[%dma_wait3A_1012, %dma_wait3A_1013] : memref<64x128xi32, #tpu.memory_space<vmem>> -> memref<1x128xi32, #tpu.memory_space<vmem>>
    %dma_wait3A_1015 = tpu.memref_squeeze %dma_wait3A_1014 : memref<1x128xi32, #tpu.memory_space<vmem>> -> memref<128xi32, #tpu.memory_space<vmem>>
    %dma_wait3A_1016 = arith.constant 0 : i32
    %dma_wait3A_1017 = tpu.memref_slice %arg5[%dma_wait3A_1011, %dma_wait3A_1016] : memref<64x128xi32, #tpu.memory_space<vmem>> -> memref<1x128xi32, #tpu.memory_space<vmem>>
    %dma_wait3A_1018 = tpu.memref_squeeze %dma_wait3A_1017 : memref<1x128xi32, #tpu.memory_space<vmem>> -> memref<128xi32, #tpu.memory_space<vmem>>
    %dma_wait3A_1019 = arith.constant 0 : i32
    %dma_wait3A_1020 = tpu.memref_slice %arg3[%dma_wait3A_1019] : memref<4194304xi32, #tpu.memory_space<hbm>> -> memref<4194304xi32, #tpu.memory_space<hbm>>
    tpu.wait_indirect_dma semaphore(%arg7 : memref<!tpu.dma_semaphore, #tpu.memory_space<semaphore_mem>>) src(%dma_wait3A_1020 : memref<4194304xi32, #tpu.memory_space<hbm>>) dst(%dma_wait3A_1015 : memref<128xi32, #tpu.memory_space<vmem>>)
    %dma_wait3A_1021 = arith.constant 38 : i32
    %dma_wait3A_1022 = arith.constant 38 : i32
    %dma_wait3A_1023 = arith.constant 0 : i32
    %dma_wait3A_1024 = tpu.memref_slice %arg6[%dma_wait3A_1022, %dma_wait3A_1023] : memref<64x128xi32, #tpu.memory_space<vmem>> -> memref<1x128xi32, #tpu.memory_space<vmem>>
    %dma_wait3A_1025 = tpu.memref_squeeze %dma_wait3A_1024 : memref<1x128xi32, #tpu.memory_space<vmem>> -> memref<128xi32, #tpu.memory_space<vmem>>
    %dma_wait3A_1026 = arith.constant 0 : i32
    %dma_wait3A_1027 = tpu.memref_slice %arg5[%dma_wait3A_1021, %dma_wait3A_1026] : memref<64x128xi32, #tpu.memory_space<vmem>> -> memref<1x128xi32, #tpu.memory_space<vmem>>
    %dma_wait3A_1028 = tpu.memref_squeeze %dma_wait3A_1027 : memref<1x128xi32, #tpu.memory_space<vmem>> -> memref<128xi32, #tpu.memory_space<vmem>>
    %dma_wait3A_1029 = arith.constant 0 : i32
    %dma_wait3A_1030 = tpu.memref_slice %arg3[%dma_wait3A_1029] : memref<4194304xi32, #tpu.memory_space<hbm>> -> memref<4194304xi32, #tpu.memory_space<hbm>>
    tpu.wait_indirect_dma semaphore(%arg7 : memref<!tpu.dma_semaphore, #tpu.memory_space<semaphore_mem>>) src(%dma_wait3A_1030 : memref<4194304xi32, #tpu.memory_space<hbm>>) dst(%dma_wait3A_1025 : memref<128xi32, #tpu.memory_space<vmem>>)
    %dma_wait3A_1031 = arith.constant 39 : i32
    %dma_wait3A_1032 = arith.constant 39 : i32
    %dma_wait3A_1033 = arith.constant 0 : i32
    %dma_wait3A_1034 = tpu.memref_slice %arg6[%dma_wait3A_1032, %dma_wait3A_1033] : memref<64x128xi32, #tpu.memory_space<vmem>> -> memref<1x128xi32, #tpu.memory_space<vmem>>
    %dma_wait3A_1035 = tpu.memref_squeeze %dma_wait3A_1034 : memref<1x128xi32, #tpu.memory_space<vmem>> -> memref<128xi32, #tpu.memory_space<vmem>>
    %dma_wait3A_1036 = arith.constant 0 : i32
    %dma_wait3A_1037 = tpu.memref_slice %arg5[%dma_wait3A_1031, %dma_wait3A_1036] : memref<64x128xi32, #tpu.memory_space<vmem>> -> memref<1x128xi32, #tpu.memory_space<vmem>>
    %dma_wait3A_1038 = tpu.memref_squeeze %dma_wait3A_1037 : memref<1x128xi32, #tpu.memory_space<vmem>> -> memref<128xi32, #tpu.memory_space<vmem>>
    %dma_wait3A_1039 = arith.constant 0 : i32
    %dma_wait3A_1040 = tpu.memref_slice %arg3[%dma_wait3A_1039] : memref<4194304xi32, #tpu.memory_space<hbm>> -> memref<4194304xi32, #tpu.memory_space<hbm>>
    tpu.wait_indirect_dma semaphore(%arg7 : memref<!tpu.dma_semaphore, #tpu.memory_space<semaphore_mem>>) src(%dma_wait3A_1040 : memref<4194304xi32, #tpu.memory_space<hbm>>) dst(%dma_wait3A_1035 : memref<128xi32, #tpu.memory_space<vmem>>)
    %dma_wait3A_1041 = arith.constant 40 : i32
    %dma_wait3A_1042 = arith.constant 40 : i32
    %dma_wait3A_1043 = arith.constant 0 : i32
    %dma_wait3A_1044 = tpu.memref_slice %arg6[%dma_wait3A_1042, %dma_wait3A_1043] : memref<64x128xi32, #tpu.memory_space<vmem>> -> memref<1x128xi32, #tpu.memory_space<vmem>>
    %dma_wait3A_1045 = tpu.memref_squeeze %dma_wait3A_1044 : memref<1x128xi32, #tpu.memory_space<vmem>> -> memref<128xi32, #tpu.memory_space<vmem>>
    %dma_wait3A_1046 = arith.constant 0 : i32
    %dma_wait3A_1047 = tpu.memref_slice %arg5[%dma_wait3A_1041, %dma_wait3A_1046] : memref<64x128xi32, #tpu.memory_space<vmem>> -> memref<1x128xi32, #tpu.memory_space<vmem>>
    %dma_wait3A_1048 = tpu.memref_squeeze %dma_wait3A_1047 : memref<1x128xi32, #tpu.memory_space<vmem>> -> memref<128xi32, #tpu.memory_space<vmem>>
    %dma_wait3A_1049 = arith.constant 0 : i32
    %dma_wait3A_1050 = tpu.memref_slice %arg3[%dma_wait3A_1049] : memref<4194304xi32, #tpu.memory_space<hbm>> -> memref<4194304xi32, #tpu.memory_space<hbm>>
    tpu.wait_indirect_dma semaphore(%arg7 : memref<!tpu.dma_semaphore, #tpu.memory_space<semaphore_mem>>) src(%dma_wait3A_1050 : memref<4194304xi32, #tpu.memory_space<hbm>>) dst(%dma_wait3A_1045 : memref<128xi32, #tpu.memory_space<vmem>>)
    %dma_wait3A_1051 = arith.constant 41 : i32
    %dma_wait3A_1052 = arith.constant 41 : i32
    %dma_wait3A_1053 = arith.constant 0 : i32
    %dma_wait3A_1054 = tpu.memref_slice %arg6[%dma_wait3A_1052, %dma_wait3A_1053] : memref<64x128xi32, #tpu.memory_space<vmem>> -> memref<1x128xi32, #tpu.memory_space<vmem>>
    %dma_wait3A_1055 = tpu.memref_squeeze %dma_wait3A_1054 : memref<1x128xi32, #tpu.memory_space<vmem>> -> memref<128xi32, #tpu.memory_space<vmem>>
    %dma_wait3A_1056 = arith.constant 0 : i32
    %dma_wait3A_1057 = tpu.memref_slice %arg5[%dma_wait3A_1051, %dma_wait3A_1056] : memref<64x128xi32, #tpu.memory_space<vmem>> -> memref<1x128xi32, #tpu.memory_space<vmem>>
    %dma_wait3A_1058 = tpu.memref_squeeze %dma_wait3A_1057 : memref<1x128xi32, #tpu.memory_space<vmem>> -> memref<128xi32, #tpu.memory_space<vmem>>
    %dma_wait3A_1059 = arith.constant 0 : i32
    %dma_wait3A_1060 = tpu.memref_slice %arg3[%dma_wait3A_1059] : memref<4194304xi32, #tpu.memory_space<hbm>> -> memref<4194304xi32, #tpu.memory_space<hbm>>
    tpu.wait_indirect_dma semaphore(%arg7 : memref<!tpu.dma_semaphore, #tpu.memory_space<semaphore_mem>>) src(%dma_wait3A_1060 : memref<4194304xi32, #tpu.memory_space<hbm>>) dst(%dma_wait3A_1055 : memref<128xi32, #tpu.memory_space<vmem>>)
    %dma_wait3A_1061 = arith.constant 42 : i32
    %dma_wait3A_1062 = arith.constant 42 : i32
    %dma_wait3A_1063 = arith.constant 0 : i32
    %dma_wait3A_1064 = tpu.memref_slice %arg6[%dma_wait3A_1062, %dma_wait3A_1063] : memref<64x128xi32, #tpu.memory_space<vmem>> -> memref<1x128xi32, #tpu.memory_space<vmem>>
    %dma_wait3A_1065 = tpu.memref_squeeze %dma_wait3A_1064 : memref<1x128xi32, #tpu.memory_space<vmem>> -> memref<128xi32, #tpu.memory_space<vmem>>
    %dma_wait3A_1066 = arith.constant 0 : i32
    %dma_wait3A_1067 = tpu.memref_slice %arg5[%dma_wait3A_1061, %dma_wait3A_1066] : memref<64x128xi32, #tpu.memory_space<vmem>> -> memref<1x128xi32, #tpu.memory_space<vmem>>
    %dma_wait3A_1068 = tpu.memref_squeeze %dma_wait3A_1067 : memref<1x128xi32, #tpu.memory_space<vmem>> -> memref<128xi32, #tpu.memory_space<vmem>>
    %dma_wait3A_1069 = arith.constant 0 : i32
    %dma_wait3A_1070 = tpu.memref_slice %arg3[%dma_wait3A_1069] : memref<4194304xi32, #tpu.memory_space<hbm>> -> memref<4194304xi32, #tpu.memory_space<hbm>>
    tpu.wait_indirect_dma semaphore(%arg7 : memref<!tpu.dma_semaphore, #tpu.memory_space<semaphore_mem>>) src(%dma_wait3A_1070 : memref<4194304xi32, #tpu.memory_space<hbm>>) dst(%dma_wait3A_1065 : memref<128xi32, #tpu.memory_space<vmem>>)
    %dma_wait3A_1071 = arith.constant 43 : i32
    %dma_wait3A_1072 = arith.constant 43 : i32
    %dma_wait3A_1073 = arith.constant 0 : i32
    %dma_wait3A_1074 = tpu.memref_slice %arg6[%dma_wait3A_1072, %dma_wait3A_1073] : memref<64x128xi32, #tpu.memory_space<vmem>> -> memref<1x128xi32, #tpu.memory_space<vmem>>
    %dma_wait3A_1075 = tpu.memref_squeeze %dma_wait3A_1074 : memref<1x128xi32, #tpu.memory_space<vmem>> -> memref<128xi32, #tpu.memory_space<vmem>>
    %dma_wait3A_1076 = arith.constant 0 : i32
    %dma_wait3A_1077 = tpu.memref_slice %arg5[%dma_wait3A_1071, %dma_wait3A_1076] : memref<64x128xi32, #tpu.memory_space<vmem>> -> memref<1x128xi32, #tpu.memory_space<vmem>>
    %dma_wait3A_1078 = tpu.memref_squeeze %dma_wait3A_1077 : memref<1x128xi32, #tpu.memory_space<vmem>> -> memref<128xi32, #tpu.memory_space<vmem>>
    %dma_wait3A_1079 = arith.constant 0 : i32
    %dma_wait3A_1080 = tpu.memref_slice %arg3[%dma_wait3A_1079] : memref<4194304xi32, #tpu.memory_space<hbm>> -> memref<4194304xi32, #tpu.memory_space<hbm>>
    tpu.wait_indirect_dma semaphore(%arg7 : memref<!tpu.dma_semaphore, #tpu.memory_space<semaphore_mem>>) src(%dma_wait3A_1080 : memref<4194304xi32, #tpu.memory_space<hbm>>) dst(%dma_wait3A_1075 : memref<128xi32, #tpu.memory_space<vmem>>)
    %dma_wait3A_1081 = arith.constant 44 : i32
    %dma_wait3A_1082 = arith.constant 44 : i32
    %dma_wait3A_1083 = arith.constant 0 : i32
    %dma_wait3A_1084 = tpu.memref_slice %arg6[%dma_wait3A_1082, %dma_wait3A_1083] : memref<64x128xi32, #tpu.memory_space<vmem>> -> memref<1x128xi32, #tpu.memory_space<vmem>>
    %dma_wait3A_1085 = tpu.memref_squeeze %dma_wait3A_1084 : memref<1x128xi32, #tpu.memory_space<vmem>> -> memref<128xi32, #tpu.memory_space<vmem>>
    %dma_wait3A_1086 = arith.constant 0 : i32
    %dma_wait3A_1087 = tpu.memref_slice %arg5[%dma_wait3A_1081, %dma_wait3A_1086] : memref<64x128xi32, #tpu.memory_space<vmem>> -> memref<1x128xi32, #tpu.memory_space<vmem>>
    %dma_wait3A_1088 = tpu.memref_squeeze %dma_wait3A_1087 : memref<1x128xi32, #tpu.memory_space<vmem>> -> memref<128xi32, #tpu.memory_space<vmem>>
    %dma_wait3A_1089 = arith.constant 0 : i32
    %dma_wait3A_1090 = tpu.memref_slice %arg3[%dma_wait3A_1089] : memref<4194304xi32, #tpu.memory_space<hbm>> -> memref<4194304xi32, #tpu.memory_space<hbm>>
    tpu.wait_indirect_dma semaphore(%arg7 : memref<!tpu.dma_semaphore, #tpu.memory_space<semaphore_mem>>) src(%dma_wait3A_1090 : memref<4194304xi32, #tpu.memory_space<hbm>>) dst(%dma_wait3A_1085 : memref<128xi32, #tpu.memory_space<vmem>>)
    %dma_wait3A_1091 = arith.constant 45 : i32
    %dma_wait3A_1092 = arith.constant 45 : i32
    %dma_wait3A_1093 = arith.constant 0 : i32
    %dma_wait3A_1094 = tpu.memref_slice %arg6[%dma_wait3A_1092, %dma_wait3A_1093] : memref<64x128xi32, #tpu.memory_space<vmem>> -> memref<1x128xi32, #tpu.memory_space<vmem>>
    %dma_wait3A_1095 = tpu.memref_squeeze %dma_wait3A_1094 : memref<1x128xi32, #tpu.memory_space<vmem>> -> memref<128xi32, #tpu.memory_space<vmem>>
    %dma_wait3A_1096 = arith.constant 0 : i32
    %dma_wait3A_1097 = tpu.memref_slice %arg5[%dma_wait3A_1091, %dma_wait3A_1096] : memref<64x128xi32, #tpu.memory_space<vmem>> -> memref<1x128xi32, #tpu.memory_space<vmem>>
    %dma_wait3A_1098 = tpu.memref_squeeze %dma_wait3A_1097 : memref<1x128xi32, #tpu.memory_space<vmem>> -> memref<128xi32, #tpu.memory_space<vmem>>
    %dma_wait3A_1099 = arith.constant 0 : i32
    %dma_wait3A_1100 = tpu.memref_slice %arg3[%dma_wait3A_1099] : memref<4194304xi32, #tpu.memory_space<hbm>> -> memref<4194304xi32, #tpu.memory_space<hbm>>
    tpu.wait_indirect_dma semaphore(%arg7 : memref<!tpu.dma_semaphore, #tpu.memory_space<semaphore_mem>>) src(%dma_wait3A_1100 : memref<4194304xi32, #tpu.memory_space<hbm>>) dst(%dma_wait3A_1095 : memref<128xi32, #tpu.memory_space<vmem>>)
    %dma_wait3A_1101 = arith.constant 46 : i32
    %dma_wait3A_1102 = arith.constant 46 : i32
    %dma_wait3A_1103 = arith.constant 0 : i32
    %dma_wait3A_1104 = tpu.memref_slice %arg6[%dma_wait3A_1102, %dma_wait3A_1103] : memref<64x128xi32, #tpu.memory_space<vmem>> -> memref<1x128xi32, #tpu.memory_space<vmem>>
    %dma_wait3A_1105 = tpu.memref_squeeze %dma_wait3A_1104 : memref<1x128xi32, #tpu.memory_space<vmem>> -> memref<128xi32, #tpu.memory_space<vmem>>
    %dma_wait3A_1106 = arith.constant 0 : i32
    %dma_wait3A_1107 = tpu.memref_slice %arg5[%dma_wait3A_1101, %dma_wait3A_1106] : memref<64x128xi32, #tpu.memory_space<vmem>> -> memref<1x128xi32, #tpu.memory_space<vmem>>
    %dma_wait3A_1108 = tpu.memref_squeeze %dma_wait3A_1107 : memref<1x128xi32, #tpu.memory_space<vmem>> -> memref<128xi32, #tpu.memory_space<vmem>>
    %dma_wait3A_1109 = arith.constant 0 : i32
    %dma_wait3A_1110 = tpu.memref_slice %arg3[%dma_wait3A_1109] : memref<4194304xi32, #tpu.memory_space<hbm>> -> memref<4194304xi32, #tpu.memory_space<hbm>>
    tpu.wait_indirect_dma semaphore(%arg7 : memref<!tpu.dma_semaphore, #tpu.memory_space<semaphore_mem>>) src(%dma_wait3A_1110 : memref<4194304xi32, #tpu.memory_space<hbm>>) dst(%dma_wait3A_1105 : memref<128xi32, #tpu.memory_space<vmem>>)
    %dma_wait3A_1111 = arith.constant 47 : i32
    %dma_wait3A_1112 = arith.constant 47 : i32
    %dma_wait3A_1113 = arith.constant 0 : i32
    %dma_wait3A_1114 = tpu.memref_slice %arg6[%dma_wait3A_1112, %dma_wait3A_1113] : memref<64x128xi32, #tpu.memory_space<vmem>> -> memref<1x128xi32, #tpu.memory_space<vmem>>
    %dma_wait3A_1115 = tpu.memref_squeeze %dma_wait3A_1114 : memref<1x128xi32, #tpu.memory_space<vmem>> -> memref<128xi32, #tpu.memory_space<vmem>>
    %dma_wait3A_1116 = arith.constant 0 : i32
    %dma_wait3A_1117 = tpu.memref_slice %arg5[%dma_wait3A_1111, %dma_wait3A_1116] : memref<64x128xi32, #tpu.memory_space<vmem>> -> memref<1x128xi32, #tpu.memory_space<vmem>>
    %dma_wait3A_1118 = tpu.memref_squeeze %dma_wait3A_1117 : memref<1x128xi32, #tpu.memory_space<vmem>> -> memref<128xi32, #tpu.memory_space<vmem>>
    %dma_wait3A_1119 = arith.constant 0 : i32
    %dma_wait3A_1120 = tpu.memref_slice %arg3[%dma_wait3A_1119] : memref<4194304xi32, #tpu.memory_space<hbm>> -> memref<4194304xi32, #tpu.memory_space<hbm>>
    tpu.wait_indirect_dma semaphore(%arg7 : memref<!tpu.dma_semaphore, #tpu.memory_space<semaphore_mem>>) src(%dma_wait3A_1120 : memref<4194304xi32, #tpu.memory_space<hbm>>) dst(%dma_wait3A_1115 : memref<128xi32, #tpu.memory_space<vmem>>)
    %dma_wait3A_1121 = arith.constant 48 : i32
    %dma_wait3A_1122 = arith.constant 48 : i32
    %dma_wait3A_1123 = arith.constant 0 : i32
    %dma_wait3A_1124 = tpu.memref_slice %arg6[%dma_wait3A_1122, %dma_wait3A_1123] : memref<64x128xi32, #tpu.memory_space<vmem>> -> memref<1x128xi32, #tpu.memory_space<vmem>>
    %dma_wait3A_1125 = tpu.memref_squeeze %dma_wait3A_1124 : memref<1x128xi32, #tpu.memory_space<vmem>> -> memref<128xi32, #tpu.memory_space<vmem>>
    %dma_wait3A_1126 = arith.constant 0 : i32
    %dma_wait3A_1127 = tpu.memref_slice %arg5[%dma_wait3A_1121, %dma_wait3A_1126] : memref<64x128xi32, #tpu.memory_space<vmem>> -> memref<1x128xi32, #tpu.memory_space<vmem>>
    %dma_wait3A_1128 = tpu.memref_squeeze %dma_wait3A_1127 : memref<1x128xi32, #tpu.memory_space<vmem>> -> memref<128xi32, #tpu.memory_space<vmem>>
    %dma_wait3A_1129 = arith.constant 0 : i32
    %dma_wait3A_1130 = tpu.memref_slice %arg3[%dma_wait3A_1129] : memref<4194304xi32, #tpu.memory_space<hbm>> -> memref<4194304xi32, #tpu.memory_space<hbm>>
    tpu.wait_indirect_dma semaphore(%arg7 : memref<!tpu.dma_semaphore, #tpu.memory_space<semaphore_mem>>) src(%dma_wait3A_1130 : memref<4194304xi32, #tpu.memory_space<hbm>>) dst(%dma_wait3A_1125 : memref<128xi32, #tpu.memory_space<vmem>>)
    %dma_wait3A_1131 = arith.constant 49 : i32
    %dma_wait3A_1132 = arith.constant 49 : i32
    %dma_wait3A_1133 = arith.constant 0 : i32
    %dma_wait3A_1134 = tpu.memref_slice %arg6[%dma_wait3A_1132, %dma_wait3A_1133] : memref<64x128xi32, #tpu.memory_space<vmem>> -> memref<1x128xi32, #tpu.memory_space<vmem>>
    %dma_wait3A_1135 = tpu.memref_squeeze %dma_wait3A_1134 : memref<1x128xi32, #tpu.memory_space<vmem>> -> memref<128xi32, #tpu.memory_space<vmem>>
    %dma_wait3A_1136 = arith.constant 0 : i32
    %dma_wait3A_1137 = tpu.memref_slice %arg5[%dma_wait3A_1131, %dma_wait3A_1136] : memref<64x128xi32, #tpu.memory_space<vmem>> -> memref<1x128xi32, #tpu.memory_space<vmem>>
    %dma_wait3A_1138 = tpu.memref_squeeze %dma_wait3A_1137 : memref<1x128xi32, #tpu.memory_space<vmem>> -> memref<128xi32, #tpu.memory_space<vmem>>
    %dma_wait3A_1139 = arith.constant 0 : i32
    %dma_wait3A_1140 = tpu.memref_slice %arg3[%dma_wait3A_1139] : memref<4194304xi32, #tpu.memory_space<hbm>> -> memref<4194304xi32, #tpu.memory_space<hbm>>
    tpu.wait_indirect_dma semaphore(%arg7 : memref<!tpu.dma_semaphore, #tpu.memory_space<semaphore_mem>>) src(%dma_wait3A_1140 : memref<4194304xi32, #tpu.memory_space<hbm>>) dst(%dma_wait3A_1135 : memref<128xi32, #tpu.memory_space<vmem>>)
    %dma_wait3A_1141 = arith.constant 50 : i32
    %dma_wait3A_1142 = arith.constant 50 : i32
    %dma_wait3A_1143 = arith.constant 0 : i32
    %dma_wait3A_1144 = tpu.memref_slice %arg6[%dma_wait3A_1142, %dma_wait3A_1143] : memref<64x128xi32, #tpu.memory_space<vmem>> -> memref<1x128xi32, #tpu.memory_space<vmem>>
    %dma_wait3A_1145 = tpu.memref_squeeze %dma_wait3A_1144 : memref<1x128xi32, #tpu.memory_space<vmem>> -> memref<128xi32, #tpu.memory_space<vmem>>
    %dma_wait3A_1146 = arith.constant 0 : i32
    %dma_wait3A_1147 = tpu.memref_slice %arg5[%dma_wait3A_1141, %dma_wait3A_1146] : memref<64x128xi32, #tpu.memory_space<vmem>> -> memref<1x128xi32, #tpu.memory_space<vmem>>
    %dma_wait3A_1148 = tpu.memref_squeeze %dma_wait3A_1147 : memref<1x128xi32, #tpu.memory_space<vmem>> -> memref<128xi32, #tpu.memory_space<vmem>>
    %dma_wait3A_1149 = arith.constant 0 : i32
    %dma_wait3A_1150 = tpu.memref_slice %arg3[%dma_wait3A_1149] : memref<4194304xi32, #tpu.memory_space<hbm>> -> memref<4194304xi32, #tpu.memory_space<hbm>>
    tpu.wait_indirect_dma semaphore(%arg7 : memref<!tpu.dma_semaphore, #tpu.memory_space<semaphore_mem>>) src(%dma_wait3A_1150 : memref<4194304xi32, #tpu.memory_space<hbm>>) dst(%dma_wait3A_1145 : memref<128xi32, #tpu.memory_space<vmem>>)
    %dma_wait3A_1151 = arith.constant 51 : i32
    %dma_wait3A_1152 = arith.constant 51 : i32
    %dma_wait3A_1153 = arith.constant 0 : i32
    %dma_wait3A_1154 = tpu.memref_slice %arg6[%dma_wait3A_1152, %dma_wait3A_1153] : memref<64x128xi32, #tpu.memory_space<vmem>> -> memref<1x128xi32, #tpu.memory_space<vmem>>
    %dma_wait3A_1155 = tpu.memref_squeeze %dma_wait3A_1154 : memref<1x128xi32, #tpu.memory_space<vmem>> -> memref<128xi32, #tpu.memory_space<vmem>>
    %dma_wait3A_1156 = arith.constant 0 : i32
    %dma_wait3A_1157 = tpu.memref_slice %arg5[%dma_wait3A_1151, %dma_wait3A_1156] : memref<64x128xi32, #tpu.memory_space<vmem>> -> memref<1x128xi32, #tpu.memory_space<vmem>>
    %dma_wait3A_1158 = tpu.memref_squeeze %dma_wait3A_1157 : memref<1x128xi32, #tpu.memory_space<vmem>> -> memref<128xi32, #tpu.memory_space<vmem>>
    %dma_wait3A_1159 = arith.constant 0 : i32
    %dma_wait3A_1160 = tpu.memref_slice %arg3[%dma_wait3A_1159] : memref<4194304xi32, #tpu.memory_space<hbm>> -> memref<4194304xi32, #tpu.memory_space<hbm>>
    tpu.wait_indirect_dma semaphore(%arg7 : memref<!tpu.dma_semaphore, #tpu.memory_space<semaphore_mem>>) src(%dma_wait3A_1160 : memref<4194304xi32, #tpu.memory_space<hbm>>) dst(%dma_wait3A_1155 : memref<128xi32, #tpu.memory_space<vmem>>)
    %dma_wait3A_1161 = arith.constant 52 : i32
    %dma_wait3A_1162 = arith.constant 52 : i32
    %dma_wait3A_1163 = arith.constant 0 : i32
    %dma_wait3A_1164 = tpu.memref_slice %arg6[%dma_wait3A_1162, %dma_wait3A_1163] : memref<64x128xi32, #tpu.memory_space<vmem>> -> memref<1x128xi32, #tpu.memory_space<vmem>>
    %dma_wait3A_1165 = tpu.memref_squeeze %dma_wait3A_1164 : memref<1x128xi32, #tpu.memory_space<vmem>> -> memref<128xi32, #tpu.memory_space<vmem>>
    %dma_wait3A_1166 = arith.constant 0 : i32
    %dma_wait3A_1167 = tpu.memref_slice %arg5[%dma_wait3A_1161, %dma_wait3A_1166] : memref<64x128xi32, #tpu.memory_space<vmem>> -> memref<1x128xi32, #tpu.memory_space<vmem>>
    %dma_wait3A_1168 = tpu.memref_squeeze %dma_wait3A_1167 : memref<1x128xi32, #tpu.memory_space<vmem>> -> memref<128xi32, #tpu.memory_space<vmem>>
    %dma_wait3A_1169 = arith.constant 0 : i32
    %dma_wait3A_1170 = tpu.memref_slice %arg3[%dma_wait3A_1169] : memref<4194304xi32, #tpu.memory_space<hbm>> -> memref<4194304xi32, #tpu.memory_space<hbm>>
    tpu.wait_indirect_dma semaphore(%arg7 : memref<!tpu.dma_semaphore, #tpu.memory_space<semaphore_mem>>) src(%dma_wait3A_1170 : memref<4194304xi32, #tpu.memory_space<hbm>>) dst(%dma_wait3A_1165 : memref<128xi32, #tpu.memory_space<vmem>>)
    %dma_wait3A_1171 = arith.constant 53 : i32
    %dma_wait3A_1172 = arith.constant 53 : i32
    %dma_wait3A_1173 = arith.constant 0 : i32
    %dma_wait3A_1174 = tpu.memref_slice %arg6[%dma_wait3A_1172, %dma_wait3A_1173] : memref<64x128xi32, #tpu.memory_space<vmem>> -> memref<1x128xi32, #tpu.memory_space<vmem>>
    %dma_wait3A_1175 = tpu.memref_squeeze %dma_wait3A_1174 : memref<1x128xi32, #tpu.memory_space<vmem>> -> memref<128xi32, #tpu.memory_space<vmem>>
    %dma_wait3A_1176 = arith.constant 0 : i32
    %dma_wait3A_1177 = tpu.memref_slice %arg5[%dma_wait3A_1171, %dma_wait3A_1176] : memref<64x128xi32, #tpu.memory_space<vmem>> -> memref<1x128xi32, #tpu.memory_space<vmem>>
    %dma_wait3A_1178 = tpu.memref_squeeze %dma_wait3A_1177 : memref<1x128xi32, #tpu.memory_space<vmem>> -> memref<128xi32, #tpu.memory_space<vmem>>
    %dma_wait3A_1179 = arith.constant 0 : i32
    %dma_wait3A_1180 = tpu.memref_slice %arg3[%dma_wait3A_1179] : memref<4194304xi32, #tpu.memory_space<hbm>> -> memref<4194304xi32, #tpu.memory_space<hbm>>
    tpu.wait_indirect_dma semaphore(%arg7 : memref<!tpu.dma_semaphore, #tpu.memory_space<semaphore_mem>>) src(%dma_wait3A_1180 : memref<4194304xi32, #tpu.memory_space<hbm>>) dst(%dma_wait3A_1175 : memref<128xi32, #tpu.memory_space<vmem>>)
    %dma_wait3A_1181 = arith.constant 54 : i32
    %dma_wait3A_1182 = arith.constant 54 : i32
    %dma_wait3A_1183 = arith.constant 0 : i32
    %dma_wait3A_1184 = tpu.memref_slice %arg6[%dma_wait3A_1182, %dma_wait3A_1183] : memref<64x128xi32, #tpu.memory_space<vmem>> -> memref<1x128xi32, #tpu.memory_space<vmem>>
    %dma_wait3A_1185 = tpu.memref_squeeze %dma_wait3A_1184 : memref<1x128xi32, #tpu.memory_space<vmem>> -> memref<128xi32, #tpu.memory_space<vmem>>
    %dma_wait3A_1186 = arith.constant 0 : i32
    %dma_wait3A_1187 = tpu.memref_slice %arg5[%dma_wait3A_1181, %dma_wait3A_1186] : memref<64x128xi32, #tpu.memory_space<vmem>> -> memref<1x128xi32, #tpu.memory_space<vmem>>
    %dma_wait3A_1188 = tpu.memref_squeeze %dma_wait3A_1187 : memref<1x128xi32, #tpu.memory_space<vmem>> -> memref<128xi32, #tpu.memory_space<vmem>>
    %dma_wait3A_1189 = arith.constant 0 : i32
    %dma_wait3A_1190 = tpu.memref_slice %arg3[%dma_wait3A_1189] : memref<4194304xi32, #tpu.memory_space<hbm>> -> memref<4194304xi32, #tpu.memory_space<hbm>>
    tpu.wait_indirect_dma semaphore(%arg7 : memref<!tpu.dma_semaphore, #tpu.memory_space<semaphore_mem>>) src(%dma_wait3A_1190 : memref<4194304xi32, #tpu.memory_space<hbm>>) dst(%dma_wait3A_1185 : memref<128xi32, #tpu.memory_space<vmem>>)
    %dma_wait3A_1191 = arith.constant 55 : i32
    %dma_wait3A_1192 = arith.constant 55 : i32
    %dma_wait3A_1193 = arith.constant 0 : i32
    %dma_wait3A_1194 = tpu.memref_slice %arg6[%dma_wait3A_1192, %dma_wait3A_1193] : memref<64x128xi32, #tpu.memory_space<vmem>> -> memref<1x128xi32, #tpu.memory_space<vmem>>
    %dma_wait3A_1195 = tpu.memref_squeeze %dma_wait3A_1194 : memref<1x128xi32, #tpu.memory_space<vmem>> -> memref<128xi32, #tpu.memory_space<vmem>>
    %dma_wait3A_1196 = arith.constant 0 : i32
    %dma_wait3A_1197 = tpu.memref_slice %arg5[%dma_wait3A_1191, %dma_wait3A_1196] : memref<64x128xi32, #tpu.memory_space<vmem>> -> memref<1x128xi32, #tpu.memory_space<vmem>>
    %dma_wait3A_1198 = tpu.memref_squeeze %dma_wait3A_1197 : memref<1x128xi32, #tpu.memory_space<vmem>> -> memref<128xi32, #tpu.memory_space<vmem>>
    %dma_wait3A_1199 = arith.constant 0 : i32
    %dma_wait3A_1200 = tpu.memref_slice %arg3[%dma_wait3A_1199] : memref<4194304xi32, #tpu.memory_space<hbm>> -> memref<4194304xi32, #tpu.memory_space<hbm>>
    tpu.wait_indirect_dma semaphore(%arg7 : memref<!tpu.dma_semaphore, #tpu.memory_space<semaphore_mem>>) src(%dma_wait3A_1200 : memref<4194304xi32, #tpu.memory_space<hbm>>) dst(%dma_wait3A_1195 : memref<128xi32, #tpu.memory_space<vmem>>)
    %dma_wait3A_1201 = arith.constant 56 : i32
    %dma_wait3A_1202 = arith.constant 56 : i32
    %dma_wait3A_1203 = arith.constant 0 : i32
    %dma_wait3A_1204 = tpu.memref_slice %arg6[%dma_wait3A_1202, %dma_wait3A_1203] : memref<64x128xi32, #tpu.memory_space<vmem>> -> memref<1x128xi32, #tpu.memory_space<vmem>>
    %dma_wait3A_1205 = tpu.memref_squeeze %dma_wait3A_1204 : memref<1x128xi32, #tpu.memory_space<vmem>> -> memref<128xi32, #tpu.memory_space<vmem>>
    %dma_wait3A_1206 = arith.constant 0 : i32
    %dma_wait3A_1207 = tpu.memref_slice %arg5[%dma_wait3A_1201, %dma_wait3A_1206] : memref<64x128xi32, #tpu.memory_space<vmem>> -> memref<1x128xi32, #tpu.memory_space<vmem>>
    %dma_wait3A_1208 = tpu.memref_squeeze %dma_wait3A_1207 : memref<1x128xi32, #tpu.memory_space<vmem>> -> memref<128xi32, #tpu.memory_space<vmem>>
    %dma_wait3A_1209 = arith.constant 0 : i32
    %dma_wait3A_1210 = tpu.memref_slice %arg3[%dma_wait3A_1209] : memref<4194304xi32, #tpu.memory_space<hbm>> -> memref<4194304xi32, #tpu.memory_space<hbm>>
    tpu.wait_indirect_dma semaphore(%arg7 : memref<!tpu.dma_semaphore, #tpu.memory_space<semaphore_mem>>) src(%dma_wait3A_1210 : memref<4194304xi32, #tpu.memory_space<hbm>>) dst(%dma_wait3A_1205 : memref<128xi32, #tpu.memory_space<vmem>>)
    %dma_wait3A_1211 = arith.constant 57 : i32
    %dma_wait3A_1212 = arith.constant 57 : i32
    %dma_wait3A_1213 = arith.constant 0 : i32
    %dma_wait3A_1214 = tpu.memref_slice %arg6[%dma_wait3A_1212, %dma_wait3A_1213] : memref<64x128xi32, #tpu.memory_space<vmem>> -> memref<1x128xi32, #tpu.memory_space<vmem>>
    %dma_wait3A_1215 = tpu.memref_squeeze %dma_wait3A_1214 : memref<1x128xi32, #tpu.memory_space<vmem>> -> memref<128xi32, #tpu.memory_space<vmem>>
    %dma_wait3A_1216 = arith.constant 0 : i32
    %dma_wait3A_1217 = tpu.memref_slice %arg5[%dma_wait3A_1211, %dma_wait3A_1216] : memref<64x128xi32, #tpu.memory_space<vmem>> -> memref<1x128xi32, #tpu.memory_space<vmem>>
    %dma_wait3A_1218 = tpu.memref_squeeze %dma_wait3A_1217 : memref<1x128xi32, #tpu.memory_space<vmem>> -> memref<128xi32, #tpu.memory_space<vmem>>
    %dma_wait3A_1219 = arith.constant 0 : i32
    %dma_wait3A_1220 = tpu.memref_slice %arg3[%dma_wait3A_1219] : memref<4194304xi32, #tpu.memory_space<hbm>> -> memref<4194304xi32, #tpu.memory_space<hbm>>
    tpu.wait_indirect_dma semaphore(%arg7 : memref<!tpu.dma_semaphore, #tpu.memory_space<semaphore_mem>>) src(%dma_wait3A_1220 : memref<4194304xi32, #tpu.memory_space<hbm>>) dst(%dma_wait3A_1215 : memref<128xi32, #tpu.memory_space<vmem>>)
    %dma_wait3A_1221 = arith.constant 58 : i32
    %dma_wait3A_1222 = arith.constant 58 : i32
    %dma_wait3A_1223 = arith.constant 0 : i32
    %dma_wait3A_1224 = tpu.memref_slice %arg6[%dma_wait3A_1222, %dma_wait3A_1223] : memref<64x128xi32, #tpu.memory_space<vmem>> -> memref<1x128xi32, #tpu.memory_space<vmem>>
    %dma_wait3A_1225 = tpu.memref_squeeze %dma_wait3A_1224 : memref<1x128xi32, #tpu.memory_space<vmem>> -> memref<128xi32, #tpu.memory_space<vmem>>
    %dma_wait3A_1226 = arith.constant 0 : i32
    %dma_wait3A_1227 = tpu.memref_slice %arg5[%dma_wait3A_1221, %dma_wait3A_1226] : memref<64x128xi32, #tpu.memory_space<vmem>> -> memref<1x128xi32, #tpu.memory_space<vmem>>
    %dma_wait3A_1228 = tpu.memref_squeeze %dma_wait3A_1227 : memref<1x128xi32, #tpu.memory_space<vmem>> -> memref<128xi32, #tpu.memory_space<vmem>>
    %dma_wait3A_1229 = arith.constant 0 : i32
    %dma_wait3A_1230 = tpu.memref_slice %arg3[%dma_wait3A_1229] : memref<4194304xi32, #tpu.memory_space<hbm>> -> memref<4194304xi32, #tpu.memory_space<hbm>>
    tpu.wait_indirect_dma semaphore(%arg7 : memref<!tpu.dma_semaphore, #tpu.memory_space<semaphore_mem>>) src(%dma_wait3A_1230 : memref<4194304xi32, #tpu.memory_space<hbm>>) dst(%dma_wait3A_1225 : memref<128xi32, #tpu.memory_space<vmem>>)
    %dma_wait3A_1231 = arith.constant 59 : i32
    %dma_wait3A_1232 = arith.constant 59 : i32
    %dma_wait3A_1233 = arith.constant 0 : i32
    %dma_wait3A_1234 = tpu.memref_slice %arg6[%dma_wait3A_1232, %dma_wait3A_1233] : memref<64x128xi32, #tpu.memory_space<vmem>> -> memref<1x128xi32, #tpu.memory_space<vmem>>
    %dma_wait3A_1235 = tpu.memref_squeeze %dma_wait3A_1234 : memref<1x128xi32, #tpu.memory_space<vmem>> -> memref<128xi32, #tpu.memory_space<vmem>>
    %dma_wait3A_1236 = arith.constant 0 : i32
    %dma_wait3A_1237 = tpu.memref_slice %arg5[%dma_wait3A_1231, %dma_wait3A_1236] : memref<64x128xi32, #tpu.memory_space<vmem>> -> memref<1x128xi32, #tpu.memory_space<vmem>>
    %dma_wait3A_1238 = tpu.memref_squeeze %dma_wait3A_1237 : memref<1x128xi32, #tpu.memory_space<vmem>> -> memref<128xi32, #tpu.memory_space<vmem>>
    %dma_wait3A_1239 = arith.constant 0 : i32
    %dma_wait3A_1240 = tpu.memref_slice %arg3[%dma_wait3A_1239] : memref<4194304xi32, #tpu.memory_space<hbm>> -> memref<4194304xi32, #tpu.memory_space<hbm>>
    tpu.wait_indirect_dma semaphore(%arg7 : memref<!tpu.dma_semaphore, #tpu.memory_space<semaphore_mem>>) src(%dma_wait3A_1240 : memref<4194304xi32, #tpu.memory_space<hbm>>) dst(%dma_wait3A_1235 : memref<128xi32, #tpu.memory_space<vmem>>)
    %dma_wait3A_1241 = arith.constant 60 : i32
    %dma_wait3A_1242 = arith.constant 60 : i32
    %dma_wait3A_1243 = arith.constant 0 : i32
    %dma_wait3A_1244 = tpu.memref_slice %arg6[%dma_wait3A_1242, %dma_wait3A_1243] : memref<64x128xi32, #tpu.memory_space<vmem>> -> memref<1x128xi32, #tpu.memory_space<vmem>>
    %dma_wait3A_1245 = tpu.memref_squeeze %dma_wait3A_1244 : memref<1x128xi32, #tpu.memory_space<vmem>> -> memref<128xi32, #tpu.memory_space<vmem>>
    %dma_wait3A_1246 = arith.constant 0 : i32
    %dma_wait3A_1247 = tpu.memref_slice %arg5[%dma_wait3A_1241, %dma_wait3A_1246] : memref<64x128xi32, #tpu.memory_space<vmem>> -> memref<1x128xi32, #tpu.memory_space<vmem>>
    %dma_wait3A_1248 = tpu.memref_squeeze %dma_wait3A_1247 : memref<1x128xi32, #tpu.memory_space<vmem>> -> memref<128xi32, #tpu.memory_space<vmem>>
    %dma_wait3A_1249 = arith.constant 0 : i32
    %dma_wait3A_1250 = tpu.memref_slice %arg3[%dma_wait3A_1249] : memref<4194304xi32, #tpu.memory_space<hbm>> -> memref<4194304xi32, #tpu.memory_space<hbm>>
    tpu.wait_indirect_dma semaphore(%arg7 : memref<!tpu.dma_semaphore, #tpu.memory_space<semaphore_mem>>) src(%dma_wait3A_1250 : memref<4194304xi32, #tpu.memory_space<hbm>>) dst(%dma_wait3A_1245 : memref<128xi32, #tpu.memory_space<vmem>>)
    %dma_wait3A_1251 = arith.constant 61 : i32
    %dma_wait3A_1252 = arith.constant 61 : i32
    %dma_wait3A_1253 = arith.constant 0 : i32
    %dma_wait3A_1254 = tpu.memref_slice %arg6[%dma_wait3A_1252, %dma_wait3A_1253] : memref<64x128xi32, #tpu.memory_space<vmem>> -> memref<1x128xi32, #tpu.memory_space<vmem>>
    %dma_wait3A_1255 = tpu.memref_squeeze %dma_wait3A_1254 : memref<1x128xi32, #tpu.memory_space<vmem>> -> memref<128xi32, #tpu.memory_space<vmem>>
    %dma_wait3A_1256 = arith.constant 0 : i32
    %dma_wait3A_1257 = tpu.memref_slice %arg5[%dma_wait3A_1251, %dma_wait3A_1256] : memref<64x128xi32, #tpu.memory_space<vmem>> -> memref<1x128xi32, #tpu.memory_space<vmem>>
    %dma_wait3A_1258 = tpu.memref_squeeze %dma_wait3A_1257 : memref<1x128xi32, #tpu.memory_space<vmem>> -> memref<128xi32, #tpu.memory_space<vmem>>
    %dma_wait3A_1259 = arith.constant 0 : i32
    %dma_wait3A_1260 = tpu.memref_slice %arg3[%dma_wait3A_1259] : memref<4194304xi32, #tpu.memory_space<hbm>> -> memref<4194304xi32, #tpu.memory_space<hbm>>
    tpu.wait_indirect_dma semaphore(%arg7 : memref<!tpu.dma_semaphore, #tpu.memory_space<semaphore_mem>>) src(%dma_wait3A_1260 : memref<4194304xi32, #tpu.memory_space<hbm>>) dst(%dma_wait3A_1255 : memref<128xi32, #tpu.memory_space<vmem>>)
    %dma_wait3A_1261 = arith.constant 62 : i32
    %dma_wait3A_1262 = arith.constant 62 : i32
    %dma_wait3A_1263 = arith.constant 0 : i32
    %dma_wait3A_1264 = tpu.memref_slice %arg6[%dma_wait3A_1262, %dma_wait3A_1263] : memref<64x128xi32, #tpu.memory_space<vmem>> -> memref<1x128xi32, #tpu.memory_space<vmem>>
    %dma_wait3A_1265 = tpu.memref_squeeze %dma_wait3A_1264 : memref<1x128xi32, #tpu.memory_space<vmem>> -> memref<128xi32, #tpu.memory_space<vmem>>
    %dma_wait3A_1266 = arith.constant 0 : i32
    %dma_wait3A_1267 = tpu.memref_slice %arg5[%dma_wait3A_1261, %dma_wait3A_1266] : memref<64x128xi32, #tpu.memory_space<vmem>> -> memref<1x128xi32, #tpu.memory_space<vmem>>
    %dma_wait3A_1268 = tpu.memref_squeeze %dma_wait3A_1267 : memref<1x128xi32, #tpu.memory_space<vmem>> -> memref<128xi32, #tpu.memory_space<vmem>>
    %dma_wait3A_1269 = arith.constant 0 : i32
    %dma_wait3A_1270 = tpu.memref_slice %arg3[%dma_wait3A_1269] : memref<4194304xi32, #tpu.memory_space<hbm>> -> memref<4194304xi32, #tpu.memory_space<hbm>>
    tpu.wait_indirect_dma semaphore(%arg7 : memref<!tpu.dma_semaphore, #tpu.memory_space<semaphore_mem>>) src(%dma_wait3A_1270 : memref<4194304xi32, #tpu.memory_space<hbm>>) dst(%dma_wait3A_1265 : memref<128xi32, #tpu.memory_space<vmem>>)
    %dma_wait3A_1271 = arith.constant 63 : i32
    %dma_wait3A_1272 = arith.constant 63 : i32
    %dma_wait3A_1273 = arith.constant 0 : i32
    %dma_wait3A_1274 = tpu.memref_slice %arg6[%dma_wait3A_1272, %dma_wait3A_1273] : memref<64x128xi32, #tpu.memory_space<vmem>> -> memref<1x128xi32, #tpu.memory_space<vmem>>
    %dma_wait3A_1275 = tpu.memref_squeeze %dma_wait3A_1274 : memref<1x128xi32, #tpu.memory_space<vmem>> -> memref<128xi32, #tpu.memory_space<vmem>>
    %dma_wait3A_1276 = arith.constant 0 : i32
    %dma_wait3A_1277 = tpu.memref_slice %arg5[%dma_wait3A_1271, %dma_wait3A_1276] : memref<64x128xi32, #tpu.memory_space<vmem>> -> memref<1x128xi32, #tpu.memory_space<vmem>>
    %dma_wait3A_1278 = tpu.memref_squeeze %dma_wait3A_1277 : memref<1x128xi32, #tpu.memory_space<vmem>> -> memref<128xi32, #tpu.memory_space<vmem>>
    %dma_wait3A_1279 = arith.constant 0 : i32
    %dma_wait3A_1280 = tpu.memref_slice %arg3[%dma_wait3A_1279] : memref<4194304xi32, #tpu.memory_space<hbm>> -> memref<4194304xi32, #tpu.memory_space<hbm>>
    tpu.wait_indirect_dma semaphore(%arg7 : memref<!tpu.dma_semaphore, #tpu.memory_space<semaphore_mem>>) src(%dma_wait3A_1280 : memref<4194304xi32, #tpu.memory_space<hbm>>) dst(%dma_wait3A_1275 : memref<128xi32, #tpu.memory_space<vmem>>)
    "tpu.region"() ({
      %run_scoped3A = tpu.sem_alloc : memref<!tpu.dma_semaphore, #tpu.memory_space<semaphore_mem>>
      %dma_start3A_1281 = arith.constant 0 : i32
      %dma_start3A_1282 = tpu.memref_slice %arg4[%mul3A_2, %dma_start3A_1281] : memref<2048x128xi32, #tpu.memory_space<hbm>> -> memref<64x128xi32, #tpu.memory_space<hbm>>
      %dma_start3A_1283 = arith.constant 0 : i32
      %dma_start3A_1284 = tpu.memref_slice %arg4[%mul3A_2, %dma_start3A_1283] : memref<2048x128xi32, #tpu.memory_space<hbm>> -> memref<64x128xi32, #tpu.memory_space<hbm>>
      tpu.enqueue_dma source(%arg6 : memref<64x128xi32, #tpu.memory_space<vmem>>) target(%dma_start3A_1284 : memref<64x128xi32, #tpu.memory_space<hbm>>) target_semaphore(%run_scoped3A : memref<!tpu.dma_semaphore, #tpu.memory_space<semaphore_mem>>)
      %dma_wait3A_1285 = arith.constant 0 : i32
      %dma_wait3A_1286 = tpu.memref_slice %arg4[%mul3A_2, %dma_wait3A_1285] : memref<2048x128xi32, #tpu.memory_space<hbm>> -> memref<64x128xi32, #tpu.memory_space<hbm>>
      %dma_wait3A_1287 = arith.constant 0 : i32
      %dma_wait3A_1288 = tpu.memref_slice %arg4[%mul3A_2, %dma_wait3A_1287] : memref<2048x128xi32, #tpu.memory_space<hbm>> -> memref<64x128xi32, #tpu.memory_space<hbm>>
      tpu.wait_dma2 semaphore(%run_scoped3A : memref<!tpu.dma_semaphore, #tpu.memory_space<semaphore_mem>>) src(%arg6 : memref<64x128xi32, #tpu.memory_space<vmem>>) dst(%dma_wait3A_1288 : memref<64x128xi32, #tpu.memory_space<hbm>>)
      tpu.yield
    }) : () -> ()
    return
  }
}

#map = affine_map<(d0, d1) -> (0, 0)>
#map1 = affine_map<(d0, d1) -> (0)>
module attributes {stable_mosaic.version = 14 : i64} {
  func.func @body(%arg0: i32, %arg1: i32, %arg2: memref<2048x128xi32, #tpu.memory_space<hbm>>, %arg3: memref<4194304xi32, #tpu.memory_space<hbm>>, %arg4: memref<2048x128xi32, #tpu.memory_space<hbm>>, %arg5: memref<64x128xi32, #tpu.memory_space<vmem>>, %arg6: memref<64x128xi32, #tpu.memory_space<vmem>>, %arg7: memref<!tpu.dma_semaphore, #tpu.memory_space<semaphore_mem>>) attributes {dimension_semantics = [#tpu.dimension_semantics<core_parallel>, #tpu.dimension_semantics<subcore_parallel>], iteration_bounds = array<i64: 2, 16>, scalar_prefetch = 0 : i64, scratch_operands = 3 : i64, tpu.core_type = #tpu.core_type<sc_vector_subcore>, window_params = [{transform_indices = #map}, {transform_indices = #map1}, {transform_indices = #map}]} {
    %mul3A = arith.constant 2 : i32
    %mul3A_0 = arith.muli %arg1, %mul3A : i32
    %add3A = arith.addi %mul3A_0, %arg0 : i32
    %mul3A_1 = arith.constant 64 : i32
    %mul3A_2 = arith.muli %add3A, %mul3A_1 : i32
    "tpu.region"() ({
      %run_scoped3A = tpu.sem_alloc : memref<!tpu.dma_semaphore, #tpu.memory_space<semaphore_mem>>
      %dma_start3A_1281 = arith.constant 0 : i32
      %dma_start3A_1282 = tpu.memref_slice %arg2[%mul3A_2, %dma_start3A_1281] : memref<2048x128xi32, #tpu.memory_space<hbm>> -> memref<64x128xi32, #tpu.memory_space<hbm>>
      %dma_start3A_1283 = arith.constant 0 : i32
      %dma_start3A_1284 = tpu.memref_slice %arg2[%mul3A_2, %dma_start3A_1283] : memref<2048x128xi32, #tpu.memory_space<hbm>> -> memref<64x128xi32, #tpu.memory_space<hbm>>
      tpu.enqueue_dma source(%dma_start3A_1284 : memref<64x128xi32, #tpu.memory_space<hbm>>) target(%arg5 : memref<64x128xi32, #tpu.memory_space<vmem>>) target_semaphore(%run_scoped3A : memref<!tpu.dma_semaphore, #tpu.memory_space<semaphore_mem>>)
      %dma_wait3A_1285 = arith.constant 0 : i32
      %dma_wait3A_1286 = tpu.memref_slice %arg2[%mul3A_2, %dma_wait3A_1285] : memref<2048x128xi32, #tpu.memory_space<hbm>> -> memref<64x128xi32, #tpu.memory_space<hbm>>
      %dma_wait3A_1287 = arith.constant 0 : i32
      %dma_wait3A_1288 = tpu.memref_slice %arg2[%mul3A_2, %dma_wait3A_1287] : memref<2048x128xi32, #tpu.memory_space<hbm>> -> memref<64x128xi32, #tpu.memory_space<hbm>>
      tpu.wait_dma2 semaphore(%run_scoped3A : memref<!tpu.dma_semaphore, #tpu.memory_space<semaphore_mem>>) src(%dma_wait3A_1288 : memref<64x128xi32, #tpu.memory_space<hbm>>) dst(%arg5 : memref<64x128xi32, #tpu.memory_space<vmem>>)
      tpu.yield
    }) : () -> ()
    %dma_start3A = arith.constant 0 : i32
    %dma_start3A_3 = arith.constant 0 : i32
    %dma_start3A_4 = arith.constant 0 : i32
    %dma_start3A_5 = tpu.memref_slice %arg6[%dma_start3A_3, %dma_start3A_4] : memref<64x128xi32, #tpu.memory_space<vmem>> -> memref<1x128xi32, #tpu.memory_space<vmem>>
    %dma_start3A_6 = tpu.memref_squeeze %dma_start3A_5 : memref<1x128xi32, #tpu.memory_space<vmem>> -> memref<128xi32, #tpu.memory_space<vmem>>
    %dma_start3A_7 = arith.constant 0 : i32
    %dma_start3A_8 = tpu.memref_slice %arg5[%dma_start3A, %dma_start3A_7] : memref<64x128xi32, #tpu.memory_space<vmem>> -> memref<1x128xi32, #tpu.memory_space<vmem>>
    %dma_start3A_9 = tpu.memref_squeeze %dma_start3A_8 : memref<1x128xi32, #tpu.memory_space<vmem>> -> memref<128xi32, #tpu.memory_space<vmem>>
    %dma_start3A_10 = arith.constant 0 : i32
    %dma_start3A_11 = tpu.memref_slice %arg3[%dma_start3A_10] : memref<4194304xi32, #tpu.memory_space<hbm>> -> memref<4194304xi32, #tpu.memory_space<hbm>>
    tpu.enqueue_indirect_dma source(%dma_start3A_11 : memref<4194304xi32, #tpu.memory_space<hbm>>) target(%dma_start3A_6 : memref<128xi32, #tpu.memory_space<vmem>>) offsets(%dma_start3A_9 : memref<128xi32, #tpu.memory_space<vmem>>) semaphore(%arg7 : memref<!tpu.dma_semaphore, #tpu.memory_space<semaphore_mem>>)
    %dma_start3A_12 = arith.constant 1 : i32
    %dma_start3A_13 = arith.constant 1 : i32
    %dma_start3A_14 = arith.constant 0 : i32
    %dma_start3A_15 = tpu.memref_slice %arg6[%dma_start3A_13, %dma_start3A_14] : memref<64x128xi32, #tpu.memory_space<vmem>> -> memref<1x128xi32, #tpu.memory_space<vmem>>
    %dma_start3A_16 = tpu.memref_squeeze %dma_start3A_15 : memref<1x128xi32, #tpu.memory_space<vmem>> -> memref<128xi32, #tpu.memory_space<vmem>>
    %dma_start3A_17 = arith.constant 0 : i32
    %dma_start3A_18 = tpu.memref_slice %arg5[%dma_start3A_12, %dma_start3A_17] : memref<64x128xi32, #tpu.memory_space<vmem>> -> memref<1x128xi32, #tpu.memory_space<vmem>>
    %dma_start3A_19 = tpu.memref_squeeze %dma_start3A_18 : memref<1x128xi32, #tpu.memory_space<vmem>> -> memref<128xi32, #tpu.memory_space<vmem>>
    %dma_start3A_20 = arith.constant 0 : i32
    %dma_start3A_21 = tpu.memref_slice %arg3[%dma_start3A_20] : memref<4194304xi32, #tpu.memory_space<hbm>> -> memref<4194304xi32, #tpu.memory_space<hbm>>
    tpu.enqueue_indirect_dma source(%dma_start3A_21 : memref<4194304xi32, #tpu.memory_space<hbm>>) target(%dma_start3A_16 : memref<128xi32, #tpu.memory_space<vmem>>) offsets(%dma_start3A_19 : memref<128xi32, #tpu.memory_space<vmem>>) semaphore(%arg7 : memref<!tpu.dma_semaphore, #tpu.memory_space<semaphore_mem>>)
    %dma_start3A_22 = arith.constant 2 : i32
    %dma_start3A_23 = arith.constant 2 : i32
    %dma_start3A_24 = arith.constant 0 : i32
    %dma_start3A_25 = tpu.memref_slice %arg6[%dma_start3A_23, %dma_start3A_24] : memref<64x128xi32, #tpu.memory_space<vmem>> -> memref<1x128xi32, #tpu.memory_space<vmem>>
    %dma_start3A_26 = tpu.memref_squeeze %dma_start3A_25 : memref<1x128xi32, #tpu.memory_space<vmem>> -> memref<128xi32, #tpu.memory_space<vmem>>
    %dma_start3A_27 = arith.constant 0 : i32
    %dma_start3A_28 = tpu.memref_slice %arg5[%dma_start3A_22, %dma_start3A_27] : memref<64x128xi32, #tpu.memory_space<vmem>> -> memref<1x128xi32, #tpu.memory_space<vmem>>
    %dma_start3A_29 = tpu.memref_squeeze %dma_start3A_28 : memref<1x128xi32, #tpu.memory_space<vmem>> -> memref<128xi32, #tpu.memory_space<vmem>>
    %dma_start3A_30 = arith.constant 0 : i32
    %dma_start3A_31 = tpu.memref_slice %arg3[%dma_start3A_30] : memref<4194304xi32, #tpu.memory_space<hbm>> -> memref<4194304xi32, #tpu.memory_space<hbm>>
    tpu.enqueue_indirect_dma source(%dma_start3A_31 : memref<4194304xi32, #tpu.memory_space<hbm>>) target(%dma_start3A_26 : memref<128xi32, #tpu.memory_space<vmem>>) offsets(%dma_start3A_29 : memref<128xi32, #tpu.memory_space<vmem>>) semaphore(%arg7 : memref<!tpu.dma_semaphore, #tpu.memory_space<semaphore_mem>>)
    %dma_start3A_32 = arith.constant 3 : i32
    %dma_start3A_33 = arith.constant 3 : i32
    %dma_start3A_34 = arith.constant 0 : i32
    %dma_start3A_35 = tpu.memref_slice %arg6[%dma_start3A_33, %dma_start3A_34] : memref<64x128xi32, #tpu.memory_space<vmem>> -> memref<1x128xi32, #tpu.memory_space<vmem>>
    %dma_start3A_36 = tpu.memref_squeeze %dma_start3A_35 : memref<1x128xi32, #tpu.memory_space<vmem>> -> memref<128xi32, #tpu.memory_space<vmem>>
    %dma_start3A_37 = arith.constant 0 : i32
    %dma_start3A_38 = tpu.memref_slice %arg5[%dma_start3A_32, %dma_start3A_37] : memref<64x128xi32, #tpu.memory_space<vmem>> -> memref<1x128xi32, #tpu.memory_space<vmem>>
    %dma_start3A_39 = tpu.memref_squeeze %dma_start3A_38 : memref<1x128xi32, #tpu.memory_space<vmem>> -> memref<128xi32, #tpu.memory_space<vmem>>
    %dma_start3A_40 = arith.constant 0 : i32
    %dma_start3A_41 = tpu.memref_slice %arg3[%dma_start3A_40] : memref<4194304xi32, #tpu.memory_space<hbm>> -> memref<4194304xi32, #tpu.memory_space<hbm>>
    tpu.enqueue_indirect_dma source(%dma_start3A_41 : memref<4194304xi32, #tpu.memory_space<hbm>>) target(%dma_start3A_36 : memref<128xi32, #tpu.memory_space<vmem>>) offsets(%dma_start3A_39 : memref<128xi32, #tpu.memory_space<vmem>>) semaphore(%arg7 : memref<!tpu.dma_semaphore, #tpu.memory_space<semaphore_mem>>)
    %dma_start3A_42 = arith.constant 4 : i32
    %dma_start3A_43 = arith.constant 4 : i32
    %dma_start3A_44 = arith.constant 0 : i32
    %dma_start3A_45 = tpu.memref_slice %arg6[%dma_start3A_43, %dma_start3A_44] : memref<64x128xi32, #tpu.memory_space<vmem>> -> memref<1x128xi32, #tpu.memory_space<vmem>>
    %dma_start3A_46 = tpu.memref_squeeze %dma_start3A_45 : memref<1x128xi32, #tpu.memory_space<vmem>> -> memref<128xi32, #tpu.memory_space<vmem>>
    %dma_start3A_47 = arith.constant 0 : i32
    %dma_start3A_48 = tpu.memref_slice %arg5[%dma_start3A_42, %dma_start3A_47] : memref<64x128xi32, #tpu.memory_space<vmem>> -> memref<1x128xi32, #tpu.memory_space<vmem>>
    %dma_start3A_49 = tpu.memref_squeeze %dma_start3A_48 : memref<1x128xi32, #tpu.memory_space<vmem>> -> memref<128xi32, #tpu.memory_space<vmem>>
    %dma_start3A_50 = arith.constant 0 : i32
    %dma_start3A_51 = tpu.memref_slice %arg3[%dma_start3A_50] : memref<4194304xi32, #tpu.memory_space<hbm>> -> memref<4194304xi32, #tpu.memory_space<hbm>>
    tpu.enqueue_indirect_dma source(%dma_start3A_51 : memref<4194304xi32, #tpu.memory_space<hbm>>) target(%dma_start3A_46 : memref<128xi32, #tpu.memory_space<vmem>>) offsets(%dma_start3A_49 : memref<128xi32, #tpu.memory_space<vmem>>) semaphore(%arg7 : memref<!tpu.dma_semaphore, #tpu.memory_space<semaphore_mem>>)
    %dma_start3A_52 = arith.constant 5 : i32
    %dma_start3A_53 = arith.constant 5 : i32
    %dma_start3A_54 = arith.constant 0 : i32
    %dma_start3A_55 = tpu.memref_slice %arg6[%dma_start3A_53, %dma_start3A_54] : memref<64x128xi32, #tpu.memory_space<vmem>> -> memref<1x128xi32, #tpu.memory_space<vmem>>
    %dma_start3A_56 = tpu.memref_squeeze %dma_start3A_55 : memref<1x128xi32, #tpu.memory_space<vmem>> -> memref<128xi32, #tpu.memory_space<vmem>>
    %dma_start3A_57 = arith.constant 0 : i32
    %dma_start3A_58 = tpu.memref_slice %arg5[%dma_start3A_52, %dma_start3A_57] : memref<64x128xi32, #tpu.memory_space<vmem>> -> memref<1x128xi32, #tpu.memory_space<vmem>>
    %dma_start3A_59 = tpu.memref_squeeze %dma_start3A_58 : memref<1x128xi32, #tpu.memory_space<vmem>> -> memref<128xi32, #tpu.memory_space<vmem>>
    %dma_start3A_60 = arith.constant 0 : i32
    %dma_start3A_61 = tpu.memref_slice %arg3[%dma_start3A_60] : memref<4194304xi32, #tpu.memory_space<hbm>> -> memref<4194304xi32, #tpu.memory_space<hbm>>
    tpu.enqueue_indirect_dma source(%dma_start3A_61 : memref<4194304xi32, #tpu.memory_space<hbm>>) target(%dma_start3A_56 : memref<128xi32, #tpu.memory_space<vmem>>) offsets(%dma_start3A_59 : memref<128xi32, #tpu.memory_space<vmem>>) semaphore(%arg7 : memref<!tpu.dma_semaphore, #tpu.memory_space<semaphore_mem>>)
    %dma_start3A_62 = arith.constant 6 : i32
    %dma_start3A_63 = arith.constant 6 : i32
    %dma_start3A_64 = arith.constant 0 : i32
    %dma_start3A_65 = tpu.memref_slice %arg6[%dma_start3A_63, %dma_start3A_64] : memref<64x128xi32, #tpu.memory_space<vmem>> -> memref<1x128xi32, #tpu.memory_space<vmem>>
    %dma_start3A_66 = tpu.memref_squeeze %dma_start3A_65 : memref<1x128xi32, #tpu.memory_space<vmem>> -> memref<128xi32, #tpu.memory_space<vmem>>
    %dma_start3A_67 = arith.constant 0 : i32
    %dma_start3A_68 = tpu.memref_slice %arg5[%dma_start3A_62, %dma_start3A_67] : memref<64x128xi32, #tpu.memory_space<vmem>> -> memref<1x128xi32, #tpu.memory_space<vmem>>
    %dma_start3A_69 = tpu.memref_squeeze %dma_start3A_68 : memref<1x128xi32, #tpu.memory_space<vmem>> -> memref<128xi32, #tpu.memory_space<vmem>>
    %dma_start3A_70 = arith.constant 0 : i32
    %dma_start3A_71 = tpu.memref_slice %arg3[%dma_start3A_70] : memref<4194304xi32, #tpu.memory_space<hbm>> -> memref<4194304xi32, #tpu.memory_space<hbm>>
    tpu.enqueue_indirect_dma source(%dma_start3A_71 : memref<4194304xi32, #tpu.memory_space<hbm>>) target(%dma_start3A_66 : memref<128xi32, #tpu.memory_space<vmem>>) offsets(%dma_start3A_69 : memref<128xi32, #tpu.memory_space<vmem>>) semaphore(%arg7 : memref<!tpu.dma_semaphore, #tpu.memory_space<semaphore_mem>>)
    %dma_start3A_72 = arith.constant 7 : i32
    %dma_start3A_73 = arith.constant 7 : i32
    %dma_start3A_74 = arith.constant 0 : i32
    %dma_start3A_75 = tpu.memref_slice %arg6[%dma_start3A_73, %dma_start3A_74] : memref<64x128xi32, #tpu.memory_space<vmem>> -> memref<1x128xi32, #tpu.memory_space<vmem>>
    %dma_start3A_76 = tpu.memref_squeeze %dma_start3A_75 : memref<1x128xi32, #tpu.memory_space<vmem>> -> memref<128xi32, #tpu.memory_space<vmem>>
    %dma_start3A_77 = arith.constant 0 : i32
    %dma_start3A_78 = tpu.memref_slice %arg5[%dma_start3A_72, %dma_start3A_77] : memref<64x128xi32, #tpu.memory_space<vmem>> -> memref<1x128xi32, #tpu.memory_space<vmem>>
    %dma_start3A_79 = tpu.memref_squeeze %dma_start3A_78 : memref<1x128xi32, #tpu.memory_space<vmem>> -> memref<128xi32, #tpu.memory_space<vmem>>
    %dma_start3A_80 = arith.constant 0 : i32
    %dma_start3A_81 = tpu.memref_slice %arg3[%dma_start3A_80] : memref<4194304xi32, #tpu.memory_space<hbm>> -> memref<4194304xi32, #tpu.memory_space<hbm>>
    tpu.enqueue_indirect_dma source(%dma_start3A_81 : memref<4194304xi32, #tpu.memory_space<hbm>>) target(%dma_start3A_76 : memref<128xi32, #tpu.memory_space<vmem>>) offsets(%dma_start3A_79 : memref<128xi32, #tpu.memory_space<vmem>>) semaphore(%arg7 : memref<!tpu.dma_semaphore, #tpu.memory_space<semaphore_mem>>)
    %dma_start3A_82 = arith.constant 8 : i32
    %dma_start3A_83 = arith.constant 8 : i32
    %dma_start3A_84 = arith.constant 0 : i32
    %dma_start3A_85 = tpu.memref_slice %arg6[%dma_start3A_83, %dma_start3A_84] : memref<64x128xi32, #tpu.memory_space<vmem>> -> memref<1x128xi32, #tpu.memory_space<vmem>>
    %dma_start3A_86 = tpu.memref_squeeze %dma_start3A_85 : memref<1x128xi32, #tpu.memory_space<vmem>> -> memref<128xi32, #tpu.memory_space<vmem>>
    %dma_start3A_87 = arith.constant 0 : i32
    %dma_start3A_88 = tpu.memref_slice %arg5[%dma_start3A_82, %dma_start3A_87] : memref<64x128xi32, #tpu.memory_space<vmem>> -> memref<1x128xi32, #tpu.memory_space<vmem>>
    %dma_start3A_89 = tpu.memref_squeeze %dma_start3A_88 : memref<1x128xi32, #tpu.memory_space<vmem>> -> memref<128xi32, #tpu.memory_space<vmem>>
    %dma_start3A_90 = arith.constant 0 : i32
    %dma_start3A_91 = tpu.memref_slice %arg3[%dma_start3A_90] : memref<4194304xi32, #tpu.memory_space<hbm>> -> memref<4194304xi32, #tpu.memory_space<hbm>>
    tpu.enqueue_indirect_dma source(%dma_start3A_91 : memref<4194304xi32, #tpu.memory_space<hbm>>) target(%dma_start3A_86 : memref<128xi32, #tpu.memory_space<vmem>>) offsets(%dma_start3A_89 : memref<128xi32, #tpu.memory_space<vmem>>) semaphore(%arg7 : memref<!tpu.dma_semaphore, #tpu.memory_space<semaphore_mem>>)
    %dma_start3A_92 = arith.constant 9 : i32
    %dma_start3A_93 = arith.constant 9 : i32
    %dma_start3A_94 = arith.constant 0 : i32
    %dma_start3A_95 = tpu.memref_slice %arg6[%dma_start3A_93, %dma_start3A_94] : memref<64x128xi32, #tpu.memory_space<vmem>> -> memref<1x128xi32, #tpu.memory_space<vmem>>
    %dma_start3A_96 = tpu.memref_squeeze %dma_start3A_95 : memref<1x128xi32, #tpu.memory_space<vmem>> -> memref<128xi32, #tpu.memory_space<vmem>>
    %dma_start3A_97 = arith.constant 0 : i32
    %dma_start3A_98 = tpu.memref_slice %arg5[%dma_start3A_92, %dma_start3A_97] : memref<64x128xi32, #tpu.memory_space<vmem>> -> memref<1x128xi32, #tpu.memory_space<vmem>>
    %dma_start3A_99 = tpu.memref_squeeze %dma_start3A_98 : memref<1x128xi32, #tpu.memory_space<vmem>> -> memref<128xi32, #tpu.memory_space<vmem>>
    %dma_start3A_100 = arith.constant 0 : i32
    %dma_start3A_101 = tpu.memref_slice %arg3[%dma_start3A_100] : memref<4194304xi32, #tpu.memory_space<hbm>> -> memref<4194304xi32, #tpu.memory_space<hbm>>
    tpu.enqueue_indirect_dma source(%dma_start3A_101 : memref<4194304xi32, #tpu.memory_space<hbm>>) target(%dma_start3A_96 : memref<128xi32, #tpu.memory_space<vmem>>) offsets(%dma_start3A_99 : memref<128xi32, #tpu.memory_space<vmem>>) semaphore(%arg7 : memref<!tpu.dma_semaphore, #tpu.memory_space<semaphore_mem>>)
    %dma_start3A_102 = arith.constant 10 : i32
    %dma_start3A_103 = arith.constant 10 : i32
    %dma_start3A_104 = arith.constant 0 : i32
    %dma_start3A_105 = tpu.memref_slice %arg6[%dma_start3A_103, %dma_start3A_104] : memref<64x128xi32, #tpu.memory_space<vmem>> -> memref<1x128xi32, #tpu.memory_space<vmem>>
    %dma_start3A_106 = tpu.memref_squeeze %dma_start3A_105 : memref<1x128xi32, #tpu.memory_space<vmem>> -> memref<128xi32, #tpu.memory_space<vmem>>
    %dma_start3A_107 = arith.constant 0 : i32
    %dma_start3A_108 = tpu.memref_slice %arg5[%dma_start3A_102, %dma_start3A_107] : memref<64x128xi32, #tpu.memory_space<vmem>> -> memref<1x128xi32, #tpu.memory_space<vmem>>
    %dma_start3A_109 = tpu.memref_squeeze %dma_start3A_108 : memref<1x128xi32, #tpu.memory_space<vmem>> -> memref<128xi32, #tpu.memory_space<vmem>>
    %dma_start3A_110 = arith.constant 0 : i32
    %dma_start3A_111 = tpu.memref_slice %arg3[%dma_start3A_110] : memref<4194304xi32, #tpu.memory_space<hbm>> -> memref<4194304xi32, #tpu.memory_space<hbm>>
    tpu.enqueue_indirect_dma source(%dma_start3A_111 : memref<4194304xi32, #tpu.memory_space<hbm>>) target(%dma_start3A_106 : memref<128xi32, #tpu.memory_space<vmem>>) offsets(%dma_start3A_109 : memref<128xi32, #tpu.memory_space<vmem>>) semaphore(%arg7 : memref<!tpu.dma_semaphore, #tpu.memory_space<semaphore_mem>>)
    %dma_start3A_112 = arith.constant 11 : i32
    %dma_start3A_113 = arith.constant 11 : i32
    %dma_start3A_114 = arith.constant 0 : i32
    %dma_start3A_115 = tpu.memref_slice %arg6[%dma_start3A_113, %dma_start3A_114] : memref<64x128xi32, #tpu.memory_space<vmem>> -> memref<1x128xi32, #tpu.memory_space<vmem>>
    %dma_start3A_116 = tpu.memref_squeeze %dma_start3A_115 : memref<1x128xi32, #tpu.memory_space<vmem>> -> memref<128xi32, #tpu.memory_space<vmem>>
    %dma_start3A_117 = arith.constant 0 : i32
    %dma_start3A_118 = tpu.memref_slice %arg5[%dma_start3A_112, %dma_start3A_117] : memref<64x128xi32, #tpu.memory_space<vmem>> -> memref<1x128xi32, #tpu.memory_space<vmem>>
    %dma_start3A_119 = tpu.memref_squeeze %dma_start3A_118 : memref<1x128xi32, #tpu.memory_space<vmem>> -> memref<128xi32, #tpu.memory_space<vmem>>
    %dma_start3A_120 = arith.constant 0 : i32
    %dma_start3A_121 = tpu.memref_slice %arg3[%dma_start3A_120] : memref<4194304xi32, #tpu.memory_space<hbm>> -> memref<4194304xi32, #tpu.memory_space<hbm>>
    tpu.enqueue_indirect_dma source(%dma_start3A_121 : memref<4194304xi32, #tpu.memory_space<hbm>>) target(%dma_start3A_116 : memref<128xi32, #tpu.memory_space<vmem>>) offsets(%dma_start3A_119 : memref<128xi32, #tpu.memory_space<vmem>>) semaphore(%arg7 : memref<!tpu.dma_semaphore, #tpu.memory_space<semaphore_mem>>)
    %dma_start3A_122 = arith.constant 12 : i32
    %dma_start3A_123 = arith.constant 12 : i32
    %dma_start3A_124 = arith.constant 0 : i32
    %dma_start3A_125 = tpu.memref_slice %arg6[%dma_start3A_123, %dma_start3A_124] : memref<64x128xi32, #tpu.memory_space<vmem>> -> memref<1x128xi32, #tpu.memory_space<vmem>>
    %dma_start3A_126 = tpu.memref_squeeze %dma_start3A_125 : memref<1x128xi32, #tpu.memory_space<vmem>> -> memref<128xi32, #tpu.memory_space<vmem>>
    %dma_start3A_127 = arith.constant 0 : i32
    %dma_start3A_128 = tpu.memref_slice %arg5[%dma_start3A_122, %dma_start3A_127] : memref<64x128xi32, #tpu.memory_space<vmem>> -> memref<1x128xi32, #tpu.memory_space<vmem>>
    %dma_start3A_129 = tpu.memref_squeeze %dma_start3A_128 : memref<1x128xi32, #tpu.memory_space<vmem>> -> memref<128xi32, #tpu.memory_space<vmem>>
    %dma_start3A_130 = arith.constant 0 : i32
    %dma_start3A_131 = tpu.memref_slice %arg3[%dma_start3A_130] : memref<4194304xi32, #tpu.memory_space<hbm>> -> memref<4194304xi32, #tpu.memory_space<hbm>>
    tpu.enqueue_indirect_dma source(%dma_start3A_131 : memref<4194304xi32, #tpu.memory_space<hbm>>) target(%dma_start3A_126 : memref<128xi32, #tpu.memory_space<vmem>>) offsets(%dma_start3A_129 : memref<128xi32, #tpu.memory_space<vmem>>) semaphore(%arg7 : memref<!tpu.dma_semaphore, #tpu.memory_space<semaphore_mem>>)
    %dma_start3A_132 = arith.constant 13 : i32
    %dma_start3A_133 = arith.constant 13 : i32
    %dma_start3A_134 = arith.constant 0 : i32
    %dma_start3A_135 = tpu.memref_slice %arg6[%dma_start3A_133, %dma_start3A_134] : memref<64x128xi32, #tpu.memory_space<vmem>> -> memref<1x128xi32, #tpu.memory_space<vmem>>
    %dma_start3A_136 = tpu.memref_squeeze %dma_start3A_135 : memref<1x128xi32, #tpu.memory_space<vmem>> -> memref<128xi32, #tpu.memory_space<vmem>>
    %dma_start3A_137 = arith.constant 0 : i32
    %dma_start3A_138 = tpu.memref_slice %arg5[%dma_start3A_132, %dma_start3A_137] : memref<64x128xi32, #tpu.memory_space<vmem>> -> memref<1x128xi32, #tpu.memory_space<vmem>>
    %dma_start3A_139 = tpu.memref_squeeze %dma_start3A_138 : memref<1x128xi32, #tpu.memory_space<vmem>> -> memref<128xi32, #tpu.memory_space<vmem>>
    %dma_start3A_140 = arith.constant 0 : i32
    %dma_start3A_141 = tpu.memref_slice %arg3[%dma_start3A_140] : memref<4194304xi32, #tpu.memory_space<hbm>> -> memref<4194304xi32, #tpu.memory_space<hbm>>
    tpu.enqueue_indirect_dma source(%dma_start3A_141 : memref<4194304xi32, #tpu.memory_space<hbm>>) target(%dma_start3A_136 : memref<128xi32, #tpu.memory_space<vmem>>) offsets(%dma_start3A_139 : memref<128xi32, #tpu.memory_space<vmem>>) semaphore(%arg7 : memref<!tpu.dma_semaphore, #tpu.memory_space<semaphore_mem>>)
    %dma_start3A_142 = arith.constant 14 : i32
    %dma_start3A_143 = arith.constant 14 : i32
    %dma_start3A_144 = arith.constant 0 : i32
    %dma_start3A_145 = tpu.memref_slice %arg6[%dma_start3A_143, %dma_start3A_144] : memref<64x128xi32, #tpu.memory_space<vmem>> -> memref<1x128xi32, #tpu.memory_space<vmem>>
    %dma_start3A_146 = tpu.memref_squeeze %dma_start3A_145 : memref<1x128xi32, #tpu.memory_space<vmem>> -> memref<128xi32, #tpu.memory_space<vmem>>
    %dma_start3A_147 = arith.constant 0 : i32
    %dma_start3A_148 = tpu.memref_slice %arg5[%dma_start3A_142, %dma_start3A_147] : memref<64x128xi32, #tpu.memory_space<vmem>> -> memref<1x128xi32, #tpu.memory_space<vmem>>
    %dma_start3A_149 = tpu.memref_squeeze %dma_start3A_148 : memref<1x128xi32, #tpu.memory_space<vmem>> -> memref<128xi32, #tpu.memory_space<vmem>>
    %dma_start3A_150 = arith.constant 0 : i32
    %dma_start3A_151 = tpu.memref_slice %arg3[%dma_start3A_150] : memref<4194304xi32, #tpu.memory_space<hbm>> -> memref<4194304xi32, #tpu.memory_space<hbm>>
    tpu.enqueue_indirect_dma source(%dma_start3A_151 : memref<4194304xi32, #tpu.memory_space<hbm>>) target(%dma_start3A_146 : memref<128xi32, #tpu.memory_space<vmem>>) offsets(%dma_start3A_149 : memref<128xi32, #tpu.memory_space<vmem>>) semaphore(%arg7 : memref<!tpu.dma_semaphore, #tpu.memory_space<semaphore_mem>>)
    %dma_start3A_152 = arith.constant 15 : i32
    %dma_start3A_153 = arith.constant 15 : i32
    %dma_start3A_154 = arith.constant 0 : i32
    %dma_start3A_155 = tpu.memref_slice %arg6[%dma_start3A_153, %dma_start3A_154] : memref<64x128xi32, #tpu.memory_space<vmem>> -> memref<1x128xi32, #tpu.memory_space<vmem>>
    %dma_start3A_156 = tpu.memref_squeeze %dma_start3A_155 : memref<1x128xi32, #tpu.memory_space<vmem>> -> memref<128xi32, #tpu.memory_space<vmem>>
    %dma_start3A_157 = arith.constant 0 : i32
    %dma_start3A_158 = tpu.memref_slice %arg5[%dma_start3A_152, %dma_start3A_157] : memref<64x128xi32, #tpu.memory_space<vmem>> -> memref<1x128xi32, #tpu.memory_space<vmem>>
    %dma_start3A_159 = tpu.memref_squeeze %dma_start3A_158 : memref<1x128xi32, #tpu.memory_space<vmem>> -> memref<128xi32, #tpu.memory_space<vmem>>
    %dma_start3A_160 = arith.constant 0 : i32
    %dma_start3A_161 = tpu.memref_slice %arg3[%dma_start3A_160] : memref<4194304xi32, #tpu.memory_space<hbm>> -> memref<4194304xi32, #tpu.memory_space<hbm>>
    tpu.enqueue_indirect_dma source(%dma_start3A_161 : memref<4194304xi32, #tpu.memory_space<hbm>>) target(%dma_start3A_156 : memref<128xi32, #tpu.memory_space<vmem>>) offsets(%dma_start3A_159 : memref<128xi32, #tpu.memory_space<vmem>>) semaphore(%arg7 : memref<!tpu.dma_semaphore, #tpu.memory_space<semaphore_mem>>)
    %dma_start3A_162 = arith.constant 16 : i32
    %dma_start3A_163 = arith.constant 16 : i32
    %dma_start3A_164 = arith.constant 0 : i32
    %dma_start3A_165 = tpu.memref_slice %arg6[%dma_start3A_163, %dma_start3A_164] : memref<64x128xi32, #tpu.memory_space<vmem>> -> memref<1x128xi32, #tpu.memory_space<vmem>>
    %dma_start3A_166 = tpu.memref_squeeze %dma_start3A_165 : memref<1x128xi32, #tpu.memory_space<vmem>> -> memref<128xi32, #tpu.memory_space<vmem>>
    %dma_start3A_167 = arith.constant 0 : i32
    %dma_start3A_168 = tpu.memref_slice %arg5[%dma_start3A_162, %dma_start3A_167] : memref<64x128xi32, #tpu.memory_space<vmem>> -> memref<1x128xi32, #tpu.memory_space<vmem>>
    %dma_start3A_169 = tpu.memref_squeeze %dma_start3A_168 : memref<1x128xi32, #tpu.memory_space<vmem>> -> memref<128xi32, #tpu.memory_space<vmem>>
    %dma_start3A_170 = arith.constant 0 : i32
    %dma_start3A_171 = tpu.memref_slice %arg3[%dma_start3A_170] : memref<4194304xi32, #tpu.memory_space<hbm>> -> memref<4194304xi32, #tpu.memory_space<hbm>>
    tpu.enqueue_indirect_dma source(%dma_start3A_171 : memref<4194304xi32, #tpu.memory_space<hbm>>) target(%dma_start3A_166 : memref<128xi32, #tpu.memory_space<vmem>>) offsets(%dma_start3A_169 : memref<128xi32, #tpu.memory_space<vmem>>) semaphore(%arg7 : memref<!tpu.dma_semaphore, #tpu.memory_space<semaphore_mem>>)
    %dma_start3A_172 = arith.constant 17 : i32
    %dma_start3A_173 = arith.constant 17 : i32
    %dma_start3A_174 = arith.constant 0 : i32
    %dma_start3A_175 = tpu.memref_slice %arg6[%dma_start3A_173, %dma_start3A_174] : memref<64x128xi32, #tpu.memory_space<vmem>> -> memref<1x128xi32, #tpu.memory_space<vmem>>
    %dma_start3A_176 = tpu.memref_squeeze %dma_start3A_175 : memref<1x128xi32, #tpu.memory_space<vmem>> -> memref<128xi32, #tpu.memory_space<vmem>>
    %dma_start3A_177 = arith.constant 0 : i32
    %dma_start3A_178 = tpu.memref_slice %arg5[%dma_start3A_172, %dma_start3A_177] : memref<64x128xi32, #tpu.memory_space<vmem>> -> memref<1x128xi32, #tpu.memory_space<vmem>>
    %dma_start3A_179 = tpu.memref_squeeze %dma_start3A_178 : memref<1x128xi32, #tpu.memory_space<vmem>> -> memref<128xi32, #tpu.memory_space<vmem>>
    %dma_start3A_180 = arith.constant 0 : i32
    %dma_start3A_181 = tpu.memref_slice %arg3[%dma_start3A_180] : memref<4194304xi32, #tpu.memory_space<hbm>> -> memref<4194304xi32, #tpu.memory_space<hbm>>
    tpu.enqueue_indirect_dma source(%dma_start3A_181 : memref<4194304xi32, #tpu.memory_space<hbm>>) target(%dma_start3A_176 : memref<128xi32, #tpu.memory_space<vmem>>) offsets(%dma_start3A_179 : memref<128xi32, #tpu.memory_space<vmem>>) semaphore(%arg7 : memref<!tpu.dma_semaphore, #tpu.memory_space<semaphore_mem>>)
    %dma_start3A_182 = arith.constant 18 : i32
    %dma_start3A_183 = arith.constant 18 : i32
    %dma_start3A_184 = arith.constant 0 : i32
    %dma_start3A_185 = tpu.memref_slice %arg6[%dma_start3A_183, %dma_start3A_184] : memref<64x128xi32, #tpu.memory_space<vmem>> -> memref<1x128xi32, #tpu.memory_space<vmem>>
    %dma_start3A_186 = tpu.memref_squeeze %dma_start3A_185 : memref<1x128xi32, #tpu.memory_space<vmem>> -> memref<128xi32, #tpu.memory_space<vmem>>
    %dma_start3A_187 = arith.constant 0 : i32
    %dma_start3A_188 = tpu.memref_slice %arg5[%dma_start3A_182, %dma_start3A_187] : memref<64x128xi32, #tpu.memory_space<vmem>> -> memref<1x128xi32, #tpu.memory_space<vmem>>
    %dma_start3A_189 = tpu.memref_squeeze %dma_start3A_188 : memref<1x128xi32, #tpu.memory_space<vmem>> -> memref<128xi32, #tpu.memory_space<vmem>>
    %dma_start3A_190 = arith.constant 0 : i32
    %dma_start3A_191 = tpu.memref_slice %arg3[%dma_start3A_190] : memref<4194304xi32, #tpu.memory_space<hbm>> -> memref<4194304xi32, #tpu.memory_space<hbm>>
    tpu.enqueue_indirect_dma source(%dma_start3A_191 : memref<4194304xi32, #tpu.memory_space<hbm>>) target(%dma_start3A_186 : memref<128xi32, #tpu.memory_space<vmem>>) offsets(%dma_start3A_189 : memref<128xi32, #tpu.memory_space<vmem>>) semaphore(%arg7 : memref<!tpu.dma_semaphore, #tpu.memory_space<semaphore_mem>>)
    %dma_start3A_192 = arith.constant 19 : i32
    %dma_start3A_193 = arith.constant 19 : i32
    %dma_start3A_194 = arith.constant 0 : i32
    %dma_start3A_195 = tpu.memref_slice %arg6[%dma_start3A_193, %dma_start3A_194] : memref<64x128xi32, #tpu.memory_space<vmem>> -> memref<1x128xi32, #tpu.memory_space<vmem>>
    %dma_start3A_196 = tpu.memref_squeeze %dma_start3A_195 : memref<1x128xi32, #tpu.memory_space<vmem>> -> memref<128xi32, #tpu.memory_space<vmem>>
    %dma_start3A_197 = arith.constant 0 : i32
    %dma_start3A_198 = tpu.memref_slice %arg5[%dma_start3A_192, %dma_start3A_197] : memref<64x128xi32, #tpu.memory_space<vmem>> -> memref<1x128xi32, #tpu.memory_space<vmem>>
    %dma_start3A_199 = tpu.memref_squeeze %dma_start3A_198 : memref<1x128xi32, #tpu.memory_space<vmem>> -> memref<128xi32, #tpu.memory_space<vmem>>
    %dma_start3A_200 = arith.constant 0 : i32
    %dma_start3A_201 = tpu.memref_slice %arg3[%dma_start3A_200] : memref<4194304xi32, #tpu.memory_space<hbm>> -> memref<4194304xi32, #tpu.memory_space<hbm>>
    tpu.enqueue_indirect_dma source(%dma_start3A_201 : memref<4194304xi32, #tpu.memory_space<hbm>>) target(%dma_start3A_196 : memref<128xi32, #tpu.memory_space<vmem>>) offsets(%dma_start3A_199 : memref<128xi32, #tpu.memory_space<vmem>>) semaphore(%arg7 : memref<!tpu.dma_semaphore, #tpu.memory_space<semaphore_mem>>)
    %dma_start3A_202 = arith.constant 20 : i32
    %dma_start3A_203 = arith.constant 20 : i32
    %dma_start3A_204 = arith.constant 0 : i32
    %dma_start3A_205 = tpu.memref_slice %arg6[%dma_start3A_203, %dma_start3A_204] : memref<64x128xi32, #tpu.memory_space<vmem>> -> memref<1x128xi32, #tpu.memory_space<vmem>>
    %dma_start3A_206 = tpu.memref_squeeze %dma_start3A_205 : memref<1x128xi32, #tpu.memory_space<vmem>> -> memref<128xi32, #tpu.memory_space<vmem>>
    %dma_start3A_207 = arith.constant 0 : i32
    %dma_start3A_208 = tpu.memref_slice %arg5[%dma_start3A_202, %dma_start3A_207] : memref<64x128xi32, #tpu.memory_space<vmem>> -> memref<1x128xi32, #tpu.memory_space<vmem>>
    %dma_start3A_209 = tpu.memref_squeeze %dma_start3A_208 : memref<1x128xi32, #tpu.memory_space<vmem>> -> memref<128xi32, #tpu.memory_space<vmem>>
    %dma_start3A_210 = arith.constant 0 : i32
    %dma_start3A_211 = tpu.memref_slice %arg3[%dma_start3A_210] : memref<4194304xi32, #tpu.memory_space<hbm>> -> memref<4194304xi32, #tpu.memory_space<hbm>>
    tpu.enqueue_indirect_dma source(%dma_start3A_211 : memref<4194304xi32, #tpu.memory_space<hbm>>) target(%dma_start3A_206 : memref<128xi32, #tpu.memory_space<vmem>>) offsets(%dma_start3A_209 : memref<128xi32, #tpu.memory_space<vmem>>) semaphore(%arg7 : memref<!tpu.dma_semaphore, #tpu.memory_space<semaphore_mem>>)
    %dma_start3A_212 = arith.constant 21 : i32
    %dma_start3A_213 = arith.constant 21 : i32
    %dma_start3A_214 = arith.constant 0 : i32
    %dma_start3A_215 = tpu.memref_slice %arg6[%dma_start3A_213, %dma_start3A_214] : memref<64x128xi32, #tpu.memory_space<vmem>> -> memref<1x128xi32, #tpu.memory_space<vmem>>
    %dma_start3A_216 = tpu.memref_squeeze %dma_start3A_215 : memref<1x128xi32, #tpu.memory_space<vmem>> -> memref<128xi32, #tpu.memory_space<vmem>>
    %dma_start3A_217 = arith.constant 0 : i32
    %dma_start3A_218 = tpu.memref_slice %arg5[%dma_start3A_212, %dma_start3A_217] : memref<64x128xi32, #tpu.memory_space<vmem>> -> memref<1x128xi32, #tpu.memory_space<vmem>>
    %dma_start3A_219 = tpu.memref_squeeze %dma_start3A_218 : memref<1x128xi32, #tpu.memory_space<vmem>> -> memref<128xi32, #tpu.memory_space<vmem>>
    %dma_start3A_220 = arith.constant 0 : i32
    %dma_start3A_221 = tpu.memref_slice %arg3[%dma_start3A_220] : memref<4194304xi32, #tpu.memory_space<hbm>> -> memref<4194304xi32, #tpu.memory_space<hbm>>
    tpu.enqueue_indirect_dma source(%dma_start3A_221 : memref<4194304xi32, #tpu.memory_space<hbm>>) target(%dma_start3A_216 : memref<128xi32, #tpu.memory_space<vmem>>) offsets(%dma_start3A_219 : memref<128xi32, #tpu.memory_space<vmem>>) semaphore(%arg7 : memref<!tpu.dma_semaphore, #tpu.memory_space<semaphore_mem>>)
    %dma_start3A_222 = arith.constant 22 : i32
    %dma_start3A_223 = arith.constant 22 : i32
    %dma_start3A_224 = arith.constant 0 : i32
    %dma_start3A_225 = tpu.memref_slice %arg6[%dma_start3A_223, %dma_start3A_224] : memref<64x128xi32, #tpu.memory_space<vmem>> -> memref<1x128xi32, #tpu.memory_space<vmem>>
    %dma_start3A_226 = tpu.memref_squeeze %dma_start3A_225 : memref<1x128xi32, #tpu.memory_space<vmem>> -> memref<128xi32, #tpu.memory_space<vmem>>
    %dma_start3A_227 = arith.constant 0 : i32
    %dma_start3A_228 = tpu.memref_slice %arg5[%dma_start3A_222, %dma_start3A_227] : memref<64x128xi32, #tpu.memory_space<vmem>> -> memref<1x128xi32, #tpu.memory_space<vmem>>
    %dma_start3A_229 = tpu.memref_squeeze %dma_start3A_228 : memref<1x128xi32, #tpu.memory_space<vmem>> -> memref<128xi32, #tpu.memory_space<vmem>>
    %dma_start3A_230 = arith.constant 0 : i32
    %dma_start3A_231 = tpu.memref_slice %arg3[%dma_start3A_230] : memref<4194304xi32, #tpu.memory_space<hbm>> -> memref<4194304xi32, #tpu.memory_space<hbm>>
    tpu.enqueue_indirect_dma source(%dma_start3A_231 : memref<4194304xi32, #tpu.memory_space<hbm>>) target(%dma_start3A_226 : memref<128xi32, #tpu.memory_space<vmem>>) offsets(%dma_start3A_229 : memref<128xi32, #tpu.memory_space<vmem>>) semaphore(%arg7 : memref<!tpu.dma_semaphore, #tpu.memory_space<semaphore_mem>>)
    %dma_start3A_232 = arith.constant 23 : i32
    %dma_start3A_233 = arith.constant 23 : i32
    %dma_start3A_234 = arith.constant 0 : i32
    %dma_start3A_235 = tpu.memref_slice %arg6[%dma_start3A_233, %dma_start3A_234] : memref<64x128xi32, #tpu.memory_space<vmem>> -> memref<1x128xi32, #tpu.memory_space<vmem>>
    %dma_start3A_236 = tpu.memref_squeeze %dma_start3A_235 : memref<1x128xi32, #tpu.memory_space<vmem>> -> memref<128xi32, #tpu.memory_space<vmem>>
    %dma_start3A_237 = arith.constant 0 : i32
    %dma_start3A_238 = tpu.memref_slice %arg5[%dma_start3A_232, %dma_start3A_237] : memref<64x128xi32, #tpu.memory_space<vmem>> -> memref<1x128xi32, #tpu.memory_space<vmem>>
    %dma_start3A_239 = tpu.memref_squeeze %dma_start3A_238 : memref<1x128xi32, #tpu.memory_space<vmem>> -> memref<128xi32, #tpu.memory_space<vmem>>
    %dma_start3A_240 = arith.constant 0 : i32
    %dma_start3A_241 = tpu.memref_slice %arg3[%dma_start3A_240] : memref<4194304xi32, #tpu.memory_space<hbm>> -> memref<4194304xi32, #tpu.memory_space<hbm>>
    tpu.enqueue_indirect_dma source(%dma_start3A_241 : memref<4194304xi32, #tpu.memory_space<hbm>>) target(%dma_start3A_236 : memref<128xi32, #tpu.memory_space<vmem>>) offsets(%dma_start3A_239 : memref<128xi32, #tpu.memory_space<vmem>>) semaphore(%arg7 : memref<!tpu.dma_semaphore, #tpu.memory_space<semaphore_mem>>)
    %dma_start3A_242 = arith.constant 24 : i32
    %dma_start3A_243 = arith.constant 24 : i32
    %dma_start3A_244 = arith.constant 0 : i32
    %dma_start3A_245 = tpu.memref_slice %arg6[%dma_start3A_243, %dma_start3A_244] : memref<64x128xi32, #tpu.memory_space<vmem>> -> memref<1x128xi32, #tpu.memory_space<vmem>>
    %dma_start3A_246 = tpu.memref_squeeze %dma_start3A_245 : memref<1x128xi32, #tpu.memory_space<vmem>> -> memref<128xi32, #tpu.memory_space<vmem>>
    %dma_start3A_247 = arith.constant 0 : i32
    %dma_start3A_248 = tpu.memref_slice %arg5[%dma_start3A_242, %dma_start3A_247] : memref<64x128xi32, #tpu.memory_space<vmem>> -> memref<1x128xi32, #tpu.memory_space<vmem>>
    %dma_start3A_249 = tpu.memref_squeeze %dma_start3A_248 : memref<1x128xi32, #tpu.memory_space<vmem>> -> memref<128xi32, #tpu.memory_space<vmem>>
    %dma_start3A_250 = arith.constant 0 : i32
    %dma_start3A_251 = tpu.memref_slice %arg3[%dma_start3A_250] : memref<4194304xi32, #tpu.memory_space<hbm>> -> memref<4194304xi32, #tpu.memory_space<hbm>>
    tpu.enqueue_indirect_dma source(%dma_start3A_251 : memref<4194304xi32, #tpu.memory_space<hbm>>) target(%dma_start3A_246 : memref<128xi32, #tpu.memory_space<vmem>>) offsets(%dma_start3A_249 : memref<128xi32, #tpu.memory_space<vmem>>) semaphore(%arg7 : memref<!tpu.dma_semaphore, #tpu.memory_space<semaphore_mem>>)
    %dma_start3A_252 = arith.constant 25 : i32
    %dma_start3A_253 = arith.constant 25 : i32
    %dma_start3A_254 = arith.constant 0 : i32
    %dma_start3A_255 = tpu.memref_slice %arg6[%dma_start3A_253, %dma_start3A_254] : memref<64x128xi32, #tpu.memory_space<vmem>> -> memref<1x128xi32, #tpu.memory_space<vmem>>
    %dma_start3A_256 = tpu.memref_squeeze %dma_start3A_255 : memref<1x128xi32, #tpu.memory_space<vmem>> -> memref<128xi32, #tpu.memory_space<vmem>>
    %dma_start3A_257 = arith.constant 0 : i32
    %dma_start3A_258 = tpu.memref_slice %arg5[%dma_start3A_252, %dma_start3A_257] : memref<64x128xi32, #tpu.memory_space<vmem>> -> memref<1x128xi32, #tpu.memory_space<vmem>>
    %dma_start3A_259 = tpu.memref_squeeze %dma_start3A_258 : memref<1x128xi32, #tpu.memory_space<vmem>> -> memref<128xi32, #tpu.memory_space<vmem>>
    %dma_start3A_260 = arith.constant 0 : i32
    %dma_start3A_261 = tpu.memref_slice %arg3[%dma_start3A_260] : memref<4194304xi32, #tpu.memory_space<hbm>> -> memref<4194304xi32, #tpu.memory_space<hbm>>
    tpu.enqueue_indirect_dma source(%dma_start3A_261 : memref<4194304xi32, #tpu.memory_space<hbm>>) target(%dma_start3A_256 : memref<128xi32, #tpu.memory_space<vmem>>) offsets(%dma_start3A_259 : memref<128xi32, #tpu.memory_space<vmem>>) semaphore(%arg7 : memref<!tpu.dma_semaphore, #tpu.memory_space<semaphore_mem>>)
    %dma_start3A_262 = arith.constant 26 : i32
    %dma_start3A_263 = arith.constant 26 : i32
    %dma_start3A_264 = arith.constant 0 : i32
    %dma_start3A_265 = tpu.memref_slice %arg6[%dma_start3A_263, %dma_start3A_264] : memref<64x128xi32, #tpu.memory_space<vmem>> -> memref<1x128xi32, #tpu.memory_space<vmem>>
    %dma_start3A_266 = tpu.memref_squeeze %dma_start3A_265 : memref<1x128xi32, #tpu.memory_space<vmem>> -> memref<128xi32, #tpu.memory_space<vmem>>
    %dma_start3A_267 = arith.constant 0 : i32
    %dma_start3A_268 = tpu.memref_slice %arg5[%dma_start3A_262, %dma_start3A_267] : memref<64x128xi32, #tpu.memory_space<vmem>> -> memref<1x128xi32, #tpu.memory_space<vmem>>
    %dma_start3A_269 = tpu.memref_squeeze %dma_start3A_268 : memref<1x128xi32, #tpu.memory_space<vmem>> -> memref<128xi32, #tpu.memory_space<vmem>>
    %dma_start3A_270 = arith.constant 0 : i32
    %dma_start3A_271 = tpu.memref_slice %arg3[%dma_start3A_270] : memref<4194304xi32, #tpu.memory_space<hbm>> -> memref<4194304xi32, #tpu.memory_space<hbm>>
    tpu.enqueue_indirect_dma source(%dma_start3A_271 : memref<4194304xi32, #tpu.memory_space<hbm>>) target(%dma_start3A_266 : memref<128xi32, #tpu.memory_space<vmem>>) offsets(%dma_start3A_269 : memref<128xi32, #tpu.memory_space<vmem>>) semaphore(%arg7 : memref<!tpu.dma_semaphore, #tpu.memory_space<semaphore_mem>>)
    %dma_start3A_272 = arith.constant 27 : i32
    %dma_start3A_273 = arith.constant 27 : i32
    %dma_start3A_274 = arith.constant 0 : i32
    %dma_start3A_275 = tpu.memref_slice %arg6[%dma_start3A_273, %dma_start3A_274] : memref<64x128xi32, #tpu.memory_space<vmem>> -> memref<1x128xi32, #tpu.memory_space<vmem>>
    %dma_start3A_276 = tpu.memref_squeeze %dma_start3A_275 : memref<1x128xi32, #tpu.memory_space<vmem>> -> memref<128xi32, #tpu.memory_space<vmem>>
    %dma_start3A_277 = arith.constant 0 : i32
    %dma_start3A_278 = tpu.memref_slice %arg5[%dma_start3A_272, %dma_start3A_277] : memref<64x128xi32, #tpu.memory_space<vmem>> -> memref<1x128xi32, #tpu.memory_space<vmem>>
    %dma_start3A_279 = tpu.memref_squeeze %dma_start3A_278 : memref<1x128xi32, #tpu.memory_space<vmem>> -> memref<128xi32, #tpu.memory_space<vmem>>
    %dma_start3A_280 = arith.constant 0 : i32
    %dma_start3A_281 = tpu.memref_slice %arg3[%dma_start3A_280] : memref<4194304xi32, #tpu.memory_space<hbm>> -> memref<4194304xi32, #tpu.memory_space<hbm>>
    tpu.enqueue_indirect_dma source(%dma_start3A_281 : memref<4194304xi32, #tpu.memory_space<hbm>>) target(%dma_start3A_276 : memref<128xi32, #tpu.memory_space<vmem>>) offsets(%dma_start3A_279 : memref<128xi32, #tpu.memory_space<vmem>>) semaphore(%arg7 : memref<!tpu.dma_semaphore, #tpu.memory_space<semaphore_mem>>)
    %dma_start3A_282 = arith.constant 28 : i32
    %dma_start3A_283 = arith.constant 28 : i32
    %dma_start3A_284 = arith.constant 0 : i32
    %dma_start3A_285 = tpu.memref_slice %arg6[%dma_start3A_283, %dma_start3A_284] : memref<64x128xi32, #tpu.memory_space<vmem>> -> memref<1x128xi32, #tpu.memory_space<vmem>>
    %dma_start3A_286 = tpu.memref_squeeze %dma_start3A_285 : memref<1x128xi32, #tpu.memory_space<vmem>> -> memref<128xi32, #tpu.memory_space<vmem>>
    %dma_start3A_287 = arith.constant 0 : i32
    %dma_start3A_288 = tpu.memref_slice %arg5[%dma_start3A_282, %dma_start3A_287] : memref<64x128xi32, #tpu.memory_space<vmem>> -> memref<1x128xi32, #tpu.memory_space<vmem>>
    %dma_start3A_289 = tpu.memref_squeeze %dma_start3A_288 : memref<1x128xi32, #tpu.memory_space<vmem>> -> memref<128xi32, #tpu.memory_space<vmem>>
    %dma_start3A_290 = arith.constant 0 : i32
    %dma_start3A_291 = tpu.memref_slice %arg3[%dma_start3A_290] : memref<4194304xi32, #tpu.memory_space<hbm>> -> memref<4194304xi32, #tpu.memory_space<hbm>>
    tpu.enqueue_indirect_dma source(%dma_start3A_291 : memref<4194304xi32, #tpu.memory_space<hbm>>) target(%dma_start3A_286 : memref<128xi32, #tpu.memory_space<vmem>>) offsets(%dma_start3A_289 : memref<128xi32, #tpu.memory_space<vmem>>) semaphore(%arg7 : memref<!tpu.dma_semaphore, #tpu.memory_space<semaphore_mem>>)
    %dma_start3A_292 = arith.constant 29 : i32
    %dma_start3A_293 = arith.constant 29 : i32
    %dma_start3A_294 = arith.constant 0 : i32
    %dma_start3A_295 = tpu.memref_slice %arg6[%dma_start3A_293, %dma_start3A_294] : memref<64x128xi32, #tpu.memory_space<vmem>> -> memref<1x128xi32, #tpu.memory_space<vmem>>
    %dma_start3A_296 = tpu.memref_squeeze %dma_start3A_295 : memref<1x128xi32, #tpu.memory_space<vmem>> -> memref<128xi32, #tpu.memory_space<vmem>>
    %dma_start3A_297 = arith.constant 0 : i32
    %dma_start3A_298 = tpu.memref_slice %arg5[%dma_start3A_292, %dma_start3A_297] : memref<64x128xi32, #tpu.memory_space<vmem>> -> memref<1x128xi32, #tpu.memory_space<vmem>>
    %dma_start3A_299 = tpu.memref_squeeze %dma_start3A_298 : memref<1x128xi32, #tpu.memory_space<vmem>> -> memref<128xi32, #tpu.memory_space<vmem>>
    %dma_start3A_300 = arith.constant 0 : i32
    %dma_start3A_301 = tpu.memref_slice %arg3[%dma_start3A_300] : memref<4194304xi32, #tpu.memory_space<hbm>> -> memref<4194304xi32, #tpu.memory_space<hbm>>
    tpu.enqueue_indirect_dma source(%dma_start3A_301 : memref<4194304xi32, #tpu.memory_space<hbm>>) target(%dma_start3A_296 : memref<128xi32, #tpu.memory_space<vmem>>) offsets(%dma_start3A_299 : memref<128xi32, #tpu.memory_space<vmem>>) semaphore(%arg7 : memref<!tpu.dma_semaphore, #tpu.memory_space<semaphore_mem>>)
    %dma_start3A_302 = arith.constant 30 : i32
    %dma_start3A_303 = arith.constant 30 : i32
    %dma_start3A_304 = arith.constant 0 : i32
    %dma_start3A_305 = tpu.memref_slice %arg6[%dma_start3A_303, %dma_start3A_304] : memref<64x128xi32, #tpu.memory_space<vmem>> -> memref<1x128xi32, #tpu.memory_space<vmem>>
    %dma_start3A_306 = tpu.memref_squeeze %dma_start3A_305 : memref<1x128xi32, #tpu.memory_space<vmem>> -> memref<128xi32, #tpu.memory_space<vmem>>
    %dma_start3A_307 = arith.constant 0 : i32
    %dma_start3A_308 = tpu.memref_slice %arg5[%dma_start3A_302, %dma_start3A_307] : memref<64x128xi32, #tpu.memory_space<vmem>> -> memref<1x128xi32, #tpu.memory_space<vmem>>
    %dma_start3A_309 = tpu.memref_squeeze %dma_start3A_308 : memref<1x128xi32, #tpu.memory_space<vmem>> -> memref<128xi32, #tpu.memory_space<vmem>>
    %dma_start3A_310 = arith.constant 0 : i32
    %dma_start3A_311 = tpu.memref_slice %arg3[%dma_start3A_310] : memref<4194304xi32, #tpu.memory_space<hbm>> -> memref<4194304xi32, #tpu.memory_space<hbm>>
    tpu.enqueue_indirect_dma source(%dma_start3A_311 : memref<4194304xi32, #tpu.memory_space<hbm>>) target(%dma_start3A_306 : memref<128xi32, #tpu.memory_space<vmem>>) offsets(%dma_start3A_309 : memref<128xi32, #tpu.memory_space<vmem>>) semaphore(%arg7 : memref<!tpu.dma_semaphore, #tpu.memory_space<semaphore_mem>>)
    %dma_start3A_312 = arith.constant 31 : i32
    %dma_start3A_313 = arith.constant 31 : i32
    %dma_start3A_314 = arith.constant 0 : i32
    %dma_start3A_315 = tpu.memref_slice %arg6[%dma_start3A_313, %dma_start3A_314] : memref<64x128xi32, #tpu.memory_space<vmem>> -> memref<1x128xi32, #tpu.memory_space<vmem>>
    %dma_start3A_316 = tpu.memref_squeeze %dma_start3A_315 : memref<1x128xi32, #tpu.memory_space<vmem>> -> memref<128xi32, #tpu.memory_space<vmem>>
    %dma_start3A_317 = arith.constant 0 : i32
    %dma_start3A_318 = tpu.memref_slice %arg5[%dma_start3A_312, %dma_start3A_317] : memref<64x128xi32, #tpu.memory_space<vmem>> -> memref<1x128xi32, #tpu.memory_space<vmem>>
    %dma_start3A_319 = tpu.memref_squeeze %dma_start3A_318 : memref<1x128xi32, #tpu.memory_space<vmem>> -> memref<128xi32, #tpu.memory_space<vmem>>
    %dma_start3A_320 = arith.constant 0 : i32
    %dma_start3A_321 = tpu.memref_slice %arg3[%dma_start3A_320] : memref<4194304xi32, #tpu.memory_space<hbm>> -> memref<4194304xi32, #tpu.memory_space<hbm>>
    tpu.enqueue_indirect_dma source(%dma_start3A_321 : memref<4194304xi32, #tpu.memory_space<hbm>>) target(%dma_start3A_316 : memref<128xi32, #tpu.memory_space<vmem>>) offsets(%dma_start3A_319 : memref<128xi32, #tpu.memory_space<vmem>>) semaphore(%arg7 : memref<!tpu.dma_semaphore, #tpu.memory_space<semaphore_mem>>)
    %dma_start3A_322 = arith.constant 32 : i32
    %dma_start3A_323 = arith.constant 32 : i32
    %dma_start3A_324 = arith.constant 0 : i32
    %dma_start3A_325 = tpu.memref_slice %arg6[%dma_start3A_323, %dma_start3A_324] : memref<64x128xi32, #tpu.memory_space<vmem>> -> memref<1x128xi32, #tpu.memory_space<vmem>>
    %dma_start3A_326 = tpu.memref_squeeze %dma_start3A_325 : memref<1x128xi32, #tpu.memory_space<vmem>> -> memref<128xi32, #tpu.memory_space<vmem>>
    %dma_start3A_327 = arith.constant 0 : i32
    %dma_start3A_328 = tpu.memref_slice %arg5[%dma_start3A_322, %dma_start3A_327] : memref<64x128xi32, #tpu.memory_space<vmem>> -> memref<1x128xi32, #tpu.memory_space<vmem>>
    %dma_start3A_329 = tpu.memref_squeeze %dma_start3A_328 : memref<1x128xi32, #tpu.memory_space<vmem>> -> memref<128xi32, #tpu.memory_space<vmem>>
    %dma_start3A_330 = arith.constant 0 : i32
    %dma_start3A_331 = tpu.memref_slice %arg3[%dma_start3A_330] : memref<4194304xi32, #tpu.memory_space<hbm>> -> memref<4194304xi32, #tpu.memory_space<hbm>>
    tpu.enqueue_indirect_dma source(%dma_start3A_331 : memref<4194304xi32, #tpu.memory_space<hbm>>) target(%dma_start3A_326 : memref<128xi32, #tpu.memory_space<vmem>>) offsets(%dma_start3A_329 : memref<128xi32, #tpu.memory_space<vmem>>) semaphore(%arg7 : memref<!tpu.dma_semaphore, #tpu.memory_space<semaphore_mem>>)
    %dma_start3A_332 = arith.constant 33 : i32
    %dma_start3A_333 = arith.constant 33 : i32
    %dma_start3A_334 = arith.constant 0 : i32
    %dma_start3A_335 = tpu.memref_slice %arg6[%dma_start3A_333, %dma_start3A_334] : memref<64x128xi32, #tpu.memory_space<vmem>> -> memref<1x128xi32, #tpu.memory_space<vmem>>
    %dma_start3A_336 = tpu.memref_squeeze %dma_start3A_335 : memref<1x128xi32, #tpu.memory_space<vmem>> -> memref<128xi32, #tpu.memory_space<vmem>>
    %dma_start3A_337 = arith.constant 0 : i32
    %dma_start3A_338 = tpu.memref_slice %arg5[%dma_start3A_332, %dma_start3A_337] : memref<64x128xi32, #tpu.memory_space<vmem>> -> memref<1x128xi32, #tpu.memory_space<vmem>>
    %dma_start3A_339 = tpu.memref_squeeze %dma_start3A_338 : memref<1x128xi32, #tpu.memory_space<vmem>> -> memref<128xi32, #tpu.memory_space<vmem>>
    %dma_start3A_340 = arith.constant 0 : i32
    %dma_start3A_341 = tpu.memref_slice %arg3[%dma_start3A_340] : memref<4194304xi32, #tpu.memory_space<hbm>> -> memref<4194304xi32, #tpu.memory_space<hbm>>
    tpu.enqueue_indirect_dma source(%dma_start3A_341 : memref<4194304xi32, #tpu.memory_space<hbm>>) target(%dma_start3A_336 : memref<128xi32, #tpu.memory_space<vmem>>) offsets(%dma_start3A_339 : memref<128xi32, #tpu.memory_space<vmem>>) semaphore(%arg7 : memref<!tpu.dma_semaphore, #tpu.memory_space<semaphore_mem>>)
    %dma_start3A_342 = arith.constant 34 : i32
    %dma_start3A_343 = arith.constant 34 : i32
    %dma_start3A_344 = arith.constant 0 : i32
    %dma_start3A_345 = tpu.memref_slice %arg6[%dma_start3A_343, %dma_start3A_344] : memref<64x128xi32, #tpu.memory_space<vmem>> -> memref<1x128xi32, #tpu.memory_space<vmem>>
    %dma_start3A_346 = tpu.memref_squeeze %dma_start3A_345 : memref<1x128xi32, #tpu.memory_space<vmem>> -> memref<128xi32, #tpu.memory_space<vmem>>
    %dma_start3A_347 = arith.constant 0 : i32
    %dma_start3A_348 = tpu.memref_slice %arg5[%dma_start3A_342, %dma_start3A_347] : memref<64x128xi32, #tpu.memory_space<vmem>> -> memref<1x128xi32, #tpu.memory_space<vmem>>
    %dma_start3A_349 = tpu.memref_squeeze %dma_start3A_348 : memref<1x128xi32, #tpu.memory_space<vmem>> -> memref<128xi32, #tpu.memory_space<vmem>>
    %dma_start3A_350 = arith.constant 0 : i32
    %dma_start3A_351 = tpu.memref_slice %arg3[%dma_start3A_350] : memref<4194304xi32, #tpu.memory_space<hbm>> -> memref<4194304xi32, #tpu.memory_space<hbm>>
    tpu.enqueue_indirect_dma source(%dma_start3A_351 : memref<4194304xi32, #tpu.memory_space<hbm>>) target(%dma_start3A_346 : memref<128xi32, #tpu.memory_space<vmem>>) offsets(%dma_start3A_349 : memref<128xi32, #tpu.memory_space<vmem>>) semaphore(%arg7 : memref<!tpu.dma_semaphore, #tpu.memory_space<semaphore_mem>>)
    %dma_start3A_352 = arith.constant 35 : i32
    %dma_start3A_353 = arith.constant 35 : i32
    %dma_start3A_354 = arith.constant 0 : i32
    %dma_start3A_355 = tpu.memref_slice %arg6[%dma_start3A_353, %dma_start3A_354] : memref<64x128xi32, #tpu.memory_space<vmem>> -> memref<1x128xi32, #tpu.memory_space<vmem>>
    %dma_start3A_356 = tpu.memref_squeeze %dma_start3A_355 : memref<1x128xi32, #tpu.memory_space<vmem>> -> memref<128xi32, #tpu.memory_space<vmem>>
    %dma_start3A_357 = arith.constant 0 : i32
    %dma_start3A_358 = tpu.memref_slice %arg5[%dma_start3A_352, %dma_start3A_357] : memref<64x128xi32, #tpu.memory_space<vmem>> -> memref<1x128xi32, #tpu.memory_space<vmem>>
    %dma_start3A_359 = tpu.memref_squeeze %dma_start3A_358 : memref<1x128xi32, #tpu.memory_space<vmem>> -> memref<128xi32, #tpu.memory_space<vmem>>
    %dma_start3A_360 = arith.constant 0 : i32
    %dma_start3A_361 = tpu.memref_slice %arg3[%dma_start3A_360] : memref<4194304xi32, #tpu.memory_space<hbm>> -> memref<4194304xi32, #tpu.memory_space<hbm>>
    tpu.enqueue_indirect_dma source(%dma_start3A_361 : memref<4194304xi32, #tpu.memory_space<hbm>>) target(%dma_start3A_356 : memref<128xi32, #tpu.memory_space<vmem>>) offsets(%dma_start3A_359 : memref<128xi32, #tpu.memory_space<vmem>>) semaphore(%arg7 : memref<!tpu.dma_semaphore, #tpu.memory_space<semaphore_mem>>)
    %dma_start3A_362 = arith.constant 36 : i32
    %dma_start3A_363 = arith.constant 36 : i32
    %dma_start3A_364 = arith.constant 0 : i32
    %dma_start3A_365 = tpu.memref_slice %arg6[%dma_start3A_363, %dma_start3A_364] : memref<64x128xi32, #tpu.memory_space<vmem>> -> memref<1x128xi32, #tpu.memory_space<vmem>>
    %dma_start3A_366 = tpu.memref_squeeze %dma_start3A_365 : memref<1x128xi32, #tpu.memory_space<vmem>> -> memref<128xi32, #tpu.memory_space<vmem>>
    %dma_start3A_367 = arith.constant 0 : i32
    %dma_start3A_368 = tpu.memref_slice %arg5[%dma_start3A_362, %dma_start3A_367] : memref<64x128xi32, #tpu.memory_space<vmem>> -> memref<1x128xi32, #tpu.memory_space<vmem>>
    %dma_start3A_369 = tpu.memref_squeeze %dma_start3A_368 : memref<1x128xi32, #tpu.memory_space<vmem>> -> memref<128xi32, #tpu.memory_space<vmem>>
    %dma_start3A_370 = arith.constant 0 : i32
    %dma_start3A_371 = tpu.memref_slice %arg3[%dma_start3A_370] : memref<4194304xi32, #tpu.memory_space<hbm>> -> memref<4194304xi32, #tpu.memory_space<hbm>>
    tpu.enqueue_indirect_dma source(%dma_start3A_371 : memref<4194304xi32, #tpu.memory_space<hbm>>) target(%dma_start3A_366 : memref<128xi32, #tpu.memory_space<vmem>>) offsets(%dma_start3A_369 : memref<128xi32, #tpu.memory_space<vmem>>) semaphore(%arg7 : memref<!tpu.dma_semaphore, #tpu.memory_space<semaphore_mem>>)
    %dma_start3A_372 = arith.constant 37 : i32
    %dma_start3A_373 = arith.constant 37 : i32
    %dma_start3A_374 = arith.constant 0 : i32
    %dma_start3A_375 = tpu.memref_slice %arg6[%dma_start3A_373, %dma_start3A_374] : memref<64x128xi32, #tpu.memory_space<vmem>> -> memref<1x128xi32, #tpu.memory_space<vmem>>
    %dma_start3A_376 = tpu.memref_squeeze %dma_start3A_375 : memref<1x128xi32, #tpu.memory_space<vmem>> -> memref<128xi32, #tpu.memory_space<vmem>>
    %dma_start3A_377 = arith.constant 0 : i32
    %dma_start3A_378 = tpu.memref_slice %arg5[%dma_start3A_372, %dma_start3A_377] : memref<64x128xi32, #tpu.memory_space<vmem>> -> memref<1x128xi32, #tpu.memory_space<vmem>>
    %dma_start3A_379 = tpu.memref_squeeze %dma_start3A_378 : memref<1x128xi32, #tpu.memory_space<vmem>> -> memref<128xi32, #tpu.memory_space<vmem>>
    %dma_start3A_380 = arith.constant 0 : i32
    %dma_start3A_381 = tpu.memref_slice %arg3[%dma_start3A_380] : memref<4194304xi32, #tpu.memory_space<hbm>> -> memref<4194304xi32, #tpu.memory_space<hbm>>
    tpu.enqueue_indirect_dma source(%dma_start3A_381 : memref<4194304xi32, #tpu.memory_space<hbm>>) target(%dma_start3A_376 : memref<128xi32, #tpu.memory_space<vmem>>) offsets(%dma_start3A_379 : memref<128xi32, #tpu.memory_space<vmem>>) semaphore(%arg7 : memref<!tpu.dma_semaphore, #tpu.memory_space<semaphore_mem>>)
    %dma_start3A_382 = arith.constant 38 : i32
    %dma_start3A_383 = arith.constant 38 : i32
    %dma_start3A_384 = arith.constant 0 : i32
    %dma_start3A_385 = tpu.memref_slice %arg6[%dma_start3A_383, %dma_start3A_384] : memref<64x128xi32, #tpu.memory_space<vmem>> -> memref<1x128xi32, #tpu.memory_space<vmem>>
    %dma_start3A_386 = tpu.memref_squeeze %dma_start3A_385 : memref<1x128xi32, #tpu.memory_space<vmem>> -> memref<128xi32, #tpu.memory_space<vmem>>
    %dma_start3A_387 = arith.constant 0 : i32
    %dma_start3A_388 = tpu.memref_slice %arg5[%dma_start3A_382, %dma_start3A_387] : memref<64x128xi32, #tpu.memory_space<vmem>> -> memref<1x128xi32, #tpu.memory_space<vmem>>
    %dma_start3A_389 = tpu.memref_squeeze %dma_start3A_388 : memref<1x128xi32, #tpu.memory_space<vmem>> -> memref<128xi32, #tpu.memory_space<vmem>>
    %dma_start3A_390 = arith.constant 0 : i32
    %dma_start3A_391 = tpu.memref_slice %arg3[%dma_start3A_390] : memref<4194304xi32, #tpu.memory_space<hbm>> -> memref<4194304xi32, #tpu.memory_space<hbm>>
    tpu.enqueue_indirect_dma source(%dma_start3A_391 : memref<4194304xi32, #tpu.memory_space<hbm>>) target(%dma_start3A_386 : memref<128xi32, #tpu.memory_space<vmem>>) offsets(%dma_start3A_389 : memref<128xi32, #tpu.memory_space<vmem>>) semaphore(%arg7 : memref<!tpu.dma_semaphore, #tpu.memory_space<semaphore_mem>>)
    %dma_start3A_392 = arith.constant 39 : i32
    %dma_start3A_393 = arith.constant 39 : i32
    %dma_start3A_394 = arith.constant 0 : i32
    %dma_start3A_395 = tpu.memref_slice %arg6[%dma_start3A_393, %dma_start3A_394] : memref<64x128xi32, #tpu.memory_space<vmem>> -> memref<1x128xi32, #tpu.memory_space<vmem>>
    %dma_start3A_396 = tpu.memref_squeeze %dma_start3A_395 : memref<1x128xi32, #tpu.memory_space<vmem>> -> memref<128xi32, #tpu.memory_space<vmem>>
    %dma_start3A_397 = arith.constant 0 : i32
    %dma_start3A_398 = tpu.memref_slice %arg5[%dma_start3A_392, %dma_start3A_397] : memref<64x128xi32, #tpu.memory_space<vmem>> -> memref<1x128xi32, #tpu.memory_space<vmem>>
    %dma_start3A_399 = tpu.memref_squeeze %dma_start3A_398 : memref<1x128xi32, #tpu.memory_space<vmem>> -> memref<128xi32, #tpu.memory_space<vmem>>
    %dma_start3A_400 = arith.constant 0 : i32
    %dma_start3A_401 = tpu.memref_slice %arg3[%dma_start3A_400] : memref<4194304xi32, #tpu.memory_space<hbm>> -> memref<4194304xi32, #tpu.memory_space<hbm>>
    tpu.enqueue_indirect_dma source(%dma_start3A_401 : memref<4194304xi32, #tpu.memory_space<hbm>>) target(%dma_start3A_396 : memref<128xi32, #tpu.memory_space<vmem>>) offsets(%dma_start3A_399 : memref<128xi32, #tpu.memory_space<vmem>>) semaphore(%arg7 : memref<!tpu.dma_semaphore, #tpu.memory_space<semaphore_mem>>)
    %dma_start3A_402 = arith.constant 40 : i32
    %dma_start3A_403 = arith.constant 40 : i32
    %dma_start3A_404 = arith.constant 0 : i32
    %dma_start3A_405 = tpu.memref_slice %arg6[%dma_start3A_403, %dma_start3A_404] : memref<64x128xi32, #tpu.memory_space<vmem>> -> memref<1x128xi32, #tpu.memory_space<vmem>>
    %dma_start3A_406 = tpu.memref_squeeze %dma_start3A_405 : memref<1x128xi32, #tpu.memory_space<vmem>> -> memref<128xi32, #tpu.memory_space<vmem>>
    %dma_start3A_407 = arith.constant 0 : i32
    %dma_start3A_408 = tpu.memref_slice %arg5[%dma_start3A_402, %dma_start3A_407] : memref<64x128xi32, #tpu.memory_space<vmem>> -> memref<1x128xi32, #tpu.memory_space<vmem>>
    %dma_start3A_409 = tpu.memref_squeeze %dma_start3A_408 : memref<1x128xi32, #tpu.memory_space<vmem>> -> memref<128xi32, #tpu.memory_space<vmem>>
    %dma_start3A_410 = arith.constant 0 : i32
    %dma_start3A_411 = tpu.memref_slice %arg3[%dma_start3A_410] : memref<4194304xi32, #tpu.memory_space<hbm>> -> memref<4194304xi32, #tpu.memory_space<hbm>>
    tpu.enqueue_indirect_dma source(%dma_start3A_411 : memref<4194304xi32, #tpu.memory_space<hbm>>) target(%dma_start3A_406 : memref<128xi32, #tpu.memory_space<vmem>>) offsets(%dma_start3A_409 : memref<128xi32, #tpu.memory_space<vmem>>) semaphore(%arg7 : memref<!tpu.dma_semaphore, #tpu.memory_space<semaphore_mem>>)
    %dma_start3A_412 = arith.constant 41 : i32
    %dma_start3A_413 = arith.constant 41 : i32
    %dma_start3A_414 = arith.constant 0 : i32
    %dma_start3A_415 = tpu.memref_slice %arg6[%dma_start3A_413, %dma_start3A_414] : memref<64x128xi32, #tpu.memory_space<vmem>> -> memref<1x128xi32, #tpu.memory_space<vmem>>
    %dma_start3A_416 = tpu.memref_squeeze %dma_start3A_415 : memref<1x128xi32, #tpu.memory_space<vmem>> -> memref<128xi32, #tpu.memory_space<vmem>>
    %dma_start3A_417 = arith.constant 0 : i32
    %dma_start3A_418 = tpu.memref_slice %arg5[%dma_start3A_412, %dma_start3A_417] : memref<64x128xi32, #tpu.memory_space<vmem>> -> memref<1x128xi32, #tpu.memory_space<vmem>>
    %dma_start3A_419 = tpu.memref_squeeze %dma_start3A_418 : memref<1x128xi32, #tpu.memory_space<vmem>> -> memref<128xi32, #tpu.memory_space<vmem>>
    %dma_start3A_420 = arith.constant 0 : i32
    %dma_start3A_421 = tpu.memref_slice %arg3[%dma_start3A_420] : memref<4194304xi32, #tpu.memory_space<hbm>> -> memref<4194304xi32, #tpu.memory_space<hbm>>
    tpu.enqueue_indirect_dma source(%dma_start3A_421 : memref<4194304xi32, #tpu.memory_space<hbm>>) target(%dma_start3A_416 : memref<128xi32, #tpu.memory_space<vmem>>) offsets(%dma_start3A_419 : memref<128xi32, #tpu.memory_space<vmem>>) semaphore(%arg7 : memref<!tpu.dma_semaphore, #tpu.memory_space<semaphore_mem>>)
    %dma_start3A_422 = arith.constant 42 : i32
    %dma_start3A_423 = arith.constant 42 : i32
    %dma_start3A_424 = arith.constant 0 : i32
    %dma_start3A_425 = tpu.memref_slice %arg6[%dma_start3A_423, %dma_start3A_424] : memref<64x128xi32, #tpu.memory_space<vmem>> -> memref<1x128xi32, #tpu.memory_space<vmem>>
    %dma_start3A_426 = tpu.memref_squeeze %dma_start3A_425 : memref<1x128xi32, #tpu.memory_space<vmem>> -> memref<128xi32, #tpu.memory_space<vmem>>
    %dma_start3A_427 = arith.constant 0 : i32
    %dma_start3A_428 = tpu.memref_slice %arg5[%dma_start3A_422, %dma_start3A_427] : memref<64x128xi32, #tpu.memory_space<vmem>> -> memref<1x128xi32, #tpu.memory_space<vmem>>
    %dma_start3A_429 = tpu.memref_squeeze %dma_start3A_428 : memref<1x128xi32, #tpu.memory_space<vmem>> -> memref<128xi32, #tpu.memory_space<vmem>>
    %dma_start3A_430 = arith.constant 0 : i32
    %dma_start3A_431 = tpu.memref_slice %arg3[%dma_start3A_430] : memref<4194304xi32, #tpu.memory_space<hbm>> -> memref<4194304xi32, #tpu.memory_space<hbm>>
    tpu.enqueue_indirect_dma source(%dma_start3A_431 : memref<4194304xi32, #tpu.memory_space<hbm>>) target(%dma_start3A_426 : memref<128xi32, #tpu.memory_space<vmem>>) offsets(%dma_start3A_429 : memref<128xi32, #tpu.memory_space<vmem>>) semaphore(%arg7 : memref<!tpu.dma_semaphore, #tpu.memory_space<semaphore_mem>>)
    %dma_start3A_432 = arith.constant 43 : i32
    %dma_start3A_433 = arith.constant 43 : i32
    %dma_start3A_434 = arith.constant 0 : i32
    %dma_start3A_435 = tpu.memref_slice %arg6[%dma_start3A_433, %dma_start3A_434] : memref<64x128xi32, #tpu.memory_space<vmem>> -> memref<1x128xi32, #tpu.memory_space<vmem>>
    %dma_start3A_436 = tpu.memref_squeeze %dma_start3A_435 : memref<1x128xi32, #tpu.memory_space<vmem>> -> memref<128xi32, #tpu.memory_space<vmem>>
    %dma_start3A_437 = arith.constant 0 : i32
    %dma_start3A_438 = tpu.memref_slice %arg5[%dma_start3A_432, %dma_start3A_437] : memref<64x128xi32, #tpu.memory_space<vmem>> -> memref<1x128xi32, #tpu.memory_space<vmem>>
    %dma_start3A_439 = tpu.memref_squeeze %dma_start3A_438 : memref<1x128xi32, #tpu.memory_space<vmem>> -> memref<128xi32, #tpu.memory_space<vmem>>
    %dma_start3A_440 = arith.constant 0 : i32
    %dma_start3A_441 = tpu.memref_slice %arg3[%dma_start3A_440] : memref<4194304xi32, #tpu.memory_space<hbm>> -> memref<4194304xi32, #tpu.memory_space<hbm>>
    tpu.enqueue_indirect_dma source(%dma_start3A_441 : memref<4194304xi32, #tpu.memory_space<hbm>>) target(%dma_start3A_436 : memref<128xi32, #tpu.memory_space<vmem>>) offsets(%dma_start3A_439 : memref<128xi32, #tpu.memory_space<vmem>>) semaphore(%arg7 : memref<!tpu.dma_semaphore, #tpu.memory_space<semaphore_mem>>)
    %dma_start3A_442 = arith.constant 44 : i32
    %dma_start3A_443 = arith.constant 44 : i32
    %dma_start3A_444 = arith.constant 0 : i32
    %dma_start3A_445 = tpu.memref_slice %arg6[%dma_start3A_443, %dma_start3A_444] : memref<64x128xi32, #tpu.memory_space<vmem>> -> memref<1x128xi32, #tpu.memory_space<vmem>>
    %dma_start3A_446 = tpu.memref_squeeze %dma_start3A_445 : memref<1x128xi32, #tpu.memory_space<vmem>> -> memref<128xi32, #tpu.memory_space<vmem>>
    %dma_start3A_447 = arith.constant 0 : i32
    %dma_start3A_448 = tpu.memref_slice %arg5[%dma_start3A_442, %dma_start3A_447] : memref<64x128xi32, #tpu.memory_space<vmem>> -> memref<1x128xi32, #tpu.memory_space<vmem>>
    %dma_start3A_449 = tpu.memref_squeeze %dma_start3A_448 : memref<1x128xi32, #tpu.memory_space<vmem>> -> memref<128xi32, #tpu.memory_space<vmem>>
    %dma_start3A_450 = arith.constant 0 : i32
    %dma_start3A_451 = tpu.memref_slice %arg3[%dma_start3A_450] : memref<4194304xi32, #tpu.memory_space<hbm>> -> memref<4194304xi32, #tpu.memory_space<hbm>>
    tpu.enqueue_indirect_dma source(%dma_start3A_451 : memref<4194304xi32, #tpu.memory_space<hbm>>) target(%dma_start3A_446 : memref<128xi32, #tpu.memory_space<vmem>>) offsets(%dma_start3A_449 : memref<128xi32, #tpu.memory_space<vmem>>) semaphore(%arg7 : memref<!tpu.dma_semaphore, #tpu.memory_space<semaphore_mem>>)
    %dma_start3A_452 = arith.constant 45 : i32
    %dma_start3A_453 = arith.constant 45 : i32
    %dma_start3A_454 = arith.constant 0 : i32
    %dma_start3A_455 = tpu.memref_slice %arg6[%dma_start3A_453, %dma_start3A_454] : memref<64x128xi32, #tpu.memory_space<vmem>> -> memref<1x128xi32, #tpu.memory_space<vmem>>
    %dma_start3A_456 = tpu.memref_squeeze %dma_start3A_455 : memref<1x128xi32, #tpu.memory_space<vmem>> -> memref<128xi32, #tpu.memory_space<vmem>>
    %dma_start3A_457 = arith.constant 0 : i32
    %dma_start3A_458 = tpu.memref_slice %arg5[%dma_start3A_452, %dma_start3A_457] : memref<64x128xi32, #tpu.memory_space<vmem>> -> memref<1x128xi32, #tpu.memory_space<vmem>>
    %dma_start3A_459 = tpu.memref_squeeze %dma_start3A_458 : memref<1x128xi32, #tpu.memory_space<vmem>> -> memref<128xi32, #tpu.memory_space<vmem>>
    %dma_start3A_460 = arith.constant 0 : i32
    %dma_start3A_461 = tpu.memref_slice %arg3[%dma_start3A_460] : memref<4194304xi32, #tpu.memory_space<hbm>> -> memref<4194304xi32, #tpu.memory_space<hbm>>
    tpu.enqueue_indirect_dma source(%dma_start3A_461 : memref<4194304xi32, #tpu.memory_space<hbm>>) target(%dma_start3A_456 : memref<128xi32, #tpu.memory_space<vmem>>) offsets(%dma_start3A_459 : memref<128xi32, #tpu.memory_space<vmem>>) semaphore(%arg7 : memref<!tpu.dma_semaphore, #tpu.memory_space<semaphore_mem>>)
    %dma_start3A_462 = arith.constant 46 : i32
    %dma_start3A_463 = arith.constant 46 : i32
    %dma_start3A_464 = arith.constant 0 : i32
    %dma_start3A_465 = tpu.memref_slice %arg6[%dma_start3A_463, %dma_start3A_464] : memref<64x128xi32, #tpu.memory_space<vmem>> -> memref<1x128xi32, #tpu.memory_space<vmem>>
    %dma_start3A_466 = tpu.memref_squeeze %dma_start3A_465 : memref<1x128xi32, #tpu.memory_space<vmem>> -> memref<128xi32, #tpu.memory_space<vmem>>
    %dma_start3A_467 = arith.constant 0 : i32
    %dma_start3A_468 = tpu.memref_slice %arg5[%dma_start3A_462, %dma_start3A_467] : memref<64x128xi32, #tpu.memory_space<vmem>> -> memref<1x128xi32, #tpu.memory_space<vmem>>
    %dma_start3A_469 = tpu.memref_squeeze %dma_start3A_468 : memref<1x128xi32, #tpu.memory_space<vmem>> -> memref<128xi32, #tpu.memory_space<vmem>>
    %dma_start3A_470 = arith.constant 0 : i32
    %dma_start3A_471 = tpu.memref_slice %arg3[%dma_start3A_470] : memref<4194304xi32, #tpu.memory_space<hbm>> -> memref<4194304xi32, #tpu.memory_space<hbm>>
    tpu.enqueue_indirect_dma source(%dma_start3A_471 : memref<4194304xi32, #tpu.memory_space<hbm>>) target(%dma_start3A_466 : memref<128xi32, #tpu.memory_space<vmem>>) offsets(%dma_start3A_469 : memref<128xi32, #tpu.memory_space<vmem>>) semaphore(%arg7 : memref<!tpu.dma_semaphore, #tpu.memory_space<semaphore_mem>>)
    %dma_start3A_472 = arith.constant 47 : i32
    %dma_start3A_473 = arith.constant 47 : i32
    %dma_start3A_474 = arith.constant 0 : i32
    %dma_start3A_475 = tpu.memref_slice %arg6[%dma_start3A_473, %dma_start3A_474] : memref<64x128xi32, #tpu.memory_space<vmem>> -> memref<1x128xi32, #tpu.memory_space<vmem>>
    %dma_start3A_476 = tpu.memref_squeeze %dma_start3A_475 : memref<1x128xi32, #tpu.memory_space<vmem>> -> memref<128xi32, #tpu.memory_space<vmem>>
    %dma_start3A_477 = arith.constant 0 : i32
    %dma_start3A_478 = tpu.memref_slice %arg5[%dma_start3A_472, %dma_start3A_477] : memref<64x128xi32, #tpu.memory_space<vmem>> -> memref<1x128xi32, #tpu.memory_space<vmem>>
    %dma_start3A_479 = tpu.memref_squeeze %dma_start3A_478 : memref<1x128xi32, #tpu.memory_space<vmem>> -> memref<128xi32, #tpu.memory_space<vmem>>
    %dma_start3A_480 = arith.constant 0 : i32
    %dma_start3A_481 = tpu.memref_slice %arg3[%dma_start3A_480] : memref<4194304xi32, #tpu.memory_space<hbm>> -> memref<4194304xi32, #tpu.memory_space<hbm>>
    tpu.enqueue_indirect_dma source(%dma_start3A_481 : memref<4194304xi32, #tpu.memory_space<hbm>>) target(%dma_start3A_476 : memref<128xi32, #tpu.memory_space<vmem>>) offsets(%dma_start3A_479 : memref<128xi32, #tpu.memory_space<vmem>>) semaphore(%arg7 : memref<!tpu.dma_semaphore, #tpu.memory_space<semaphore_mem>>)
    %dma_start3A_482 = arith.constant 48 : i32
    %dma_start3A_483 = arith.constant 48 : i32
    %dma_start3A_484 = arith.constant 0 : i32
    %dma_start3A_485 = tpu.memref_slice %arg6[%dma_start3A_483, %dma_start3A_484] : memref<64x128xi32, #tpu.memory_space<vmem>> -> memref<1x128xi32, #tpu.memory_space<vmem>>
    %dma_start3A_486 = tpu.memref_squeeze %dma_start3A_485 : memref<1x128xi32, #tpu.memory_space<vmem>> -> memref<128xi32, #tpu.memory_space<vmem>>
    %dma_start3A_487 = arith.constant 0 : i32
    %dma_start3A_488 = tpu.memref_slice %arg5[%dma_start3A_482, %dma_start3A_487] : memref<64x128xi32, #tpu.memory_space<vmem>> -> memref<1x128xi32, #tpu.memory_space<vmem>>
    %dma_start3A_489 = tpu.memref_squeeze %dma_start3A_488 : memref<1x128xi32, #tpu.memory_space<vmem>> -> memref<128xi32, #tpu.memory_space<vmem>>
    %dma_start3A_490 = arith.constant 0 : i32
    %dma_start3A_491 = tpu.memref_slice %arg3[%dma_start3A_490] : memref<4194304xi32, #tpu.memory_space<hbm>> -> memref<4194304xi32, #tpu.memory_space<hbm>>
    tpu.enqueue_indirect_dma source(%dma_start3A_491 : memref<4194304xi32, #tpu.memory_space<hbm>>) target(%dma_start3A_486 : memref<128xi32, #tpu.memory_space<vmem>>) offsets(%dma_start3A_489 : memref<128xi32, #tpu.memory_space<vmem>>) semaphore(%arg7 : memref<!tpu.dma_semaphore, #tpu.memory_space<semaphore_mem>>)
    %dma_start3A_492 = arith.constant 49 : i32
    %dma_start3A_493 = arith.constant 49 : i32
    %dma_start3A_494 = arith.constant 0 : i32
    %dma_start3A_495 = tpu.memref_slice %arg6[%dma_start3A_493, %dma_start3A_494] : memref<64x128xi32, #tpu.memory_space<vmem>> -> memref<1x128xi32, #tpu.memory_space<vmem>>
    %dma_start3A_496 = tpu.memref_squeeze %dma_start3A_495 : memref<1x128xi32, #tpu.memory_space<vmem>> -> memref<128xi32, #tpu.memory_space<vmem>>
    %dma_start3A_497 = arith.constant 0 : i32
    %dma_start3A_498 = tpu.memref_slice %arg5[%dma_start3A_492, %dma_start3A_497] : memref<64x128xi32, #tpu.memory_space<vmem>> -> memref<1x128xi32, #tpu.memory_space<vmem>>
    %dma_start3A_499 = tpu.memref_squeeze %dma_start3A_498 : memref<1x128xi32, #tpu.memory_space<vmem>> -> memref<128xi32, #tpu.memory_space<vmem>>
    %dma_start3A_500 = arith.constant 0 : i32
    %dma_start3A_501 = tpu.memref_slice %arg3[%dma_start3A_500] : memref<4194304xi32, #tpu.memory_space<hbm>> -> memref<4194304xi32, #tpu.memory_space<hbm>>
    tpu.enqueue_indirect_dma source(%dma_start3A_501 : memref<4194304xi32, #tpu.memory_space<hbm>>) target(%dma_start3A_496 : memref<128xi32, #tpu.memory_space<vmem>>) offsets(%dma_start3A_499 : memref<128xi32, #tpu.memory_space<vmem>>) semaphore(%arg7 : memref<!tpu.dma_semaphore, #tpu.memory_space<semaphore_mem>>)
    %dma_start3A_502 = arith.constant 50 : i32
    %dma_start3A_503 = arith.constant 50 : i32
    %dma_start3A_504 = arith.constant 0 : i32
    %dma_start3A_505 = tpu.memref_slice %arg6[%dma_start3A_503, %dma_start3A_504] : memref<64x128xi32, #tpu.memory_space<vmem>> -> memref<1x128xi32, #tpu.memory_space<vmem>>
    %dma_start3A_506 = tpu.memref_squeeze %dma_start3A_505 : memref<1x128xi32, #tpu.memory_space<vmem>> -> memref<128xi32, #tpu.memory_space<vmem>>
    %dma_start3A_507 = arith.constant 0 : i32
    %dma_start3A_508 = tpu.memref_slice %arg5[%dma_start3A_502, %dma_start3A_507] : memref<64x128xi32, #tpu.memory_space<vmem>> -> memref<1x128xi32, #tpu.memory_space<vmem>>
    %dma_start3A_509 = tpu.memref_squeeze %dma_start3A_508 : memref<1x128xi32, #tpu.memory_space<vmem>> -> memref<128xi32, #tpu.memory_space<vmem>>
    %dma_start3A_510 = arith.constant 0 : i32
    %dma_start3A_511 = tpu.memref_slice %arg3[%dma_start3A_510] : memref<4194304xi32, #tpu.memory_space<hbm>> -> memref<4194304xi32, #tpu.memory_space<hbm>>
    tpu.enqueue_indirect_dma source(%dma_start3A_511 : memref<4194304xi32, #tpu.memory_space<hbm>>) target(%dma_start3A_506 : memref<128xi32, #tpu.memory_space<vmem>>) offsets(%dma_start3A_509 : memref<128xi32, #tpu.memory_space<vmem>>) semaphore(%arg7 : memref<!tpu.dma_semaphore, #tpu.memory_space<semaphore_mem>>)
    %dma_start3A_512 = arith.constant 51 : i32
    %dma_start3A_513 = arith.constant 51 : i32
    %dma_start3A_514 = arith.constant 0 : i32
    %dma_start3A_515 = tpu.memref_slice %arg6[%dma_start3A_513, %dma_start3A_514] : memref<64x128xi32, #tpu.memory_space<vmem>> -> memref<1x128xi32, #tpu.memory_space<vmem>>
    %dma_start3A_516 = tpu.memref_squeeze %dma_start3A_515 : memref<1x128xi32, #tpu.memory_space<vmem>> -> memref<128xi32, #tpu.memory_space<vmem>>
    %dma_start3A_517 = arith.constant 0 : i32
    %dma_start3A_518 = tpu.memref_slice %arg5[%dma_start3A_512, %dma_start3A_517] : memref<64x128xi32, #tpu.memory_space<vmem>> -> memref<1x128xi32, #tpu.memory_space<vmem>>
    %dma_start3A_519 = tpu.memref_squeeze %dma_start3A_518 : memref<1x128xi32, #tpu.memory_space<vmem>> -> memref<128xi32, #tpu.memory_space<vmem>>
    %dma_start3A_520 = arith.constant 0 : i32
    %dma_start3A_521 = tpu.memref_slice %arg3[%dma_start3A_520] : memref<4194304xi32, #tpu.memory_space<hbm>> -> memref<4194304xi32, #tpu.memory_space<hbm>>
    tpu.enqueue_indirect_dma source(%dma_start3A_521 : memref<4194304xi32, #tpu.memory_space<hbm>>) target(%dma_start3A_516 : memref<128xi32, #tpu.memory_space<vmem>>) offsets(%dma_start3A_519 : memref<128xi32, #tpu.memory_space<vmem>>) semaphore(%arg7 : memref<!tpu.dma_semaphore, #tpu.memory_space<semaphore_mem>>)
    %dma_start3A_522 = arith.constant 52 : i32
    %dma_start3A_523 = arith.constant 52 : i32
    %dma_start3A_524 = arith.constant 0 : i32
    %dma_start3A_525 = tpu.memref_slice %arg6[%dma_start3A_523, %dma_start3A_524] : memref<64x128xi32, #tpu.memory_space<vmem>> -> memref<1x128xi32, #tpu.memory_space<vmem>>
    %dma_start3A_526 = tpu.memref_squeeze %dma_start3A_525 : memref<1x128xi32, #tpu.memory_space<vmem>> -> memref<128xi32, #tpu.memory_space<vmem>>
    %dma_start3A_527 = arith.constant 0 : i32
    %dma_start3A_528 = tpu.memref_slice %arg5[%dma_start3A_522, %dma_start3A_527] : memref<64x128xi32, #tpu.memory_space<vmem>> -> memref<1x128xi32, #tpu.memory_space<vmem>>
    %dma_start3A_529 = tpu.memref_squeeze %dma_start3A_528 : memref<1x128xi32, #tpu.memory_space<vmem>> -> memref<128xi32, #tpu.memory_space<vmem>>
    %dma_start3A_530 = arith.constant 0 : i32
    %dma_start3A_531 = tpu.memref_slice %arg3[%dma_start3A_530] : memref<4194304xi32, #tpu.memory_space<hbm>> -> memref<4194304xi32, #tpu.memory_space<hbm>>
    tpu.enqueue_indirect_dma source(%dma_start3A_531 : memref<4194304xi32, #tpu.memory_space<hbm>>) target(%dma_start3A_526 : memref<128xi32, #tpu.memory_space<vmem>>) offsets(%dma_start3A_529 : memref<128xi32, #tpu.memory_space<vmem>>) semaphore(%arg7 : memref<!tpu.dma_semaphore, #tpu.memory_space<semaphore_mem>>)
    %dma_start3A_532 = arith.constant 53 : i32
    %dma_start3A_533 = arith.constant 53 : i32
    %dma_start3A_534 = arith.constant 0 : i32
    %dma_start3A_535 = tpu.memref_slice %arg6[%dma_start3A_533, %dma_start3A_534] : memref<64x128xi32, #tpu.memory_space<vmem>> -> memref<1x128xi32, #tpu.memory_space<vmem>>
    %dma_start3A_536 = tpu.memref_squeeze %dma_start3A_535 : memref<1x128xi32, #tpu.memory_space<vmem>> -> memref<128xi32, #tpu.memory_space<vmem>>
    %dma_start3A_537 = arith.constant 0 : i32
    %dma_start3A_538 = tpu.memref_slice %arg5[%dma_start3A_532, %dma_start3A_537] : memref<64x128xi32, #tpu.memory_space<vmem>> -> memref<1x128xi32, #tpu.memory_space<vmem>>
    %dma_start3A_539 = tpu.memref_squeeze %dma_start3A_538 : memref<1x128xi32, #tpu.memory_space<vmem>> -> memref<128xi32, #tpu.memory_space<vmem>>
    %dma_start3A_540 = arith.constant 0 : i32
    %dma_start3A_541 = tpu.memref_slice %arg3[%dma_start3A_540] : memref<4194304xi32, #tpu.memory_space<hbm>> -> memref<4194304xi32, #tpu.memory_space<hbm>>
    tpu.enqueue_indirect_dma source(%dma_start3A_541 : memref<4194304xi32, #tpu.memory_space<hbm>>) target(%dma_start3A_536 : memref<128xi32, #tpu.memory_space<vmem>>) offsets(%dma_start3A_539 : memref<128xi32, #tpu.memory_space<vmem>>) semaphore(%arg7 : memref<!tpu.dma_semaphore, #tpu.memory_space<semaphore_mem>>)
    %dma_start3A_542 = arith.constant 54 : i32
    %dma_start3A_543 = arith.constant 54 : i32
    %dma_start3A_544 = arith.constant 0 : i32
    %dma_start3A_545 = tpu.memref_slice %arg6[%dma_start3A_543, %dma_start3A_544] : memref<64x128xi32, #tpu.memory_space<vmem>> -> memref<1x128xi32, #tpu.memory_space<vmem>>
    %dma_start3A_546 = tpu.memref_squeeze %dma_start3A_545 : memref<1x128xi32, #tpu.memory_space<vmem>> -> memref<128xi32, #tpu.memory_space<vmem>>
    %dma_start3A_547 = arith.constant 0 : i32
    %dma_start3A_548 = tpu.memref_slice %arg5[%dma_start3A_542, %dma_start3A_547] : memref<64x128xi32, #tpu.memory_space<vmem>> -> memref<1x128xi32, #tpu.memory_space<vmem>>
    %dma_start3A_549 = tpu.memref_squeeze %dma_start3A_548 : memref<1x128xi32, #tpu.memory_space<vmem>> -> memref<128xi32, #tpu.memory_space<vmem>>
    %dma_start3A_550 = arith.constant 0 : i32
    %dma_start3A_551 = tpu.memref_slice %arg3[%dma_start3A_550] : memref<4194304xi32, #tpu.memory_space<hbm>> -> memref<4194304xi32, #tpu.memory_space<hbm>>
    tpu.enqueue_indirect_dma source(%dma_start3A_551 : memref<4194304xi32, #tpu.memory_space<hbm>>) target(%dma_start3A_546 : memref<128xi32, #tpu.memory_space<vmem>>) offsets(%dma_start3A_549 : memref<128xi32, #tpu.memory_space<vmem>>) semaphore(%arg7 : memref<!tpu.dma_semaphore, #tpu.memory_space<semaphore_mem>>)
    %dma_start3A_552 = arith.constant 55 : i32
    %dma_start3A_553 = arith.constant 55 : i32
    %dma_start3A_554 = arith.constant 0 : i32
    %dma_start3A_555 = tpu.memref_slice %arg6[%dma_start3A_553, %dma_start3A_554] : memref<64x128xi32, #tpu.memory_space<vmem>> -> memref<1x128xi32, #tpu.memory_space<vmem>>
    %dma_start3A_556 = tpu.memref_squeeze %dma_start3A_555 : memref<1x128xi32, #tpu.memory_space<vmem>> -> memref<128xi32, #tpu.memory_space<vmem>>
    %dma_start3A_557 = arith.constant 0 : i32
    %dma_start3A_558 = tpu.memref_slice %arg5[%dma_start3A_552, %dma_start3A_557] : memref<64x128xi32, #tpu.memory_space<vmem>> -> memref<1x128xi32, #tpu.memory_space<vmem>>
    %dma_start3A_559 = tpu.memref_squeeze %dma_start3A_558 : memref<1x128xi32, #tpu.memory_space<vmem>> -> memref<128xi32, #tpu.memory_space<vmem>>
    %dma_start3A_560 = arith.constant 0 : i32
    %dma_start3A_561 = tpu.memref_slice %arg3[%dma_start3A_560] : memref<4194304xi32, #tpu.memory_space<hbm>> -> memref<4194304xi32, #tpu.memory_space<hbm>>
    tpu.enqueue_indirect_dma source(%dma_start3A_561 : memref<4194304xi32, #tpu.memory_space<hbm>>) target(%dma_start3A_556 : memref<128xi32, #tpu.memory_space<vmem>>) offsets(%dma_start3A_559 : memref<128xi32, #tpu.memory_space<vmem>>) semaphore(%arg7 : memref<!tpu.dma_semaphore, #tpu.memory_space<semaphore_mem>>)
    %dma_start3A_562 = arith.constant 56 : i32
    %dma_start3A_563 = arith.constant 56 : i32
    %dma_start3A_564 = arith.constant 0 : i32
    %dma_start3A_565 = tpu.memref_slice %arg6[%dma_start3A_563, %dma_start3A_564] : memref<64x128xi32, #tpu.memory_space<vmem>> -> memref<1x128xi32, #tpu.memory_space<vmem>>
    %dma_start3A_566 = tpu.memref_squeeze %dma_start3A_565 : memref<1x128xi32, #tpu.memory_space<vmem>> -> memref<128xi32, #tpu.memory_space<vmem>>
    %dma_start3A_567 = arith.constant 0 : i32
    %dma_start3A_568 = tpu.memref_slice %arg5[%dma_start3A_562, %dma_start3A_567] : memref<64x128xi32, #tpu.memory_space<vmem>> -> memref<1x128xi32, #tpu.memory_space<vmem>>
    %dma_start3A_569 = tpu.memref_squeeze %dma_start3A_568 : memref<1x128xi32, #tpu.memory_space<vmem>> -> memref<128xi32, #tpu.memory_space<vmem>>
    %dma_start3A_570 = arith.constant 0 : i32
    %dma_start3A_571 = tpu.memref_slice %arg3[%dma_start3A_570] : memref<4194304xi32, #tpu.memory_space<hbm>> -> memref<4194304xi32, #tpu.memory_space<hbm>>
    tpu.enqueue_indirect_dma source(%dma_start3A_571 : memref<4194304xi32, #tpu.memory_space<hbm>>) target(%dma_start3A_566 : memref<128xi32, #tpu.memory_space<vmem>>) offsets(%dma_start3A_569 : memref<128xi32, #tpu.memory_space<vmem>>) semaphore(%arg7 : memref<!tpu.dma_semaphore, #tpu.memory_space<semaphore_mem>>)
    %dma_start3A_572 = arith.constant 57 : i32
    %dma_start3A_573 = arith.constant 57 : i32
    %dma_start3A_574 = arith.constant 0 : i32
    %dma_start3A_575 = tpu.memref_slice %arg6[%dma_start3A_573, %dma_start3A_574] : memref<64x128xi32, #tpu.memory_space<vmem>> -> memref<1x128xi32, #tpu.memory_space<vmem>>
    %dma_start3A_576 = tpu.memref_squeeze %dma_start3A_575 : memref<1x128xi32, #tpu.memory_space<vmem>> -> memref<128xi32, #tpu.memory_space<vmem>>
    %dma_start3A_577 = arith.constant 0 : i32
    %dma_start3A_578 = tpu.memref_slice %arg5[%dma_start3A_572, %dma_start3A_577] : memref<64x128xi32, #tpu.memory_space<vmem>> -> memref<1x128xi32, #tpu.memory_space<vmem>>
    %dma_start3A_579 = tpu.memref_squeeze %dma_start3A_578 : memref<1x128xi32, #tpu.memory_space<vmem>> -> memref<128xi32, #tpu.memory_space<vmem>>
    %dma_start3A_580 = arith.constant 0 : i32
    %dma_start3A_581 = tpu.memref_slice %arg3[%dma_start3A_580] : memref<4194304xi32, #tpu.memory_space<hbm>> -> memref<4194304xi32, #tpu.memory_space<hbm>>
    tpu.enqueue_indirect_dma source(%dma_start3A_581 : memref<4194304xi32, #tpu.memory_space<hbm>>) target(%dma_start3A_576 : memref<128xi32, #tpu.memory_space<vmem>>) offsets(%dma_start3A_579 : memref<128xi32, #tpu.memory_space<vmem>>) semaphore(%arg7 : memref<!tpu.dma_semaphore, #tpu.memory_space<semaphore_mem>>)
    %dma_start3A_582 = arith.constant 58 : i32
    %dma_start3A_583 = arith.constant 58 : i32
    %dma_start3A_584 = arith.constant 0 : i32
    %dma_start3A_585 = tpu.memref_slice %arg6[%dma_start3A_583, %dma_start3A_584] : memref<64x128xi32, #tpu.memory_space<vmem>> -> memref<1x128xi32, #tpu.memory_space<vmem>>
    %dma_start3A_586 = tpu.memref_squeeze %dma_start3A_585 : memref<1x128xi32, #tpu.memory_space<vmem>> -> memref<128xi32, #tpu.memory_space<vmem>>
    %dma_start3A_587 = arith.constant 0 : i32
    %dma_start3A_588 = tpu.memref_slice %arg5[%dma_start3A_582, %dma_start3A_587] : memref<64x128xi32, #tpu.memory_space<vmem>> -> memref<1x128xi32, #tpu.memory_space<vmem>>
    %dma_start3A_589 = tpu.memref_squeeze %dma_start3A_588 : memref<1x128xi32, #tpu.memory_space<vmem>> -> memref<128xi32, #tpu.memory_space<vmem>>
    %dma_start3A_590 = arith.constant 0 : i32
    %dma_start3A_591 = tpu.memref_slice %arg3[%dma_start3A_590] : memref<4194304xi32, #tpu.memory_space<hbm>> -> memref<4194304xi32, #tpu.memory_space<hbm>>
    tpu.enqueue_indirect_dma source(%dma_start3A_591 : memref<4194304xi32, #tpu.memory_space<hbm>>) target(%dma_start3A_586 : memref<128xi32, #tpu.memory_space<vmem>>) offsets(%dma_start3A_589 : memref<128xi32, #tpu.memory_space<vmem>>) semaphore(%arg7 : memref<!tpu.dma_semaphore, #tpu.memory_space<semaphore_mem>>)
    %dma_start3A_592 = arith.constant 59 : i32
    %dma_start3A_593 = arith.constant 59 : i32
    %dma_start3A_594 = arith.constant 0 : i32
    %dma_start3A_595 = tpu.memref_slice %arg6[%dma_start3A_593, %dma_start3A_594] : memref<64x128xi32, #tpu.memory_space<vmem>> -> memref<1x128xi32, #tpu.memory_space<vmem>>
    %dma_start3A_596 = tpu.memref_squeeze %dma_start3A_595 : memref<1x128xi32, #tpu.memory_space<vmem>> -> memref<128xi32, #tpu.memory_space<vmem>>
    %dma_start3A_597 = arith.constant 0 : i32
    %dma_start3A_598 = tpu.memref_slice %arg5[%dma_start3A_592, %dma_start3A_597] : memref<64x128xi32, #tpu.memory_space<vmem>> -> memref<1x128xi32, #tpu.memory_space<vmem>>
    %dma_start3A_599 = tpu.memref_squeeze %dma_start3A_598 : memref<1x128xi32, #tpu.memory_space<vmem>> -> memref<128xi32, #tpu.memory_space<vmem>>
    %dma_start3A_600 = arith.constant 0 : i32
    %dma_start3A_601 = tpu.memref_slice %arg3[%dma_start3A_600] : memref<4194304xi32, #tpu.memory_space<hbm>> -> memref<4194304xi32, #tpu.memory_space<hbm>>
    tpu.enqueue_indirect_dma source(%dma_start3A_601 : memref<4194304xi32, #tpu.memory_space<hbm>>) target(%dma_start3A_596 : memref<128xi32, #tpu.memory_space<vmem>>) offsets(%dma_start3A_599 : memref<128xi32, #tpu.memory_space<vmem>>) semaphore(%arg7 : memref<!tpu.dma_semaphore, #tpu.memory_space<semaphore_mem>>)
    %dma_start3A_602 = arith.constant 60 : i32
    %dma_start3A_603 = arith.constant 60 : i32
    %dma_start3A_604 = arith.constant 0 : i32
    %dma_start3A_605 = tpu.memref_slice %arg6[%dma_start3A_603, %dma_start3A_604] : memref<64x128xi32, #tpu.memory_space<vmem>> -> memref<1x128xi32, #tpu.memory_space<vmem>>
    %dma_start3A_606 = tpu.memref_squeeze %dma_start3A_605 : memref<1x128xi32, #tpu.memory_space<vmem>> -> memref<128xi32, #tpu.memory_space<vmem>>
    %dma_start3A_607 = arith.constant 0 : i32
    %dma_start3A_608 = tpu.memref_slice %arg5[%dma_start3A_602, %dma_start3A_607] : memref<64x128xi32, #tpu.memory_space<vmem>> -> memref<1x128xi32, #tpu.memory_space<vmem>>
    %dma_start3A_609 = tpu.memref_squeeze %dma_start3A_608 : memref<1x128xi32, #tpu.memory_space<vmem>> -> memref<128xi32, #tpu.memory_space<vmem>>
    %dma_start3A_610 = arith.constant 0 : i32
    %dma_start3A_611 = tpu.memref_slice %arg3[%dma_start3A_610] : memref<4194304xi32, #tpu.memory_space<hbm>> -> memref<4194304xi32, #tpu.memory_space<hbm>>
    tpu.enqueue_indirect_dma source(%dma_start3A_611 : memref<4194304xi32, #tpu.memory_space<hbm>>) target(%dma_start3A_606 : memref<128xi32, #tpu.memory_space<vmem>>) offsets(%dma_start3A_609 : memref<128xi32, #tpu.memory_space<vmem>>) semaphore(%arg7 : memref<!tpu.dma_semaphore, #tpu.memory_space<semaphore_mem>>)
    %dma_start3A_612 = arith.constant 61 : i32
    %dma_start3A_613 = arith.constant 61 : i32
    %dma_start3A_614 = arith.constant 0 : i32
    %dma_start3A_615 = tpu.memref_slice %arg6[%dma_start3A_613, %dma_start3A_614] : memref<64x128xi32, #tpu.memory_space<vmem>> -> memref<1x128xi32, #tpu.memory_space<vmem>>
    %dma_start3A_616 = tpu.memref_squeeze %dma_start3A_615 : memref<1x128xi32, #tpu.memory_space<vmem>> -> memref<128xi32, #tpu.memory_space<vmem>>
    %dma_start3A_617 = arith.constant 0 : i32
    %dma_start3A_618 = tpu.memref_slice %arg5[%dma_start3A_612, %dma_start3A_617] : memref<64x128xi32, #tpu.memory_space<vmem>> -> memref<1x128xi32, #tpu.memory_space<vmem>>
    %dma_start3A_619 = tpu.memref_squeeze %dma_start3A_618 : memref<1x128xi32, #tpu.memory_space<vmem>> -> memref<128xi32, #tpu.memory_space<vmem>>
    %dma_start3A_620 = arith.constant 0 : i32
    %dma_start3A_621 = tpu.memref_slice %arg3[%dma_start3A_620] : memref<4194304xi32, #tpu.memory_space<hbm>> -> memref<4194304xi32, #tpu.memory_space<hbm>>
    tpu.enqueue_indirect_dma source(%dma_start3A_621 : memref<4194304xi32, #tpu.memory_space<hbm>>) target(%dma_start3A_616 : memref<128xi32, #tpu.memory_space<vmem>>) offsets(%dma_start3A_619 : memref<128xi32, #tpu.memory_space<vmem>>) semaphore(%arg7 : memref<!tpu.dma_semaphore, #tpu.memory_space<semaphore_mem>>)
    %dma_start3A_622 = arith.constant 62 : i32
    %dma_start3A_623 = arith.constant 62 : i32
    %dma_start3A_624 = arith.constant 0 : i32
    %dma_start3A_625 = tpu.memref_slice %arg6[%dma_start3A_623, %dma_start3A_624] : memref<64x128xi32, #tpu.memory_space<vmem>> -> memref<1x128xi32, #tpu.memory_space<vmem>>
    %dma_start3A_626 = tpu.memref_squeeze %dma_start3A_625 : memref<1x128xi32, #tpu.memory_space<vmem>> -> memref<128xi32, #tpu.memory_space<vmem>>
    %dma_start3A_627 = arith.constant 0 : i32
    %dma_start3A_628 = tpu.memref_slice %arg5[%dma_start3A_622, %dma_start3A_627] : memref<64x128xi32, #tpu.memory_space<vmem>> -> memref<1x128xi32, #tpu.memory_space<vmem>>
    %dma_start3A_629 = tpu.memref_squeeze %dma_start3A_628 : memref<1x128xi32, #tpu.memory_space<vmem>> -> memref<128xi32, #tpu.memory_space<vmem>>
    %dma_start3A_630 = arith.constant 0 : i32
    %dma_start3A_631 = tpu.memref_slice %arg3[%dma_start3A_630] : memref<4194304xi32, #tpu.memory_space<hbm>> -> memref<4194304xi32, #tpu.memory_space<hbm>>
    tpu.enqueue_indirect_dma source(%dma_start3A_631 : memref<4194304xi32, #tpu.memory_space<hbm>>) target(%dma_start3A_626 : memref<128xi32, #tpu.memory_space<vmem>>) offsets(%dma_start3A_629 : memref<128xi32, #tpu.memory_space<vmem>>) semaphore(%arg7 : memref<!tpu.dma_semaphore, #tpu.memory_space<semaphore_mem>>)
    %dma_start3A_632 = arith.constant 63 : i32
    %dma_start3A_633 = arith.constant 63 : i32
    %dma_start3A_634 = arith.constant 0 : i32
    %dma_start3A_635 = tpu.memref_slice %arg6[%dma_start3A_633, %dma_start3A_634] : memref<64x128xi32, #tpu.memory_space<vmem>> -> memref<1x128xi32, #tpu.memory_space<vmem>>
    %dma_start3A_636 = tpu.memref_squeeze %dma_start3A_635 : memref<1x128xi32, #tpu.memory_space<vmem>> -> memref<128xi32, #tpu.memory_space<vmem>>
    %dma_start3A_637 = arith.constant 0 : i32
    %dma_start3A_638 = tpu.memref_slice %arg5[%dma_start3A_632, %dma_start3A_637] : memref<64x128xi32, #tpu.memory_space<vmem>> -> memref<1x128xi32, #tpu.memory_space<vmem>>
    %dma_start3A_639 = tpu.memref_squeeze %dma_start3A_638 : memref<1x128xi32, #tpu.memory_space<vmem>> -> memref<128xi32, #tpu.memory_space<vmem>>
    %dma_start3A_640 = arith.constant 0 : i32
    %dma_start3A_641 = tpu.memref_slice %arg3[%dma_start3A_640] : memref<4194304xi32, #tpu.memory_space<hbm>> -> memref<4194304xi32, #tpu.memory_space<hbm>>
    tpu.enqueue_indirect_dma source(%dma_start3A_641 : memref<4194304xi32, #tpu.memory_space<hbm>>) target(%dma_start3A_636 : memref<128xi32, #tpu.memory_space<vmem>>) offsets(%dma_start3A_639 : memref<128xi32, #tpu.memory_space<vmem>>) semaphore(%arg7 : memref<!tpu.dma_semaphore, #tpu.memory_space<semaphore_mem>>)
    %dma_wait3A = arith.constant 0 : i32
    %dma_wait3A_642 = arith.constant 0 : i32
    %dma_wait3A_643 = arith.constant 0 : i32
    %dma_wait3A_644 = tpu.memref_slice %arg6[%dma_wait3A_642, %dma_wait3A_643] : memref<64x128xi32, #tpu.memory_space<vmem>> -> memref<1x128xi32, #tpu.memory_space<vmem>>
    %dma_wait3A_645 = tpu.memref_squeeze %dma_wait3A_644 : memref<1x128xi32, #tpu.memory_space<vmem>> -> memref<128xi32, #tpu.memory_space<vmem>>
    %dma_wait3A_646 = arith.constant 0 : i32
    %dma_wait3A_647 = tpu.memref_slice %arg5[%dma_wait3A, %dma_wait3A_646] : memref<64x128xi32, #tpu.memory_space<vmem>> -> memref<1x128xi32, #tpu.memory_space<vmem>>
    %dma_wait3A_648 = tpu.memref_squeeze %dma_wait3A_647 : memref<1x128xi32, #tpu.memory_space<vmem>> -> memref<128xi32, #tpu.memory_space<vmem>>
    %dma_wait3A_649 = arith.constant 0 : i32
    %dma_wait3A_650 = tpu.memref_slice %arg3[%dma_wait3A_649] : memref<4194304xi32, #tpu.memory_space<hbm>> -> memref<4194304xi32, #tpu.memory_space<hbm>>
    tpu.wait_indirect_dma semaphore(%arg7 : memref<!tpu.dma_semaphore, #tpu.memory_space<semaphore_mem>>) src(%dma_wait3A_650 : memref<4194304xi32, #tpu.memory_space<hbm>>) dst(%dma_wait3A_645 : memref<128xi32, #tpu.memory_space<vmem>>)
    %dma_wait3A_651 = arith.constant 1 : i32
    %dma_wait3A_652 = arith.constant 1 : i32
    %dma_wait3A_653 = arith.constant 0 : i32
    %dma_wait3A_654 = tpu.memref_slice %arg6[%dma_wait3A_652, %dma_wait3A_653] : memref<64x128xi32, #tpu.memory_space<vmem>> -> memref<1x128xi32, #tpu.memory_space<vmem>>
    %dma_wait3A_655 = tpu.memref_squeeze %dma_wait3A_654 : memref<1x128xi32, #tpu.memory_space<vmem>> -> memref<128xi32, #tpu.memory_space<vmem>>
    %dma_wait3A_656 = arith.constant 0 : i32
    %dma_wait3A_657 = tpu.memref_slice %arg5[%dma_wait3A_651, %dma_wait3A_656] : memref<64x128xi32, #tpu.memory_space<vmem>> -> memref<1x128xi32, #tpu.memory_space<vmem>>
    %dma_wait3A_658 = tpu.memref_squeeze %dma_wait3A_657 : memref<1x128xi32, #tpu.memory_space<vmem>> -> memref<128xi32, #tpu.memory_space<vmem>>
    %dma_wait3A_659 = arith.constant 0 : i32
    %dma_wait3A_660 = tpu.memref_slice %arg3[%dma_wait3A_659] : memref<4194304xi32, #tpu.memory_space<hbm>> -> memref<4194304xi32, #tpu.memory_space<hbm>>
    tpu.wait_indirect_dma semaphore(%arg7 : memref<!tpu.dma_semaphore, #tpu.memory_space<semaphore_mem>>) src(%dma_wait3A_660 : memref<4194304xi32, #tpu.memory_space<hbm>>) dst(%dma_wait3A_655 : memref<128xi32, #tpu.memory_space<vmem>>)
    %dma_wait3A_661 = arith.constant 2 : i32
    %dma_wait3A_662 = arith.constant 2 : i32
    %dma_wait3A_663 = arith.constant 0 : i32
    %dma_wait3A_664 = tpu.memref_slice %arg6[%dma_wait3A_662, %dma_wait3A_663] : memref<64x128xi32, #tpu.memory_space<vmem>> -> memref<1x128xi32, #tpu.memory_space<vmem>>
    %dma_wait3A_665 = tpu.memref_squeeze %dma_wait3A_664 : memref<1x128xi32, #tpu.memory_space<vmem>> -> memref<128xi32, #tpu.memory_space<vmem>>
    %dma_wait3A_666 = arith.constant 0 : i32
    %dma_wait3A_667 = tpu.memref_slice %arg5[%dma_wait3A_661, %dma_wait3A_666] : memref<64x128xi32, #tpu.memory_space<vmem>> -> memref<1x128xi32, #tpu.memory_space<vmem>>
    %dma_wait3A_668 = tpu.memref_squeeze %dma_wait3A_667 : memref<1x128xi32, #tpu.memory_space<vmem>> -> memref<128xi32, #tpu.memory_space<vmem>>
    %dma_wait3A_669 = arith.constant 0 : i32
    %dma_wait3A_670 = tpu.memref_slice %arg3[%dma_wait3A_669] : memref<4194304xi32, #tpu.memory_space<hbm>> -> memref<4194304xi32, #tpu.memory_space<hbm>>
    tpu.wait_indirect_dma semaphore(%arg7 : memref<!tpu.dma_semaphore, #tpu.memory_space<semaphore_mem>>) src(%dma_wait3A_670 : memref<4194304xi32, #tpu.memory_space<hbm>>) dst(%dma_wait3A_665 : memref<128xi32, #tpu.memory_space<vmem>>)
    %dma_wait3A_671 = arith.constant 3 : i32
    %dma_wait3A_672 = arith.constant 3 : i32
    %dma_wait3A_673 = arith.constant 0 : i32
    %dma_wait3A_674 = tpu.memref_slice %arg6[%dma_wait3A_672, %dma_wait3A_673] : memref<64x128xi32, #tpu.memory_space<vmem>> -> memref<1x128xi32, #tpu.memory_space<vmem>>
    %dma_wait3A_675 = tpu.memref_squeeze %dma_wait3A_674 : memref<1x128xi32, #tpu.memory_space<vmem>> -> memref<128xi32, #tpu.memory_space<vmem>>
    %dma_wait3A_676 = arith.constant 0 : i32
    %dma_wait3A_677 = tpu.memref_slice %arg5[%dma_wait3A_671, %dma_wait3A_676] : memref<64x128xi32, #tpu.memory_space<vmem>> -> memref<1x128xi32, #tpu.memory_space<vmem>>
    %dma_wait3A_678 = tpu.memref_squeeze %dma_wait3A_677 : memref<1x128xi32, #tpu.memory_space<vmem>> -> memref<128xi32, #tpu.memory_space<vmem>>
    %dma_wait3A_679 = arith.constant 0 : i32
    %dma_wait3A_680 = tpu.memref_slice %arg3[%dma_wait3A_679] : memref<4194304xi32, #tpu.memory_space<hbm>> -> memref<4194304xi32, #tpu.memory_space<hbm>>
    tpu.wait_indirect_dma semaphore(%arg7 : memref<!tpu.dma_semaphore, #tpu.memory_space<semaphore_mem>>) src(%dma_wait3A_680 : memref<4194304xi32, #tpu.memory_space<hbm>>) dst(%dma_wait3A_675 : memref<128xi32, #tpu.memory_space<vmem>>)
    %dma_wait3A_681 = arith.constant 4 : i32
    %dma_wait3A_682 = arith.constant 4 : i32
    %dma_wait3A_683 = arith.constant 0 : i32
    %dma_wait3A_684 = tpu.memref_slice %arg6[%dma_wait3A_682, %dma_wait3A_683] : memref<64x128xi32, #tpu.memory_space<vmem>> -> memref<1x128xi32, #tpu.memory_space<vmem>>
    %dma_wait3A_685 = tpu.memref_squeeze %dma_wait3A_684 : memref<1x128xi32, #tpu.memory_space<vmem>> -> memref<128xi32, #tpu.memory_space<vmem>>
    %dma_wait3A_686 = arith.constant 0 : i32
    %dma_wait3A_687 = tpu.memref_slice %arg5[%dma_wait3A_681, %dma_wait3A_686] : memref<64x128xi32, #tpu.memory_space<vmem>> -> memref<1x128xi32, #tpu.memory_space<vmem>>
    %dma_wait3A_688 = tpu.memref_squeeze %dma_wait3A_687 : memref<1x128xi32, #tpu.memory_space<vmem>> -> memref<128xi32, #tpu.memory_space<vmem>>
    %dma_wait3A_689 = arith.constant 0 : i32
    %dma_wait3A_690 = tpu.memref_slice %arg3[%dma_wait3A_689] : memref<4194304xi32, #tpu.memory_space<hbm>> -> memref<4194304xi32, #tpu.memory_space<hbm>>
    tpu.wait_indirect_dma semaphore(%arg7 : memref<!tpu.dma_semaphore, #tpu.memory_space<semaphore_mem>>) src(%dma_wait3A_690 : memref<4194304xi32, #tpu.memory_space<hbm>>) dst(%dma_wait3A_685 : memref<128xi32, #tpu.memory_space<vmem>>)
    %dma_wait3A_691 = arith.constant 5 : i32
    %dma_wait3A_692 = arith.constant 5 : i32
    %dma_wait3A_693 = arith.constant 0 : i32
    %dma_wait3A_694 = tpu.memref_slice %arg6[%dma_wait3A_692, %dma_wait3A_693] : memref<64x128xi32, #tpu.memory_space<vmem>> -> memref<1x128xi32, #tpu.memory_space<vmem>>
    %dma_wait3A_695 = tpu.memref_squeeze %dma_wait3A_694 : memref<1x128xi32, #tpu.memory_space<vmem>> -> memref<128xi32, #tpu.memory_space<vmem>>
    %dma_wait3A_696 = arith.constant 0 : i32
    %dma_wait3A_697 = tpu.memref_slice %arg5[%dma_wait3A_691, %dma_wait3A_696] : memref<64x128xi32, #tpu.memory_space<vmem>> -> memref<1x128xi32, #tpu.memory_space<vmem>>
    %dma_wait3A_698 = tpu.memref_squeeze %dma_wait3A_697 : memref<1x128xi32, #tpu.memory_space<vmem>> -> memref<128xi32, #tpu.memory_space<vmem>>
    %dma_wait3A_699 = arith.constant 0 : i32
    %dma_wait3A_700 = tpu.memref_slice %arg3[%dma_wait3A_699] : memref<4194304xi32, #tpu.memory_space<hbm>> -> memref<4194304xi32, #tpu.memory_space<hbm>>
    tpu.wait_indirect_dma semaphore(%arg7 : memref<!tpu.dma_semaphore, #tpu.memory_space<semaphore_mem>>) src(%dma_wait3A_700 : memref<4194304xi32, #tpu.memory_space<hbm>>) dst(%dma_wait3A_695 : memref<128xi32, #tpu.memory_space<vmem>>)
    %dma_wait3A_701 = arith.constant 6 : i32
    %dma_wait3A_702 = arith.constant 6 : i32
    %dma_wait3A_703 = arith.constant 0 : i32
    %dma_wait3A_704 = tpu.memref_slice %arg6[%dma_wait3A_702, %dma_wait3A_703] : memref<64x128xi32, #tpu.memory_space<vmem>> -> memref<1x128xi32, #tpu.memory_space<vmem>>
    %dma_wait3A_705 = tpu.memref_squeeze %dma_wait3A_704 : memref<1x128xi32, #tpu.memory_space<vmem>> -> memref<128xi32, #tpu.memory_space<vmem>>
    %dma_wait3A_706 = arith.constant 0 : i32
    %dma_wait3A_707 = tpu.memref_slice %arg5[%dma_wait3A_701, %dma_wait3A_706] : memref<64x128xi32, #tpu.memory_space<vmem>> -> memref<1x128xi32, #tpu.memory_space<vmem>>
    %dma_wait3A_708 = tpu.memref_squeeze %dma_wait3A_707 : memref<1x128xi32, #tpu.memory_space<vmem>> -> memref<128xi32, #tpu.memory_space<vmem>>
    %dma_wait3A_709 = arith.constant 0 : i32
    %dma_wait3A_710 = tpu.memref_slice %arg3[%dma_wait3A_709] : memref<4194304xi32, #tpu.memory_space<hbm>> -> memref<4194304xi32, #tpu.memory_space<hbm>>
    tpu.wait_indirect_dma semaphore(%arg7 : memref<!tpu.dma_semaphore, #tpu.memory_space<semaphore_mem>>) src(%dma_wait3A_710 : memref<4194304xi32, #tpu.memory_space<hbm>>) dst(%dma_wait3A_705 : memref<128xi32, #tpu.memory_space<vmem>>)
    %dma_wait3A_711 = arith.constant 7 : i32
    %dma_wait3A_712 = arith.constant 7 : i32
    %dma_wait3A_713 = arith.constant 0 : i32
    %dma_wait3A_714 = tpu.memref_slice %arg6[%dma_wait3A_712, %dma_wait3A_713] : memref<64x128xi32, #tpu.memory_space<vmem>> -> memref<1x128xi32, #tpu.memory_space<vmem>>
    %dma_wait3A_715 = tpu.memref_squeeze %dma_wait3A_714 : memref<1x128xi32, #tpu.memory_space<vmem>> -> memref<128xi32, #tpu.memory_space<vmem>>
    %dma_wait3A_716 = arith.constant 0 : i32
    %dma_wait3A_717 = tpu.memref_slice %arg5[%dma_wait3A_711, %dma_wait3A_716] : memref<64x128xi32, #tpu.memory_space<vmem>> -> memref<1x128xi32, #tpu.memory_space<vmem>>
    %dma_wait3A_718 = tpu.memref_squeeze %dma_wait3A_717 : memref<1x128xi32, #tpu.memory_space<vmem>> -> memref<128xi32, #tpu.memory_space<vmem>>
    %dma_wait3A_719 = arith.constant 0 : i32
    %dma_wait3A_720 = tpu.memref_slice %arg3[%dma_wait3A_719] : memref<4194304xi32, #tpu.memory_space<hbm>> -> memref<4194304xi32, #tpu.memory_space<hbm>>
    tpu.wait_indirect_dma semaphore(%arg7 : memref<!tpu.dma_semaphore, #tpu.memory_space<semaphore_mem>>) src(%dma_wait3A_720 : memref<4194304xi32, #tpu.memory_space<hbm>>) dst(%dma_wait3A_715 : memref<128xi32, #tpu.memory_space<vmem>>)
    %dma_wait3A_721 = arith.constant 8 : i32
    %dma_wait3A_722 = arith.constant 8 : i32
    %dma_wait3A_723 = arith.constant 0 : i32
    %dma_wait3A_724 = tpu.memref_slice %arg6[%dma_wait3A_722, %dma_wait3A_723] : memref<64x128xi32, #tpu.memory_space<vmem>> -> memref<1x128xi32, #tpu.memory_space<vmem>>
    %dma_wait3A_725 = tpu.memref_squeeze %dma_wait3A_724 : memref<1x128xi32, #tpu.memory_space<vmem>> -> memref<128xi32, #tpu.memory_space<vmem>>
    %dma_wait3A_726 = arith.constant 0 : i32
    %dma_wait3A_727 = tpu.memref_slice %arg5[%dma_wait3A_721, %dma_wait3A_726] : memref<64x128xi32, #tpu.memory_space<vmem>> -> memref<1x128xi32, #tpu.memory_space<vmem>>
    %dma_wait3A_728 = tpu.memref_squeeze %dma_wait3A_727 : memref<1x128xi32, #tpu.memory_space<vmem>> -> memref<128xi32, #tpu.memory_space<vmem>>
    %dma_wait3A_729 = arith.constant 0 : i32
    %dma_wait3A_730 = tpu.memref_slice %arg3[%dma_wait3A_729] : memref<4194304xi32, #tpu.memory_space<hbm>> -> memref<4194304xi32, #tpu.memory_space<hbm>>
    tpu.wait_indirect_dma semaphore(%arg7 : memref<!tpu.dma_semaphore, #tpu.memory_space<semaphore_mem>>) src(%dma_wait3A_730 : memref<4194304xi32, #tpu.memory_space<hbm>>) dst(%dma_wait3A_725 : memref<128xi32, #tpu.memory_space<vmem>>)
    %dma_wait3A_731 = arith.constant 9 : i32
    %dma_wait3A_732 = arith.constant 9 : i32
    %dma_wait3A_733 = arith.constant 0 : i32
    %dma_wait3A_734 = tpu.memref_slice %arg6[%dma_wait3A_732, %dma_wait3A_733] : memref<64x128xi32, #tpu.memory_space<vmem>> -> memref<1x128xi32, #tpu.memory_space<vmem>>
    %dma_wait3A_735 = tpu.memref_squeeze %dma_wait3A_734 : memref<1x128xi32, #tpu.memory_space<vmem>> -> memref<128xi32, #tpu.memory_space<vmem>>
    %dma_wait3A_736 = arith.constant 0 : i32
    %dma_wait3A_737 = tpu.memref_slice %arg5[%dma_wait3A_731, %dma_wait3A_736] : memref<64x128xi32, #tpu.memory_space<vmem>> -> memref<1x128xi32, #tpu.memory_space<vmem>>
    %dma_wait3A_738 = tpu.memref_squeeze %dma_wait3A_737 : memref<1x128xi32, #tpu.memory_space<vmem>> -> memref<128xi32, #tpu.memory_space<vmem>>
    %dma_wait3A_739 = arith.constant 0 : i32
    %dma_wait3A_740 = tpu.memref_slice %arg3[%dma_wait3A_739] : memref<4194304xi32, #tpu.memory_space<hbm>> -> memref<4194304xi32, #tpu.memory_space<hbm>>
    tpu.wait_indirect_dma semaphore(%arg7 : memref<!tpu.dma_semaphore, #tpu.memory_space<semaphore_mem>>) src(%dma_wait3A_740 : memref<4194304xi32, #tpu.memory_space<hbm>>) dst(%dma_wait3A_735 : memref<128xi32, #tpu.memory_space<vmem>>)
    %dma_wait3A_741 = arith.constant 10 : i32
    %dma_wait3A_742 = arith.constant 10 : i32
    %dma_wait3A_743 = arith.constant 0 : i32
    %dma_wait3A_744 = tpu.memref_slice %arg6[%dma_wait3A_742, %dma_wait3A_743] : memref<64x128xi32, #tpu.memory_space<vmem>> -> memref<1x128xi32, #tpu.memory_space<vmem>>
    %dma_wait3A_745 = tpu.memref_squeeze %dma_wait3A_744 : memref<1x128xi32, #tpu.memory_space<vmem>> -> memref<128xi32, #tpu.memory_space<vmem>>
    %dma_wait3A_746 = arith.constant 0 : i32
    %dma_wait3A_747 = tpu.memref_slice %arg5[%dma_wait3A_741, %dma_wait3A_746] : memref<64x128xi32, #tpu.memory_space<vmem>> -> memref<1x128xi32, #tpu.memory_space<vmem>>
    %dma_wait3A_748 = tpu.memref_squeeze %dma_wait3A_747 : memref<1x128xi32, #tpu.memory_space<vmem>> -> memref<128xi32, #tpu.memory_space<vmem>>
    %dma_wait3A_749 = arith.constant 0 : i32
    %dma_wait3A_750 = tpu.memref_slice %arg3[%dma_wait3A_749] : memref<4194304xi32, #tpu.memory_space<hbm>> -> memref<4194304xi32, #tpu.memory_space<hbm>>
    tpu.wait_indirect_dma semaphore(%arg7 : memref<!tpu.dma_semaphore, #tpu.memory_space<semaphore_mem>>) src(%dma_wait3A_750 : memref<4194304xi32, #tpu.memory_space<hbm>>) dst(%dma_wait3A_745 : memref<128xi32, #tpu.memory_space<vmem>>)
    %dma_wait3A_751 = arith.constant 11 : i32
    %dma_wait3A_752 = arith.constant 11 : i32
    %dma_wait3A_753 = arith.constant 0 : i32
    %dma_wait3A_754 = tpu.memref_slice %arg6[%dma_wait3A_752, %dma_wait3A_753] : memref<64x128xi32, #tpu.memory_space<vmem>> -> memref<1x128xi32, #tpu.memory_space<vmem>>
    %dma_wait3A_755 = tpu.memref_squeeze %dma_wait3A_754 : memref<1x128xi32, #tpu.memory_space<vmem>> -> memref<128xi32, #tpu.memory_space<vmem>>
    %dma_wait3A_756 = arith.constant 0 : i32
    %dma_wait3A_757 = tpu.memref_slice %arg5[%dma_wait3A_751, %dma_wait3A_756] : memref<64x128xi32, #tpu.memory_space<vmem>> -> memref<1x128xi32, #tpu.memory_space<vmem>>
    %dma_wait3A_758 = tpu.memref_squeeze %dma_wait3A_757 : memref<1x128xi32, #tpu.memory_space<vmem>> -> memref<128xi32, #tpu.memory_space<vmem>>
    %dma_wait3A_759 = arith.constant 0 : i32
    %dma_wait3A_760 = tpu.memref_slice %arg3[%dma_wait3A_759] : memref<4194304xi32, #tpu.memory_space<hbm>> -> memref<4194304xi32, #tpu.memory_space<hbm>>
    tpu.wait_indirect_dma semaphore(%arg7 : memref<!tpu.dma_semaphore, #tpu.memory_space<semaphore_mem>>) src(%dma_wait3A_760 : memref<4194304xi32, #tpu.memory_space<hbm>>) dst(%dma_wait3A_755 : memref<128xi32, #tpu.memory_space<vmem>>)
    %dma_wait3A_761 = arith.constant 12 : i32
    %dma_wait3A_762 = arith.constant 12 : i32
    %dma_wait3A_763 = arith.constant 0 : i32
    %dma_wait3A_764 = tpu.memref_slice %arg6[%dma_wait3A_762, %dma_wait3A_763] : memref<64x128xi32, #tpu.memory_space<vmem>> -> memref<1x128xi32, #tpu.memory_space<vmem>>
    %dma_wait3A_765 = tpu.memref_squeeze %dma_wait3A_764 : memref<1x128xi32, #tpu.memory_space<vmem>> -> memref<128xi32, #tpu.memory_space<vmem>>
    %dma_wait3A_766 = arith.constant 0 : i32
    %dma_wait3A_767 = tpu.memref_slice %arg5[%dma_wait3A_761, %dma_wait3A_766] : memref<64x128xi32, #tpu.memory_space<vmem>> -> memref<1x128xi32, #tpu.memory_space<vmem>>
    %dma_wait3A_768 = tpu.memref_squeeze %dma_wait3A_767 : memref<1x128xi32, #tpu.memory_space<vmem>> -> memref<128xi32, #tpu.memory_space<vmem>>
    %dma_wait3A_769 = arith.constant 0 : i32
    %dma_wait3A_770 = tpu.memref_slice %arg3[%dma_wait3A_769] : memref<4194304xi32, #tpu.memory_space<hbm>> -> memref<4194304xi32, #tpu.memory_space<hbm>>
    tpu.wait_indirect_dma semaphore(%arg7 : memref<!tpu.dma_semaphore, #tpu.memory_space<semaphore_mem>>) src(%dma_wait3A_770 : memref<4194304xi32, #tpu.memory_space<hbm>>) dst(%dma_wait3A_765 : memref<128xi32, #tpu.memory_space<vmem>>)
    %dma_wait3A_771 = arith.constant 13 : i32
    %dma_wait3A_772 = arith.constant 13 : i32
    %dma_wait3A_773 = arith.constant 0 : i32
    %dma_wait3A_774 = tpu.memref_slice %arg6[%dma_wait3A_772, %dma_wait3A_773] : memref<64x128xi32, #tpu.memory_space<vmem>> -> memref<1x128xi32, #tpu.memory_space<vmem>>
    %dma_wait3A_775 = tpu.memref_squeeze %dma_wait3A_774 : memref<1x128xi32, #tpu.memory_space<vmem>> -> memref<128xi32, #tpu.memory_space<vmem>>
    %dma_wait3A_776 = arith.constant 0 : i32
    %dma_wait3A_777 = tpu.memref_slice %arg5[%dma_wait3A_771, %dma_wait3A_776] : memref<64x128xi32, #tpu.memory_space<vmem>> -> memref<1x128xi32, #tpu.memory_space<vmem>>
    %dma_wait3A_778 = tpu.memref_squeeze %dma_wait3A_777 : memref<1x128xi32, #tpu.memory_space<vmem>> -> memref<128xi32, #tpu.memory_space<vmem>>
    %dma_wait3A_779 = arith.constant 0 : i32
    %dma_wait3A_780 = tpu.memref_slice %arg3[%dma_wait3A_779] : memref<4194304xi32, #tpu.memory_space<hbm>> -> memref<4194304xi32, #tpu.memory_space<hbm>>
    tpu.wait_indirect_dma semaphore(%arg7 : memref<!tpu.dma_semaphore, #tpu.memory_space<semaphore_mem>>) src(%dma_wait3A_780 : memref<4194304xi32, #tpu.memory_space<hbm>>) dst(%dma_wait3A_775 : memref<128xi32, #tpu.memory_space<vmem>>)
    %dma_wait3A_781 = arith.constant 14 : i32
    %dma_wait3A_782 = arith.constant 14 : i32
    %dma_wait3A_783 = arith.constant 0 : i32
    %dma_wait3A_784 = tpu.memref_slice %arg6[%dma_wait3A_782, %dma_wait3A_783] : memref<64x128xi32, #tpu.memory_space<vmem>> -> memref<1x128xi32, #tpu.memory_space<vmem>>
    %dma_wait3A_785 = tpu.memref_squeeze %dma_wait3A_784 : memref<1x128xi32, #tpu.memory_space<vmem>> -> memref<128xi32, #tpu.memory_space<vmem>>
    %dma_wait3A_786 = arith.constant 0 : i32
    %dma_wait3A_787 = tpu.memref_slice %arg5[%dma_wait3A_781, %dma_wait3A_786] : memref<64x128xi32, #tpu.memory_space<vmem>> -> memref<1x128xi32, #tpu.memory_space<vmem>>
    %dma_wait3A_788 = tpu.memref_squeeze %dma_wait3A_787 : memref<1x128xi32, #tpu.memory_space<vmem>> -> memref<128xi32, #tpu.memory_space<vmem>>
    %dma_wait3A_789 = arith.constant 0 : i32
    %dma_wait3A_790 = tpu.memref_slice %arg3[%dma_wait3A_789] : memref<4194304xi32, #tpu.memory_space<hbm>> -> memref<4194304xi32, #tpu.memory_space<hbm>>
    tpu.wait_indirect_dma semaphore(%arg7 : memref<!tpu.dma_semaphore, #tpu.memory_space<semaphore_mem>>) src(%dma_wait3A_790 : memref<4194304xi32, #tpu.memory_space<hbm>>) dst(%dma_wait3A_785 : memref<128xi32, #tpu.memory_space<vmem>>)
    %dma_wait3A_791 = arith.constant 15 : i32
    %dma_wait3A_792 = arith.constant 15 : i32
    %dma_wait3A_793 = arith.constant 0 : i32
    %dma_wait3A_794 = tpu.memref_slice %arg6[%dma_wait3A_792, %dma_wait3A_793] : memref<64x128xi32, #tpu.memory_space<vmem>> -> memref<1x128xi32, #tpu.memory_space<vmem>>
    %dma_wait3A_795 = tpu.memref_squeeze %dma_wait3A_794 : memref<1x128xi32, #tpu.memory_space<vmem>> -> memref<128xi32, #tpu.memory_space<vmem>>
    %dma_wait3A_796 = arith.constant 0 : i32
    %dma_wait3A_797 = tpu.memref_slice %arg5[%dma_wait3A_791, %dma_wait3A_796] : memref<64x128xi32, #tpu.memory_space<vmem>> -> memref<1x128xi32, #tpu.memory_space<vmem>>
    %dma_wait3A_798 = tpu.memref_squeeze %dma_wait3A_797 : memref<1x128xi32, #tpu.memory_space<vmem>> -> memref<128xi32, #tpu.memory_space<vmem>>
    %dma_wait3A_799 = arith.constant 0 : i32
    %dma_wait3A_800 = tpu.memref_slice %arg3[%dma_wait3A_799] : memref<4194304xi32, #tpu.memory_space<hbm>> -> memref<4194304xi32, #tpu.memory_space<hbm>>
    tpu.wait_indirect_dma semaphore(%arg7 : memref<!tpu.dma_semaphore, #tpu.memory_space<semaphore_mem>>) src(%dma_wait3A_800 : memref<4194304xi32, #tpu.memory_space<hbm>>) dst(%dma_wait3A_795 : memref<128xi32, #tpu.memory_space<vmem>>)
    %dma_wait3A_801 = arith.constant 16 : i32
    %dma_wait3A_802 = arith.constant 16 : i32
    %dma_wait3A_803 = arith.constant 0 : i32
    %dma_wait3A_804 = tpu.memref_slice %arg6[%dma_wait3A_802, %dma_wait3A_803] : memref<64x128xi32, #tpu.memory_space<vmem>> -> memref<1x128xi32, #tpu.memory_space<vmem>>
    %dma_wait3A_805 = tpu.memref_squeeze %dma_wait3A_804 : memref<1x128xi32, #tpu.memory_space<vmem>> -> memref<128xi32, #tpu.memory_space<vmem>>
    %dma_wait3A_806 = arith.constant 0 : i32
    %dma_wait3A_807 = tpu.memref_slice %arg5[%dma_wait3A_801, %dma_wait3A_806] : memref<64x128xi32, #tpu.memory_space<vmem>> -> memref<1x128xi32, #tpu.memory_space<vmem>>
    %dma_wait3A_808 = tpu.memref_squeeze %dma_wait3A_807 : memref<1x128xi32, #tpu.memory_space<vmem>> -> memref<128xi32, #tpu.memory_space<vmem>>
    %dma_wait3A_809 = arith.constant 0 : i32
    %dma_wait3A_810 = tpu.memref_slice %arg3[%dma_wait3A_809] : memref<4194304xi32, #tpu.memory_space<hbm>> -> memref<4194304xi32, #tpu.memory_space<hbm>>
    tpu.wait_indirect_dma semaphore(%arg7 : memref<!tpu.dma_semaphore, #tpu.memory_space<semaphore_mem>>) src(%dma_wait3A_810 : memref<4194304xi32, #tpu.memory_space<hbm>>) dst(%dma_wait3A_805 : memref<128xi32, #tpu.memory_space<vmem>>)
    %dma_wait3A_811 = arith.constant 17 : i32
    %dma_wait3A_812 = arith.constant 17 : i32
    %dma_wait3A_813 = arith.constant 0 : i32
    %dma_wait3A_814 = tpu.memref_slice %arg6[%dma_wait3A_812, %dma_wait3A_813] : memref<64x128xi32, #tpu.memory_space<vmem>> -> memref<1x128xi32, #tpu.memory_space<vmem>>
    %dma_wait3A_815 = tpu.memref_squeeze %dma_wait3A_814 : memref<1x128xi32, #tpu.memory_space<vmem>> -> memref<128xi32, #tpu.memory_space<vmem>>
    %dma_wait3A_816 = arith.constant 0 : i32
    %dma_wait3A_817 = tpu.memref_slice %arg5[%dma_wait3A_811, %dma_wait3A_816] : memref<64x128xi32, #tpu.memory_space<vmem>> -> memref<1x128xi32, #tpu.memory_space<vmem>>
    %dma_wait3A_818 = tpu.memref_squeeze %dma_wait3A_817 : memref<1x128xi32, #tpu.memory_space<vmem>> -> memref<128xi32, #tpu.memory_space<vmem>>
    %dma_wait3A_819 = arith.constant 0 : i32
    %dma_wait3A_820 = tpu.memref_slice %arg3[%dma_wait3A_819] : memref<4194304xi32, #tpu.memory_space<hbm>> -> memref<4194304xi32, #tpu.memory_space<hbm>>
    tpu.wait_indirect_dma semaphore(%arg7 : memref<!tpu.dma_semaphore, #tpu.memory_space<semaphore_mem>>) src(%dma_wait3A_820 : memref<4194304xi32, #tpu.memory_space<hbm>>) dst(%dma_wait3A_815 : memref<128xi32, #tpu.memory_space<vmem>>)
    %dma_wait3A_821 = arith.constant 18 : i32
    %dma_wait3A_822 = arith.constant 18 : i32
    %dma_wait3A_823 = arith.constant 0 : i32
    %dma_wait3A_824 = tpu.memref_slice %arg6[%dma_wait3A_822, %dma_wait3A_823] : memref<64x128xi32, #tpu.memory_space<vmem>> -> memref<1x128xi32, #tpu.memory_space<vmem>>
    %dma_wait3A_825 = tpu.memref_squeeze %dma_wait3A_824 : memref<1x128xi32, #tpu.memory_space<vmem>> -> memref<128xi32, #tpu.memory_space<vmem>>
    %dma_wait3A_826 = arith.constant 0 : i32
    %dma_wait3A_827 = tpu.memref_slice %arg5[%dma_wait3A_821, %dma_wait3A_826] : memref<64x128xi32, #tpu.memory_space<vmem>> -> memref<1x128xi32, #tpu.memory_space<vmem>>
    %dma_wait3A_828 = tpu.memref_squeeze %dma_wait3A_827 : memref<1x128xi32, #tpu.memory_space<vmem>> -> memref<128xi32, #tpu.memory_space<vmem>>
    %dma_wait3A_829 = arith.constant 0 : i32
    %dma_wait3A_830 = tpu.memref_slice %arg3[%dma_wait3A_829] : memref<4194304xi32, #tpu.memory_space<hbm>> -> memref<4194304xi32, #tpu.memory_space<hbm>>
    tpu.wait_indirect_dma semaphore(%arg7 : memref<!tpu.dma_semaphore, #tpu.memory_space<semaphore_mem>>) src(%dma_wait3A_830 : memref<4194304xi32, #tpu.memory_space<hbm>>) dst(%dma_wait3A_825 : memref<128xi32, #tpu.memory_space<vmem>>)
    %dma_wait3A_831 = arith.constant 19 : i32
    %dma_wait3A_832 = arith.constant 19 : i32
    %dma_wait3A_833 = arith.constant 0 : i32
    %dma_wait3A_834 = tpu.memref_slice %arg6[%dma_wait3A_832, %dma_wait3A_833] : memref<64x128xi32, #tpu.memory_space<vmem>> -> memref<1x128xi32, #tpu.memory_space<vmem>>
    %dma_wait3A_835 = tpu.memref_squeeze %dma_wait3A_834 : memref<1x128xi32, #tpu.memory_space<vmem>> -> memref<128xi32, #tpu.memory_space<vmem>>
    %dma_wait3A_836 = arith.constant 0 : i32
    %dma_wait3A_837 = tpu.memref_slice %arg5[%dma_wait3A_831, %dma_wait3A_836] : memref<64x128xi32, #tpu.memory_space<vmem>> -> memref<1x128xi32, #tpu.memory_space<vmem>>
    %dma_wait3A_838 = tpu.memref_squeeze %dma_wait3A_837 : memref<1x128xi32, #tpu.memory_space<vmem>> -> memref<128xi32, #tpu.memory_space<vmem>>
    %dma_wait3A_839 = arith.constant 0 : i32
    %dma_wait3A_840 = tpu.memref_slice %arg3[%dma_wait3A_839] : memref<4194304xi32, #tpu.memory_space<hbm>> -> memref<4194304xi32, #tpu.memory_space<hbm>>
    tpu.wait_indirect_dma semaphore(%arg7 : memref<!tpu.dma_semaphore, #tpu.memory_space<semaphore_mem>>) src(%dma_wait3A_840 : memref<4194304xi32, #tpu.memory_space<hbm>>) dst(%dma_wait3A_835 : memref<128xi32, #tpu.memory_space<vmem>>)
    %dma_wait3A_841 = arith.constant 20 : i32
    %dma_wait3A_842 = arith.constant 20 : i32
    %dma_wait3A_843 = arith.constant 0 : i32
    %dma_wait3A_844 = tpu.memref_slice %arg6[%dma_wait3A_842, %dma_wait3A_843] : memref<64x128xi32, #tpu.memory_space<vmem>> -> memref<1x128xi32, #tpu.memory_space<vmem>>
    %dma_wait3A_845 = tpu.memref_squeeze %dma_wait3A_844 : memref<1x128xi32, #tpu.memory_space<vmem>> -> memref<128xi32, #tpu.memory_space<vmem>>
    %dma_wait3A_846 = arith.constant 0 : i32
    %dma_wait3A_847 = tpu.memref_slice %arg5[%dma_wait3A_841, %dma_wait3A_846] : memref<64x128xi32, #tpu.memory_space<vmem>> -> memref<1x128xi32, #tpu.memory_space<vmem>>
    %dma_wait3A_848 = tpu.memref_squeeze %dma_wait3A_847 : memref<1x128xi32, #tpu.memory_space<vmem>> -> memref<128xi32, #tpu.memory_space<vmem>>
    %dma_wait3A_849 = arith.constant 0 : i32
    %dma_wait3A_850 = tpu.memref_slice %arg3[%dma_wait3A_849] : memref<4194304xi32, #tpu.memory_space<hbm>> -> memref<4194304xi32, #tpu.memory_space<hbm>>
    tpu.wait_indirect_dma semaphore(%arg7 : memref<!tpu.dma_semaphore, #tpu.memory_space<semaphore_mem>>) src(%dma_wait3A_850 : memref<4194304xi32, #tpu.memory_space<hbm>>) dst(%dma_wait3A_845 : memref<128xi32, #tpu.memory_space<vmem>>)
    %dma_wait3A_851 = arith.constant 21 : i32
    %dma_wait3A_852 = arith.constant 21 : i32
    %dma_wait3A_853 = arith.constant 0 : i32
    %dma_wait3A_854 = tpu.memref_slice %arg6[%dma_wait3A_852, %dma_wait3A_853] : memref<64x128xi32, #tpu.memory_space<vmem>> -> memref<1x128xi32, #tpu.memory_space<vmem>>
    %dma_wait3A_855 = tpu.memref_squeeze %dma_wait3A_854 : memref<1x128xi32, #tpu.memory_space<vmem>> -> memref<128xi32, #tpu.memory_space<vmem>>
    %dma_wait3A_856 = arith.constant 0 : i32
    %dma_wait3A_857 = tpu.memref_slice %arg5[%dma_wait3A_851, %dma_wait3A_856] : memref<64x128xi32, #tpu.memory_space<vmem>> -> memref<1x128xi32, #tpu.memory_space<vmem>>
    %dma_wait3A_858 = tpu.memref_squeeze %dma_wait3A_857 : memref<1x128xi32, #tpu.memory_space<vmem>> -> memref<128xi32, #tpu.memory_space<vmem>>
    %dma_wait3A_859 = arith.constant 0 : i32
    %dma_wait3A_860 = tpu.memref_slice %arg3[%dma_wait3A_859] : memref<4194304xi32, #tpu.memory_space<hbm>> -> memref<4194304xi32, #tpu.memory_space<hbm>>
    tpu.wait_indirect_dma semaphore(%arg7 : memref<!tpu.dma_semaphore, #tpu.memory_space<semaphore_mem>>) src(%dma_wait3A_860 : memref<4194304xi32, #tpu.memory_space<hbm>>) dst(%dma_wait3A_855 : memref<128xi32, #tpu.memory_space<vmem>>)
    %dma_wait3A_861 = arith.constant 22 : i32
    %dma_wait3A_862 = arith.constant 22 : i32
    %dma_wait3A_863 = arith.constant 0 : i32
    %dma_wait3A_864 = tpu.memref_slice %arg6[%dma_wait3A_862, %dma_wait3A_863] : memref<64x128xi32, #tpu.memory_space<vmem>> -> memref<1x128xi32, #tpu.memory_space<vmem>>
    %dma_wait3A_865 = tpu.memref_squeeze %dma_wait3A_864 : memref<1x128xi32, #tpu.memory_space<vmem>> -> memref<128xi32, #tpu.memory_space<vmem>>
    %dma_wait3A_866 = arith.constant 0 : i32
    %dma_wait3A_867 = tpu.memref_slice %arg5[%dma_wait3A_861, %dma_wait3A_866] : memref<64x128xi32, #tpu.memory_space<vmem>> -> memref<1x128xi32, #tpu.memory_space<vmem>>
    %dma_wait3A_868 = tpu.memref_squeeze %dma_wait3A_867 : memref<1x128xi32, #tpu.memory_space<vmem>> -> memref<128xi32, #tpu.memory_space<vmem>>
    %dma_wait3A_869 = arith.constant 0 : i32
    %dma_wait3A_870 = tpu.memref_slice %arg3[%dma_wait3A_869] : memref<4194304xi32, #tpu.memory_space<hbm>> -> memref<4194304xi32, #tpu.memory_space<hbm>>
    tpu.wait_indirect_dma semaphore(%arg7 : memref<!tpu.dma_semaphore, #tpu.memory_space<semaphore_mem>>) src(%dma_wait3A_870 : memref<4194304xi32, #tpu.memory_space<hbm>>) dst(%dma_wait3A_865 : memref<128xi32, #tpu.memory_space<vmem>>)
    %dma_wait3A_871 = arith.constant 23 : i32
    %dma_wait3A_872 = arith.constant 23 : i32
    %dma_wait3A_873 = arith.constant 0 : i32
    %dma_wait3A_874 = tpu.memref_slice %arg6[%dma_wait3A_872, %dma_wait3A_873] : memref<64x128xi32, #tpu.memory_space<vmem>> -> memref<1x128xi32, #tpu.memory_space<vmem>>
    %dma_wait3A_875 = tpu.memref_squeeze %dma_wait3A_874 : memref<1x128xi32, #tpu.memory_space<vmem>> -> memref<128xi32, #tpu.memory_space<vmem>>
    %dma_wait3A_876 = arith.constant 0 : i32
    %dma_wait3A_877 = tpu.memref_slice %arg5[%dma_wait3A_871, %dma_wait3A_876] : memref<64x128xi32, #tpu.memory_space<vmem>> -> memref<1x128xi32, #tpu.memory_space<vmem>>
    %dma_wait3A_878 = tpu.memref_squeeze %dma_wait3A_877 : memref<1x128xi32, #tpu.memory_space<vmem>> -> memref<128xi32, #tpu.memory_space<vmem>>
    %dma_wait3A_879 = arith.constant 0 : i32
    %dma_wait3A_880 = tpu.memref_slice %arg3[%dma_wait3A_879] : memref<4194304xi32, #tpu.memory_space<hbm>> -> memref<4194304xi32, #tpu.memory_space<hbm>>
    tpu.wait_indirect_dma semaphore(%arg7 : memref<!tpu.dma_semaphore, #tpu.memory_space<semaphore_mem>>) src(%dma_wait3A_880 : memref<4194304xi32, #tpu.memory_space<hbm>>) dst(%dma_wait3A_875 : memref<128xi32, #tpu.memory_space<vmem>>)
    %dma_wait3A_881 = arith.constant 24 : i32
    %dma_wait3A_882 = arith.constant 24 : i32
    %dma_wait3A_883 = arith.constant 0 : i32
    %dma_wait3A_884 = tpu.memref_slice %arg6[%dma_wait3A_882, %dma_wait3A_883] : memref<64x128xi32, #tpu.memory_space<vmem>> -> memref<1x128xi32, #tpu.memory_space<vmem>>
    %dma_wait3A_885 = tpu.memref_squeeze %dma_wait3A_884 : memref<1x128xi32, #tpu.memory_space<vmem>> -> memref<128xi32, #tpu.memory_space<vmem>>
    %dma_wait3A_886 = arith.constant 0 : i32
    %dma_wait3A_887 = tpu.memref_slice %arg5[%dma_wait3A_881, %dma_wait3A_886] : memref<64x128xi32, #tpu.memory_space<vmem>> -> memref<1x128xi32, #tpu.memory_space<vmem>>
    %dma_wait3A_888 = tpu.memref_squeeze %dma_wait3A_887 : memref<1x128xi32, #tpu.memory_space<vmem>> -> memref<128xi32, #tpu.memory_space<vmem>>
    %dma_wait3A_889 = arith.constant 0 : i32
    %dma_wait3A_890 = tpu.memref_slice %arg3[%dma_wait3A_889] : memref<4194304xi32, #tpu.memory_space<hbm>> -> memref<4194304xi32, #tpu.memory_space<hbm>>
    tpu.wait_indirect_dma semaphore(%arg7 : memref<!tpu.dma_semaphore, #tpu.memory_space<semaphore_mem>>) src(%dma_wait3A_890 : memref<4194304xi32, #tpu.memory_space<hbm>>) dst(%dma_wait3A_885 : memref<128xi32, #tpu.memory_space<vmem>>)
    %dma_wait3A_891 = arith.constant 25 : i32
    %dma_wait3A_892 = arith.constant 25 : i32
    %dma_wait3A_893 = arith.constant 0 : i32
    %dma_wait3A_894 = tpu.memref_slice %arg6[%dma_wait3A_892, %dma_wait3A_893] : memref<64x128xi32, #tpu.memory_space<vmem>> -> memref<1x128xi32, #tpu.memory_space<vmem>>
    %dma_wait3A_895 = tpu.memref_squeeze %dma_wait3A_894 : memref<1x128xi32, #tpu.memory_space<vmem>> -> memref<128xi32, #tpu.memory_space<vmem>>
    %dma_wait3A_896 = arith.constant 0 : i32
    %dma_wait3A_897 = tpu.memref_slice %arg5[%dma_wait3A_891, %dma_wait3A_896] : memref<64x128xi32, #tpu.memory_space<vmem>> -> memref<1x128xi32, #tpu.memory_space<vmem>>
    %dma_wait3A_898 = tpu.memref_squeeze %dma_wait3A_897 : memref<1x128xi32, #tpu.memory_space<vmem>> -> memref<128xi32, #tpu.memory_space<vmem>>
    %dma_wait3A_899 = arith.constant 0 : i32
    %dma_wait3A_900 = tpu.memref_slice %arg3[%dma_wait3A_899] : memref<4194304xi32, #tpu.memory_space<hbm>> -> memref<4194304xi32, #tpu.memory_space<hbm>>
    tpu.wait_indirect_dma semaphore(%arg7 : memref<!tpu.dma_semaphore, #tpu.memory_space<semaphore_mem>>) src(%dma_wait3A_900 : memref<4194304xi32, #tpu.memory_space<hbm>>) dst(%dma_wait3A_895 : memref<128xi32, #tpu.memory_space<vmem>>)
    %dma_wait3A_901 = arith.constant 26 : i32
    %dma_wait3A_902 = arith.constant 26 : i32
    %dma_wait3A_903 = arith.constant 0 : i32
    %dma_wait3A_904 = tpu.memref_slice %arg6[%dma_wait3A_902, %dma_wait3A_903] : memref<64x128xi32, #tpu.memory_space<vmem>> -> memref<1x128xi32, #tpu.memory_space<vmem>>
    %dma_wait3A_905 = tpu.memref_squeeze %dma_wait3A_904 : memref<1x128xi32, #tpu.memory_space<vmem>> -> memref<128xi32, #tpu.memory_space<vmem>>
    %dma_wait3A_906 = arith.constant 0 : i32
    %dma_wait3A_907 = tpu.memref_slice %arg5[%dma_wait3A_901, %dma_wait3A_906] : memref<64x128xi32, #tpu.memory_space<vmem>> -> memref<1x128xi32, #tpu.memory_space<vmem>>
    %dma_wait3A_908 = tpu.memref_squeeze %dma_wait3A_907 : memref<1x128xi32, #tpu.memory_space<vmem>> -> memref<128xi32, #tpu.memory_space<vmem>>
    %dma_wait3A_909 = arith.constant 0 : i32
    %dma_wait3A_910 = tpu.memref_slice %arg3[%dma_wait3A_909] : memref<4194304xi32, #tpu.memory_space<hbm>> -> memref<4194304xi32, #tpu.memory_space<hbm>>
    tpu.wait_indirect_dma semaphore(%arg7 : memref<!tpu.dma_semaphore, #tpu.memory_space<semaphore_mem>>) src(%dma_wait3A_910 : memref<4194304xi32, #tpu.memory_space<hbm>>) dst(%dma_wait3A_905 : memref<128xi32, #tpu.memory_space<vmem>>)
    %dma_wait3A_911 = arith.constant 27 : i32
    %dma_wait3A_912 = arith.constant 27 : i32
    %dma_wait3A_913 = arith.constant 0 : i32
    %dma_wait3A_914 = tpu.memref_slice %arg6[%dma_wait3A_912, %dma_wait3A_913] : memref<64x128xi32, #tpu.memory_space<vmem>> -> memref<1x128xi32, #tpu.memory_space<vmem>>
    %dma_wait3A_915 = tpu.memref_squeeze %dma_wait3A_914 : memref<1x128xi32, #tpu.memory_space<vmem>> -> memref<128xi32, #tpu.memory_space<vmem>>
    %dma_wait3A_916 = arith.constant 0 : i32
    %dma_wait3A_917 = tpu.memref_slice %arg5[%dma_wait3A_911, %dma_wait3A_916] : memref<64x128xi32, #tpu.memory_space<vmem>> -> memref<1x128xi32, #tpu.memory_space<vmem>>
    %dma_wait3A_918 = tpu.memref_squeeze %dma_wait3A_917 : memref<1x128xi32, #tpu.memory_space<vmem>> -> memref<128xi32, #tpu.memory_space<vmem>>
    %dma_wait3A_919 = arith.constant 0 : i32
    %dma_wait3A_920 = tpu.memref_slice %arg3[%dma_wait3A_919] : memref<4194304xi32, #tpu.memory_space<hbm>> -> memref<4194304xi32, #tpu.memory_space<hbm>>
    tpu.wait_indirect_dma semaphore(%arg7 : memref<!tpu.dma_semaphore, #tpu.memory_space<semaphore_mem>>) src(%dma_wait3A_920 : memref<4194304xi32, #tpu.memory_space<hbm>>) dst(%dma_wait3A_915 : memref<128xi32, #tpu.memory_space<vmem>>)
    %dma_wait3A_921 = arith.constant 28 : i32
    %dma_wait3A_922 = arith.constant 28 : i32
    %dma_wait3A_923 = arith.constant 0 : i32
    %dma_wait3A_924 = tpu.memref_slice %arg6[%dma_wait3A_922, %dma_wait3A_923] : memref<64x128xi32, #tpu.memory_space<vmem>> -> memref<1x128xi32, #tpu.memory_space<vmem>>
    %dma_wait3A_925 = tpu.memref_squeeze %dma_wait3A_924 : memref<1x128xi32, #tpu.memory_space<vmem>> -> memref<128xi32, #tpu.memory_space<vmem>>
    %dma_wait3A_926 = arith.constant 0 : i32
    %dma_wait3A_927 = tpu.memref_slice %arg5[%dma_wait3A_921, %dma_wait3A_926] : memref<64x128xi32, #tpu.memory_space<vmem>> -> memref<1x128xi32, #tpu.memory_space<vmem>>
    %dma_wait3A_928 = tpu.memref_squeeze %dma_wait3A_927 : memref<1x128xi32, #tpu.memory_space<vmem>> -> memref<128xi32, #tpu.memory_space<vmem>>
    %dma_wait3A_929 = arith.constant 0 : i32
    %dma_wait3A_930 = tpu.memref_slice %arg3[%dma_wait3A_929] : memref<4194304xi32, #tpu.memory_space<hbm>> -> memref<4194304xi32, #tpu.memory_space<hbm>>
    tpu.wait_indirect_dma semaphore(%arg7 : memref<!tpu.dma_semaphore, #tpu.memory_space<semaphore_mem>>) src(%dma_wait3A_930 : memref<4194304xi32, #tpu.memory_space<hbm>>) dst(%dma_wait3A_925 : memref<128xi32, #tpu.memory_space<vmem>>)
    %dma_wait3A_931 = arith.constant 29 : i32
    %dma_wait3A_932 = arith.constant 29 : i32
    %dma_wait3A_933 = arith.constant 0 : i32
    %dma_wait3A_934 = tpu.memref_slice %arg6[%dma_wait3A_932, %dma_wait3A_933] : memref<64x128xi32, #tpu.memory_space<vmem>> -> memref<1x128xi32, #tpu.memory_space<vmem>>
    %dma_wait3A_935 = tpu.memref_squeeze %dma_wait3A_934 : memref<1x128xi32, #tpu.memory_space<vmem>> -> memref<128xi32, #tpu.memory_space<vmem>>
    %dma_wait3A_936 = arith.constant 0 : i32
    %dma_wait3A_937 = tpu.memref_slice %arg5[%dma_wait3A_931, %dma_wait3A_936] : memref<64x128xi32, #tpu.memory_space<vmem>> -> memref<1x128xi32, #tpu.memory_space<vmem>>
    %dma_wait3A_938 = tpu.memref_squeeze %dma_wait3A_937 : memref<1x128xi32, #tpu.memory_space<vmem>> -> memref<128xi32, #tpu.memory_space<vmem>>
    %dma_wait3A_939 = arith.constant 0 : i32
    %dma_wait3A_940 = tpu.memref_slice %arg3[%dma_wait3A_939] : memref<4194304xi32, #tpu.memory_space<hbm>> -> memref<4194304xi32, #tpu.memory_space<hbm>>
    tpu.wait_indirect_dma semaphore(%arg7 : memref<!tpu.dma_semaphore, #tpu.memory_space<semaphore_mem>>) src(%dma_wait3A_940 : memref<4194304xi32, #tpu.memory_space<hbm>>) dst(%dma_wait3A_935 : memref<128xi32, #tpu.memory_space<vmem>>)
    %dma_wait3A_941 = arith.constant 30 : i32
    %dma_wait3A_942 = arith.constant 30 : i32
    %dma_wait3A_943 = arith.constant 0 : i32
    %dma_wait3A_944 = tpu.memref_slice %arg6[%dma_wait3A_942, %dma_wait3A_943] : memref<64x128xi32, #tpu.memory_space<vmem>> -> memref<1x128xi32, #tpu.memory_space<vmem>>
    %dma_wait3A_945 = tpu.memref_squeeze %dma_wait3A_944 : memref<1x128xi32, #tpu.memory_space<vmem>> -> memref<128xi32, #tpu.memory_space<vmem>>
    %dma_wait3A_946 = arith.constant 0 : i32
    %dma_wait3A_947 = tpu.memref_slice %arg5[%dma_wait3A_941, %dma_wait3A_946] : memref<64x128xi32, #tpu.memory_space<vmem>> -> memref<1x128xi32, #tpu.memory_space<vmem>>
    %dma_wait3A_948 = tpu.memref_squeeze %dma_wait3A_947 : memref<1x128xi32, #tpu.memory_space<vmem>> -> memref<128xi32, #tpu.memory_space<vmem>>
    %dma_wait3A_949 = arith.constant 0 : i32
    %dma_wait3A_950 = tpu.memref_slice %arg3[%dma_wait3A_949] : memref<4194304xi32, #tpu.memory_space<hbm>> -> memref<4194304xi32, #tpu.memory_space<hbm>>
    tpu.wait_indirect_dma semaphore(%arg7 : memref<!tpu.dma_semaphore, #tpu.memory_space<semaphore_mem>>) src(%dma_wait3A_950 : memref<4194304xi32, #tpu.memory_space<hbm>>) dst(%dma_wait3A_945 : memref<128xi32, #tpu.memory_space<vmem>>)
    %dma_wait3A_951 = arith.constant 31 : i32
    %dma_wait3A_952 = arith.constant 31 : i32
    %dma_wait3A_953 = arith.constant 0 : i32
    %dma_wait3A_954 = tpu.memref_slice %arg6[%dma_wait3A_952, %dma_wait3A_953] : memref<64x128xi32, #tpu.memory_space<vmem>> -> memref<1x128xi32, #tpu.memory_space<vmem>>
    %dma_wait3A_955 = tpu.memref_squeeze %dma_wait3A_954 : memref<1x128xi32, #tpu.memory_space<vmem>> -> memref<128xi32, #tpu.memory_space<vmem>>
    %dma_wait3A_956 = arith.constant 0 : i32
    %dma_wait3A_957 = tpu.memref_slice %arg5[%dma_wait3A_951, %dma_wait3A_956] : memref<64x128xi32, #tpu.memory_space<vmem>> -> memref<1x128xi32, #tpu.memory_space<vmem>>
    %dma_wait3A_958 = tpu.memref_squeeze %dma_wait3A_957 : memref<1x128xi32, #tpu.memory_space<vmem>> -> memref<128xi32, #tpu.memory_space<vmem>>
    %dma_wait3A_959 = arith.constant 0 : i32
    %dma_wait3A_960 = tpu.memref_slice %arg3[%dma_wait3A_959] : memref<4194304xi32, #tpu.memory_space<hbm>> -> memref<4194304xi32, #tpu.memory_space<hbm>>
    tpu.wait_indirect_dma semaphore(%arg7 : memref<!tpu.dma_semaphore, #tpu.memory_space<semaphore_mem>>) src(%dma_wait3A_960 : memref<4194304xi32, #tpu.memory_space<hbm>>) dst(%dma_wait3A_955 : memref<128xi32, #tpu.memory_space<vmem>>)
    %dma_wait3A_961 = arith.constant 32 : i32
    %dma_wait3A_962 = arith.constant 32 : i32
    %dma_wait3A_963 = arith.constant 0 : i32
    %dma_wait3A_964 = tpu.memref_slice %arg6[%dma_wait3A_962, %dma_wait3A_963] : memref<64x128xi32, #tpu.memory_space<vmem>> -> memref<1x128xi32, #tpu.memory_space<vmem>>
    %dma_wait3A_965 = tpu.memref_squeeze %dma_wait3A_964 : memref<1x128xi32, #tpu.memory_space<vmem>> -> memref<128xi32, #tpu.memory_space<vmem>>
    %dma_wait3A_966 = arith.constant 0 : i32
    %dma_wait3A_967 = tpu.memref_slice %arg5[%dma_wait3A_961, %dma_wait3A_966] : memref<64x128xi32, #tpu.memory_space<vmem>> -> memref<1x128xi32, #tpu.memory_space<vmem>>
    %dma_wait3A_968 = tpu.memref_squeeze %dma_wait3A_967 : memref<1x128xi32, #tpu.memory_space<vmem>> -> memref<128xi32, #tpu.memory_space<vmem>>
    %dma_wait3A_969 = arith.constant 0 : i32
    %dma_wait3A_970 = tpu.memref_slice %arg3[%dma_wait3A_969] : memref<4194304xi32, #tpu.memory_space<hbm>> -> memref<4194304xi32, #tpu.memory_space<hbm>>
    tpu.wait_indirect_dma semaphore(%arg7 : memref<!tpu.dma_semaphore, #tpu.memory_space<semaphore_mem>>) src(%dma_wait3A_970 : memref<4194304xi32, #tpu.memory_space<hbm>>) dst(%dma_wait3A_965 : memref<128xi32, #tpu.memory_space<vmem>>)
    %dma_wait3A_971 = arith.constant 33 : i32
    %dma_wait3A_972 = arith.constant 33 : i32
    %dma_wait3A_973 = arith.constant 0 : i32
    %dma_wait3A_974 = tpu.memref_slice %arg6[%dma_wait3A_972, %dma_wait3A_973] : memref<64x128xi32, #tpu.memory_space<vmem>> -> memref<1x128xi32, #tpu.memory_space<vmem>>
    %dma_wait3A_975 = tpu.memref_squeeze %dma_wait3A_974 : memref<1x128xi32, #tpu.memory_space<vmem>> -> memref<128xi32, #tpu.memory_space<vmem>>
    %dma_wait3A_976 = arith.constant 0 : i32
    %dma_wait3A_977 = tpu.memref_slice %arg5[%dma_wait3A_971, %dma_wait3A_976] : memref<64x128xi32, #tpu.memory_space<vmem>> -> memref<1x128xi32, #tpu.memory_space<vmem>>
    %dma_wait3A_978 = tpu.memref_squeeze %dma_wait3A_977 : memref<1x128xi32, #tpu.memory_space<vmem>> -> memref<128xi32, #tpu.memory_space<vmem>>
    %dma_wait3A_979 = arith.constant 0 : i32
    %dma_wait3A_980 = tpu.memref_slice %arg3[%dma_wait3A_979] : memref<4194304xi32, #tpu.memory_space<hbm>> -> memref<4194304xi32, #tpu.memory_space<hbm>>
    tpu.wait_indirect_dma semaphore(%arg7 : memref<!tpu.dma_semaphore, #tpu.memory_space<semaphore_mem>>) src(%dma_wait3A_980 : memref<4194304xi32, #tpu.memory_space<hbm>>) dst(%dma_wait3A_975 : memref<128xi32, #tpu.memory_space<vmem>>)
    %dma_wait3A_981 = arith.constant 34 : i32
    %dma_wait3A_982 = arith.constant 34 : i32
    %dma_wait3A_983 = arith.constant 0 : i32
    %dma_wait3A_984 = tpu.memref_slice %arg6[%dma_wait3A_982, %dma_wait3A_983] : memref<64x128xi32, #tpu.memory_space<vmem>> -> memref<1x128xi32, #tpu.memory_space<vmem>>
    %dma_wait3A_985 = tpu.memref_squeeze %dma_wait3A_984 : memref<1x128xi32, #tpu.memory_space<vmem>> -> memref<128xi32, #tpu.memory_space<vmem>>
    %dma_wait3A_986 = arith.constant 0 : i32
    %dma_wait3A_987 = tpu.memref_slice %arg5[%dma_wait3A_981, %dma_wait3A_986] : memref<64x128xi32, #tpu.memory_space<vmem>> -> memref<1x128xi32, #tpu.memory_space<vmem>>
    %dma_wait3A_988 = tpu.memref_squeeze %dma_wait3A_987 : memref<1x128xi32, #tpu.memory_space<vmem>> -> memref<128xi32, #tpu.memory_space<vmem>>
    %dma_wait3A_989 = arith.constant 0 : i32
    %dma_wait3A_990 = tpu.memref_slice %arg3[%dma_wait3A_989] : memref<4194304xi32, #tpu.memory_space<hbm>> -> memref<4194304xi32, #tpu.memory_space<hbm>>
    tpu.wait_indirect_dma semaphore(%arg7 : memref<!tpu.dma_semaphore, #tpu.memory_space<semaphore_mem>>) src(%dma_wait3A_990 : memref<4194304xi32, #tpu.memory_space<hbm>>) dst(%dma_wait3A_985 : memref<128xi32, #tpu.memory_space<vmem>>)
    %dma_wait3A_991 = arith.constant 35 : i32
    %dma_wait3A_992 = arith.constant 35 : i32
    %dma_wait3A_993 = arith.constant 0 : i32
    %dma_wait3A_994 = tpu.memref_slice %arg6[%dma_wait3A_992, %dma_wait3A_993] : memref<64x128xi32, #tpu.memory_space<vmem>> -> memref<1x128xi32, #tpu.memory_space<vmem>>
    %dma_wait3A_995 = tpu.memref_squeeze %dma_wait3A_994 : memref<1x128xi32, #tpu.memory_space<vmem>> -> memref<128xi32, #tpu.memory_space<vmem>>
    %dma_wait3A_996 = arith.constant 0 : i32
    %dma_wait3A_997 = tpu.memref_slice %arg5[%dma_wait3A_991, %dma_wait3A_996] : memref<64x128xi32, #tpu.memory_space<vmem>> -> memref<1x128xi32, #tpu.memory_space<vmem>>
    %dma_wait3A_998 = tpu.memref_squeeze %dma_wait3A_997 : memref<1x128xi32, #tpu.memory_space<vmem>> -> memref<128xi32, #tpu.memory_space<vmem>>
    %dma_wait3A_999 = arith.constant 0 : i32
    %dma_wait3A_1000 = tpu.memref_slice %arg3[%dma_wait3A_999] : memref<4194304xi32, #tpu.memory_space<hbm>> -> memref<4194304xi32, #tpu.memory_space<hbm>>
    tpu.wait_indirect_dma semaphore(%arg7 : memref<!tpu.dma_semaphore, #tpu.memory_space<semaphore_mem>>) src(%dma_wait3A_1000 : memref<4194304xi32, #tpu.memory_space<hbm>>) dst(%dma_wait3A_995 : memref<128xi32, #tpu.memory_space<vmem>>)
    %dma_wait3A_1001 = arith.constant 36 : i32
    %dma_wait3A_1002 = arith.constant 36 : i32
    %dma_wait3A_1003 = arith.constant 0 : i32
    %dma_wait3A_1004 = tpu.memref_slice %arg6[%dma_wait3A_1002, %dma_wait3A_1003] : memref<64x128xi32, #tpu.memory_space<vmem>> -> memref<1x128xi32, #tpu.memory_space<vmem>>
    %dma_wait3A_1005 = tpu.memref_squeeze %dma_wait3A_1004 : memref<1x128xi32, #tpu.memory_space<vmem>> -> memref<128xi32, #tpu.memory_space<vmem>>
    %dma_wait3A_1006 = arith.constant 0 : i32
    %dma_wait3A_1007 = tpu.memref_slice %arg5[%dma_wait3A_1001, %dma_wait3A_1006] : memref<64x128xi32, #tpu.memory_space<vmem>> -> memref<1x128xi32, #tpu.memory_space<vmem>>
    %dma_wait3A_1008 = tpu.memref_squeeze %dma_wait3A_1007 : memref<1x128xi32, #tpu.memory_space<vmem>> -> memref<128xi32, #tpu.memory_space<vmem>>
    %dma_wait3A_1009 = arith.constant 0 : i32
    %dma_wait3A_1010 = tpu.memref_slice %arg3[%dma_wait3A_1009] : memref<4194304xi32, #tpu.memory_space<hbm>> -> memref<4194304xi32, #tpu.memory_space<hbm>>
    tpu.wait_indirect_dma semaphore(%arg7 : memref<!tpu.dma_semaphore, #tpu.memory_space<semaphore_mem>>) src(%dma_wait3A_1010 : memref<4194304xi32, #tpu.memory_space<hbm>>) dst(%dma_wait3A_1005 : memref<128xi32, #tpu.memory_space<vmem>>)
    %dma_wait3A_1011 = arith.constant 37 : i32
    %dma_wait3A_1012 = arith.constant 37 : i32
    %dma_wait3A_1013 = arith.constant 0 : i32
    %dma_wait3A_1014 = tpu.memref_slice %arg6[%dma_wait3A_1012, %dma_wait3A_1013] : memref<64x128xi32, #tpu.memory_space<vmem>> -> memref<1x128xi32, #tpu.memory_space<vmem>>
    %dma_wait3A_1015 = tpu.memref_squeeze %dma_wait3A_1014 : memref<1x128xi32, #tpu.memory_space<vmem>> -> memref<128xi32, #tpu.memory_space<vmem>>
    %dma_wait3A_1016 = arith.constant 0 : i32
    %dma_wait3A_1017 = tpu.memref_slice %arg5[%dma_wait3A_1011, %dma_wait3A_1016] : memref<64x128xi32, #tpu.memory_space<vmem>> -> memref<1x128xi32, #tpu.memory_space<vmem>>
    %dma_wait3A_1018 = tpu.memref_squeeze %dma_wait3A_1017 : memref<1x128xi32, #tpu.memory_space<vmem>> -> memref<128xi32, #tpu.memory_space<vmem>>
    %dma_wait3A_1019 = arith.constant 0 : i32
    %dma_wait3A_1020 = tpu.memref_slice %arg3[%dma_wait3A_1019] : memref<4194304xi32, #tpu.memory_space<hbm>> -> memref<4194304xi32, #tpu.memory_space<hbm>>
    tpu.wait_indirect_dma semaphore(%arg7 : memref<!tpu.dma_semaphore, #tpu.memory_space<semaphore_mem>>) src(%dma_wait3A_1020 : memref<4194304xi32, #tpu.memory_space<hbm>>) dst(%dma_wait3A_1015 : memref<128xi32, #tpu.memory_space<vmem>>)
    %dma_wait3A_1021 = arith.constant 38 : i32
    %dma_wait3A_1022 = arith.constant 38 : i32
    %dma_wait3A_1023 = arith.constant 0 : i32
    %dma_wait3A_1024 = tpu.memref_slice %arg6[%dma_wait3A_1022, %dma_wait3A_1023] : memref<64x128xi32, #tpu.memory_space<vmem>> -> memref<1x128xi32, #tpu.memory_space<vmem>>
    %dma_wait3A_1025 = tpu.memref_squeeze %dma_wait3A_1024 : memref<1x128xi32, #tpu.memory_space<vmem>> -> memref<128xi32, #tpu.memory_space<vmem>>
    %dma_wait3A_1026 = arith.constant 0 : i32
    %dma_wait3A_1027 = tpu.memref_slice %arg5[%dma_wait3A_1021, %dma_wait3A_1026] : memref<64x128xi32, #tpu.memory_space<vmem>> -> memref<1x128xi32, #tpu.memory_space<vmem>>
    %dma_wait3A_1028 = tpu.memref_squeeze %dma_wait3A_1027 : memref<1x128xi32, #tpu.memory_space<vmem>> -> memref<128xi32, #tpu.memory_space<vmem>>
    %dma_wait3A_1029 = arith.constant 0 : i32
    %dma_wait3A_1030 = tpu.memref_slice %arg3[%dma_wait3A_1029] : memref<4194304xi32, #tpu.memory_space<hbm>> -> memref<4194304xi32, #tpu.memory_space<hbm>>
    tpu.wait_indirect_dma semaphore(%arg7 : memref<!tpu.dma_semaphore, #tpu.memory_space<semaphore_mem>>) src(%dma_wait3A_1030 : memref<4194304xi32, #tpu.memory_space<hbm>>) dst(%dma_wait3A_1025 : memref<128xi32, #tpu.memory_space<vmem>>)
    %dma_wait3A_1031 = arith.constant 39 : i32
    %dma_wait3A_1032 = arith.constant 39 : i32
    %dma_wait3A_1033 = arith.constant 0 : i32
    %dma_wait3A_1034 = tpu.memref_slice %arg6[%dma_wait3A_1032, %dma_wait3A_1033] : memref<64x128xi32, #tpu.memory_space<vmem>> -> memref<1x128xi32, #tpu.memory_space<vmem>>
    %dma_wait3A_1035 = tpu.memref_squeeze %dma_wait3A_1034 : memref<1x128xi32, #tpu.memory_space<vmem>> -> memref<128xi32, #tpu.memory_space<vmem>>
    %dma_wait3A_1036 = arith.constant 0 : i32
    %dma_wait3A_1037 = tpu.memref_slice %arg5[%dma_wait3A_1031, %dma_wait3A_1036] : memref<64x128xi32, #tpu.memory_space<vmem>> -> memref<1x128xi32, #tpu.memory_space<vmem>>
    %dma_wait3A_1038 = tpu.memref_squeeze %dma_wait3A_1037 : memref<1x128xi32, #tpu.memory_space<vmem>> -> memref<128xi32, #tpu.memory_space<vmem>>
    %dma_wait3A_1039 = arith.constant 0 : i32
    %dma_wait3A_1040 = tpu.memref_slice %arg3[%dma_wait3A_1039] : memref<4194304xi32, #tpu.memory_space<hbm>> -> memref<4194304xi32, #tpu.memory_space<hbm>>
    tpu.wait_indirect_dma semaphore(%arg7 : memref<!tpu.dma_semaphore, #tpu.memory_space<semaphore_mem>>) src(%dma_wait3A_1040 : memref<4194304xi32, #tpu.memory_space<hbm>>) dst(%dma_wait3A_1035 : memref<128xi32, #tpu.memory_space<vmem>>)
    %dma_wait3A_1041 = arith.constant 40 : i32
    %dma_wait3A_1042 = arith.constant 40 : i32
    %dma_wait3A_1043 = arith.constant 0 : i32
    %dma_wait3A_1044 = tpu.memref_slice %arg6[%dma_wait3A_1042, %dma_wait3A_1043] : memref<64x128xi32, #tpu.memory_space<vmem>> -> memref<1x128xi32, #tpu.memory_space<vmem>>
    %dma_wait3A_1045 = tpu.memref_squeeze %dma_wait3A_1044 : memref<1x128xi32, #tpu.memory_space<vmem>> -> memref<128xi32, #tpu.memory_space<vmem>>
    %dma_wait3A_1046 = arith.constant 0 : i32
    %dma_wait3A_1047 = tpu.memref_slice %arg5[%dma_wait3A_1041, %dma_wait3A_1046] : memref<64x128xi32, #tpu.memory_space<vmem>> -> memref<1x128xi32, #tpu.memory_space<vmem>>
    %dma_wait3A_1048 = tpu.memref_squeeze %dma_wait3A_1047 : memref<1x128xi32, #tpu.memory_space<vmem>> -> memref<128xi32, #tpu.memory_space<vmem>>
    %dma_wait3A_1049 = arith.constant 0 : i32
    %dma_wait3A_1050 = tpu.memref_slice %arg3[%dma_wait3A_1049] : memref<4194304xi32, #tpu.memory_space<hbm>> -> memref<4194304xi32, #tpu.memory_space<hbm>>
    tpu.wait_indirect_dma semaphore(%arg7 : memref<!tpu.dma_semaphore, #tpu.memory_space<semaphore_mem>>) src(%dma_wait3A_1050 : memref<4194304xi32, #tpu.memory_space<hbm>>) dst(%dma_wait3A_1045 : memref<128xi32, #tpu.memory_space<vmem>>)
    %dma_wait3A_1051 = arith.constant 41 : i32
    %dma_wait3A_1052 = arith.constant 41 : i32
    %dma_wait3A_1053 = arith.constant 0 : i32
    %dma_wait3A_1054 = tpu.memref_slice %arg6[%dma_wait3A_1052, %dma_wait3A_1053] : memref<64x128xi32, #tpu.memory_space<vmem>> -> memref<1x128xi32, #tpu.memory_space<vmem>>
    %dma_wait3A_1055 = tpu.memref_squeeze %dma_wait3A_1054 : memref<1x128xi32, #tpu.memory_space<vmem>> -> memref<128xi32, #tpu.memory_space<vmem>>
    %dma_wait3A_1056 = arith.constant 0 : i32
    %dma_wait3A_1057 = tpu.memref_slice %arg5[%dma_wait3A_1051, %dma_wait3A_1056] : memref<64x128xi32, #tpu.memory_space<vmem>> -> memref<1x128xi32, #tpu.memory_space<vmem>>
    %dma_wait3A_1058 = tpu.memref_squeeze %dma_wait3A_1057 : memref<1x128xi32, #tpu.memory_space<vmem>> -> memref<128xi32, #tpu.memory_space<vmem>>
    %dma_wait3A_1059 = arith.constant 0 : i32
    %dma_wait3A_1060 = tpu.memref_slice %arg3[%dma_wait3A_1059] : memref<4194304xi32, #tpu.memory_space<hbm>> -> memref<4194304xi32, #tpu.memory_space<hbm>>
    tpu.wait_indirect_dma semaphore(%arg7 : memref<!tpu.dma_semaphore, #tpu.memory_space<semaphore_mem>>) src(%dma_wait3A_1060 : memref<4194304xi32, #tpu.memory_space<hbm>>) dst(%dma_wait3A_1055 : memref<128xi32, #tpu.memory_space<vmem>>)
    %dma_wait3A_1061 = arith.constant 42 : i32
    %dma_wait3A_1062 = arith.constant 42 : i32
    %dma_wait3A_1063 = arith.constant 0 : i32
    %dma_wait3A_1064 = tpu.memref_slice %arg6[%dma_wait3A_1062, %dma_wait3A_1063] : memref<64x128xi32, #tpu.memory_space<vmem>> -> memref<1x128xi32, #tpu.memory_space<vmem>>
    %dma_wait3A_1065 = tpu.memref_squeeze %dma_wait3A_1064 : memref<1x128xi32, #tpu.memory_space<vmem>> -> memref<128xi32, #tpu.memory_space<vmem>>
    %dma_wait3A_1066 = arith.constant 0 : i32
    %dma_wait3A_1067 = tpu.memref_slice %arg5[%dma_wait3A_1061, %dma_wait3A_1066] : memref<64x128xi32, #tpu.memory_space<vmem>> -> memref<1x128xi32, #tpu.memory_space<vmem>>
    %dma_wait3A_1068 = tpu.memref_squeeze %dma_wait3A_1067 : memref<1x128xi32, #tpu.memory_space<vmem>> -> memref<128xi32, #tpu.memory_space<vmem>>
    %dma_wait3A_1069 = arith.constant 0 : i32
    %dma_wait3A_1070 = tpu.memref_slice %arg3[%dma_wait3A_1069] : memref<4194304xi32, #tpu.memory_space<hbm>> -> memref<4194304xi32, #tpu.memory_space<hbm>>
    tpu.wait_indirect_dma semaphore(%arg7 : memref<!tpu.dma_semaphore, #tpu.memory_space<semaphore_mem>>) src(%dma_wait3A_1070 : memref<4194304xi32, #tpu.memory_space<hbm>>) dst(%dma_wait3A_1065 : memref<128xi32, #tpu.memory_space<vmem>>)
    %dma_wait3A_1071 = arith.constant 43 : i32
    %dma_wait3A_1072 = arith.constant 43 : i32
    %dma_wait3A_1073 = arith.constant 0 : i32
    %dma_wait3A_1074 = tpu.memref_slice %arg6[%dma_wait3A_1072, %dma_wait3A_1073] : memref<64x128xi32, #tpu.memory_space<vmem>> -> memref<1x128xi32, #tpu.memory_space<vmem>>
    %dma_wait3A_1075 = tpu.memref_squeeze %dma_wait3A_1074 : memref<1x128xi32, #tpu.memory_space<vmem>> -> memref<128xi32, #tpu.memory_space<vmem>>
    %dma_wait3A_1076 = arith.constant 0 : i32
    %dma_wait3A_1077 = tpu.memref_slice %arg5[%dma_wait3A_1071, %dma_wait3A_1076] : memref<64x128xi32, #tpu.memory_space<vmem>> -> memref<1x128xi32, #tpu.memory_space<vmem>>
    %dma_wait3A_1078 = tpu.memref_squeeze %dma_wait3A_1077 : memref<1x128xi32, #tpu.memory_space<vmem>> -> memref<128xi32, #tpu.memory_space<vmem>>
    %dma_wait3A_1079 = arith.constant 0 : i32
    %dma_wait3A_1080 = tpu.memref_slice %arg3[%dma_wait3A_1079] : memref<4194304xi32, #tpu.memory_space<hbm>> -> memref<4194304xi32, #tpu.memory_space<hbm>>
    tpu.wait_indirect_dma semaphore(%arg7 : memref<!tpu.dma_semaphore, #tpu.memory_space<semaphore_mem>>) src(%dma_wait3A_1080 : memref<4194304xi32, #tpu.memory_space<hbm>>) dst(%dma_wait3A_1075 : memref<128xi32, #tpu.memory_space<vmem>>)
    %dma_wait3A_1081 = arith.constant 44 : i32
    %dma_wait3A_1082 = arith.constant 44 : i32
    %dma_wait3A_1083 = arith.constant 0 : i32
    %dma_wait3A_1084 = tpu.memref_slice %arg6[%dma_wait3A_1082, %dma_wait3A_1083] : memref<64x128xi32, #tpu.memory_space<vmem>> -> memref<1x128xi32, #tpu.memory_space<vmem>>
    %dma_wait3A_1085 = tpu.memref_squeeze %dma_wait3A_1084 : memref<1x128xi32, #tpu.memory_space<vmem>> -> memref<128xi32, #tpu.memory_space<vmem>>
    %dma_wait3A_1086 = arith.constant 0 : i32
    %dma_wait3A_1087 = tpu.memref_slice %arg5[%dma_wait3A_1081, %dma_wait3A_1086] : memref<64x128xi32, #tpu.memory_space<vmem>> -> memref<1x128xi32, #tpu.memory_space<vmem>>
    %dma_wait3A_1088 = tpu.memref_squeeze %dma_wait3A_1087 : memref<1x128xi32, #tpu.memory_space<vmem>> -> memref<128xi32, #tpu.memory_space<vmem>>
    %dma_wait3A_1089 = arith.constant 0 : i32
    %dma_wait3A_1090 = tpu.memref_slice %arg3[%dma_wait3A_1089] : memref<4194304xi32, #tpu.memory_space<hbm>> -> memref<4194304xi32, #tpu.memory_space<hbm>>
    tpu.wait_indirect_dma semaphore(%arg7 : memref<!tpu.dma_semaphore, #tpu.memory_space<semaphore_mem>>) src(%dma_wait3A_1090 : memref<4194304xi32, #tpu.memory_space<hbm>>) dst(%dma_wait3A_1085 : memref<128xi32, #tpu.memory_space<vmem>>)
    %dma_wait3A_1091 = arith.constant 45 : i32
    %dma_wait3A_1092 = arith.constant 45 : i32
    %dma_wait3A_1093 = arith.constant 0 : i32
    %dma_wait3A_1094 = tpu.memref_slice %arg6[%dma_wait3A_1092, %dma_wait3A_1093] : memref<64x128xi32, #tpu.memory_space<vmem>> -> memref<1x128xi32, #tpu.memory_space<vmem>>
    %dma_wait3A_1095 = tpu.memref_squeeze %dma_wait3A_1094 : memref<1x128xi32, #tpu.memory_space<vmem>> -> memref<128xi32, #tpu.memory_space<vmem>>
    %dma_wait3A_1096 = arith.constant 0 : i32
    %dma_wait3A_1097 = tpu.memref_slice %arg5[%dma_wait3A_1091, %dma_wait3A_1096] : memref<64x128xi32, #tpu.memory_space<vmem>> -> memref<1x128xi32, #tpu.memory_space<vmem>>
    %dma_wait3A_1098 = tpu.memref_squeeze %dma_wait3A_1097 : memref<1x128xi32, #tpu.memory_space<vmem>> -> memref<128xi32, #tpu.memory_space<vmem>>
    %dma_wait3A_1099 = arith.constant 0 : i32
    %dma_wait3A_1100 = tpu.memref_slice %arg3[%dma_wait3A_1099] : memref<4194304xi32, #tpu.memory_space<hbm>> -> memref<4194304xi32, #tpu.memory_space<hbm>>
    tpu.wait_indirect_dma semaphore(%arg7 : memref<!tpu.dma_semaphore, #tpu.memory_space<semaphore_mem>>) src(%dma_wait3A_1100 : memref<4194304xi32, #tpu.memory_space<hbm>>) dst(%dma_wait3A_1095 : memref<128xi32, #tpu.memory_space<vmem>>)
    %dma_wait3A_1101 = arith.constant 46 : i32
    %dma_wait3A_1102 = arith.constant 46 : i32
    %dma_wait3A_1103 = arith.constant 0 : i32
    %dma_wait3A_1104 = tpu.memref_slice %arg6[%dma_wait3A_1102, %dma_wait3A_1103] : memref<64x128xi32, #tpu.memory_space<vmem>> -> memref<1x128xi32, #tpu.memory_space<vmem>>
    %dma_wait3A_1105 = tpu.memref_squeeze %dma_wait3A_1104 : memref<1x128xi32, #tpu.memory_space<vmem>> -> memref<128xi32, #tpu.memory_space<vmem>>
    %dma_wait3A_1106 = arith.constant 0 : i32
    %dma_wait3A_1107 = tpu.memref_slice %arg5[%dma_wait3A_1101, %dma_wait3A_1106] : memref<64x128xi32, #tpu.memory_space<vmem>> -> memref<1x128xi32, #tpu.memory_space<vmem>>
    %dma_wait3A_1108 = tpu.memref_squeeze %dma_wait3A_1107 : memref<1x128xi32, #tpu.memory_space<vmem>> -> memref<128xi32, #tpu.memory_space<vmem>>
    %dma_wait3A_1109 = arith.constant 0 : i32
    %dma_wait3A_1110 = tpu.memref_slice %arg3[%dma_wait3A_1109] : memref<4194304xi32, #tpu.memory_space<hbm>> -> memref<4194304xi32, #tpu.memory_space<hbm>>
    tpu.wait_indirect_dma semaphore(%arg7 : memref<!tpu.dma_semaphore, #tpu.memory_space<semaphore_mem>>) src(%dma_wait3A_1110 : memref<4194304xi32, #tpu.memory_space<hbm>>) dst(%dma_wait3A_1105 : memref<128xi32, #tpu.memory_space<vmem>>)
    %dma_wait3A_1111 = arith.constant 47 : i32
    %dma_wait3A_1112 = arith.constant 47 : i32
    %dma_wait3A_1113 = arith.constant 0 : i32
    %dma_wait3A_1114 = tpu.memref_slice %arg6[%dma_wait3A_1112, %dma_wait3A_1113] : memref<64x128xi32, #tpu.memory_space<vmem>> -> memref<1x128xi32, #tpu.memory_space<vmem>>
    %dma_wait3A_1115 = tpu.memref_squeeze %dma_wait3A_1114 : memref<1x128xi32, #tpu.memory_space<vmem>> -> memref<128xi32, #tpu.memory_space<vmem>>
    %dma_wait3A_1116 = arith.constant 0 : i32
    %dma_wait3A_1117 = tpu.memref_slice %arg5[%dma_wait3A_1111, %dma_wait3A_1116] : memref<64x128xi32, #tpu.memory_space<vmem>> -> memref<1x128xi32, #tpu.memory_space<vmem>>
    %dma_wait3A_1118 = tpu.memref_squeeze %dma_wait3A_1117 : memref<1x128xi32, #tpu.memory_space<vmem>> -> memref<128xi32, #tpu.memory_space<vmem>>
    %dma_wait3A_1119 = arith.constant 0 : i32
    %dma_wait3A_1120 = tpu.memref_slice %arg3[%dma_wait3A_1119] : memref<4194304xi32, #tpu.memory_space<hbm>> -> memref<4194304xi32, #tpu.memory_space<hbm>>
    tpu.wait_indirect_dma semaphore(%arg7 : memref<!tpu.dma_semaphore, #tpu.memory_space<semaphore_mem>>) src(%dma_wait3A_1120 : memref<4194304xi32, #tpu.memory_space<hbm>>) dst(%dma_wait3A_1115 : memref<128xi32, #tpu.memory_space<vmem>>)
    %dma_wait3A_1121 = arith.constant 48 : i32
    %dma_wait3A_1122 = arith.constant 48 : i32
    %dma_wait3A_1123 = arith.constant 0 : i32
    %dma_wait3A_1124 = tpu.memref_slice %arg6[%dma_wait3A_1122, %dma_wait3A_1123] : memref<64x128xi32, #tpu.memory_space<vmem>> -> memref<1x128xi32, #tpu.memory_space<vmem>>
    %dma_wait3A_1125 = tpu.memref_squeeze %dma_wait3A_1124 : memref<1x128xi32, #tpu.memory_space<vmem>> -> memref<128xi32, #tpu.memory_space<vmem>>
    %dma_wait3A_1126 = arith.constant 0 : i32
    %dma_wait3A_1127 = tpu.memref_slice %arg5[%dma_wait3A_1121, %dma_wait3A_1126] : memref<64x128xi32, #tpu.memory_space<vmem>> -> memref<1x128xi32, #tpu.memory_space<vmem>>
    %dma_wait3A_1128 = tpu.memref_squeeze %dma_wait3A_1127 : memref<1x128xi32, #tpu.memory_space<vmem>> -> memref<128xi32, #tpu.memory_space<vmem>>
    %dma_wait3A_1129 = arith.constant 0 : i32
    %dma_wait3A_1130 = tpu.memref_slice %arg3[%dma_wait3A_1129] : memref<4194304xi32, #tpu.memory_space<hbm>> -> memref<4194304xi32, #tpu.memory_space<hbm>>
    tpu.wait_indirect_dma semaphore(%arg7 : memref<!tpu.dma_semaphore, #tpu.memory_space<semaphore_mem>>) src(%dma_wait3A_1130 : memref<4194304xi32, #tpu.memory_space<hbm>>) dst(%dma_wait3A_1125 : memref<128xi32, #tpu.memory_space<vmem>>)
    %dma_wait3A_1131 = arith.constant 49 : i32
    %dma_wait3A_1132 = arith.constant 49 : i32
    %dma_wait3A_1133 = arith.constant 0 : i32
    %dma_wait3A_1134 = tpu.memref_slice %arg6[%dma_wait3A_1132, %dma_wait3A_1133] : memref<64x128xi32, #tpu.memory_space<vmem>> -> memref<1x128xi32, #tpu.memory_space<vmem>>
    %dma_wait3A_1135 = tpu.memref_squeeze %dma_wait3A_1134 : memref<1x128xi32, #tpu.memory_space<vmem>> -> memref<128xi32, #tpu.memory_space<vmem>>
    %dma_wait3A_1136 = arith.constant 0 : i32
    %dma_wait3A_1137 = tpu.memref_slice %arg5[%dma_wait3A_1131, %dma_wait3A_1136] : memref<64x128xi32, #tpu.memory_space<vmem>> -> memref<1x128xi32, #tpu.memory_space<vmem>>
    %dma_wait3A_1138 = tpu.memref_squeeze %dma_wait3A_1137 : memref<1x128xi32, #tpu.memory_space<vmem>> -> memref<128xi32, #tpu.memory_space<vmem>>
    %dma_wait3A_1139 = arith.constant 0 : i32
    %dma_wait3A_1140 = tpu.memref_slice %arg3[%dma_wait3A_1139] : memref<4194304xi32, #tpu.memory_space<hbm>> -> memref<4194304xi32, #tpu.memory_space<hbm>>
    tpu.wait_indirect_dma semaphore(%arg7 : memref<!tpu.dma_semaphore, #tpu.memory_space<semaphore_mem>>) src(%dma_wait3A_1140 : memref<4194304xi32, #tpu.memory_space<hbm>>) dst(%dma_wait3A_1135 : memref<128xi32, #tpu.memory_space<vmem>>)
    %dma_wait3A_1141 = arith.constant 50 : i32
    %dma_wait3A_1142 = arith.constant 50 : i32
    %dma_wait3A_1143 = arith.constant 0 : i32
    %dma_wait3A_1144 = tpu.memref_slice %arg6[%dma_wait3A_1142, %dma_wait3A_1143] : memref<64x128xi32, #tpu.memory_space<vmem>> -> memref<1x128xi32, #tpu.memory_space<vmem>>
    %dma_wait3A_1145 = tpu.memref_squeeze %dma_wait3A_1144 : memref<1x128xi32, #tpu.memory_space<vmem>> -> memref<128xi32, #tpu.memory_space<vmem>>
    %dma_wait3A_1146 = arith.constant 0 : i32
    %dma_wait3A_1147 = tpu.memref_slice %arg5[%dma_wait3A_1141, %dma_wait3A_1146] : memref<64x128xi32, #tpu.memory_space<vmem>> -> memref<1x128xi32, #tpu.memory_space<vmem>>
    %dma_wait3A_1148 = tpu.memref_squeeze %dma_wait3A_1147 : memref<1x128xi32, #tpu.memory_space<vmem>> -> memref<128xi32, #tpu.memory_space<vmem>>
    %dma_wait3A_1149 = arith.constant 0 : i32
    %dma_wait3A_1150 = tpu.memref_slice %arg3[%dma_wait3A_1149] : memref<4194304xi32, #tpu.memory_space<hbm>> -> memref<4194304xi32, #tpu.memory_space<hbm>>
    tpu.wait_indirect_dma semaphore(%arg7 : memref<!tpu.dma_semaphore, #tpu.memory_space<semaphore_mem>>) src(%dma_wait3A_1150 : memref<4194304xi32, #tpu.memory_space<hbm>>) dst(%dma_wait3A_1145 : memref<128xi32, #tpu.memory_space<vmem>>)
    %dma_wait3A_1151 = arith.constant 51 : i32
    %dma_wait3A_1152 = arith.constant 51 : i32
    %dma_wait3A_1153 = arith.constant 0 : i32
    %dma_wait3A_1154 = tpu.memref_slice %arg6[%dma_wait3A_1152, %dma_wait3A_1153] : memref<64x128xi32, #tpu.memory_space<vmem>> -> memref<1x128xi32, #tpu.memory_space<vmem>>
    %dma_wait3A_1155 = tpu.memref_squeeze %dma_wait3A_1154 : memref<1x128xi32, #tpu.memory_space<vmem>> -> memref<128xi32, #tpu.memory_space<vmem>>
    %dma_wait3A_1156 = arith.constant 0 : i32
    %dma_wait3A_1157 = tpu.memref_slice %arg5[%dma_wait3A_1151, %dma_wait3A_1156] : memref<64x128xi32, #tpu.memory_space<vmem>> -> memref<1x128xi32, #tpu.memory_space<vmem>>
    %dma_wait3A_1158 = tpu.memref_squeeze %dma_wait3A_1157 : memref<1x128xi32, #tpu.memory_space<vmem>> -> memref<128xi32, #tpu.memory_space<vmem>>
    %dma_wait3A_1159 = arith.constant 0 : i32
    %dma_wait3A_1160 = tpu.memref_slice %arg3[%dma_wait3A_1159] : memref<4194304xi32, #tpu.memory_space<hbm>> -> memref<4194304xi32, #tpu.memory_space<hbm>>
    tpu.wait_indirect_dma semaphore(%arg7 : memref<!tpu.dma_semaphore, #tpu.memory_space<semaphore_mem>>) src(%dma_wait3A_1160 : memref<4194304xi32, #tpu.memory_space<hbm>>) dst(%dma_wait3A_1155 : memref<128xi32, #tpu.memory_space<vmem>>)
    %dma_wait3A_1161 = arith.constant 52 : i32
    %dma_wait3A_1162 = arith.constant 52 : i32
    %dma_wait3A_1163 = arith.constant 0 : i32
    %dma_wait3A_1164 = tpu.memref_slice %arg6[%dma_wait3A_1162, %dma_wait3A_1163] : memref<64x128xi32, #tpu.memory_space<vmem>> -> memref<1x128xi32, #tpu.memory_space<vmem>>
    %dma_wait3A_1165 = tpu.memref_squeeze %dma_wait3A_1164 : memref<1x128xi32, #tpu.memory_space<vmem>> -> memref<128xi32, #tpu.memory_space<vmem>>
    %dma_wait3A_1166 = arith.constant 0 : i32
    %dma_wait3A_1167 = tpu.memref_slice %arg5[%dma_wait3A_1161, %dma_wait3A_1166] : memref<64x128xi32, #tpu.memory_space<vmem>> -> memref<1x128xi32, #tpu.memory_space<vmem>>
    %dma_wait3A_1168 = tpu.memref_squeeze %dma_wait3A_1167 : memref<1x128xi32, #tpu.memory_space<vmem>> -> memref<128xi32, #tpu.memory_space<vmem>>
    %dma_wait3A_1169 = arith.constant 0 : i32
    %dma_wait3A_1170 = tpu.memref_slice %arg3[%dma_wait3A_1169] : memref<4194304xi32, #tpu.memory_space<hbm>> -> memref<4194304xi32, #tpu.memory_space<hbm>>
    tpu.wait_indirect_dma semaphore(%arg7 : memref<!tpu.dma_semaphore, #tpu.memory_space<semaphore_mem>>) src(%dma_wait3A_1170 : memref<4194304xi32, #tpu.memory_space<hbm>>) dst(%dma_wait3A_1165 : memref<128xi32, #tpu.memory_space<vmem>>)
    %dma_wait3A_1171 = arith.constant 53 : i32
    %dma_wait3A_1172 = arith.constant 53 : i32
    %dma_wait3A_1173 = arith.constant 0 : i32
    %dma_wait3A_1174 = tpu.memref_slice %arg6[%dma_wait3A_1172, %dma_wait3A_1173] : memref<64x128xi32, #tpu.memory_space<vmem>> -> memref<1x128xi32, #tpu.memory_space<vmem>>
    %dma_wait3A_1175 = tpu.memref_squeeze %dma_wait3A_1174 : memref<1x128xi32, #tpu.memory_space<vmem>> -> memref<128xi32, #tpu.memory_space<vmem>>
    %dma_wait3A_1176 = arith.constant 0 : i32
    %dma_wait3A_1177 = tpu.memref_slice %arg5[%dma_wait3A_1171, %dma_wait3A_1176] : memref<64x128xi32, #tpu.memory_space<vmem>> -> memref<1x128xi32, #tpu.memory_space<vmem>>
    %dma_wait3A_1178 = tpu.memref_squeeze %dma_wait3A_1177 : memref<1x128xi32, #tpu.memory_space<vmem>> -> memref<128xi32, #tpu.memory_space<vmem>>
    %dma_wait3A_1179 = arith.constant 0 : i32
    %dma_wait3A_1180 = tpu.memref_slice %arg3[%dma_wait3A_1179] : memref<4194304xi32, #tpu.memory_space<hbm>> -> memref<4194304xi32, #tpu.memory_space<hbm>>
    tpu.wait_indirect_dma semaphore(%arg7 : memref<!tpu.dma_semaphore, #tpu.memory_space<semaphore_mem>>) src(%dma_wait3A_1180 : memref<4194304xi32, #tpu.memory_space<hbm>>) dst(%dma_wait3A_1175 : memref<128xi32, #tpu.memory_space<vmem>>)
    %dma_wait3A_1181 = arith.constant 54 : i32
    %dma_wait3A_1182 = arith.constant 54 : i32
    %dma_wait3A_1183 = arith.constant 0 : i32
    %dma_wait3A_1184 = tpu.memref_slice %arg6[%dma_wait3A_1182, %dma_wait3A_1183] : memref<64x128xi32, #tpu.memory_space<vmem>> -> memref<1x128xi32, #tpu.memory_space<vmem>>
    %dma_wait3A_1185 = tpu.memref_squeeze %dma_wait3A_1184 : memref<1x128xi32, #tpu.memory_space<vmem>> -> memref<128xi32, #tpu.memory_space<vmem>>
    %dma_wait3A_1186 = arith.constant 0 : i32
    %dma_wait3A_1187 = tpu.memref_slice %arg5[%dma_wait3A_1181, %dma_wait3A_1186] : memref<64x128xi32, #tpu.memory_space<vmem>> -> memref<1x128xi32, #tpu.memory_space<vmem>>
    %dma_wait3A_1188 = tpu.memref_squeeze %dma_wait3A_1187 : memref<1x128xi32, #tpu.memory_space<vmem>> -> memref<128xi32, #tpu.memory_space<vmem>>
    %dma_wait3A_1189 = arith.constant 0 : i32
    %dma_wait3A_1190 = tpu.memref_slice %arg3[%dma_wait3A_1189] : memref<4194304xi32, #tpu.memory_space<hbm>> -> memref<4194304xi32, #tpu.memory_space<hbm>>
    tpu.wait_indirect_dma semaphore(%arg7 : memref<!tpu.dma_semaphore, #tpu.memory_space<semaphore_mem>>) src(%dma_wait3A_1190 : memref<4194304xi32, #tpu.memory_space<hbm>>) dst(%dma_wait3A_1185 : memref<128xi32, #tpu.memory_space<vmem>>)
    %dma_wait3A_1191 = arith.constant 55 : i32
    %dma_wait3A_1192 = arith.constant 55 : i32
    %dma_wait3A_1193 = arith.constant 0 : i32
    %dma_wait3A_1194 = tpu.memref_slice %arg6[%dma_wait3A_1192, %dma_wait3A_1193] : memref<64x128xi32, #tpu.memory_space<vmem>> -> memref<1x128xi32, #tpu.memory_space<vmem>>
    %dma_wait3A_1195 = tpu.memref_squeeze %dma_wait3A_1194 : memref<1x128xi32, #tpu.memory_space<vmem>> -> memref<128xi32, #tpu.memory_space<vmem>>
    %dma_wait3A_1196 = arith.constant 0 : i32
    %dma_wait3A_1197 = tpu.memref_slice %arg5[%dma_wait3A_1191, %dma_wait3A_1196] : memref<64x128xi32, #tpu.memory_space<vmem>> -> memref<1x128xi32, #tpu.memory_space<vmem>>
    %dma_wait3A_1198 = tpu.memref_squeeze %dma_wait3A_1197 : memref<1x128xi32, #tpu.memory_space<vmem>> -> memref<128xi32, #tpu.memory_space<vmem>>
    %dma_wait3A_1199 = arith.constant 0 : i32
    %dma_wait3A_1200 = tpu.memref_slice %arg3[%dma_wait3A_1199] : memref<4194304xi32, #tpu.memory_space<hbm>> -> memref<4194304xi32, #tpu.memory_space<hbm>>
    tpu.wait_indirect_dma semaphore(%arg7 : memref<!tpu.dma_semaphore, #tpu.memory_space<semaphore_mem>>) src(%dma_wait3A_1200 : memref<4194304xi32, #tpu.memory_space<hbm>>) dst(%dma_wait3A_1195 : memref<128xi32, #tpu.memory_space<vmem>>)
    %dma_wait3A_1201 = arith.constant 56 : i32
    %dma_wait3A_1202 = arith.constant 56 : i32
    %dma_wait3A_1203 = arith.constant 0 : i32
    %dma_wait3A_1204 = tpu.memref_slice %arg6[%dma_wait3A_1202, %dma_wait3A_1203] : memref<64x128xi32, #tpu.memory_space<vmem>> -> memref<1x128xi32, #tpu.memory_space<vmem>>
    %dma_wait3A_1205 = tpu.memref_squeeze %dma_wait3A_1204 : memref<1x128xi32, #tpu.memory_space<vmem>> -> memref<128xi32, #tpu.memory_space<vmem>>
    %dma_wait3A_1206 = arith.constant 0 : i32
    %dma_wait3A_1207 = tpu.memref_slice %arg5[%dma_wait3A_1201, %dma_wait3A_1206] : memref<64x128xi32, #tpu.memory_space<vmem>> -> memref<1x128xi32, #tpu.memory_space<vmem>>
    %dma_wait3A_1208 = tpu.memref_squeeze %dma_wait3A_1207 : memref<1x128xi32, #tpu.memory_space<vmem>> -> memref<128xi32, #tpu.memory_space<vmem>>
    %dma_wait3A_1209 = arith.constant 0 : i32
    %dma_wait3A_1210 = tpu.memref_slice %arg3[%dma_wait3A_1209] : memref<4194304xi32, #tpu.memory_space<hbm>> -> memref<4194304xi32, #tpu.memory_space<hbm>>
    tpu.wait_indirect_dma semaphore(%arg7 : memref<!tpu.dma_semaphore, #tpu.memory_space<semaphore_mem>>) src(%dma_wait3A_1210 : memref<4194304xi32, #tpu.memory_space<hbm>>) dst(%dma_wait3A_1205 : memref<128xi32, #tpu.memory_space<vmem>>)
    %dma_wait3A_1211 = arith.constant 57 : i32
    %dma_wait3A_1212 = arith.constant 57 : i32
    %dma_wait3A_1213 = arith.constant 0 : i32
    %dma_wait3A_1214 = tpu.memref_slice %arg6[%dma_wait3A_1212, %dma_wait3A_1213] : memref<64x128xi32, #tpu.memory_space<vmem>> -> memref<1x128xi32, #tpu.memory_space<vmem>>
    %dma_wait3A_1215 = tpu.memref_squeeze %dma_wait3A_1214 : memref<1x128xi32, #tpu.memory_space<vmem>> -> memref<128xi32, #tpu.memory_space<vmem>>
    %dma_wait3A_1216 = arith.constant 0 : i32
    %dma_wait3A_1217 = tpu.memref_slice %arg5[%dma_wait3A_1211, %dma_wait3A_1216] : memref<64x128xi32, #tpu.memory_space<vmem>> -> memref<1x128xi32, #tpu.memory_space<vmem>>
    %dma_wait3A_1218 = tpu.memref_squeeze %dma_wait3A_1217 : memref<1x128xi32, #tpu.memory_space<vmem>> -> memref<128xi32, #tpu.memory_space<vmem>>
    %dma_wait3A_1219 = arith.constant 0 : i32
    %dma_wait3A_1220 = tpu.memref_slice %arg3[%dma_wait3A_1219] : memref<4194304xi32, #tpu.memory_space<hbm>> -> memref<4194304xi32, #tpu.memory_space<hbm>>
    tpu.wait_indirect_dma semaphore(%arg7 : memref<!tpu.dma_semaphore, #tpu.memory_space<semaphore_mem>>) src(%dma_wait3A_1220 : memref<4194304xi32, #tpu.memory_space<hbm>>) dst(%dma_wait3A_1215 : memref<128xi32, #tpu.memory_space<vmem>>)
    %dma_wait3A_1221 = arith.constant 58 : i32
    %dma_wait3A_1222 = arith.constant 58 : i32
    %dma_wait3A_1223 = arith.constant 0 : i32
    %dma_wait3A_1224 = tpu.memref_slice %arg6[%dma_wait3A_1222, %dma_wait3A_1223] : memref<64x128xi32, #tpu.memory_space<vmem>> -> memref<1x128xi32, #tpu.memory_space<vmem>>
    %dma_wait3A_1225 = tpu.memref_squeeze %dma_wait3A_1224 : memref<1x128xi32, #tpu.memory_space<vmem>> -> memref<128xi32, #tpu.memory_space<vmem>>
    %dma_wait3A_1226 = arith.constant 0 : i32
    %dma_wait3A_1227 = tpu.memref_slice %arg5[%dma_wait3A_1221, %dma_wait3A_1226] : memref<64x128xi32, #tpu.memory_space<vmem>> -> memref<1x128xi32, #tpu.memory_space<vmem>>
    %dma_wait3A_1228 = tpu.memref_squeeze %dma_wait3A_1227 : memref<1x128xi32, #tpu.memory_space<vmem>> -> memref<128xi32, #tpu.memory_space<vmem>>
    %dma_wait3A_1229 = arith.constant 0 : i32
    %dma_wait3A_1230 = tpu.memref_slice %arg3[%dma_wait3A_1229] : memref<4194304xi32, #tpu.memory_space<hbm>> -> memref<4194304xi32, #tpu.memory_space<hbm>>
    tpu.wait_indirect_dma semaphore(%arg7 : memref<!tpu.dma_semaphore, #tpu.memory_space<semaphore_mem>>) src(%dma_wait3A_1230 : memref<4194304xi32, #tpu.memory_space<hbm>>) dst(%dma_wait3A_1225 : memref<128xi32, #tpu.memory_space<vmem>>)
    %dma_wait3A_1231 = arith.constant 59 : i32
    %dma_wait3A_1232 = arith.constant 59 : i32
    %dma_wait3A_1233 = arith.constant 0 : i32
    %dma_wait3A_1234 = tpu.memref_slice %arg6[%dma_wait3A_1232, %dma_wait3A_1233] : memref<64x128xi32, #tpu.memory_space<vmem>> -> memref<1x128xi32, #tpu.memory_space<vmem>>
    %dma_wait3A_1235 = tpu.memref_squeeze %dma_wait3A_1234 : memref<1x128xi32, #tpu.memory_space<vmem>> -> memref<128xi32, #tpu.memory_space<vmem>>
    %dma_wait3A_1236 = arith.constant 0 : i32
    %dma_wait3A_1237 = tpu.memref_slice %arg5[%dma_wait3A_1231, %dma_wait3A_1236] : memref<64x128xi32, #tpu.memory_space<vmem>> -> memref<1x128xi32, #tpu.memory_space<vmem>>
    %dma_wait3A_1238 = tpu.memref_squeeze %dma_wait3A_1237 : memref<1x128xi32, #tpu.memory_space<vmem>> -> memref<128xi32, #tpu.memory_space<vmem>>
    %dma_wait3A_1239 = arith.constant 0 : i32
    %dma_wait3A_1240 = tpu.memref_slice %arg3[%dma_wait3A_1239] : memref<4194304xi32, #tpu.memory_space<hbm>> -> memref<4194304xi32, #tpu.memory_space<hbm>>
    tpu.wait_indirect_dma semaphore(%arg7 : memref<!tpu.dma_semaphore, #tpu.memory_space<semaphore_mem>>) src(%dma_wait3A_1240 : memref<4194304xi32, #tpu.memory_space<hbm>>) dst(%dma_wait3A_1235 : memref<128xi32, #tpu.memory_space<vmem>>)
    %dma_wait3A_1241 = arith.constant 60 : i32
    %dma_wait3A_1242 = arith.constant 60 : i32
    %dma_wait3A_1243 = arith.constant 0 : i32
    %dma_wait3A_1244 = tpu.memref_slice %arg6[%dma_wait3A_1242, %dma_wait3A_1243] : memref<64x128xi32, #tpu.memory_space<vmem>> -> memref<1x128xi32, #tpu.memory_space<vmem>>
    %dma_wait3A_1245 = tpu.memref_squeeze %dma_wait3A_1244 : memref<1x128xi32, #tpu.memory_space<vmem>> -> memref<128xi32, #tpu.memory_space<vmem>>
    %dma_wait3A_1246 = arith.constant 0 : i32
    %dma_wait3A_1247 = tpu.memref_slice %arg5[%dma_wait3A_1241, %dma_wait3A_1246] : memref<64x128xi32, #tpu.memory_space<vmem>> -> memref<1x128xi32, #tpu.memory_space<vmem>>
    %dma_wait3A_1248 = tpu.memref_squeeze %dma_wait3A_1247 : memref<1x128xi32, #tpu.memory_space<vmem>> -> memref<128xi32, #tpu.memory_space<vmem>>
    %dma_wait3A_1249 = arith.constant 0 : i32
    %dma_wait3A_1250 = tpu.memref_slice %arg3[%dma_wait3A_1249] : memref<4194304xi32, #tpu.memory_space<hbm>> -> memref<4194304xi32, #tpu.memory_space<hbm>>
    tpu.wait_indirect_dma semaphore(%arg7 : memref<!tpu.dma_semaphore, #tpu.memory_space<semaphore_mem>>) src(%dma_wait3A_1250 : memref<4194304xi32, #tpu.memory_space<hbm>>) dst(%dma_wait3A_1245 : memref<128xi32, #tpu.memory_space<vmem>>)
    %dma_wait3A_1251 = arith.constant 61 : i32
    %dma_wait3A_1252 = arith.constant 61 : i32
    %dma_wait3A_1253 = arith.constant 0 : i32
    %dma_wait3A_1254 = tpu.memref_slice %arg6[%dma_wait3A_1252, %dma_wait3A_1253] : memref<64x128xi32, #tpu.memory_space<vmem>> -> memref<1x128xi32, #tpu.memory_space<vmem>>
    %dma_wait3A_1255 = tpu.memref_squeeze %dma_wait3A_1254 : memref<1x128xi32, #tpu.memory_space<vmem>> -> memref<128xi32, #tpu.memory_space<vmem>>
    %dma_wait3A_1256 = arith.constant 0 : i32
    %dma_wait3A_1257 = tpu.memref_slice %arg5[%dma_wait3A_1251, %dma_wait3A_1256] : memref<64x128xi32, #tpu.memory_space<vmem>> -> memref<1x128xi32, #tpu.memory_space<vmem>>
    %dma_wait3A_1258 = tpu.memref_squeeze %dma_wait3A_1257 : memref<1x128xi32, #tpu.memory_space<vmem>> -> memref<128xi32, #tpu.memory_space<vmem>>
    %dma_wait3A_1259 = arith.constant 0 : i32
    %dma_wait3A_1260 = tpu.memref_slice %arg3[%dma_wait3A_1259] : memref<4194304xi32, #tpu.memory_space<hbm>> -> memref<4194304xi32, #tpu.memory_space<hbm>>
    tpu.wait_indirect_dma semaphore(%arg7 : memref<!tpu.dma_semaphore, #tpu.memory_space<semaphore_mem>>) src(%dma_wait3A_1260 : memref<4194304xi32, #tpu.memory_space<hbm>>) dst(%dma_wait3A_1255 : memref<128xi32, #tpu.memory_space<vmem>>)
    %dma_wait3A_1261 = arith.constant 62 : i32
    %dma_wait3A_1262 = arith.constant 62 : i32
    %dma_wait3A_1263 = arith.constant 0 : i32
    %dma_wait3A_1264 = tpu.memref_slice %arg6[%dma_wait3A_1262, %dma_wait3A_1263] : memref<64x128xi32, #tpu.memory_space<vmem>> -> memref<1x128xi32, #tpu.memory_space<vmem>>
    %dma_wait3A_1265 = tpu.memref_squeeze %dma_wait3A_1264 : memref<1x128xi32, #tpu.memory_space<vmem>> -> memref<128xi32, #tpu.memory_space<vmem>>
    %dma_wait3A_1266 = arith.constant 0 : i32
    %dma_wait3A_1267 = tpu.memref_slice %arg5[%dma_wait3A_1261, %dma_wait3A_1266] : memref<64x128xi32, #tpu.memory_space<vmem>> -> memref<1x128xi32, #tpu.memory_space<vmem>>
    %dma_wait3A_1268 = tpu.memref_squeeze %dma_wait3A_1267 : memref<1x128xi32, #tpu.memory_space<vmem>> -> memref<128xi32, #tpu.memory_space<vmem>>
    %dma_wait3A_1269 = arith.constant 0 : i32
    %dma_wait3A_1270 = tpu.memref_slice %arg3[%dma_wait3A_1269] : memref<4194304xi32, #tpu.memory_space<hbm>> -> memref<4194304xi32, #tpu.memory_space<hbm>>
    tpu.wait_indirect_dma semaphore(%arg7 : memref<!tpu.dma_semaphore, #tpu.memory_space<semaphore_mem>>) src(%dma_wait3A_1270 : memref<4194304xi32, #tpu.memory_space<hbm>>) dst(%dma_wait3A_1265 : memref<128xi32, #tpu.memory_space<vmem>>)
    %dma_wait3A_1271 = arith.constant 63 : i32
    %dma_wait3A_1272 = arith.constant 63 : i32
    %dma_wait3A_1273 = arith.constant 0 : i32
    %dma_wait3A_1274 = tpu.memref_slice %arg6[%dma_wait3A_1272, %dma_wait3A_1273] : memref<64x128xi32, #tpu.memory_space<vmem>> -> memref<1x128xi32, #tpu.memory_space<vmem>>
    %dma_wait3A_1275 = tpu.memref_squeeze %dma_wait3A_1274 : memref<1x128xi32, #tpu.memory_space<vmem>> -> memref<128xi32, #tpu.memory_space<vmem>>
    %dma_wait3A_1276 = arith.constant 0 : i32
    %dma_wait3A_1277 = tpu.memref_slice %arg5[%dma_wait3A_1271, %dma_wait3A_1276] : memref<64x128xi32, #tpu.memory_space<vmem>> -> memref<1x128xi32, #tpu.memory_space<vmem>>
    %dma_wait3A_1278 = tpu.memref_squeeze %dma_wait3A_1277 : memref<1x128xi32, #tpu.memory_space<vmem>> -> memref<128xi32, #tpu.memory_space<vmem>>
    %dma_wait3A_1279 = arith.constant 0 : i32
    %dma_wait3A_1280 = tpu.memref_slice %arg3[%dma_wait3A_1279] : memref<4194304xi32, #tpu.memory_space<hbm>> -> memref<4194304xi32, #tpu.memory_space<hbm>>
    tpu.wait_indirect_dma semaphore(%arg7 : memref<!tpu.dma_semaphore, #tpu.memory_space<semaphore_mem>>) src(%dma_wait3A_1280 : memref<4194304xi32, #tpu.memory_space<hbm>>) dst(%dma_wait3A_1275 : memref<128xi32, #tpu.memory_space<vmem>>)
    "tpu.region"() ({
      %run_scoped3A = tpu.sem_alloc : memref<!tpu.dma_semaphore, #tpu.memory_space<semaphore_mem>>
      %dma_start3A_1281 = arith.constant 0 : i32
      %dma_start3A_1282 = tpu.memref_slice %arg4[%mul3A_2, %dma_start3A_1281] : memref<2048x128xi32, #tpu.memory_space<hbm>> -> memref<64x128xi32, #tpu.memory_space<hbm>>
      %dma_start3A_1283 = arith.constant 0 : i32
      %dma_start3A_1284 = tpu.memref_slice %arg4[%mul3A_2, %dma_start3A_1283] : memref<2048x128xi32, #tpu.memory_space<hbm>> -> memref<64x128xi32, #tpu.memory_space<hbm>>
      tpu.enqueue_dma source(%arg6 : memref<64x128xi32, #tpu.memory_space<vmem>>) target(%dma_start3A_1284 : memref<64x128xi32, #tpu.memory_space<hbm>>) target_semaphore(%run_scoped3A : memref<!tpu.dma_semaphore, #tpu.memory_space<semaphore_mem>>)
      %dma_wait3A_1285 = arith.constant 0 : i32
      %dma_wait3A_1286 = tpu.memref_slice %arg4[%mul3A_2, %dma_wait3A_1285] : memref<2048x128xi32, #tpu.memory_space<hbm>> -> memref<64x128xi32, #tpu.memory_space<hbm>>
      %dma_wait3A_1287 = arith.constant 0 : i32
      %dma_wait3A_1288 = tpu.memref_slice %arg4[%mul3A_2, %dma_wait3A_1287] : memref<2048x128xi32, #tpu.memory_space<hbm>> -> memref<64x128xi32, #tpu.memory_space<hbm>>
      tpu.wait_dma2 semaphore(%run_scoped3A : memref<!tpu.dma_semaphore, #tpu.memory_space<semaphore_mem>>) src(%arg6 : memref<64x128xi32, #tpu.memory_space<vmem>>) dst(%dma_wait3A_1288 : memref<64x128xi32, #tpu.memory_space<hbm>>)
      tpu.yield
    }) : () -> ()
    return
  }
}

module attributes {stable_mosaic.version = 14 : i64} {
  func.func @_pack_body(%arg0: i32, %arg1: memref<10x64x4096xf32, #tpu.memory_space<vmem>>, %arg2: memref<32x64x128xi32, #tpu.memory_space<vmem>>) attributes {dimension_semantics = [#tpu.dimension_semantics<arbitrary>], iteration_bounds = array<i64: 16>, scalar_prefetch = 0 : i64, scratch_operands = 0 : i64, tpu.core_type = #tpu.core_type<tc>, window_params = [{transform_indices = @transform_0, window_bounds = array<i64: 10, 64, 4096>}, {transform_indices = @transform_1, window_bounds = array<i64: 32, 64, 128>}]} {
    %broadcast_in_dim3A = arith.constant 0 : i32
    %broadcast_in_dim3A_0 = vector.broadcast %broadcast_in_dim3A : i32 to vector<64x4096xi32>
    %get3A = arith.constant 0 : index
    %get3A_1 = arith.constant 0 : index
    %get3A_2 = arith.constant 0 : index
    %get3A_3 = vector.load %arg1[%get3A, %get3A_1, %get3A_2] : memref<10x64x4096xf32, #tpu.memory_space<vmem>>, vector<1x64x4096xf32>
    %get3A_4 = vector.shape_cast %get3A_3 : vector<1x64x4096xf32> to vector<64x4096xf32>
    %ge3A = arith.constant 0.000000e+00 : f32
    %ge3A_5 = vector.broadcast %ge3A : f32 to vector<64x4096xf32>
    %ge3A_6 = arith.cmpf oge, %get3A_4, %ge3A_5 : vector<64x4096xf32>
    %convert_element_type3A = arith.extui %ge3A_6 : vector<64x4096xi1> to vector<64x4096xi32>
    %mul3A = arith.constant 1 : i32
    %mul3A_7 = vector.broadcast %mul3A : i32 to vector<64x4096xi32>
    %mul3A_8 = arith.muli %convert_element_type3A, %mul3A_7 : vector<64x4096xi32>
    %add3A = arith.addi %broadcast_in_dim3A_0, %mul3A_8 : vector<64x4096xi32>
    %get3A_9 = arith.constant 1 : index
    %get3A_10 = arith.constant 0 : index
    %get3A_11 = arith.constant 0 : index
    %get3A_12 = vector.load %arg1[%get3A_9, %get3A_10, %get3A_11] : memref<10x64x4096xf32, #tpu.memory_space<vmem>>, vector<1x64x4096xf32>
    %get3A_13 = vector.shape_cast %get3A_12 : vector<1x64x4096xf32> to vector<64x4096xf32>
    %ge3A_14 = arith.constant 0.000000e+00 : f32
    %ge3A_15 = vector.broadcast %ge3A_14 : f32 to vector<64x4096xf32>
    %ge3A_16 = arith.cmpf oge, %get3A_13, %ge3A_15 : vector<64x4096xf32>
    %convert_element_type3A_17 = arith.extui %ge3A_16 : vector<64x4096xi1> to vector<64x4096xi32>
    %mul3A_18 = arith.constant 2 : i32
    %mul3A_19 = vector.broadcast %mul3A_18 : i32 to vector<64x4096xi32>
    %mul3A_20 = arith.muli %convert_element_type3A_17, %mul3A_19 : vector<64x4096xi32>
    %add3A_21 = arith.addi %add3A, %mul3A_20 : vector<64x4096xi32>
    %get3A_22 = arith.constant 2 : index
    %get3A_23 = arith.constant 0 : index
    %get3A_24 = arith.constant 0 : index
    %get3A_25 = vector.load %arg1[%get3A_22, %get3A_23, %get3A_24] : memref<10x64x4096xf32, #tpu.memory_space<vmem>>, vector<1x64x4096xf32>
    %get3A_26 = vector.shape_cast %get3A_25 : vector<1x64x4096xf32> to vector<64x4096xf32>
    %ge3A_27 = arith.constant 0.000000e+00 : f32
    %ge3A_28 = vector.broadcast %ge3A_27 : f32 to vector<64x4096xf32>
    %ge3A_29 = arith.cmpf oge, %get3A_26, %ge3A_28 : vector<64x4096xf32>
    %convert_element_type3A_30 = arith.extui %ge3A_29 : vector<64x4096xi1> to vector<64x4096xi32>
    %mul3A_31 = arith.constant 4 : i32
    %mul3A_32 = vector.broadcast %mul3A_31 : i32 to vector<64x4096xi32>
    %mul3A_33 = arith.muli %convert_element_type3A_30, %mul3A_32 : vector<64x4096xi32>
    %add3A_34 = arith.addi %add3A_21, %mul3A_33 : vector<64x4096xi32>
    %get3A_35 = arith.constant 3 : index
    %get3A_36 = arith.constant 0 : index
    %get3A_37 = arith.constant 0 : index
    %get3A_38 = vector.load %arg1[%get3A_35, %get3A_36, %get3A_37] : memref<10x64x4096xf32, #tpu.memory_space<vmem>>, vector<1x64x4096xf32>
    %get3A_39 = vector.shape_cast %get3A_38 : vector<1x64x4096xf32> to vector<64x4096xf32>
    %ge3A_40 = arith.constant 0.000000e+00 : f32
    %ge3A_41 = vector.broadcast %ge3A_40 : f32 to vector<64x4096xf32>
    %ge3A_42 = arith.cmpf oge, %get3A_39, %ge3A_41 : vector<64x4096xf32>
    %convert_element_type3A_43 = arith.extui %ge3A_42 : vector<64x4096xi1> to vector<64x4096xi32>
    %mul3A_44 = arith.constant 8 : i32
    %mul3A_45 = vector.broadcast %mul3A_44 : i32 to vector<64x4096xi32>
    %mul3A_46 = arith.muli %convert_element_type3A_43, %mul3A_45 : vector<64x4096xi32>
    %add3A_47 = arith.addi %add3A_34, %mul3A_46 : vector<64x4096xi32>
    %get3A_48 = arith.constant 4 : index
    %get3A_49 = arith.constant 0 : index
    %get3A_50 = arith.constant 0 : index
    %get3A_51 = vector.load %arg1[%get3A_48, %get3A_49, %get3A_50] : memref<10x64x4096xf32, #tpu.memory_space<vmem>>, vector<1x64x4096xf32>
    %get3A_52 = vector.shape_cast %get3A_51 : vector<1x64x4096xf32> to vector<64x4096xf32>
    %ge3A_53 = arith.constant 0.000000e+00 : f32
    %ge3A_54 = vector.broadcast %ge3A_53 : f32 to vector<64x4096xf32>
    %ge3A_55 = arith.cmpf oge, %get3A_52, %ge3A_54 : vector<64x4096xf32>
    %convert_element_type3A_56 = arith.extui %ge3A_55 : vector<64x4096xi1> to vector<64x4096xi32>
    %mul3A_57 = arith.constant 16 : i32
    %mul3A_58 = vector.broadcast %mul3A_57 : i32 to vector<64x4096xi32>
    %mul3A_59 = arith.muli %convert_element_type3A_56, %mul3A_58 : vector<64x4096xi32>
    %add3A_60 = arith.addi %add3A_47, %mul3A_59 : vector<64x4096xi32>
    %get3A_61 = arith.constant 5 : index
    %get3A_62 = arith.constant 0 : index
    %get3A_63 = arith.constant 0 : index
    %get3A_64 = vector.load %arg1[%get3A_61, %get3A_62, %get3A_63] : memref<10x64x4096xf32, #tpu.memory_space<vmem>>, vector<1x64x4096xf32>
    %get3A_65 = vector.shape_cast %get3A_64 : vector<1x64x4096xf32> to vector<64x4096xf32>
    %ge3A_66 = arith.constant 0.000000e+00 : f32
    %ge3A_67 = vector.broadcast %ge3A_66 : f32 to vector<64x4096xf32>
    %ge3A_68 = arith.cmpf oge, %get3A_65, %ge3A_67 : vector<64x4096xf32>
    %convert_element_type3A_69 = arith.extui %ge3A_68 : vector<64x4096xi1> to vector<64x4096xi32>
    %mul3A_70 = arith.constant 32 : i32
    %mul3A_71 = vector.broadcast %mul3A_70 : i32 to vector<64x4096xi32>
    %mul3A_72 = arith.muli %convert_element_type3A_69, %mul3A_71 : vector<64x4096xi32>
    %add3A_73 = arith.addi %add3A_60, %mul3A_72 : vector<64x4096xi32>
    %get3A_74 = arith.constant 6 : index
    %get3A_75 = arith.constant 0 : index
    %get3A_76 = arith.constant 0 : index
    %get3A_77 = vector.load %arg1[%get3A_74, %get3A_75, %get3A_76] : memref<10x64x4096xf32, #tpu.memory_space<vmem>>, vector<1x64x4096xf32>
    %get3A_78 = vector.shape_cast %get3A_77 : vector<1x64x4096xf32> to vector<64x4096xf32>
    %ge3A_79 = arith.constant 0.000000e+00 : f32
    %ge3A_80 = vector.broadcast %ge3A_79 : f32 to vector<64x4096xf32>
    %ge3A_81 = arith.cmpf oge, %get3A_78, %ge3A_80 : vector<64x4096xf32>
    %convert_element_type3A_82 = arith.extui %ge3A_81 : vector<64x4096xi1> to vector<64x4096xi32>
    %mul3A_83 = arith.constant 64 : i32
    %mul3A_84 = vector.broadcast %mul3A_83 : i32 to vector<64x4096xi32>
    %mul3A_85 = arith.muli %convert_element_type3A_82, %mul3A_84 : vector<64x4096xi32>
    %add3A_86 = arith.addi %add3A_73, %mul3A_85 : vector<64x4096xi32>
    %get3A_87 = arith.constant 7 : index
    %get3A_88 = arith.constant 0 : index
    %get3A_89 = arith.constant 0 : index
    %get3A_90 = vector.load %arg1[%get3A_87, %get3A_88, %get3A_89] : memref<10x64x4096xf32, #tpu.memory_space<vmem>>, vector<1x64x4096xf32>
    %get3A_91 = vector.shape_cast %get3A_90 : vector<1x64x4096xf32> to vector<64x4096xf32>
    %ge3A_92 = arith.constant 0.000000e+00 : f32
    %ge3A_93 = vector.broadcast %ge3A_92 : f32 to vector<64x4096xf32>
    %ge3A_94 = arith.cmpf oge, %get3A_91, %ge3A_93 : vector<64x4096xf32>
    %convert_element_type3A_95 = arith.extui %ge3A_94 : vector<64x4096xi1> to vector<64x4096xi32>
    %mul3A_96 = arith.constant 128 : i32
    %mul3A_97 = vector.broadcast %mul3A_96 : i32 to vector<64x4096xi32>
    %mul3A_98 = arith.muli %convert_element_type3A_95, %mul3A_97 : vector<64x4096xi32>
    %add3A_99 = arith.addi %add3A_86, %mul3A_98 : vector<64x4096xi32>
    %get3A_100 = arith.constant 8 : index
    %get3A_101 = arith.constant 0 : index
    %get3A_102 = arith.constant 0 : index
    %get3A_103 = vector.load %arg1[%get3A_100, %get3A_101, %get3A_102] : memref<10x64x4096xf32, #tpu.memory_space<vmem>>, vector<1x64x4096xf32>
    %get3A_104 = vector.shape_cast %get3A_103 : vector<1x64x4096xf32> to vector<64x4096xf32>
    %ge3A_105 = arith.constant 0.000000e+00 : f32
    %ge3A_106 = vector.broadcast %ge3A_105 : f32 to vector<64x4096xf32>
    %ge3A_107 = arith.cmpf oge, %get3A_104, %ge3A_106 : vector<64x4096xf32>
    %convert_element_type3A_108 = arith.extui %ge3A_107 : vector<64x4096xi1> to vector<64x4096xi32>
    %mul3A_109 = arith.constant 256 : i32
    %mul3A_110 = vector.broadcast %mul3A_109 : i32 to vector<64x4096xi32>
    %mul3A_111 = arith.muli %convert_element_type3A_108, %mul3A_110 : vector<64x4096xi32>
    %add3A_112 = arith.addi %add3A_99, %mul3A_111 : vector<64x4096xi32>
    %get3A_113 = arith.constant 9 : index
    %get3A_114 = arith.constant 0 : index
    %get3A_115 = arith.constant 0 : index
    %get3A_116 = vector.load %arg1[%get3A_113, %get3A_114, %get3A_115] : memref<10x64x4096xf32, #tpu.memory_space<vmem>>, vector<1x64x4096xf32>
    %get3A_117 = vector.shape_cast %get3A_116 : vector<1x64x4096xf32> to vector<64x4096xf32>
    %ge3A_118 = arith.constant 0.000000e+00 : f32
    %ge3A_119 = vector.broadcast %ge3A_118 : f32 to vector<64x4096xf32>
    %ge3A_120 = arith.cmpf oge, %get3A_117, %ge3A_119 : vector<64x4096xf32>
    %convert_element_type3A_121 = arith.extui %ge3A_120 : vector<64x4096xi1> to vector<64x4096xi32>
    %mul3A_122 = arith.constant 512 : i32
    %mul3A_123 = vector.broadcast %mul3A_122 : i32 to vector<64x4096xi32>
    %mul3A_124 = arith.muli %convert_element_type3A_121, %mul3A_123 : vector<64x4096xi32>
    %add3A_125 = arith.addi %add3A_112, %mul3A_124 : vector<64x4096xi32>
    %slice3A = vector.extract_strided_slice %add3A_125 {offsets = [0, 0], sizes = [64, 128], strides = [1, 1]} : vector<64x4096xi32> to vector<64x128xi32>
    %swap3A = arith.constant 0 : index
    %swap3A_126 = arith.constant 0 : index
    %swap3A_127 = arith.constant 0 : index
    %swap3A_128 = vector.load %arg2[%swap3A, %swap3A_126, %swap3A_127] : memref<32x64x128xi32, #tpu.memory_space<vmem>>, vector<1x64x128xi32>
    %swap3A_129 = vector.shape_cast %swap3A_128 : vector<1x64x128xi32> to vector<64x128xi32>
    %swap3A_130 = vector.shape_cast %slice3A : vector<64x128xi32> to vector<1x64x128xi32>
    tpu.vector_store %arg2[%swap3A, %swap3A_126, %swap3A_127], %swap3A_130 {strides = array<i32>} : memref<32x64x128xi32, #tpu.memory_space<vmem>>, vector<1x64x128xi32>,
    %slice3A_131 = vector.extract_strided_slice %add3A_125 {offsets = [0, 128], sizes = [64, 128], strides = [1, 1]} : vector<64x4096xi32> to vector<64x128xi32>
    %swap3A_132 = arith.constant 1 : index
    %swap3A_133 = arith.constant 0 : index
    %swap3A_134 = arith.constant 0 : index
    %swap3A_135 = vector.load %arg2[%swap3A_132, %swap3A_133, %swap3A_134] : memref<32x64x128xi32, #tpu.memory_space<vmem>>, vector<1x64x128xi32>
    %swap3A_136 = vector.shape_cast %swap3A_135 : vector<1x64x128xi32> to vector<64x128xi32>
    %swap3A_137 = vector.shape_cast %slice3A_131 : vector<64x128xi32> to vector<1x64x128xi32>
    tpu.vector_store %arg2[%swap3A_132, %swap3A_133, %swap3A_134], %swap3A_137 {strides = array<i32>} : memref<32x64x128xi32, #tpu.memory_space<vmem>>, vector<1x64x128xi32>,
    %slice3A_138 = vector.extract_strided_slice %add3A_125 {offsets = [0, 256], sizes = [64, 128], strides = [1, 1]} : vector<64x4096xi32> to vector<64x128xi32>
    %swap3A_139 = arith.constant 2 : index
    %swap3A_140 = arith.constant 0 : index
    %swap3A_141 = arith.constant 0 : index
    %swap3A_142 = vector.load %arg2[%swap3A_139, %swap3A_140, %swap3A_141] : memref<32x64x128xi32, #tpu.memory_space<vmem>>, vector<1x64x128xi32>
    %swap3A_143 = vector.shape_cast %swap3A_142 : vector<1x64x128xi32> to vector<64x128xi32>
    %swap3A_144 = vector.shape_cast %slice3A_138 : vector<64x128xi32> to vector<1x64x128xi32>
    tpu.vector_store %arg2[%swap3A_139, %swap3A_140, %swap3A_141], %swap3A_144 {strides = array<i32>} : memref<32x64x128xi32, #tpu.memory_space<vmem>>, vector<1x64x128xi32>,
    %slice3A_145 = vector.extract_strided_slice %add3A_125 {offsets = [0, 384], sizes = [64, 128], strides = [1, 1]} : vector<64x4096xi32> to vector<64x128xi32>
    %swap3A_146 = arith.constant 3 : index
    %swap3A_147 = arith.constant 0 : index
    %swap3A_148 = arith.constant 0 : index
    %swap3A_149 = vector.load %arg2[%swap3A_146, %swap3A_147, %swap3A_148] : memref<32x64x128xi32, #tpu.memory_space<vmem>>, vector<1x64x128xi32>
    %swap3A_150 = vector.shape_cast %swap3A_149 : vector<1x64x128xi32> to vector<64x128xi32>
    %swap3A_151 = vector.shape_cast %slice3A_145 : vector<64x128xi32> to vector<1x64x128xi32>
    tpu.vector_store %arg2[%swap3A_146, %swap3A_147, %swap3A_148], %swap3A_151 {strides = array<i32>} : memref<32x64x128xi32, #tpu.memory_space<vmem>>, vector<1x64x128xi32>,
    %slice3A_152 = vector.extract_strided_slice %add3A_125 {offsets = [0, 512], sizes = [64, 128], strides = [1, 1]} : vector<64x4096xi32> to vector<64x128xi32>
    %swap3A_153 = arith.constant 4 : index
    %swap3A_154 = arith.constant 0 : index
    %swap3A_155 = arith.constant 0 : index
    %swap3A_156 = vector.load %arg2[%swap3A_153, %swap3A_154, %swap3A_155] : memref<32x64x128xi32, #tpu.memory_space<vmem>>, vector<1x64x128xi32>
    %swap3A_157 = vector.shape_cast %swap3A_156 : vector<1x64x128xi32> to vector<64x128xi32>
    %swap3A_158 = vector.shape_cast %slice3A_152 : vector<64x128xi32> to vector<1x64x128xi32>
    tpu.vector_store %arg2[%swap3A_153, %swap3A_154, %swap3A_155], %swap3A_158 {strides = array<i32>} : memref<32x64x128xi32, #tpu.memory_space<vmem>>, vector<1x64x128xi32>,
    %slice3A_159 = vector.extract_strided_slice %add3A_125 {offsets = [0, 640], sizes = [64, 128], strides = [1, 1]} : vector<64x4096xi32> to vector<64x128xi32>
    %swap3A_160 = arith.constant 5 : index
    %swap3A_161 = arith.constant 0 : index
    %swap3A_162 = arith.constant 0 : index
    %swap3A_163 = vector.load %arg2[%swap3A_160, %swap3A_161, %swap3A_162] : memref<32x64x128xi32, #tpu.memory_space<vmem>>, vector<1x64x128xi32>
    %swap3A_164 = vector.shape_cast %swap3A_163 : vector<1x64x128xi32> to vector<64x128xi32>
    %swap3A_165 = vector.shape_cast %slice3A_159 : vector<64x128xi32> to vector<1x64x128xi32>
    tpu.vector_store %arg2[%swap3A_160, %swap3A_161, %swap3A_162], %swap3A_165 {strides = array<i32>} : memref<32x64x128xi32, #tpu.memory_space<vmem>>, vector<1x64x128xi32>,
    %slice3A_166 = vector.extract_strided_slice %add3A_125 {offsets = [0, 768], sizes = [64, 128], strides = [1, 1]} : vector<64x4096xi32> to vector<64x128xi32>
    %swap3A_167 = arith.constant 6 : index
    %swap3A_168 = arith.constant 0 : index
    %swap3A_169 = arith.constant 0 : index
    %swap3A_170 = vector.load %arg2[%swap3A_167, %swap3A_168, %swap3A_169] : memref<32x64x128xi32, #tpu.memory_space<vmem>>, vector<1x64x128xi32>
    %swap3A_171 = vector.shape_cast %swap3A_170 : vector<1x64x128xi32> to vector<64x128xi32>
    %swap3A_172 = vector.shape_cast %slice3A_166 : vector<64x128xi32> to vector<1x64x128xi32>
    tpu.vector_store %arg2[%swap3A_167, %swap3A_168, %swap3A_169], %swap3A_172 {strides = array<i32>} : memref<32x64x128xi32, #tpu.memory_space<vmem>>, vector<1x64x128xi32>,
    %slice3A_173 = vector.extract_strided_slice %add3A_125 {offsets = [0, 896], sizes = [64, 128], strides = [1, 1]} : vector<64x4096xi32> to vector<64x128xi32>
    %swap3A_174 = arith.constant 7 : index
    %swap3A_175 = arith.constant 0 : index
    %swap3A_176 = arith.constant 0 : index
    %swap3A_177 = vector.load %arg2[%swap3A_174, %swap3A_175, %swap3A_176] : memref<32x64x128xi32, #tpu.memory_space<vmem>>, vector<1x64x128xi32>
    %swap3A_178 = vector.shape_cast %swap3A_177 : vector<1x64x128xi32> to vector<64x128xi32>
    %swap3A_179 = vector.shape_cast %slice3A_173 : vector<64x128xi32> to vector<1x64x128xi32>
    tpu.vector_store %arg2[%swap3A_174, %swap3A_175, %swap3A_176], %swap3A_179 {strides = array<i32>} : memref<32x64x128xi32, #tpu.memory_space<vmem>>, vector<1x64x128xi32>,
    %slice3A_180 = vector.extract_strided_slice %add3A_125 {offsets = [0, 1024], sizes = [64, 128], strides = [1, 1]} : vector<64x4096xi32> to vector<64x128xi32>
    %swap3A_181 = arith.constant 8 : index
    %swap3A_182 = arith.constant 0 : index
    %swap3A_183 = arith.constant 0 : index
    %swap3A_184 = vector.load %arg2[%swap3A_181, %swap3A_182, %swap3A_183] : memref<32x64x128xi32, #tpu.memory_space<vmem>>, vector<1x64x128xi32>
    %swap3A_185 = vector.shape_cast %swap3A_184 : vector<1x64x128xi32> to vector<64x128xi32>
    %swap3A_186 = vector.shape_cast %slice3A_180 : vector<64x128xi32> to vector<1x64x128xi32>
    tpu.vector_store %arg2[%swap3A_181, %swap3A_182, %swap3A_183], %swap3A_186 {strides = array<i32>} : memref<32x64x128xi32, #tpu.memory_space<vmem>>, vector<1x64x128xi32>,
    %slice3A_187 = vector.extract_strided_slice %add3A_125 {offsets = [0, 1152], sizes = [64, 128], strides = [1, 1]} : vector<64x4096xi32> to vector<64x128xi32>
    %swap3A_188 = arith.constant 9 : index
    %swap3A_189 = arith.constant 0 : index
    %swap3A_190 = arith.constant 0 : index
    %swap3A_191 = vector.load %arg2[%swap3A_188, %swap3A_189, %swap3A_190] : memref<32x64x128xi32, #tpu.memory_space<vmem>>, vector<1x64x128xi32>
    %swap3A_192 = vector.shape_cast %swap3A_191 : vector<1x64x128xi32> to vector<64x128xi32>
    %swap3A_193 = vector.shape_cast %slice3A_187 : vector<64x128xi32> to vector<1x64x128xi32>
    tpu.vector_store %arg2[%swap3A_188, %swap3A_189, %swap3A_190], %swap3A_193 {strides = array<i32>} : memref<32x64x128xi32, #tpu.memory_space<vmem>>, vector<1x64x128xi32>,
    %slice3A_194 = vector.extract_strided_slice %add3A_125 {offsets = [0, 1280], sizes = [64, 128], strides = [1, 1]} : vector<64x4096xi32> to vector<64x128xi32>
    %swap3A_195 = arith.constant 10 : index
    %swap3A_196 = arith.constant 0 : index
    %swap3A_197 = arith.constant 0 : index
    %swap3A_198 = vector.load %arg2[%swap3A_195, %swap3A_196, %swap3A_197] : memref<32x64x128xi32, #tpu.memory_space<vmem>>, vector<1x64x128xi32>
    %swap3A_199 = vector.shape_cast %swap3A_198 : vector<1x64x128xi32> to vector<64x128xi32>
    %swap3A_200 = vector.shape_cast %slice3A_194 : vector<64x128xi32> to vector<1x64x128xi32>
    tpu.vector_store %arg2[%swap3A_195, %swap3A_196, %swap3A_197], %swap3A_200 {strides = array<i32>} : memref<32x64x128xi32, #tpu.memory_space<vmem>>, vector<1x64x128xi32>,
    %slice3A_201 = vector.extract_strided_slice %add3A_125 {offsets = [0, 1408], sizes = [64, 128], strides = [1, 1]} : vector<64x4096xi32> to vector<64x128xi32>
    %swap3A_202 = arith.constant 11 : index
    %swap3A_203 = arith.constant 0 : index
    %swap3A_204 = arith.constant 0 : index
    %swap3A_205 = vector.load %arg2[%swap3A_202, %swap3A_203, %swap3A_204] : memref<32x64x128xi32, #tpu.memory_space<vmem>>, vector<1x64x128xi32>
    %swap3A_206 = vector.shape_cast %swap3A_205 : vector<1x64x128xi32> to vector<64x128xi32>
    %swap3A_207 = vector.shape_cast %slice3A_201 : vector<64x128xi32> to vector<1x64x128xi32>
    tpu.vector_store %arg2[%swap3A_202, %swap3A_203, %swap3A_204], %swap3A_207 {strides = array<i32>} : memref<32x64x128xi32, #tpu.memory_space<vmem>>, vector<1x64x128xi32>,
    %slice3A_208 = vector.extract_strided_slice %add3A_125 {offsets = [0, 1536], sizes = [64, 128], strides = [1, 1]} : vector<64x4096xi32> to vector<64x128xi32>
    %swap3A_209 = arith.constant 12 : index
    %swap3A_210 = arith.constant 0 : index
    %swap3A_211 = arith.constant 0 : index
    %swap3A_212 = vector.load %arg2[%swap3A_209, %swap3A_210, %swap3A_211] : memref<32x64x128xi32, #tpu.memory_space<vmem>>, vector<1x64x128xi32>
    %swap3A_213 = vector.shape_cast %swap3A_212 : vector<1x64x128xi32> to vector<64x128xi32>
    %swap3A_214 = vector.shape_cast %slice3A_208 : vector<64x128xi32> to vector<1x64x128xi32>
    tpu.vector_store %arg2[%swap3A_209, %swap3A_210, %swap3A_211], %swap3A_214 {strides = array<i32>} : memref<32x64x128xi32, #tpu.memory_space<vmem>>, vector<1x64x128xi32>,
    %slice3A_215 = vector.extract_strided_slice %add3A_125 {offsets = [0, 1664], sizes = [64, 128], strides = [1, 1]} : vector<64x4096xi32> to vector<64x128xi32>
    %swap3A_216 = arith.constant 13 : index
    %swap3A_217 = arith.constant 0 : index
    %swap3A_218 = arith.constant 0 : index
    %swap3A_219 = vector.load %arg2[%swap3A_216, %swap3A_217, %swap3A_218] : memref<32x64x128xi32, #tpu.memory_space<vmem>>, vector<1x64x128xi32>
    %swap3A_220 = vector.shape_cast %swap3A_219 : vector<1x64x128xi32> to vector<64x128xi32>
    %swap3A_221 = vector.shape_cast %slice3A_215 : vector<64x128xi32> to vector<1x64x128xi32>
    tpu.vector_store %arg2[%swap3A_216, %swap3A_217, %swap3A_218], %swap3A_221 {strides = array<i32>} : memref<32x64x128xi32, #tpu.memory_space<vmem>>, vector<1x64x128xi32>,
    %slice3A_222 = vector.extract_strided_slice %add3A_125 {offsets = [0, 1792], sizes = [64, 128], strides = [1, 1]} : vector<64x4096xi32> to vector<64x128xi32>
    %swap3A_223 = arith.constant 14 : index
    %swap3A_224 = arith.constant 0 : index
    %swap3A_225 = arith.constant 0 : index
    %swap3A_226 = vector.load %arg2[%swap3A_223, %swap3A_224, %swap3A_225] : memref<32x64x128xi32, #tpu.memory_space<vmem>>, vector<1x64x128xi32>
    %swap3A_227 = vector.shape_cast %swap3A_226 : vector<1x64x128xi32> to vector<64x128xi32>
    %swap3A_228 = vector.shape_cast %slice3A_222 : vector<64x128xi32> to vector<1x64x128xi32>
    tpu.vector_store %arg2[%swap3A_223, %swap3A_224, %swap3A_225], %swap3A_228 {strides = array<i32>} : memref<32x64x128xi32, #tpu.memory_space<vmem>>, vector<1x64x128xi32>,
    %slice3A_229 = vector.extract_strided_slice %add3A_125 {offsets = [0, 1920], sizes = [64, 128], strides = [1, 1]} : vector<64x4096xi32> to vector<64x128xi32>
    %swap3A_230 = arith.constant 15 : index
    %swap3A_231 = arith.constant 0 : index
    %swap3A_232 = arith.constant 0 : index
    %swap3A_233 = vector.load %arg2[%swap3A_230, %swap3A_231, %swap3A_232] : memref<32x64x128xi32, #tpu.memory_space<vmem>>, vector<1x64x128xi32>
    %swap3A_234 = vector.shape_cast %swap3A_233 : vector<1x64x128xi32> to vector<64x128xi32>
    %swap3A_235 = vector.shape_cast %slice3A_229 : vector<64x128xi32> to vector<1x64x128xi32>
    tpu.vector_store %arg2[%swap3A_230, %swap3A_231, %swap3A_232], %swap3A_235 {strides = array<i32>} : memref<32x64x128xi32, #tpu.memory_space<vmem>>, vector<1x64x128xi32>,
    %slice3A_236 = vector.extract_strided_slice %add3A_125 {offsets = [0, 2048], sizes = [64, 128], strides = [1, 1]} : vector<64x4096xi32> to vector<64x128xi32>
    %swap3A_237 = arith.constant 16 : index
    %swap3A_238 = arith.constant 0 : index
    %swap3A_239 = arith.constant 0 : index
    %swap3A_240 = vector.load %arg2[%swap3A_237, %swap3A_238, %swap3A_239] : memref<32x64x128xi32, #tpu.memory_space<vmem>>, vector<1x64x128xi32>
    %swap3A_241 = vector.shape_cast %swap3A_240 : vector<1x64x128xi32> to vector<64x128xi32>
    %swap3A_242 = vector.shape_cast %slice3A_236 : vector<64x128xi32> to vector<1x64x128xi32>
    tpu.vector_store %arg2[%swap3A_237, %swap3A_238, %swap3A_239], %swap3A_242 {strides = array<i32>} : memref<32x64x128xi32, #tpu.memory_space<vmem>>, vector<1x64x128xi32>,
    %slice3A_243 = vector.extract_strided_slice %add3A_125 {offsets = [0, 2176], sizes = [64, 128], strides = [1, 1]} : vector<64x4096xi32> to vector<64x128xi32>
    %swap3A_244 = arith.constant 17 : index
    %swap3A_245 = arith.constant 0 : index
    %swap3A_246 = arith.constant 0 : index
    %swap3A_247 = vector.load %arg2[%swap3A_244, %swap3A_245, %swap3A_246] : memref<32x64x128xi32, #tpu.memory_space<vmem>>, vector<1x64x128xi32>
    %swap3A_248 = vector.shape_cast %swap3A_247 : vector<1x64x128xi32> to vector<64x128xi32>
    %swap3A_249 = vector.shape_cast %slice3A_243 : vector<64x128xi32> to vector<1x64x128xi32>
    tpu.vector_store %arg2[%swap3A_244, %swap3A_245, %swap3A_246], %swap3A_249 {strides = array<i32>} : memref<32x64x128xi32, #tpu.memory_space<vmem>>, vector<1x64x128xi32>,
    %slice3A_250 = vector.extract_strided_slice %add3A_125 {offsets = [0, 2304], sizes = [64, 128], strides = [1, 1]} : vector<64x4096xi32> to vector<64x128xi32>
    %swap3A_251 = arith.constant 18 : index
    %swap3A_252 = arith.constant 0 : index
    %swap3A_253 = arith.constant 0 : index
    %swap3A_254 = vector.load %arg2[%swap3A_251, %swap3A_252, %swap3A_253] : memref<32x64x128xi32, #tpu.memory_space<vmem>>, vector<1x64x128xi32>
    %swap3A_255 = vector.shape_cast %swap3A_254 : vector<1x64x128xi32> to vector<64x128xi32>
    %swap3A_256 = vector.shape_cast %slice3A_250 : vector<64x128xi32> to vector<1x64x128xi32>
    tpu.vector_store %arg2[%swap3A_251, %swap3A_252, %swap3A_253], %swap3A_256 {strides = array<i32>} : memref<32x64x128xi32, #tpu.memory_space<vmem>>, vector<1x64x128xi32>,
    %slice3A_257 = vector.extract_strided_slice %add3A_125 {offsets = [0, 2432], sizes = [64, 128], strides = [1, 1]} : vector<64x4096xi32> to vector<64x128xi32>
    %swap3A_258 = arith.constant 19 : index
    %swap3A_259 = arith.constant 0 : index
    %swap3A_260 = arith.constant 0 : index
    %swap3A_261 = vector.load %arg2[%swap3A_258, %swap3A_259, %swap3A_260] : memref<32x64x128xi32, #tpu.memory_space<vmem>>, vector<1x64x128xi32>
    %swap3A_262 = vector.shape_cast %swap3A_261 : vector<1x64x128xi32> to vector<64x128xi32>
    %swap3A_263 = vector.shape_cast %slice3A_257 : vector<64x128xi32> to vector<1x64x128xi32>
    tpu.vector_store %arg2[%swap3A_258, %swap3A_259, %swap3A_260], %swap3A_263 {strides = array<i32>} : memref<32x64x128xi32, #tpu.memory_space<vmem>>, vector<1x64x128xi32>,
    %slice3A_264 = vector.extract_strided_slice %add3A_125 {offsets = [0, 2560], sizes = [64, 128], strides = [1, 1]} : vector<64x4096xi32> to vector<64x128xi32>
    %swap3A_265 = arith.constant 20 : index
    %swap3A_266 = arith.constant 0 : index
    %swap3A_267 = arith.constant 0 : index
    %swap3A_268 = vector.load %arg2[%swap3A_265, %swap3A_266, %swap3A_267] : memref<32x64x128xi32, #tpu.memory_space<vmem>>, vector<1x64x128xi32>
    %swap3A_269 = vector.shape_cast %swap3A_268 : vector<1x64x128xi32> to vector<64x128xi32>
    %swap3A_270 = vector.shape_cast %slice3A_264 : vector<64x128xi32> to vector<1x64x128xi32>
    tpu.vector_store %arg2[%swap3A_265, %swap3A_266, %swap3A_267], %swap3A_270 {strides = array<i32>} : memref<32x64x128xi32, #tpu.memory_space<vmem>>, vector<1x64x128xi32>,
    %slice3A_271 = vector.extract_strided_slice %add3A_125 {offsets = [0, 2688], sizes = [64, 128], strides = [1, 1]} : vector<64x4096xi32> to vector<64x128xi32>
    %swap3A_272 = arith.constant 21 : index
    %swap3A_273 = arith.constant 0 : index
    %swap3A_274 = arith.constant 0 : index
    %swap3A_275 = vector.load %arg2[%swap3A_272, %swap3A_273, %swap3A_274] : memref<32x64x128xi32, #tpu.memory_space<vmem>>, vector<1x64x128xi32>
    %swap3A_276 = vector.shape_cast %swap3A_275 : vector<1x64x128xi32> to vector<64x128xi32>
    %swap3A_277 = vector.shape_cast %slice3A_271 : vector<64x128xi32> to vector<1x64x128xi32>
    tpu.vector_store %arg2[%swap3A_272, %swap3A_273, %swap3A_274], %swap3A_277 {strides = array<i32>} : memref<32x64x128xi32, #tpu.memory_space<vmem>>, vector<1x64x128xi32>,
    %slice3A_278 = vector.extract_strided_slice %add3A_125 {offsets = [0, 2816], sizes = [64, 128], strides = [1, 1]} : vector<64x4096xi32> to vector<64x128xi32>
    %swap3A_279 = arith.constant 22 : index
    %swap3A_280 = arith.constant 0 : index
    %swap3A_281 = arith.constant 0 : index
    %swap3A_282 = vector.load %arg2[%swap3A_279, %swap3A_280, %swap3A_281] : memref<32x64x128xi32, #tpu.memory_space<vmem>>, vector<1x64x128xi32>
    %swap3A_283 = vector.shape_cast %swap3A_282 : vector<1x64x128xi32> to vector<64x128xi32>
    %swap3A_284 = vector.shape_cast %slice3A_278 : vector<64x128xi32> to vector<1x64x128xi32>
    tpu.vector_store %arg2[%swap3A_279, %swap3A_280, %swap3A_281], %swap3A_284 {strides = array<i32>} : memref<32x64x128xi32, #tpu.memory_space<vmem>>, vector<1x64x128xi32>,
    %slice3A_285 = vector.extract_strided_slice %add3A_125 {offsets = [0, 2944], sizes = [64, 128], strides = [1, 1]} : vector<64x4096xi32> to vector<64x128xi32>
    %swap3A_286 = arith.constant 23 : index
    %swap3A_287 = arith.constant 0 : index
    %swap3A_288 = arith.constant 0 : index
    %swap3A_289 = vector.load %arg2[%swap3A_286, %swap3A_287, %swap3A_288] : memref<32x64x128xi32, #tpu.memory_space<vmem>>, vector<1x64x128xi32>
    %swap3A_290 = vector.shape_cast %swap3A_289 : vector<1x64x128xi32> to vector<64x128xi32>
    %swap3A_291 = vector.shape_cast %slice3A_285 : vector<64x128xi32> to vector<1x64x128xi32>
    tpu.vector_store %arg2[%swap3A_286, %swap3A_287, %swap3A_288], %swap3A_291 {strides = array<i32>} : memref<32x64x128xi32, #tpu.memory_space<vmem>>, vector<1x64x128xi32>,
    %slice3A_292 = vector.extract_strided_slice %add3A_125 {offsets = [0, 3072], sizes = [64, 128], strides = [1, 1]} : vector<64x4096xi32> to vector<64x128xi32>
    %swap3A_293 = arith.constant 24 : index
    %swap3A_294 = arith.constant 0 : index
    %swap3A_295 = arith.constant 0 : index
    %swap3A_296 = vector.load %arg2[%swap3A_293, %swap3A_294, %swap3A_295] : memref<32x64x128xi32, #tpu.memory_space<vmem>>, vector<1x64x128xi32>
    %swap3A_297 = vector.shape_cast %swap3A_296 : vector<1x64x128xi32> to vector<64x128xi32>
    %swap3A_298 = vector.shape_cast %slice3A_292 : vector<64x128xi32> to vector<1x64x128xi32>
    tpu.vector_store %arg2[%swap3A_293, %swap3A_294, %swap3A_295], %swap3A_298 {strides = array<i32>} : memref<32x64x128xi32, #tpu.memory_space<vmem>>, vector<1x64x128xi32>,
    %slice3A_299 = vector.extract_strided_slice %add3A_125 {offsets = [0, 3200], sizes = [64, 128], strides = [1, 1]} : vector<64x4096xi32> to vector<64x128xi32>
    %swap3A_300 = arith.constant 25 : index
    %swap3A_301 = arith.constant 0 : index
    %swap3A_302 = arith.constant 0 : index
    %swap3A_303 = vector.load %arg2[%swap3A_300, %swap3A_301, %swap3A_302] : memref<32x64x128xi32, #tpu.memory_space<vmem>>, vector<1x64x128xi32>
    %swap3A_304 = vector.shape_cast %swap3A_303 : vector<1x64x128xi32> to vector<64x128xi32>
    %swap3A_305 = vector.shape_cast %slice3A_299 : vector<64x128xi32> to vector<1x64x128xi32>
    tpu.vector_store %arg2[%swap3A_300, %swap3A_301, %swap3A_302], %swap3A_305 {strides = array<i32>} : memref<32x64x128xi32, #tpu.memory_space<vmem>>, vector<1x64x128xi32>,
    %slice3A_306 = vector.extract_strided_slice %add3A_125 {offsets = [0, 3328], sizes = [64, 128], strides = [1, 1]} : vector<64x4096xi32> to vector<64x128xi32>
    %swap3A_307 = arith.constant 26 : index
    %swap3A_308 = arith.constant 0 : index
    %swap3A_309 = arith.constant 0 : index
    %swap3A_310 = vector.load %arg2[%swap3A_307, %swap3A_308, %swap3A_309] : memref<32x64x128xi32, #tpu.memory_space<vmem>>, vector<1x64x128xi32>
    %swap3A_311 = vector.shape_cast %swap3A_310 : vector<1x64x128xi32> to vector<64x128xi32>
    %swap3A_312 = vector.shape_cast %slice3A_306 : vector<64x128xi32> to vector<1x64x128xi32>
    tpu.vector_store %arg2[%swap3A_307, %swap3A_308, %swap3A_309], %swap3A_312 {strides = array<i32>} : memref<32x64x128xi32, #tpu.memory_space<vmem>>, vector<1x64x128xi32>,
    %slice3A_313 = vector.extract_strided_slice %add3A_125 {offsets = [0, 3456], sizes = [64, 128], strides = [1, 1]} : vector<64x4096xi32> to vector<64x128xi32>
    %swap3A_314 = arith.constant 27 : index
    %swap3A_315 = arith.constant 0 : index
    %swap3A_316 = arith.constant 0 : index
    %swap3A_317 = vector.load %arg2[%swap3A_314, %swap3A_315, %swap3A_316] : memref<32x64x128xi32, #tpu.memory_space<vmem>>, vector<1x64x128xi32>
    %swap3A_318 = vector.shape_cast %swap3A_317 : vector<1x64x128xi32> to vector<64x128xi32>
    %swap3A_319 = vector.shape_cast %slice3A_313 : vector<64x128xi32> to vector<1x64x128xi32>
    tpu.vector_store %arg2[%swap3A_314, %swap3A_315, %swap3A_316], %swap3A_319 {strides = array<i32>} : memref<32x64x128xi32, #tpu.memory_space<vmem>>, vector<1x64x128xi32>,
    %slice3A_320 = vector.extract_strided_slice %add3A_125 {offsets = [0, 3584], sizes = [64, 128], strides = [1, 1]} : vector<64x4096xi32> to vector<64x128xi32>
    %swap3A_321 = arith.constant 28 : index
    %swap3A_322 = arith.constant 0 : index
    %swap3A_323 = arith.constant 0 : index
    %swap3A_324 = vector.load %arg2[%swap3A_321, %swap3A_322, %swap3A_323] : memref<32x64x128xi32, #tpu.memory_space<vmem>>, vector<1x64x128xi32>
    %swap3A_325 = vector.shape_cast %swap3A_324 : vector<1x64x128xi32> to vector<64x128xi32>
    %swap3A_326 = vector.shape_cast %slice3A_320 : vector<64x128xi32> to vector<1x64x128xi32>
    tpu.vector_store %arg2[%swap3A_321, %swap3A_322, %swap3A_323], %swap3A_326 {strides = array<i32>} : memref<32x64x128xi32, #tpu.memory_space<vmem>>, vector<1x64x128xi32>,
    %slice3A_327 = vector.extract_strided_slice %add3A_125 {offsets = [0, 3712], sizes = [64, 128], strides = [1, 1]} : vector<64x4096xi32> to vector<64x128xi32>
    %swap3A_328 = arith.constant 29 : index
    %swap3A_329 = arith.constant 0 : index
    %swap3A_330 = arith.constant 0 : index
    %swap3A_331 = vector.load %arg2[%swap3A_328, %swap3A_329, %swap3A_330] : memref<32x64x128xi32, #tpu.memory_space<vmem>>, vector<1x64x128xi32>
    %swap3A_332 = vector.shape_cast %swap3A_331 : vector<1x64x128xi32> to vector<64x128xi32>
    %swap3A_333 = vector.shape_cast %slice3A_327 : vector<64x128xi32> to vector<1x64x128xi32>
    tpu.vector_store %arg2[%swap3A_328, %swap3A_329, %swap3A_330], %swap3A_333 {strides = array<i32>} : memref<32x64x128xi32, #tpu.memory_space<vmem>>, vector<1x64x128xi32>,
    %slice3A_334 = vector.extract_strided_slice %add3A_125 {offsets = [0, 3840], sizes = [64, 128], strides = [1, 1]} : vector<64x4096xi32> to vector<64x128xi32>
    %swap3A_335 = arith.constant 30 : index
    %swap3A_336 = arith.constant 0 : index
    %swap3A_337 = arith.constant 0 : index
    %swap3A_338 = vector.load %arg2[%swap3A_335, %swap3A_336, %swap3A_337] : memref<32x64x128xi32, #tpu.memory_space<vmem>>, vector<1x64x128xi32>
    %swap3A_339 = vector.shape_cast %swap3A_338 : vector<1x64x128xi32> to vector<64x128xi32>
    %swap3A_340 = vector.shape_cast %slice3A_334 : vector<64x128xi32> to vector<1x64x128xi32>
    tpu.vector_store %arg2[%swap3A_335, %swap3A_336, %swap3A_337], %swap3A_340 {strides = array<i32>} : memref<32x64x128xi32, #tpu.memory_space<vmem>>, vector<1x64x128xi32>,
    %slice3A_341 = vector.extract_strided_slice %add3A_125 {offsets = [0, 3968], sizes = [64, 128], strides = [1, 1]} : vector<64x4096xi32> to vector<64x128xi32>
    %swap3A_342 = arith.constant 31 : index
    %swap3A_343 = arith.constant 0 : index
    %swap3A_344 = arith.constant 0 : index
    %swap3A_345 = vector.load %arg2[%swap3A_342, %swap3A_343, %swap3A_344] : memref<32x64x128xi32, #tpu.memory_space<vmem>>, vector<1x64x128xi32>
    %swap3A_346 = vector.shape_cast %swap3A_345 : vector<1x64x128xi32> to vector<64x128xi32>
    %swap3A_347 = vector.shape_cast %slice3A_341 : vector<64x128xi32> to vector<1x64x128xi32>
    tpu.vector_store %arg2[%swap3A_342, %swap3A_343, %swap3A_344], %swap3A_347 {strides = array<i32>} : memref<32x64x128xi32, #tpu.memory_space<vmem>>, vector<1x64x128xi32>,
    return
  }
  func.func @transform_0(%arg0: i32) -> (i32, i32, i32) {
    %c0_i32 = arith.constant 0 : i32
    %c0_i32_0 = arith.constant 0 : i32
    %c0_i32_1 = arith.constant 0 : i32
    return %c0_i32, %c0_i32_0, %arg0 : i32, i32, i32
  }
  func.func @transform_1(%arg0: i32) -> (i32, i32, i32) {
    %c0_i32 = arith.constant 0 : i32
    %c0_i32_0 = arith.constant 0 : i32
    %c0_i32_1 = arith.constant 0 : i32
    return %arg0, %c0_i32, %c0_i32_0 : i32, i32, i32
  }
}

module attributes {stable_mosaic.version = 14 : i64} {
  func.func @_prep_body(%arg0: i32, %arg1: memref<64x32xf32, #tpu.memory_space<vmem>>, %arg2: memref<8x32xf32, #tpu.memory_space<vmem>>, %arg3: memref<8x2048xi32, #tpu.memory_space<vmem>>, %arg4: memref<8x2048xf32, #tpu.memory_space<vmem>>) attributes {dimension_semantics = [#tpu.dimension_semantics<arbitrary>], iteration_bounds = array<i64: 1>, scalar_prefetch = 0 : i64, scratch_operands = 0 : i64, tpu.core_type = #tpu.core_type<tc>, window_params = [{pipeline_mode = #tpu.pipeline_mode<synchronous>, transform_indices = @transform_0, window_bounds = array<i64: 64, 32>}, {pipeline_mode = #tpu.pipeline_mode<synchronous>, transform_indices = @transform_1, window_bounds = array<i64: 8, 32>}, {pipeline_mode = #tpu.pipeline_mode<synchronous>, transform_indices = @transform_2, window_bounds = array<i64: 8, 2048>}, {pipeline_mode = #tpu.pipeline_mode<synchronous>, transform_indices = @transform_3, window_bounds = array<i64: 8, 2048>}]} {
    %get3A = arith.constant 0 : index
    %get3A_0 = arith.constant 0 : index
    %get3A_1 = vector.load %arg3[%get3A, %get3A_0] : memref<8x2048xi32, #tpu.memory_space<vmem>>, vector<1x2048xi32>
    %jit3A = arith.constant 32 : i32
    %div3A = vector.broadcast %jit3A : i32 to vector<1x2048xi32>
    %div3A_2 = arith.divsi %get3A_1, %div3A : vector<1x2048xi32>
    %sign3A = arith.constant 0 : i32
    %sign3A_3 = vector.broadcast %sign3A : i32 to vector<1x2048xi32>
    %sign3A_4 = arith.cmpi sgt, %get3A_1, %sign3A_3 : vector<1x2048xi32>
    %sign3A_5 = arith.extui %sign3A_4 : vector<1x2048xi1> to vector<1x2048xi32>
    %sign3A_6 = arith.constant 0 : i32
    %sign3A_7 = vector.broadcast %sign3A_6 : i32 to vector<1x2048xi32>
    %sign3A_8 = arith.cmpi slt, %get3A_1, %sign3A_7 : vector<1x2048xi32>
    %sign3A_9 = arith.extui %sign3A_8 : vector<1x2048xi1> to vector<1x2048xi32>
    %sign3A_10 = arith.subi %sign3A_5, %sign3A_9 : vector<1x2048xi32>
    %sign3A_11 = arith.constant 0 : i32
    %sign3A_12 = arith.cmpi sgt, %jit3A, %sign3A_11 : i32
    %sign3A_13 = arith.extui %sign3A_12 : i1 to i32
    %sign3A_14 = arith.constant 0 : i32
    %sign3A_15 = arith.cmpi slt, %jit3A, %sign3A_14 : i32
    %sign3A_16 = arith.extui %sign3A_15 : i1 to i32
    %sign3A_17 = arith.subi %sign3A_13, %sign3A_16 : i32
    %ne3A = vector.broadcast %sign3A_17 : i32 to vector<1x2048xi32>
    %ne3A_18 = arith.cmpi ne, %sign3A_10, %ne3A : vector<1x2048xi32>
    %rem3A = vector.broadcast %jit3A : i32 to vector<1x2048xi32>
    %rem3A_19 = arith.remsi %get3A_1, %rem3A : vector<1x2048xi32>
    %ne3A_20 = arith.constant 0 : i32
    %ne3A_21 = vector.broadcast %ne3A_20 : i32 to vector<1x2048xi32>
    %ne3A_22 = arith.cmpi ne, %rem3A_19, %ne3A_21 : vector<1x2048xi32>
    %and3A = arith.andi %ne3A_18, %ne3A_22 : vector<1x2048xi1>
    %sub3A = arith.constant 1 : i32
    %sub3A_23 = vector.broadcast %sub3A : i32 to vector<1x2048xi32>
    %sub3A_24 = arith.subi %div3A_2, %sub3A_23 : vector<1x2048xi32>
    %select_n3A = arith.select %and3A, %sub3A_24, %div3A_2 : vector<1x2048xi1>, vector<1x2048xi32>
    %jit3A_25 = arith.constant 32 : i32
    %eq3A = arith.constant 0 : i32
    %eq3A_26 = arith.cmpi eq, %jit3A_25, %eq3A : i32
    %jit3A_27 = arith.constant 1 : i32
    %select_n3A_28 = arith.select %eq3A_26, %jit3A_27, %jit3A_25 : i32
    %rem3A_29 = vector.broadcast %select_n3A_28 : i32 to vector<1x2048xi32>
    %rem3A_30 = arith.remsi %get3A_1, %rem3A_29 : vector<1x2048xi32>
    %ne3A_31 = arith.constant 0 : i32
    %ne3A_32 = vector.broadcast %ne3A_31 : i32 to vector<1x2048xi32>
    %ne3A_33 = arith.cmpi ne, %rem3A_30, %ne3A_32 : vector<1x2048xi32>
    %lt3A = arith.constant 0 : i32
    %lt3A_34 = vector.broadcast %lt3A : i32 to vector<1x2048xi32>
    %lt3A_35 = arith.cmpi slt, %rem3A_30, %lt3A_34 : vector<1x2048xi32>
    %lt3A_36 = arith.constant 0 : i32
    %lt3A_37 = arith.cmpi slt, %select_n3A_28, %lt3A_36 : i32
    %ne3A_38 = vector.broadcast %lt3A_37 : i1 to vector<1x2048xi1>
    %ne3A_39 = vector.broadcast %ne3A_38 : vector<1x2048xi1> to vector<1x2048xi1>
    %ne3A_40 = arith.xori %lt3A_35, %ne3A_39 : vector<1x2048xi1>
    %and3A_41 = arith.andi %ne3A_40, %ne3A_33 : vector<1x2048xi1>
    %add3A = vector.broadcast %select_n3A_28 : i32 to vector<1x2048xi32>
    %add3A_42 = arith.addi %rem3A_30, %add3A : vector<1x2048xi32>
    %select_n3A_43 = arith.select %and3A_41, %add3A_42, %rem3A_30 : vector<1x2048xi1>, vector<1x2048xi32>
    %iota3A = tpu.iota {dimensions = array<i32: 0>} : vector<64x2048xi32>
    %eq3A_44 = vector.broadcast %select_n3A : vector<1x2048xi32> to vector<64x2048xi32>
    %eq3A_45 = arith.cmpi eq, %iota3A, %eq3A_44 : vector<64x2048xi32>
    %convert_element_type3A = arith.extui %eq3A_45 : vector<64x2048xi1> to vector<64x2048xi32>
    %convert_element_type3A_46 = arith.sitofp %convert_element_type3A : vector<64x2048xi32> to vector<64x2048xf32>
    %iota3A_47 = tpu.iota {dimensions = array<i32: 0>} : vector<32x2048xi32>
    %eq3A_48 = vector.broadcast %select_n3A_43 : vector<1x2048xi32> to vector<32x2048xi32>
    %eq3A_49 = arith.cmpi eq, %iota3A_47, %eq3A_48 : vector<32x2048xi32>
    %convert_element_type3A_50 = arith.extui %eq3A_49 : vector<32x2048xi1> to vector<32x2048xi32>
    %convert_element_type3A_51 = arith.sitofp %convert_element_type3A_50 : vector<32x2048xi32> to vector<32x2048xf32>
    %get3A_52 = arith.constant 0 : index
    %get3A_53 = arith.constant 0 : index
    %get3A_54 = vector.load %arg1[%get3A_52, %get3A_53] : memref<64x32xf32, #tpu.memory_space<vmem>>, vector<64x32xf32>
    %dot_general3A = arith.constant dense<0.000000e+00> : vector<64x2048xf32>
    %dot_general3A_55 = tpu.matmul %get3A_54, %convert_element_type3A_51, %dot_general3A {dimension_numbers = #tpu.dot_dimension_numbers<[1], [0], [0], [1], [0, 0, 1, 1], [], []>, precision = #tpu.contract_precision<fp32>, transpose_lhs_hint = false} : vector<64x32xf32>, vector<32x2048xf32>, vector<64x2048xf32> -> vector<64x2048xf32>
    %mul3A = arith.mulf %convert_element_type3A_46, %dot_general3A_55 : vector<64x2048xf32>
    %reduce_sum3A = arith.constant dense<0.000000e+00> : vector<2048xf32>
    %reduce_sum3A_56 = vector.multi_reduction <add>, %mul3A, %reduce_sum3A [0] : vector<64x2048xf32> to vector<2048xf32>
    %broadcast_in_dim3A = vector.shape_cast %reduce_sum3A_56 : vector<2048xf32> to vector<1x2048xf32>
    %iota3A_57 = tpu.iota {dimensions = array<i32: 1>} : vector<32x2048xi32>
    %iota3A_58 = tpu.iota {dimensions = array<i32: 0>} : vector<32x2048xi32>
    %jit3A_59 = arith.constant 64 : i32
    %div3A_60 = vector.broadcast %jit3A_59 : i32 to vector<32x2048xi32>
    %div3A_61 = arith.divsi %iota3A_57, %div3A_60 : vector<32x2048xi32>
    %sign3A_62 = arith.constant 0 : i32
    %sign3A_63 = vector.broadcast %sign3A_62 : i32 to vector<32x2048xi32>
    %sign3A_64 = arith.cmpi sgt, %iota3A_57, %sign3A_63 : vector<32x2048xi32>
    %sign3A_65 = arith.extui %sign3A_64 : vector<32x2048xi1> to vector<32x2048xi32>
    %sign3A_66 = arith.constant 0 : i32
    %sign3A_67 = vector.broadcast %sign3A_66 : i32 to vector<32x2048xi32>
    %sign3A_68 = arith.cmpi slt, %iota3A_57, %sign3A_67 : vector<32x2048xi32>
    %sign3A_69 = arith.extui %sign3A_68 : vector<32x2048xi1> to vector<32x2048xi32>
    %sign3A_70 = arith.subi %sign3A_65, %sign3A_69 : vector<32x2048xi32>
    %sign3A_71 = arith.constant 0 : i32
    %sign3A_72 = arith.cmpi sgt, %jit3A_59, %sign3A_71 : i32
    %sign3A_73 = arith.extui %sign3A_72 : i1 to i32
    %sign3A_74 = arith.constant 0 : i32
    %sign3A_75 = arith.cmpi slt, %jit3A_59, %sign3A_74 : i32
    %sign3A_76 = arith.extui %sign3A_75 : i1 to i32
    %sign3A_77 = arith.subi %sign3A_73, %sign3A_76 : i32
    %ne3A_78 = vector.broadcast %sign3A_77 : i32 to vector<32x2048xi32>
    %ne3A_79 = arith.cmpi ne, %sign3A_70, %ne3A_78 : vector<32x2048xi32>
    %rem3A_80 = vector.broadcast %jit3A_59 : i32 to vector<32x2048xi32>
    %rem3A_81 = arith.remsi %iota3A_57, %rem3A_80 : vector<32x2048xi32>
    %ne3A_82 = arith.constant 0 : i32
    %ne3A_83 = vector.broadcast %ne3A_82 : i32 to vector<32x2048xi32>
    %ne3A_84 = arith.cmpi ne, %rem3A_81, %ne3A_83 : vector<32x2048xi32>
    %and3A_85 = arith.andi %ne3A_79, %ne3A_84 : vector<32x2048xi1>
    %sub3A_86 = arith.constant 1 : i32
    %sub3A_87 = vector.broadcast %sub3A_86 : i32 to vector<32x2048xi32>
    %sub3A_88 = arith.subi %div3A_61, %sub3A_87 : vector<32x2048xi32>
    %select_n3A_89 = arith.select %and3A_85, %sub3A_88, %div3A_61 : vector<32x2048xi1>, vector<32x2048xi32>
    %eq3A_90 = arith.cmpi eq, %iota3A_58, %select_n3A_89 : vector<32x2048xi32>
    %convert_element_type3A_91 = arith.extui %eq3A_90 : vector<32x2048xi1> to vector<32x2048xi32>
    %convert_element_type3A_92 = arith.sitofp %convert_element_type3A_91 : vector<32x2048xi32> to vector<32x2048xf32>
    %get3A_93 = arith.constant 0 : index
    %get3A_94 = arith.constant 0 : index
    %get3A_95 = vector.load %arg2[%get3A_93, %get3A_94] : memref<8x32xf32, #tpu.memory_space<vmem>>, vector<1x32xf32>
    %dot_general3A_96 = arith.constant dense<0.000000e+00> : vector<1x2048xf32>
    %dot_general3A_97 = tpu.matmul %get3A_95, %convert_element_type3A_92, %dot_general3A_96 {dimension_numbers = #tpu.dot_dimension_numbers<[1], [0], [0], [1], [0, 0, 1, 1], [], []>, precision = #tpu.contract_precision<fp32>, transpose_lhs_hint = false} : vector<1x32xf32>, vector<32x2048xf32>, vector<1x2048xf32> -> vector<1x2048xf32>
    %get3A_98 = arith.constant 1 : index
    %get3A_99 = arith.constant 0 : index
    %get3A_100 = vector.load %arg2[%get3A_98, %get3A_99] : memref<8x32xf32, #tpu.memory_space<vmem>>, vector<1x32xf32>
    %dot_general3A_101 = arith.constant dense<0.000000e+00> : vector<1x2048xf32>
    %dot_general3A_102 = tpu.matmul %get3A_100, %convert_element_type3A_92, %dot_general3A_101 {dimension_numbers = #tpu.dot_dimension_numbers<[1], [0], [0], [1], [0, 0, 1, 1], [], []>, precision = #tpu.contract_precision<fp32>, transpose_lhs_hint = false} : vector<1x32xf32>, vector<32x2048xf32>, vector<1x2048xf32> -> vector<1x2048xf32>
    %broadcast_in_dim3A_103 = arith.constant 0.000000e+00 : f32
    %broadcast_in_dim3A_104 = vector.broadcast %broadcast_in_dim3A_103 : f32 to vector<5x2048xf32>
    %concatenate3A = tpu.concatenate %broadcast_in_dim3A, %dot_general3A_97, %dot_general3A_102, %broadcast_in_dim3A_104 in 0 : vector<1x2048xf32>, vector<1x2048xf32>, vector<1x2048xf32>, vector<5x2048xf32> -> vector<8x2048xf32>
    %swap3A = arith.constant 0 : index
    %swap3A_105 = arith.constant 0 : index
    %swap3A_106 = vector.load %arg4[%swap3A, %swap3A_105] : memref<8x2048xf32, #tpu.memory_space<vmem>>, vector<8x2048xf32>
    tpu.vector_store %arg4[%swap3A, %swap3A_105], %concatenate3A {strides = array<i32>} : memref<8x2048xf32, #tpu.memory_space<vmem>>, vector<8x2048xf32>,
    return
  }
  func.func @transform_0(%arg0: i32) -> (i32, i32) {
    %c0_i32 = arith.constant 0 : i32
    %c0_i32_0 = arith.constant 0 : i32
    %c0_i32_1 = arith.constant 0 : i32
    return %c0_i32, %c0_i32_0 : i32, i32
  }
  func.func @transform_1(%arg0: i32) -> (i32, i32) {
    %c0_i32 = arith.constant 0 : i32
    %c0_i32_0 = arith.constant 0 : i32
    %c0_i32_1 = arith.constant 0 : i32
    return %c0_i32, %c0_i32_0 : i32, i32
  }
  func.func @transform_2(%arg0: i32) -> (i32, i32) {
    %c0_i32 = arith.constant 0 : i32
    %c0_i32_0 = arith.constant 0 : i32
    %c0_i32_1 = arith.constant 0 : i32
    return %c0_i32, %c0_i32_0 : i32, i32
  }
  func.func @transform_3(%arg0: i32) -> (i32, i32) {
    %c0_i32 = arith.constant 0 : i32
    %c0_i32_0 = arith.constant 0 : i32
    %c0_i32_1 = arith.constant 0 : i32
    return %c0_i32, %c0_i32_0 : i32, i32
  }
}

module attributes {stable_mosaic.version = 14 : i64} {
  func.func @_hash_body(%arg0: i32, %arg1: memref<512x64xf32, #tpu.memory_space<vmem>>, %arg2: memref<8x2048xi32, #tpu.memory_space<vmem>>, %arg3: memref<8x2048xf32, #tpu.memory_space<vmem>>, %arg4: memref<512x128xi32, #tpu.memory_space<vmem>>) attributes {dimension_semantics = [#tpu.dimension_semantics<arbitrary>], iteration_bounds = array<i64: 4>, scalar_prefetch = 0 : i64, scratch_operands = 0 : i64, tpu.core_type = #tpu.core_type<tc>, window_params = [{transform_indices = @transform_0, window_bounds = array<i64: 512, 64>}, {pipeline_mode = #tpu.pipeline_mode<synchronous>, transform_indices = @transform_1, window_bounds = array<i64: 8, 2048>}, {pipeline_mode = #tpu.pipeline_mode<synchronous>, transform_indices = @transform_2, window_bounds = array<i64: 8, 2048>}, {transform_indices = @transform_3, window_bounds = array<i64: 512, 128>}]} {
    %get3A = arith.constant 0 : index
    %get3A_0 = arith.constant 0 : index
    %get3A_1 = vector.load %arg2[%get3A, %get3A_0] : memref<8x2048xi32, #tpu.memory_space<vmem>>, vector<1x2048xi32>
    %jit3A = arith.constant 32 : i32
    %div3A = vector.broadcast %jit3A : i32 to vector<1x2048xi32>
    %div3A_2 = arith.divsi %get3A_1, %div3A : vector<1x2048xi32>
    %sign3A = arith.constant 0 : i32
    %sign3A_3 = vector.broadcast %sign3A : i32 to vector<1x2048xi32>
    %sign3A_4 = arith.cmpi sgt, %get3A_1, %sign3A_3 : vector<1x2048xi32>
    %sign3A_5 = arith.extui %sign3A_4 : vector<1x2048xi1> to vector<1x2048xi32>
    %sign3A_6 = arith.constant 0 : i32
    %sign3A_7 = vector.broadcast %sign3A_6 : i32 to vector<1x2048xi32>
    %sign3A_8 = arith.cmpi slt, %get3A_1, %sign3A_7 : vector<1x2048xi32>
    %sign3A_9 = arith.extui %sign3A_8 : vector<1x2048xi1> to vector<1x2048xi32>
    %sign3A_10 = arith.subi %sign3A_5, %sign3A_9 : vector<1x2048xi32>
    %sign3A_11 = arith.constant 0 : i32
    %sign3A_12 = arith.cmpi sgt, %jit3A, %sign3A_11 : i32
    %sign3A_13 = arith.extui %sign3A_12 : i1 to i32
    %sign3A_14 = arith.constant 0 : i32
    %sign3A_15 = arith.cmpi slt, %jit3A, %sign3A_14 : i32
    %sign3A_16 = arith.extui %sign3A_15 : i1 to i32
    %sign3A_17 = arith.subi %sign3A_13, %sign3A_16 : i32
    %ne3A = vector.broadcast %sign3A_17 : i32 to vector<1x2048xi32>
    %ne3A_18 = arith.cmpi ne, %sign3A_10, %ne3A : vector<1x2048xi32>
    %rem3A = vector.broadcast %jit3A : i32 to vector<1x2048xi32>
    %rem3A_19 = arith.remsi %get3A_1, %rem3A : vector<1x2048xi32>
    %ne3A_20 = arith.constant 0 : i32
    %ne3A_21 = vector.broadcast %ne3A_20 : i32 to vector<1x2048xi32>
    %ne3A_22 = arith.cmpi ne, %rem3A_19, %ne3A_21 : vector<1x2048xi32>
    %and3A = arith.andi %ne3A_18, %ne3A_22 : vector<1x2048xi1>
    %sub3A = arith.constant 1 : i32
    %sub3A_23 = vector.broadcast %sub3A : i32 to vector<1x2048xi32>
    %sub3A_24 = arith.subi %div3A_2, %sub3A_23 : vector<1x2048xi32>
    %select_n3A = arith.select %and3A, %sub3A_24, %div3A_2 : vector<1x2048xi1>, vector<1x2048xi32>
    %iota3A = tpu.iota {dimensions = array<i32: 0>} : vector<64x2048xi32>
    %eq3A = vector.broadcast %select_n3A : vector<1x2048xi32> to vector<64x2048xi32>
    %eq3A_25 = arith.cmpi eq, %iota3A, %eq3A : vector<64x2048xi32>
    %convert_element_type3A = arith.extui %eq3A_25 : vector<64x2048xi1> to vector<64x2048xi32>
    %convert_element_type3A_26 = arith.sitofp %convert_element_type3A : vector<64x2048xi32> to vector<64x2048xf32>
    %convert_element_type3A_27 = arith.truncf %convert_element_type3A_26 : vector<64x2048xf32> to vector<64x2048xbf16>
    %get3A_28 = arith.constant 0 : index
    %get3A_29 = arith.constant 0 : index
    %get3A_30 = vector.load %arg1[%get3A_28, %get3A_29] : memref<512x64xf32, #tpu.memory_space<vmem>>, vector<512x64xf32>
    %convert_element_type3A_31 = arith.truncf %get3A_30 : vector<512x64xf32> to vector<512x64xbf16>
    %convert_element_type3A_32 = arith.extf %convert_element_type3A_31 : vector<512x64xbf16> to vector<512x64xf32>
    %sub3A_33 = arith.subf %get3A_30, %convert_element_type3A_32 : vector<512x64xf32>
    %convert_element_type3A_34 = arith.truncf %sub3A_33 : vector<512x64xf32> to vector<512x64xbf16>
    %dot_general3A = arith.constant dense<0.000000e+00> : vector<512x2048xf32>
    %dot_general3A_35 = tpu.matmul %convert_element_type3A_31, %convert_element_type3A_27, %dot_general3A {dimension_numbers = #tpu.dot_dimension_numbers<[1], [0], [0], [1], [0, 0, 1, 1], [], []>, transpose_lhs_hint = false} : vector<512x64xbf16>, vector<64x2048xbf16>, vector<512x2048xf32> -> vector<512x2048xf32>
    %dot_general3A_36 = arith.constant dense<0.000000e+00> : vector<512x2048xf32>
    %dot_general3A_37 = tpu.matmul %convert_element_type3A_34, %convert_element_type3A_27, %dot_general3A_36 {dimension_numbers = #tpu.dot_dimension_numbers<[1], [0], [0], [1], [0, 0, 1, 1], [], []>, transpose_lhs_hint = false} : vector<512x64xbf16>, vector<64x2048xbf16>, vector<512x2048xf32> -> vector<512x2048xf32>
    %add3A = arith.addf %dot_general3A_35, %dot_general3A_37 : vector<512x2048xf32>
    %get3A_38 = arith.constant 0 : index
    %get3A_39 = arith.constant 0 : index
    %get3A_40 = vector.load %arg3[%get3A_38, %get3A_39] : memref<8x2048xf32, #tpu.memory_space<vmem>>, vector<1x2048xf32>
    %ge3A = vector.broadcast %get3A_40 : vector<1x2048xf32> to vector<512x2048xf32>
    %ge3A_41 = arith.cmpf oge, %add3A, %ge3A : vector<512x2048xf32>
    %iota3A_42 = tpu.iota {dimensions = array<i32: 1>} : vector<512x64xi32>
    %mul3A = arith.constant 128 : i32
    %mul3A_43 = vector.broadcast %mul3A : i32 to vector<512x64xi32>
    %mul3A_44 = arith.muli %iota3A_42, %mul3A_43 : vector<512x64xi32>
    %get3A_45 = arith.constant 1 : index
    %get3A_46 = arith.constant 0 : index
    %get3A_47 = vector.load %arg3[%get3A_45, %get3A_46] : memref<8x2048xf32, #tpu.memory_space<vmem>>, vector<1x2048xf32>
    %convert_element_type3A_48 = arith.fptosi %get3A_47 : vector<1x2048xf32> to vector<1x2048xi32>
    %jit3A_49 = arith.constant 0 : i32
    %broadcast_in_dim3A = vector.shape_cast %convert_element_type3A_48 : vector<1x2048xi32> to vector<1x2048xi32>
    %broadcast_in_dim3A_50 = vector.broadcast %broadcast_in_dim3A : vector<1x2048xi32> to vector<512x2048xi32>
    %broadcast_in_dim3A_51 = vector.broadcast %jit3A_49 : i32 to vector<512x2048xi32>
    %select_n3A_52 = arith.select %ge3A_41, %broadcast_in_dim3A_50, %broadcast_in_dim3A_51 : vector<512x2048xi1>, vector<512x2048xi32>
    %slice3A = vector.extract_strided_slice %select_n3A_52 {offsets = [0, 0], sizes = [512, 1024], strides = [1, 1]} : vector<512x2048xi32> to vector<512x1024xi32>
    %slice3A_53 = vector.extract_strided_slice %select_n3A_52 {offsets = [0, 1024], sizes = [512, 1024], strides = [1, 1]} : vector<512x2048xi32> to vector<512x1024xi32>
    %xor3A = arith.xori %slice3A, %slice3A_53 : vector<512x1024xi32>
    %slice3A_54 = vector.extract_strided_slice %xor3A {offsets = [0, 0], sizes = [512, 512], strides = [1, 1]} : vector<512x1024xi32> to vector<512x512xi32>
    %slice3A_55 = vector.extract_strided_slice %xor3A {offsets = [0, 512], sizes = [512, 512], strides = [1, 1]} : vector<512x1024xi32> to vector<512x512xi32>
    %xor3A_56 = arith.xori %slice3A_54, %slice3A_55 : vector<512x512xi32>
    %slice3A_57 = vector.extract_strided_slice %xor3A_56 {offsets = [0, 0], sizes = [512, 256], strides = [1, 1]} : vector<512x512xi32> to vector<512x256xi32>
    %slice3A_58 = vector.extract_strided_slice %xor3A_56 {offsets = [0, 256], sizes = [512, 256], strides = [1, 1]} : vector<512x512xi32> to vector<512x256xi32>
    %xor3A_59 = arith.xori %slice3A_57, %slice3A_58 : vector<512x256xi32>
    %slice3A_60 = vector.extract_strided_slice %xor3A_59 {offsets = [0, 0], sizes = [512, 128], strides = [1, 1]} : vector<512x256xi32> to vector<512x128xi32>
    %slice3A_61 = vector.extract_strided_slice %xor3A_59 {offsets = [0, 128], sizes = [512, 128], strides = [1, 1]} : vector<512x256xi32> to vector<512x128xi32>
    %xor3A_62 = arith.xori %slice3A_60, %slice3A_61 : vector<512x128xi32>
    %slice3A_63 = vector.extract_strided_slice %xor3A_62 {offsets = [0, 0], sizes = [512, 64], strides = [1, 1]} : vector<512x128xi32> to vector<512x64xi32>
    %slice3A_64 = vector.extract_strided_slice %xor3A_62 {offsets = [0, 64], sizes = [512, 64], strides = [1, 1]} : vector<512x128xi32> to vector<512x64xi32>
    %xor3A_65 = arith.xori %slice3A_63, %slice3A_64 : vector<512x64xi32>
    %shift_right_arithmetic3A = arith.constant 7 : i32
    %shift_right_arithmetic3A_66 = vector.broadcast %shift_right_arithmetic3A : i32 to vector<512x64xi32>
    %shift_right_arithmetic3A_67 = arith.shrsi %xor3A_65, %shift_right_arithmetic3A_66 : vector<512x64xi32>
    %shift_left3A = arith.constant 13 : i32
    %shift_left3A_68 = vector.broadcast %shift_left3A : i32 to vector<512x64xi32>
    %shift_left3A_69 = arith.shli %shift_right_arithmetic3A_67, %shift_left3A_68 : vector<512x64xi32>
    %add3A_70 = arith.addi %shift_left3A_69, %mul3A_44 : vector<512x64xi32>
    %and3A_71 = arith.constant 127 : i32
    %and3A_72 = vector.broadcast %and3A_71 : i32 to vector<512x64xi32>
    %and3A_73 = arith.andi %xor3A_65, %and3A_72 : vector<512x64xi32>
    %add3A_74 = arith.addi %add3A_70, %and3A_73 : vector<512x64xi32>
    %get3A_75 = arith.constant 2 : index
    %get3A_76 = arith.constant 0 : index
    %get3A_77 = vector.load %arg3[%get3A_75, %get3A_76] : memref<8x2048xf32, #tpu.memory_space<vmem>>, vector<1x2048xf32>
    %convert_element_type3A_78 = arith.fptosi %get3A_77 : vector<1x2048xf32> to vector<1x2048xi32>
    %jit3A_79 = arith.constant 0 : i32
    %broadcast_in_dim3A_80 = vector.shape_cast %convert_element_type3A_78 : vector<1x2048xi32> to vector<1x2048xi32>
    %broadcast_in_dim3A_81 = vector.broadcast %broadcast_in_dim3A_80 : vector<1x2048xi32> to vector<512x2048xi32>
    %broadcast_in_dim3A_82 = vector.broadcast %jit3A_79 : i32 to vector<512x2048xi32>
    %select_n3A_83 = arith.select %ge3A_41, %broadcast_in_dim3A_81, %broadcast_in_dim3A_82 : vector<512x2048xi1>, vector<512x2048xi32>
    %slice3A_84 = vector.extract_strided_slice %select_n3A_83 {offsets = [0, 0], sizes = [512, 1024], strides = [1, 1]} : vector<512x2048xi32> to vector<512x1024xi32>
    %slice3A_85 = vector.extract_strided_slice %select_n3A_83 {offsets = [0, 1024], sizes = [512, 1024], strides = [1, 1]} : vector<512x2048xi32> to vector<512x1024xi32>
    %xor3A_86 = arith.xori %slice3A_84, %slice3A_85 : vector<512x1024xi32>
    %slice3A_87 = vector.extract_strided_slice %xor3A_86 {offsets = [0, 0], sizes = [512, 512], strides = [1, 1]} : vector<512x1024xi32> to vector<512x512xi32>
    %slice3A_88 = vector.extract_strided_slice %xor3A_86 {offsets = [0, 512], sizes = [512, 512], strides = [1, 1]} : vector<512x1024xi32> to vector<512x512xi32>
    %xor3A_89 = arith.xori %slice3A_87, %slice3A_88 : vector<512x512xi32>
    %slice3A_90 = vector.extract_strided_slice %xor3A_89 {offsets = [0, 0], sizes = [512, 256], strides = [1, 1]} : vector<512x512xi32> to vector<512x256xi32>
    %slice3A_91 = vector.extract_strided_slice %xor3A_89 {offsets = [0, 256], sizes = [512, 256], strides = [1, 1]} : vector<512x512xi32> to vector<512x256xi32>
    %xor3A_92 = arith.xori %slice3A_90, %slice3A_91 : vector<512x256xi32>
    %slice3A_93 = vector.extract_strided_slice %xor3A_92 {offsets = [0, 0], sizes = [512, 128], strides = [1, 1]} : vector<512x256xi32> to vector<512x128xi32>
    %slice3A_94 = vector.extract_strided_slice %xor3A_92 {offsets = [0, 128], sizes = [512, 128], strides = [1, 1]} : vector<512x256xi32> to vector<512x128xi32>
    %xor3A_95 = arith.xori %slice3A_93, %slice3A_94 : vector<512x128xi32>
    %slice3A_96 = vector.extract_strided_slice %xor3A_95 {offsets = [0, 0], sizes = [512, 64], strides = [1, 1]} : vector<512x128xi32> to vector<512x64xi32>
    %slice3A_97 = vector.extract_strided_slice %xor3A_95 {offsets = [0, 64], sizes = [512, 64], strides = [1, 1]} : vector<512x128xi32> to vector<512x64xi32>
    %xor3A_98 = arith.xori %slice3A_96, %slice3A_97 : vector<512x64xi32>
    %shift_right_arithmetic3A_99 = arith.constant 7 : i32
    %shift_right_arithmetic3A_100 = vector.broadcast %shift_right_arithmetic3A_99 : i32 to vector<512x64xi32>
    %shift_right_arithmetic3A_101 = arith.shrsi %xor3A_98, %shift_right_arithmetic3A_100 : vector<512x64xi32>
    %shift_left3A_102 = arith.constant 13 : i32
    %shift_left3A_103 = vector.broadcast %shift_left3A_102 : i32 to vector<512x64xi32>
    %shift_left3A_104 = arith.shli %shift_right_arithmetic3A_101, %shift_left3A_103 : vector<512x64xi32>
    %add3A_105 = arith.addi %shift_left3A_104, %mul3A_44 : vector<512x64xi32>
    %and3A_106 = arith.constant 127 : i32
    %and3A_107 = vector.broadcast %and3A_106 : i32 to vector<512x64xi32>
    %and3A_108 = arith.andi %xor3A_98, %and3A_107 : vector<512x64xi32>
    %add3A_109 = arith.addi %add3A_105, %and3A_108 : vector<512x64xi32>
    %concatenate3A = tpu.concatenate %add3A_74, %add3A_109 in 1 : vector<512x64xi32>, vector<512x64xi32> -> vector<512x128xi32>
    %swap3A = arith.constant 0 : index
    %swap3A_110 = arith.constant 0 : index
    %swap3A_111 = vector.load %arg4[%swap3A, %swap3A_110] : memref<512x128xi32, #tpu.memory_space<vmem>>, vector<512x128xi32>
    tpu.vector_store %arg4[%swap3A, %swap3A_110], %concatenate3A {strides = array<i32>} : memref<512x128xi32, #tpu.memory_space<vmem>>, vector<512x128xi32>,
    return
  }
  func.func @transform_0(%arg0: i32) -> (i32, i32) {
    %c0_i32 = arith.constant 0 : i32
    %c0_i32_0 = arith.constant 0 : i32
    return %arg0, %c0_i32 : i32, i32
  }
  func.func @transform_1(%arg0: i32) -> (i32, i32) {
    %c0_i32 = arith.constant 0 : i32
    %c0_i32_0 = arith.constant 0 : i32
    %c0_i32_1 = arith.constant 0 : i32
    return %c0_i32, %c0_i32_0 : i32, i32
  }
  func.func @transform_2(%arg0: i32) -> (i32, i32) {
    %c0_i32 = arith.constant 0 : i32
    %c0_i32_0 = arith.constant 0 : i32
    %c0_i32_1 = arith.constant 0 : i32
    return %c0_i32, %c0_i32_0 : i32, i32
  }
  func.func @transform_3(%arg0: i32) -> (i32, i32) {
    %c0_i32 = arith.constant 0 : i32
    %c0_i32_0 = arith.constant 0 : i32
    return %arg0, %c0_i32 : i32, i32
  }
}

module attributes {stable_mosaic.version = 14 : i64} {
  func.func @_reduce_body(%arg0: i32, %arg1: memref<2048x128xi32, #tpu.memory_space<vmem>>, %arg2: memref<16x64xf32, #tpu.memory_space<vmem>>, %arg3: memref<8x16xf32, #tpu.memory_space<vmem>>, %arg4: memref<2048x10xf32, #tpu.memory_space<vmem>>) attributes {dimension_semantics = [#tpu.dimension_semantics<arbitrary>], iteration_bounds = array<i64: 1>, scalar_prefetch = 0 : i64, scratch_operands = 0 : i64, tpu.core_type = #tpu.core_type<tc>, window_params = [{pipeline_mode = #tpu.pipeline_mode<synchronous>, transform_indices = @transform_0, window_bounds = array<i64: 2048, 128>}, {pipeline_mode = #tpu.pipeline_mode<synchronous>, transform_indices = @transform_1, window_bounds = array<i64: 16, 64>}, {pipeline_mode = #tpu.pipeline_mode<synchronous>, transform_indices = @transform_2, window_bounds = array<i64: 8, 16>}, {pipeline_mode = #tpu.pipeline_mode<synchronous>, transform_indices = @transform_3, window_bounds = array<i64: 2048, 10>}]} {
    %get3A = arith.constant 0 : index
    %get3A_0 = arith.constant 0 : index
    %get3A_1 = vector.load %arg1[%get3A, %get3A_0] : memref<2048x128xi32, #tpu.memory_space<vmem>>, vector<2048x64xi32>
    %get3A_2 = arith.constant 0 : index
    %get3A_3 = arith.constant 64 : index
    %get3A_4 = vector.load %arg1[%get3A_2, %get3A_3] : memref<2048x128xi32, #tpu.memory_space<vmem>>, vector<2048x64xi32>
    %and3A = arith.andi %get3A_1, %get3A_4 : vector<2048x64xi32>
    %shift_right_arithmetic3A = arith.constant 0 : i32
    %shift_right_arithmetic3A_5 = vector.broadcast %shift_right_arithmetic3A : i32 to vector<2048x64xi32>
    %shift_right_arithmetic3A_6 = arith.shrsi %and3A, %shift_right_arithmetic3A_5 : vector<2048x64xi32>
    %and3A_7 = arith.constant 1 : i32
    %and3A_8 = vector.broadcast %and3A_7 : i32 to vector<2048x64xi32>
    %and3A_9 = arith.andi %shift_right_arithmetic3A_6, %and3A_8 : vector<2048x64xi32>
    %convert_element_type3A = arith.sitofp %and3A_9 : vector<2048x64xi32> to vector<2048x64xf32>
    %get3A_10 = arith.constant 0 : index
    %get3A_11 = arith.constant 0 : index
    %get3A_12 = vector.load %arg2[%get3A_10, %get3A_11] : memref<16x64xf32, #tpu.memory_space<vmem>>, vector<1x64xf32>
    %mul3A = vector.broadcast %get3A_12 : vector<1x64xf32> to vector<2048x64xf32>
    %mul3A_13 = arith.mulf %convert_element_type3A, %mul3A : vector<2048x64xf32>
    %reduce_sum3A = arith.constant dense<0.000000e+00> : vector<2048xf32>
    %reduce_sum3A_14 = vector.multi_reduction <add>, %mul3A_13, %reduce_sum3A [1] : vector<2048x64xf32> to vector<2048xf32>
    %broadcast_in_dim3A = vector.shape_cast %reduce_sum3A_14 : vector<2048xf32> to vector<2048x1xf32>
    %shift_right_arithmetic3A_15 = arith.constant 1 : i32
    %shift_right_arithmetic3A_16 = vector.broadcast %shift_right_arithmetic3A_15 : i32 to vector<2048x64xi32>
    %shift_right_arithmetic3A_17 = arith.shrsi %and3A, %shift_right_arithmetic3A_16 : vector<2048x64xi32>
    %and3A_18 = arith.constant 1 : i32
    %and3A_19 = vector.broadcast %and3A_18 : i32 to vector<2048x64xi32>
    %and3A_20 = arith.andi %shift_right_arithmetic3A_17, %and3A_19 : vector<2048x64xi32>
    %convert_element_type3A_21 = arith.sitofp %and3A_20 : vector<2048x64xi32> to vector<2048x64xf32>
    %get3A_22 = arith.constant 1 : index
    %get3A_23 = arith.constant 0 : index
    %get3A_24 = vector.load %arg2[%get3A_22, %get3A_23] : memref<16x64xf32, #tpu.memory_space<vmem>>, vector<1x64xf32>
    %mul3A_25 = vector.broadcast %get3A_24 : vector<1x64xf32> to vector<2048x64xf32>
    %mul3A_26 = arith.mulf %convert_element_type3A_21, %mul3A_25 : vector<2048x64xf32>
    %reduce_sum3A_27 = arith.constant dense<0.000000e+00> : vector<2048xf32>
    %reduce_sum3A_28 = vector.multi_reduction <add>, %mul3A_26, %reduce_sum3A_27 [1] : vector<2048x64xf32> to vector<2048xf32>
    %broadcast_in_dim3A_29 = vector.shape_cast %reduce_sum3A_28 : vector<2048xf32> to vector<2048x1xf32>
    %shift_right_arithmetic3A_30 = arith.constant 2 : i32
    %shift_right_arithmetic3A_31 = vector.broadcast %shift_right_arithmetic3A_30 : i32 to vector<2048x64xi32>
    %shift_right_arithmetic3A_32 = arith.shrsi %and3A, %shift_right_arithmetic3A_31 : vector<2048x64xi32>
    %and3A_33 = arith.constant 1 : i32
    %and3A_34 = vector.broadcast %and3A_33 : i32 to vector<2048x64xi32>
    %and3A_35 = arith.andi %shift_right_arithmetic3A_32, %and3A_34 : vector<2048x64xi32>
    %convert_element_type3A_36 = arith.sitofp %and3A_35 : vector<2048x64xi32> to vector<2048x64xf32>
    %get3A_37 = arith.constant 2 : index
    %get3A_38 = arith.constant 0 : index
    %get3A_39 = vector.load %arg2[%get3A_37, %get3A_38] : memref<16x64xf32, #tpu.memory_space<vmem>>, vector<1x64xf32>
    %mul3A_40 = vector.broadcast %get3A_39 : vector<1x64xf32> to vector<2048x64xf32>
    %mul3A_41 = arith.mulf %convert_element_type3A_36, %mul3A_40 : vector<2048x64xf32>
    %reduce_sum3A_42 = arith.constant dense<0.000000e+00> : vector<2048xf32>
    %reduce_sum3A_43 = vector.multi_reduction <add>, %mul3A_41, %reduce_sum3A_42 [1] : vector<2048x64xf32> to vector<2048xf32>
    %broadcast_in_dim3A_44 = vector.shape_cast %reduce_sum3A_43 : vector<2048xf32> to vector<2048x1xf32>
    %shift_right_arithmetic3A_45 = arith.constant 3 : i32
    %shift_right_arithmetic3A_46 = vector.broadcast %shift_right_arithmetic3A_45 : i32 to vector<2048x64xi32>
    %shift_right_arithmetic3A_47 = arith.shrsi %and3A, %shift_right_arithmetic3A_46 : vector<2048x64xi32>
    %and3A_48 = arith.constant 1 : i32
    %and3A_49 = vector.broadcast %and3A_48 : i32 to vector<2048x64xi32>
    %and3A_50 = arith.andi %shift_right_arithmetic3A_47, %and3A_49 : vector<2048x64xi32>
    %convert_element_type3A_51 = arith.sitofp %and3A_50 : vector<2048x64xi32> to vector<2048x64xf32>
    %get3A_52 = arith.constant 3 : index
    %get3A_53 = arith.constant 0 : index
    %get3A_54 = vector.load %arg2[%get3A_52, %get3A_53] : memref<16x64xf32, #tpu.memory_space<vmem>>, vector<1x64xf32>
    %mul3A_55 = vector.broadcast %get3A_54 : vector<1x64xf32> to vector<2048x64xf32>
    %mul3A_56 = arith.mulf %convert_element_type3A_51, %mul3A_55 : vector<2048x64xf32>
    %reduce_sum3A_57 = arith.constant dense<0.000000e+00> : vector<2048xf32>
    %reduce_sum3A_58 = vector.multi_reduction <add>, %mul3A_56, %reduce_sum3A_57 [1] : vector<2048x64xf32> to vector<2048xf32>
    %broadcast_in_dim3A_59 = vector.shape_cast %reduce_sum3A_58 : vector<2048xf32> to vector<2048x1xf32>
    %shift_right_arithmetic3A_60 = arith.constant 4 : i32
    %shift_right_arithmetic3A_61 = vector.broadcast %shift_right_arithmetic3A_60 : i32 to vector<2048x64xi32>
    %shift_right_arithmetic3A_62 = arith.shrsi %and3A, %shift_right_arithmetic3A_61 : vector<2048x64xi32>
    %and3A_63 = arith.constant 1 : i32
    %and3A_64 = vector.broadcast %and3A_63 : i32 to vector<2048x64xi32>
    %and3A_65 = arith.andi %shift_right_arithmetic3A_62, %and3A_64 : vector<2048x64xi32>
    %convert_element_type3A_66 = arith.sitofp %and3A_65 : vector<2048x64xi32> to vector<2048x64xf32>
    %get3A_67 = arith.constant 4 : index
    %get3A_68 = arith.constant 0 : index
    %get3A_69 = vector.load %arg2[%get3A_67, %get3A_68] : memref<16x64xf32, #tpu.memory_space<vmem>>, vector<1x64xf32>
    %mul3A_70 = vector.broadcast %get3A_69 : vector<1x64xf32> to vector<2048x64xf32>
    %mul3A_71 = arith.mulf %convert_element_type3A_66, %mul3A_70 : vector<2048x64xf32>
    %reduce_sum3A_72 = arith.constant dense<0.000000e+00> : vector<2048xf32>
    %reduce_sum3A_73 = vector.multi_reduction <add>, %mul3A_71, %reduce_sum3A_72 [1] : vector<2048x64xf32> to vector<2048xf32>
    %broadcast_in_dim3A_74 = vector.shape_cast %reduce_sum3A_73 : vector<2048xf32> to vector<2048x1xf32>
    %shift_right_arithmetic3A_75 = arith.constant 5 : i32
    %shift_right_arithmetic3A_76 = vector.broadcast %shift_right_arithmetic3A_75 : i32 to vector<2048x64xi32>
    %shift_right_arithmetic3A_77 = arith.shrsi %and3A, %shift_right_arithmetic3A_76 : vector<2048x64xi32>
    %and3A_78 = arith.constant 1 : i32
    %and3A_79 = vector.broadcast %and3A_78 : i32 to vector<2048x64xi32>
    %and3A_80 = arith.andi %shift_right_arithmetic3A_77, %and3A_79 : vector<2048x64xi32>
    %convert_element_type3A_81 = arith.sitofp %and3A_80 : vector<2048x64xi32> to vector<2048x64xf32>
    %get3A_82 = arith.constant 5 : index
    %get3A_83 = arith.constant 0 : index
    %get3A_84 = vector.load %arg2[%get3A_82, %get3A_83] : memref<16x64xf32, #tpu.memory_space<vmem>>, vector<1x64xf32>
    %mul3A_85 = vector.broadcast %get3A_84 : vector<1x64xf32> to vector<2048x64xf32>
    %mul3A_86 = arith.mulf %convert_element_type3A_81, %mul3A_85 : vector<2048x64xf32>
    %reduce_sum3A_87 = arith.constant dense<0.000000e+00> : vector<2048xf32>
    %reduce_sum3A_88 = vector.multi_reduction <add>, %mul3A_86, %reduce_sum3A_87 [1] : vector<2048x64xf32> to vector<2048xf32>
    %broadcast_in_dim3A_89 = vector.shape_cast %reduce_sum3A_88 : vector<2048xf32> to vector<2048x1xf32>
    %shift_right_arithmetic3A_90 = arith.constant 6 : i32
    %shift_right_arithmetic3A_91 = vector.broadcast %shift_right_arithmetic3A_90 : i32 to vector<2048x64xi32>
    %shift_right_arithmetic3A_92 = arith.shrsi %and3A, %shift_right_arithmetic3A_91 : vector<2048x64xi32>
    %and3A_93 = arith.constant 1 : i32
    %and3A_94 = vector.broadcast %and3A_93 : i32 to vector<2048x64xi32>
    %and3A_95 = arith.andi %shift_right_arithmetic3A_92, %and3A_94 : vector<2048x64xi32>
    %convert_element_type3A_96 = arith.sitofp %and3A_95 : vector<2048x64xi32> to vector<2048x64xf32>
    %get3A_97 = arith.constant 6 : index
    %get3A_98 = arith.constant 0 : index
    %get3A_99 = vector.load %arg2[%get3A_97, %get3A_98] : memref<16x64xf32, #tpu.memory_space<vmem>>, vector<1x64xf32>
    %mul3A_100 = vector.broadcast %get3A_99 : vector<1x64xf32> to vector<2048x64xf32>
    %mul3A_101 = arith.mulf %convert_element_type3A_96, %mul3A_100 : vector<2048x64xf32>
    %reduce_sum3A_102 = arith.constant dense<0.000000e+00> : vector<2048xf32>
    %reduce_sum3A_103 = vector.multi_reduction <add>, %mul3A_101, %reduce_sum3A_102 [1] : vector<2048x64xf32> to vector<2048xf32>
    %broadcast_in_dim3A_104 = vector.shape_cast %reduce_sum3A_103 : vector<2048xf32> to vector<2048x1xf32>
    %shift_right_arithmetic3A_105 = arith.constant 7 : i32
    %shift_right_arithmetic3A_106 = vector.broadcast %shift_right_arithmetic3A_105 : i32 to vector<2048x64xi32>
    %shift_right_arithmetic3A_107 = arith.shrsi %and3A, %shift_right_arithmetic3A_106 : vector<2048x64xi32>
    %and3A_108 = arith.constant 1 : i32
    %and3A_109 = vector.broadcast %and3A_108 : i32 to vector<2048x64xi32>
    %and3A_110 = arith.andi %shift_right_arithmetic3A_107, %and3A_109 : vector<2048x64xi32>
    %convert_element_type3A_111 = arith.sitofp %and3A_110 : vector<2048x64xi32> to vector<2048x64xf32>
    %get3A_112 = arith.constant 7 : index
    %get3A_113 = arith.constant 0 : index
    %get3A_114 = vector.load %arg2[%get3A_112, %get3A_113] : memref<16x64xf32, #tpu.memory_space<vmem>>, vector<1x64xf32>
    %mul3A_115 = vector.broadcast %get3A_114 : vector<1x64xf32> to vector<2048x64xf32>
    %mul3A_116 = arith.mulf %convert_element_type3A_111, %mul3A_115 : vector<2048x64xf32>
    %reduce_sum3A_117 = arith.constant dense<0.000000e+00> : vector<2048xf32>
    %reduce_sum3A_118 = vector.multi_reduction <add>, %mul3A_116, %reduce_sum3A_117 [1] : vector<2048x64xf32> to vector<2048xf32>
    %broadcast_in_dim3A_119 = vector.shape_cast %reduce_sum3A_118 : vector<2048xf32> to vector<2048x1xf32>
    %shift_right_arithmetic3A_120 = arith.constant 8 : i32
    %shift_right_arithmetic3A_121 = vector.broadcast %shift_right_arithmetic3A_120 : i32 to vector<2048x64xi32>
    %shift_right_arithmetic3A_122 = arith.shrsi %and3A, %shift_right_arithmetic3A_121 : vector<2048x64xi32>
    %and3A_123 = arith.constant 1 : i32
    %and3A_124 = vector.broadcast %and3A_123 : i32 to vector<2048x64xi32>
    %and3A_125 = arith.andi %shift_right_arithmetic3A_122, %and3A_124 : vector<2048x64xi32>
    %convert_element_type3A_126 = arith.sitofp %and3A_125 : vector<2048x64xi32> to vector<2048x64xf32>
    %get3A_127 = arith.constant 8 : index
    %get3A_128 = arith.constant 0 : index
    %get3A_129 = vector.load %arg2[%get3A_127, %get3A_128] : memref<16x64xf32, #tpu.memory_space<vmem>>, vector<1x64xf32>
    %mul3A_130 = vector.broadcast %get3A_129 : vector<1x64xf32> to vector<2048x64xf32>
    %mul3A_131 = arith.mulf %convert_element_type3A_126, %mul3A_130 : vector<2048x64xf32>
    %reduce_sum3A_132 = arith.constant dense<0.000000e+00> : vector<2048xf32>
    %reduce_sum3A_133 = vector.multi_reduction <add>, %mul3A_131, %reduce_sum3A_132 [1] : vector<2048x64xf32> to vector<2048xf32>
    %broadcast_in_dim3A_134 = vector.shape_cast %reduce_sum3A_133 : vector<2048xf32> to vector<2048x1xf32>
    %shift_right_arithmetic3A_135 = arith.constant 9 : i32
    %shift_right_arithmetic3A_136 = vector.broadcast %shift_right_arithmetic3A_135 : i32 to vector<2048x64xi32>
    %shift_right_arithmetic3A_137 = arith.shrsi %and3A, %shift_right_arithmetic3A_136 : vector<2048x64xi32>
    %and3A_138 = arith.constant 1 : i32
    %and3A_139 = vector.broadcast %and3A_138 : i32 to vector<2048x64xi32>
    %and3A_140 = arith.andi %shift_right_arithmetic3A_137, %and3A_139 : vector<2048x64xi32>
    %convert_element_type3A_141 = arith.sitofp %and3A_140 : vector<2048x64xi32> to vector<2048x64xf32>
    %get3A_142 = arith.constant 9 : index
    %get3A_143 = arith.constant 0 : index
    %get3A_144 = vector.load %arg2[%get3A_142, %get3A_143] : memref<16x64xf32, #tpu.memory_space<vmem>>, vector<1x64xf32>
    %mul3A_145 = vector.broadcast %get3A_144 : vector<1x64xf32> to vector<2048x64xf32>
    %mul3A_146 = arith.mulf %convert_element_type3A_141, %mul3A_145 : vector<2048x64xf32>
    %reduce_sum3A_147 = arith.constant dense<0.000000e+00> : vector<2048xf32>
    %reduce_sum3A_148 = vector.multi_reduction <add>, %mul3A_146, %reduce_sum3A_147 [1] : vector<2048x64xf32> to vector<2048xf32>
    %broadcast_in_dim3A_149 = vector.shape_cast %reduce_sum3A_148 : vector<2048xf32> to vector<2048x1xf32>
    %concatenate3A = tpu.concatenate %broadcast_in_dim3A, %broadcast_in_dim3A_29, %broadcast_in_dim3A_44, %broadcast_in_dim3A_59, %broadcast_in_dim3A_74, %broadcast_in_dim3A_89, %broadcast_in_dim3A_104, %broadcast_in_dim3A_119, %broadcast_in_dim3A_134, %broadcast_in_dim3A_149 in 1 : vector<2048x1xf32>, vector<2048x1xf32>, vector<2048x1xf32>, vector<2048x1xf32>, vector<2048x1xf32>, vector<2048x1xf32>, vector<2048x1xf32>, vector<2048x1xf32>, vector<2048x1xf32>, vector<2048x1xf32> -> vector<2048x10xf32>
    %get3A_150 = arith.constant 0 : index
    %get3A_151 = arith.constant 0 : index
    %get3A_152 = vector.load %arg3[%get3A_150, %get3A_151] : memref<8x16xf32, #tpu.memory_space<vmem>>, vector<1x10xf32>
    %add3A = vector.broadcast %get3A_152 : vector<1x10xf32> to vector<2048x10xf32>
    %add3A_153 = arith.addf %concatenate3A, %add3A : vector<2048x10xf32>
    %swap3A = arith.constant 0 : index
    %swap3A_154 = arith.constant 0 : index
    %swap3A_155 = vector.load %arg4[%swap3A, %swap3A_154] : memref<2048x10xf32, #tpu.memory_space<vmem>>, vector<2048x10xf32>
    tpu.vector_store %arg4[%swap3A, %swap3A_154], %add3A_153 {strides = array<i32>} : memref<2048x10xf32, #tpu.memory_space<vmem>>, vector<2048x10xf32>,
    return
  }
  func.func @transform_0(%arg0: i32) -> (i32, i32) {
    %c0_i32 = arith.constant 0 : i32
    %c0_i32_0 = arith.constant 0 : i32
    %c0_i32_1 = arith.constant 0 : i32
    return %c0_i32, %c0_i32_0 : i32, i32
  }
  func.func @transform_1(%arg0: i32) -> (i32, i32) {
    %c0_i32 = arith.constant 0 : i32
    %c0_i32_0 = arith.constant 0 : i32
    %c0_i32_1 = arith.constant 0 : i32
    return %c0_i32, %c0_i32_0 : i32, i32
  }
  func.func @transform_2(%arg0: i32) -> (i32, i32) {
    %c0_i32 = arith.constant 0 : i32
    %c0_i32_0 = arith.constant 0 : i32
    %c0_i32_1 = arith.constant 0 : i32
    return %c0_i32, %c0_i32_0 : i32, i32
  }
  func.func @transform_3(%arg0: i32) -> (i32, i32) {
    %c0_i32 = arith.constant 0 : i32
    %c0_i32_0 = arith.constant 0 : i32
    %c0_i32_1 = arith.constant 0 : i32
    return %c0_i32, %c0_i32_0 : i32, i32
  }
}

</mosaic_0001>

<sc_bundles>
// kernel: kernel.10.cloned.1.call-start
scs
__scs_entry_jumppad:
0x0: {  	(pc) =	sbr.rel $0x88, $3  }
0x1: {  	(tag) =	ssettag $0x0;
	lr =	simm.s32 $0x1  }
0x2: {  	[smem:$0x3F9A] =	sst lr;
	_ =	strace $0xD0000000  }
0x3: {  	_ = 	snop  }
0x4: {  	_ = 	snop  }
0x5: {  	_ = 	snop  }
0x6: {  	_ = 	snop  }
0x7: {  	_ = 	snop  }
__scs_overlays_trampoline_lowered:
0x8: {  	[smem:$0x3FA9] =	sst s0  }
0x9: {  	[smem:$0x3FAA] =	sst s1  }
0xa: {  	[smem:$0x3FAB] =	sst s2  }
0xb: {  	[smem:$0x3FAC] =	sst s3  }
0xc: {  	[smem:$0x3FAD] =	sst s4  }
0xd: {  	[smem:$0x3FAE] =	sst s5  }
0xe: {  	[smem:$0x3FAF] =	sst s6  }
0xf: {  	[smem:$0x3FB0] =	sst s7  }
0x10: {  	[smem:$0x3FB1] =	sst s8  }
0x11: {  	[smem:$0x3FB2] =	sst s9;
	s0 =	simm.s32 @!p0 $0x0  }
0x12: {  	s1 =	sld [smem:$0x3F98];
	s0 =	simm.s32 @p0 $0x1  }
0x13: {  	[smem:$0x3FB3] =	sst s0;
	s0 =	simm.s32 @!p1 $0x0  }
0x14: {  	s2 =	sld [smem:$0x3F97];
	s0 =	simm.s32 @p1 $0x1  }
0x15: {  	[smem:$0x3FB4] =	sst s0;
	s0 =	simm.s32 @!p2 $0x0  }
0x16: {  	s3 =	sld [smem:$0x3FDB];
	s0 =	simm.s32 @p2 $0x1  }
0x17: {  	s4 =	simm.s32 $0x1BF5;
	[smem:$0x3FB6] =	sst s0  }
0x18: {  	s0 =	sld [smem:$0x3F99];
	_ =	swait.ge [sflag:s4], $0x0  }
0x19: {  	s7 =	sld [smem:$0x3F9A]  }
0x1a: {  	s8 =	sadd.s32 $0xFFFFE003, lr  }
0x1b: {  	s9 =	sadd.s32 $0xFFFFFEF7, lr;
	s5 =	simm.s32 $0xFFFFFFFF;
	p2 =	slt.u32 s8, $0xFFFFF086  }
0x1c: {  	p1 =	slt.u32 s9, $0xF7A;
	s5 =	simm.s32 @!p2 $0x0  }
0x1d: {  	s5 =	simm.s32 @p1 $0x1;
	p0 =	seq.s32 s7, s2  }
0x1e: {  	s7 =	smul.u32 @!p0 $0xF7A, s2;
	p2 =	seq.s32 @!p0 s5, $0x0  }
0x1f: {  	s9 =	smul.u32 $0xF7A, s1;
	s8 =	simm.s32 @!p0 $0x1BF5;
	p2 =	por !p2, p0  }
0x20: {  	[sflag:s8] =	ssyncset.s32 @!p0 $0xFFFFF086;
	s6 =	sadd.s32 @!p0 s3, s7;
	s7 =	simm.s32 @!p0 $0x108  }
0x21: {  	s3 =	sadd.s32 s3, s9;
	s6 =	sadd.s32 @!p0 $0x88, s6;
	s7 =	simm.s32 @p2 $0x1082  }
0x22: {  	[simem:s7], [sflag:s8] =	dma.local @!p0 [hbm:s6], $0xF7A  }
0x23: {  	s9 =	sor.u32 $0xD0000000, s2;
	s6 =	simm.s32 $0x108;
	_ =	swait.ge @!p0 [sflag:s8], $0x0  }
0x24: {  	s3 =	sadd.s32 $0x88, s3;
	s6 =	simm.s32 @!p1 $0x1082;
	[sflag:s4] =	ssyncset.s32 $0xFFFFF086  }
0x25: {  	[simem:s6], [sflag:s4] =	dma.local [hbm:s3], $0xF7A  }
0x26: {  	[smem:$0x3F9A] =	sst s1;
	(tag) =	ssettag s2;
	_ =	strace s9  }
0x27: {  	s1 =	sld [smem:$0x3FAA]  }
0x28: {  	s2 =	sld [smem:$0x3FAB]  }
0x29: {  	s4 =	sld [smem:$0x3FAD]  }
0x2a: {  	p0 =	seq.s32 s5, $0x0;
	s5 =	sld [smem:$0x3FAE]  }
0x2b: {  	s6 =	sld [smem:$0x3FAF]  }
0x2c: {  	s7 =	sld [smem:$0x3FB0]  }
0x2d: {  	s3 =	simm.s32 $0x108;
	s8 =	sld [smem:$0x3FB1]  }
0x2e: {  	s3 =	simm.s32 @!p0 $0x1082;
	s9 =	sld [smem:$0x3FB2]  }
0x2f: {  	lr =	sadd.s32 s0, s3;
	s0 =	sld [smem:$0x3FA9]  }
0x30: {  	s3 =	sld [smem:$0x3FAC]  }
0x31: {  	[smem:$0x3FB5] =	sst s10  }
0x32: {  	s10 =	sld [smem:$0x3FB3];
	_ =	sdelay $0x3  }
0x33: {  	p0 =	seq.s32 s10, $0x1;
	s10 =	sld [smem:$0x3FB5];
	_ =	sdelay $0x3  }
0x34: {  	[smem:$0x3FB5] =	sst s10  }
0x35: {  	s10 =	sld [smem:$0x3FB4];
	_ =	sdelay $0x3  }
0x36: {  	p1 =	seq.s32 s10, $0x1;
	s10 =	sld [smem:$0x3FB5];
	_ =	sdelay $0x3  }
0x37: {  	[smem:$0x3FB5] =	sst s10  }
0x38: {  	s10 =	sld [smem:$0x3FB6]  }
0x39: {  	_ = 	snop;
	(pc) =	sbr.ind lr, $3  }
0x3a: {  	_ = 	snop  }
0x3b: {  	_ = 	snop  }
0x3c: {  	p2 =	seq.s32 s10, $0x1;
	s10 =	sld [smem:$0x3FB5]  }
0x3d: {  	_ =	shalt  }
0x3e: {  	_ =	shalt  }
0x3f: {  	_ =	shalt  }
0x40: {  	_ =	shalt  }
0x41: {  	_ =	shalt  }
0x42: {  	_ =	shalt  }
0x43: {  	_ =	shalt  }
0x44: {  	_ =	shalt  }
0x45: {  	_ =	shalt  }
0x46: {  	_ =	shalt  }
0x47: {  	_ =	shalt  }
0x48: {  	_ =	shalt  }
0x49: {  	_ =	shalt  }
0x4a: {  	_ =	shalt  }
0x4b: {  	_ =	shalt  }
0x4c: {  	_ =	shalt  }
0x4d: {  	_ =	shalt  }
0x4e: {  	_ =	shalt  }
0x4f: {  	_ =	shalt  }
0x50: {  	_ =	shalt  }
0x51: {  	_ =	shalt  }
0x52: {  	_ =	shalt  }
0x53: {  	_ =	shalt  }
0x54: {  	_ =	shalt  }
0x55: {  	_ =	shalt  }
0x56: {  	_ =	shalt  }
0x57: {  	_ =	shalt  }
0x58: {  	_ =	shalt  }
0x59: {  	_ =	shalt  }
0x5a: {  	_ =	shalt  }
0x5b: {  	_ =	shalt  }
0x5c: {  	_ =	shalt  }
0x5d: {  	_ =	shalt  }
0x5e: {  	_ =	shalt  }
0x5f: {  	_ =	shalt  }
0x60: {  	_ =	shalt  }
0x61: {  	_ =	shalt  }
0x62: {  	_ =	shalt  }
0x63: {  	_ =	shalt  }
0x64: {  	_ =	shalt  }
0x65: {  	_ =	shalt  }
0x66: {  	_ =	shalt  }
0x67: {  	_ =	shalt  }
0x68: {  	_ =	shalt  }
0x69: {  	_ =	shalt  }
0x6a: {  	_ =	shalt  }
0x6b: {  	_ =	shalt  }
0x6c: {  	_ =	shalt  }
0x6d: {  	_ =	shalt  }
0x6e: {  	_ =	shalt  }
0x6f: {  	_ =	shalt  }
0x70: {  	_ =	shalt  }
0x71: {  	_ =	shalt  }
0x72: {  	_ =	shalt  }
0x73: {  	_ =	shalt  }
0x74: {  	_ =	shalt  }
0x75: {  	_ =	shalt  }
0x76: {  	_ =	shalt  }
0x77: {  	_ =	shalt  }
0x78: {  	_ =	shalt  }
0x79: {  	_ =	shalt  }
0x7a: {  	_ =	shalt  }
0x7b: {  	_ =	shalt  }
0x7c: {  	_ =	shalt  }
0x7d: {  	_ =	shalt  }
0x7e: {  	_ =	shalt  }
0x7f: {  	_ =	shalt  }
0x80: {  	_ =	shalt  }
0x81: {  	_ =	shalt  }
0x82: {  	_ =	shalt  }
0x83: {  	_ =	shalt  }
0x84: {  	_ =	shalt  }
0x85: {  	_ =	shalt  }
0x86: {  	_ =	shalt  }
0x87: {  	_ =	shalt  }
.Lfunc_end0:
.L_simem_size_0:
called_computation_lowered:
.L_overlay_start_0:
0x88: {  	s2 =	sld [smem:$0x3FD9]  }
0x89: {  	s3 =	sld [smem:$0x3FFE];
	_ =	sdelay $0x1  }
0x8a: {  	s1 =	srdreg.scid  }
0x8b: {  	s0 =	sand.u32 $0x1, s1  }
0x8c: {  	s16 =	sshll.u32 s0, $0xA;
	s2 =	sadd.s32 s3, s2  }
0x8d: {  	s2 =	sadd.s32 s2, s16  }
0x8e: {  	[smem:$0x3FC1] =	sst s2  }
0x8f: {  	_ = 	snop  }
0x90: {  	(tm) =	ssettm $0x1  }
0x91: {  	s17 =	sld [smem:$0x3FFB];
	_ =	sdelay $0x3  }
0x92: {  	_ =	strace s17  }
0x93: {  	s2 =	sld [smem:$0x3FFC];
	_ =	sdelay $0x3  }
0x94: {  	_ =	strace s2  }
0x95: {  	s2 =	sld [smem:$0x3FFD];
	_ =	sdelay $0x3  }
0x96: {  	_ =	strace s2  }
0x97: {  	_ =	strace $0x8FFFFFFF  }
0x98: {  	s18 =	sld [smem:$0x3FDB];
	_ =	sdelay $0x1  }
0x99: {  	s19 =	simm.s32 $_scs_section_size  }
0x9a: {  	s4 =	simm.s32 $_size__tile_overlayer_lowered;
	s5 =	simm.s32 $_tile_overlayer_lowered  }
0x9b: {  	s22 =	simm.s32 $0x1BFF;
	s21 =	sshll.u32 s5, $0x1;
	s2 =	sadd.s32 s19, s18  }
0x9c: {  	s6 =	simm.s32 $0x0;
	s20 =	sshll.u32 s4, $0x1;
	s4 =	sadd.s32 s21, s2  }
0x9d: {  	[timem:s6], [sflag:s22] =	dma.local [hbm:s4], s20  }
0x9e: {  	_ =	swait.ge [sflag:s22], s20  }
0x9f: {  	s3 =	ssub.s32 $0x0, s20;
	[sflag:s22] =	ssyncset.done $0x0  }
0xa0: {  	[sflag:s22] =	ssyncadd.s32 s3;
	_ =	sdelay $0x1  }
0xa1: {  	s23 =	simm.s32 $0x1B8B  }
0xa2: {  	_ =	swait.ge [sflag:s23], $0x1  }
0xa3: {  	[sflag:s23] =	ssyncset.done $0x0  }
0xa4: {  	s25 =	simm.s32 $0x1B8E;
	s24 =	sld [smem:$0x3FFE];
	[sflag:s23] =	ssyncadd.s32 $0xFFFFFFFF  }
0xa5: {  	s26 =	simm.s32 $execute0_lowered;
	[smem:$0x3FD2] =	sst s25  }
0xa6: {  	s4 =	sshll.u32 s26, $0x1;
	_ =	strace $0x80000046;
	[dreg:$0x1] =	wrdreg $0xFFFFFFFF  }
0xa7: {  	s28 =	simm.s32 $_size_execute0_lowered;
	s2 =	sadd.s32 s2, s4;
	[dreg:$0x0] =	wrdreg $0x0  }
0xa8: {  	s4 =	sshll.u32 s28, $0x1;
	[dreg:$0x2] =	wrdreg s2  }
0xa9: {  	[dreg:$0x3] =	wrdreg s4  }
0xaa: {  	[dreg:$0x4] =	wrdreg $0xC0  }
0xab: {  	_ =	task [dreg:s6], $0x5FFFF  }
0xac: {  	[dreg:$0x1] =	wrdreg $0xFFFFFFFF  }
0xad: {  	[dreg:$0x0] =	wrdreg $0x60  }
0xae: {  	[dreg:$0x2] =	wrdreg s24  }
0xaf: {  	[dreg:$0x3] =	wrdreg $0x9  }
0xb0: {  	_ =	task.clear_ibuf [dreg:s6], $0x4FFFF;
	_ =	strace $0x90000046  }
0xb1: {  	s29 =	simm.s32 $0x9;
	_ =	strace $0x80000048  }
0xb2: {  	_ =	swait.ge [sflag:s29], $0x1  }
0xb3: {  	[sflag:s29] =	ssyncadd.s32 $0xFFFFFFFF  }
0xb4: {  	_ =	strace $0x90000048  }
0xb5: {  	_ =	sfence  }
0xb6: {  	s30 =	sld [smem:$0x0];
	_ =	sdelay $0x2  }
0xb7: {  	s31 =	sshll.u32 s1, $0xD;
	s1 =	sshrl.u32 s1, $0x2  }
0xb8: {  	s3 =	sand.u32 $0x4000, s31;
	s1 =	sadd.s32 s1, s30  }
0xb9: {  	s0 =	sor.u32 s3, s0;
	s1 =	sshll.u32 s1, $0x11  }
0xba: {  	s0 =	sor.u32 s1, s0  }
0xbb: {  	s0 =	sadd.s32 $0x8F2B, s0  }
0xbc: {  	[sflag:s0] =	ssyncadd.remote.s32 $0x1  }
0xbd: {  	_ =	sfence.sel $0xFFFF  }
0xbe: {  	[dreg:$0x0] =	wrdreg $0xFFFFFFFF;
	(pc) =	sbr.abs _section_cstart, $3  }
0xbf: {  	[dreg:$0x1] =	wrdreg $0xFFFFFFFF  }
0xc0: {  	_ =	task.clear_ibuf [dreg:s6], $0x2FFFF;
	_ =	strace $0x9FFFFFFF  }
0xc1: {  	(tm) =	ssettm $0x7FFFFFFF  }
tec
execute0_lowered:
.L_overlay_start_1:
0x0: {  	(tag) =	ssettag $0x1  }
0x1: {  	s3 =	rddreg [dreg:$0x0];
	s2 =	simm.s32 $0x0  }
0x2: {  	s16 =	simm.s32 $0x2080;
	[smem:$0x7FF] =	sst s2  }
0x3: {  	s17 =	simm.s32 $0x100;
	_ =	strace $0x80000047;
	[dreg:$0x4] =	wrdreg s16  }
0x4: {  	s18 =	simm.s32 $0x2100;
	[dreg:$0x5] =	wrdreg s17  }
0x5: {  	s19 =	simm.s32 $0x180;
	[dreg:$0x6] =	wrdreg s18  }
0x6: {  	s20 =	simm.s32 $0x2180;
	[dreg:$0x7] =	wrdreg s19  }
0x7: {  	s21 =	simm.s32 $0x200;
	[dreg:$0x8] =	wrdreg s20  }
0x8: {  	s22 =	simm.s32 $0x2200;
	[dreg:$0x9] =	wrdreg s21  }
0x9: {  	s23 =	simm.s32 $0x280;
	[dreg:$0xa] =	wrdreg s22  }
0xa: {  	s24 =	simm.s32 $0x2280;
	[dreg:$0xb] =	wrdreg s23  }
0xb: {  	s25 =	simm.s32 $0x300;
	[dreg:$0xc] =	wrdreg s24  }
0xc: {  	s0 =	stileid.u32;
	s26 =	simm.s32 $0x2300;
	[dreg:$0xd] =	wrdreg s25  }
0xd: {  	s4 =	sshll.u32 s0, $0xB;
	s0 =	simm.s32 $0x380;
	[dreg:$0xe] =	wrdreg s26  }
0xe: {  	s6 =	simm.s32 $0x400;
	[dreg:$0xf] =	wrdreg s0  }
0xf: {  	s7 =	simm.s32 $0x2400;
	[dreg:$0x11] =	wrdreg s6  }
0x10: {  	s8 =	simm.s32 $0x480;
	[dreg:$0x12] =	wrdreg s7  }
0x11: {  	s9 =	simm.s32 $0x2480;
	[dreg:$0x13] =	wrdreg s8  }
0x12: {  	s10 =	simm.s32 $0x500;
	[dreg:$0x14] =	wrdreg s9  }
0x13: {  	s11 =	simm.s32 $0x2500;
	[dreg:$0x15] =	wrdreg s10  }
0x14: {  	s12 =	simm.s32 $0x580;
	[dreg:$0x16] =	wrdreg s11  }
0x15: {  	s13 =	simm.s32 $0x2580;
	[dreg:$0x17] =	wrdreg s12  }
0x16: {  	s14 =	simm.s32 $0x600;
	[dreg:$0x18] =	wrdreg s13  }
0x17: {  	[dreg:$0x19] =	wrdreg s14;
	s16 =	simm.s32 $0x680  }
0x18: {  	s17 =	simm.s32 $0x2680;
	[dreg:$0x1b] =	wrdreg s16  }
0x19: {  	s18 =	simm.s32 $0x700;
	[dreg:$0x1c] =	wrdreg s17  }
0x1a: {  	s19 =	simm.s32 $0x2700;
	[dreg:$0x1d] =	wrdreg s18  }
0x1b: {  	s20 =	simm.s32 $0x780;
	[dreg:$0x1e] =	wrdreg s19  }
0x1c: {  	s21 =	simm.s32 $0x2780;
	[dreg:$0x1f] =	wrdreg s20  }
0x1d: {  	s22 =	simm.s32 $0x800;
	[smem:$0x7B4] =	sst s21  }
0x1e: {  	s23 =	simm.s32 $0x2800;
	[smem:$0x7B5] =	sst s22  }
0x1f: {  	s24 =	simm.s32 $0x880;
	[smem:$0x7B6] =	sst s23  }
0x20: {  	s25 =	simm.s32 $0x2880;
	[smem:$0x7B7] =	sst s24  }
0x21: {  	s26 =	simm.s32 $0x900;
	[smem:$0x7B8] =	sst s25  }
0x22: {  	s0 =	simm.s32 $0x2900;
	[smem:$0x7B9] =	sst s26  }
0x23: {  	s6 =	simm.s32 $0x2980;
	[smem:$0x7BA] =	sst s0  }
0x24: {  	s7 =	simm.s32 $0xA00;
	[smem:$0x7BC] =	sst s6  }
0x25: {  	s8 =	simm.s32 $0x2A00;
	[smem:$0x7BD] =	sst s7  }
0x26: {  	s9 =	simm.s32 $0xA80;
	[smem:$0x7BE] =	sst s8  }
0x27: {  	s10 =	simm.s32 $0x2A80;
	[smem:$0x7BF] =	sst s9  }
0x28: {  	s11 =	simm.s32 $0xB00;
	[smem:$0x7C0] =	sst s10  }
0x29: {  	s1 =	srdreg.scid;
	s12 =	simm.s32 $0x2B00;
	[smem:$0x7C1] =	sst s11  }
0x2a: {  	s1 =	sand.u32 $0x1, s1;
	s13 =	simm.s32 $0xB80;
	[smem:$0x7C2] =	sst s12  }
0x2b: {  	s5 =	sshll.u32 s1, $0xA;
	s14 =	simm.s32 $0x2B80;
	[smem:$0x7C3] =	sst s13  }
0x2c: {  	s4 =	sor.u32 s5, s4;
	s5 =	simm.s32 $0x2380;
	[smem:$0x7C4] =	sst s14  }
0x2d: {  	s16 =	simm.s32 $0x2C00;
	[dreg:$0x10] =	wrdreg s5  }
0x2e: {  	s17 =	simm.s32 $0xC80;
	[smem:$0x7C6] =	sst s16  }
0x2f: {  	s18 =	simm.s32 $0x2C80;
	[smem:$0x7C7] =	sst s17  }
0x30: {  	s19 =	simm.s32 $0xD00;
	[smem:$0x7C8] =	sst s18  }
0x31: {  	s20 =	simm.s32 $0x2D00;
	[smem:$0x7C9] =	sst s19  }
0x32: {  	s21 =	simm.s32 $0xD80;
	[smem:$0x7CA] =	sst s20  }
0x33: {  	s22 =	simm.s32 $0x2D80;
	[smem:$0x7CB] =	sst s21  }
0x34: {  	s23 =	simm.s32 $0xE00;
	[smem:$0x7CC] =	sst s22  }
0x35: {  	s24 =	simm.s32 $0x2E00;
	[smem:$0x7CD] =	sst s23  }
0x36: {  	s25 =	simm.s32 $0xE80;
	[smem:$0x7CE] =	sst s24  }
0x37: {  	s26 =	simm.s32 $0x2E80;
	[smem:$0x7CF] =	sst s25  }
0x38: {  	s0 =	simm.s32 $0xF00;
	[smem:$0x7D0] =	sst s26  }
0x39: {  	s6 =	simm.s32 $0xF80;
	[smem:$0x7D1] =	sst s0  }
0x3a: {  	s7 =	simm.s32 $0x2F80;
	[smem:$0x7D3] =	sst s6  }
0x3b: {  	s8 =	simm.s32 $0x1000;
	[smem:$0x7D4] =	sst s7  }
0x3c: {  	s9 =	simm.s32 $0x3000;
	[smem:$0x7D5] =	sst s8  }
0x3d: {  	s10 =	simm.s32 $0x1080;
	[smem:$0x7D6] =	sst s9  }
0x3e: {  	s11 =	simm.s32 $0x3080;
	[smem:$0x7D7] =	sst s10  }
0x3f: {  	s12 =	simm.s32 $0x1100;
	[smem:$0x7D8] =	sst s11  }
0x40: {  	s13 =	simm.s32 $0x3100;
	[smem:$0x7D9] =	sst s12  }
0x41: {  	s14 =	simm.s32 $0x1180;
	[smem:$0x7DA] =	sst s13  }
0x42: {  	s5 =	simm.s32 $0x980;
	[smem:$0x7DB] =	sst s14  }
0x43: {  	s16 =	simm.s32 $0x1200;
	[smem:$0x7BB] =	sst s5  }
0x44: {  	s17 =	simm.s32 $0x3200;
	[smem:$0x7DD] =	sst s16  }
0x45: {  	s18 =	simm.s32 $0x1280;
	[smem:$0x7DE] =	sst s17  }
0x46: {  	s19 =	simm.s32 $0x3280;
	[smem:$0x7DF] =	sst s18  }
0x47: {  	s20 =	simm.s32 $0x1300;
	[smem:$0x7E0] =	sst s19  }
0x48: {  	s21 =	simm.s32 $0x3300;
	[smem:$0x7E1] =	sst s20  }
0x49: {  	s22 =	simm.s32 $0x1380;
	[smem:$0x7E2] =	sst s21  }
0x4a: {  	s23 =	simm.s32 $0x3380;
	[smem:$0x7E3] =	sst s22  }
0x4b: {  	s24 =	simm.s32 $0x1400;
	[smem:$0x7E4] =	sst s23  }
0x4c: {  	s25 =	simm.s32 $0x3400;
	[smem:$0x7E5] =	sst s24  }
0x4d: {  	s26 =	simm.s32 $0x1480;
	[smem:$0x7E6] =	sst s25  }
0x4e: {  	s0 =	simm.s32 $0x3480;
	[smem:$0x7E7] =	sst s26  }
0x4f: {  	s6 =	simm.s32 $0x3500;
	[smem:$0x7E8] =	sst s0  }
0x50: {  	s7 =	simm.s32 $0x1580;
	[smem:$0x7EA] =	sst s6  }
0x51: {  	s8 =	simm.s32 $0x3580;
	[smem:$0x7EB] =	sst s7  }
0x52: {  	s9 =	simm.s32 $0x1600;
	[smem:$0x7EC] =	sst s8  }
0x53: {  	s10 =	simm.s32 $0x3600;
	[smem:$0x7ED] =	sst s9  }
0x54: {  	s28 =	simm.s32 $0x1F00;
	s11 =	simm.s32 $0x1680;
	[smem:$0x7EE] =	sst s10  }
0x55: {  	s29 =	simm.s32 $0x3F00;
	s12 =	simm.s32 $0x3680;
	[smem:$0x7EF] =	sst s11  }
0x56: {  	s30 =	simm.s32 $0x1F80;
	s13 =	simm.s32 $0x1700;
	[smem:$0x7F0] =	sst s12  }
0x57: {  	s4 =	sadd.s32 s4, s3;
	s14 =	simm.s32 $0x3700;
	[smem:$0x7F1] =	sst s13  }
0x58: {  	s31 =	simm.s32 $0x3F80;
	s15 =	sadd.s32 $0x81800, s4;
	[smem:$0x7F2] =	sst s14  }
0x59: {  	s1 =	ssub.s32 $0x2, s1;
	s4 =	sadd.s32 $0x89800, s4;
	[dreg:$0x2] =	wrdreg s15  }
0x5a: {  	s3 =	sadd.s32 $0x1800, s3;
	s5 =	simm.s32 $0x2F00;
	[dreg:$0x3] =	wrdreg s4  }
0x5b: {  	s16 =	simm.s32 $0x3780;
	s17 =	simm.s32 $0x1800;
	[smem:$0x7D2] =	sst s5  }
0x5c: {  	s18 =	simm.s32 $0x3800;
	s19 =	simm.s32 $0x1880;
	[smem:$0x7F4] =	sst s16  }
0x5d: {  	s20 =	simm.s32 $0x3880;
	s21 =	simm.s32 $0x1900;
	[smem:$0x7F5] =	sst s17  }
0x5e: {  	s22 =	sshrl.u32 s1, $0x1;
	s23 =	simm.s32 $0x3900;
	[smem:$0x7F6] =	sst s18  }
0x5f: {  	s24 =	simm.s32 $0x1980;
	s25 =	simm.s32 $0x3980;
	[smem:$0x7F7] =	sst s19  }
0x60: {  	s26 =	simm.s32 $0x1A00;
	s6 =	simm.s32 $0x80;
	[smem:$0x7F8] =	sst s20  }
0x61: {  	s7 =	simm.s32 $0x2000;
	s11 =	simm.s32 $0x1B00;
	[smem:$0x7F9] =	sst s21  }
0x62: {  	s12 =	simm.s32 $0x3B00;
	s13 =	simm.s32 $0x1B80;
	[smem:$0x7FA] =	sst s23  }
0x63: {  	s14 =	simm.s32 $0x3B80;
	s15 =	simm.s32 $0x2600;
	[smem:$0x7FB] =	sst s24  }
0x64: {  	s5 =	simm.s32 $0x1500;
	s1 =	ssub.s32 s1, s22;
	[smem:$0x7FC] =	sst s25  }
0x65: {  	[smem:$0x7FD] =	sst s26;
	s16 =	simm.s32 $0x3C00;
	s17 =	simm.s32 $0x1C80  }
0x66: {  	s18 =	simm.s32 $0x3C80;
	s19 =	simm.s32 $0x1D00;
	s20 =	simm.s32 $0x3D00  }
0x67: {  	s21 =	simm.s32 $0x1D80;
	s22 =	simm.s32 $0x3D80;
	s23 =	simm.s32 $0x1E00  }
0x68: {  	s24 =	simm.s32 $0x3E00;
	s25 =	simm.s32 $0x1E80;
	[dreg:$0x1a] =	wrdreg s15  }
0x69: {  	s26 =	simm.s32 $0x3E80;
	s15 =	simm.s32 $0xC00;
	[smem:$0x7E9] =	sst s5  }
0x6a: {  	s4 =	smax.u32 s1, $0x1;
	[smem:$0x7C5] =	sst s15;
	s15 =	simm.s32 $0x3180  }
0x6b: {  	s5 =	simm.s32 $0x2;
	[smem:$0x7DC] =	sst s15;
	s15 =	simm.s32 $0x1780  }
0x6c: {  	s1 =	simm.s32 $0x1;
	[smem:$0x7F3] =	sst s15;
	s15 =	simm.s32 $0x1C00  }
.LBB2_1:
0x6d: {  	s0 =	rddreg [dreg:$0x2]  }
0x6e: {  	[tilespmem:s2], [sflag:$0x2] =	stream.linear.gather [hbm4b:s0+s2], $0x2000, $0x38;
	[tilespmem:$0x4000] =	vst v63  }
0x6f: {  	_ =	swait.ge [sflag:s5], $0x2000  }
0x70: {  	s10 =	rddreg [dreg:$0x4]  }
0x71: {  	[sflag:s5] =	ssyncset.done $0x0;
	s0 =	rddreg [dreg:$0x5]  }
0x72: {  	s8 =	rddreg [dreg:$0x6];
	[sflag:s5] =	ssyncadd.s32 $0xFFFFE000  }
0x73: {  	[tilespmem:s7], [sflag:$0x1] =	stream.indirect.gather [hbm4b:s3+s6], $0x1, s2, s6, $0xb8;
	[tilespmem:$0x4000] =	vst v63  }
0x74: {  	s9 =	rddreg [dreg:$0x7]  }
0x75: {  	[tilespmem:s10], [sflag:$0x1] =	stream.indirect.gather [hbm4b:s3+s6], $0x1, s6, s6, $0xb8;
	[tilespmem:$0x4000] =	vst v63  }
0x76: {  	s10 =	rddreg [dreg:$0x8]  }
0x77: {  	[tilespmem:s8], [sflag:$0x1] =	stream.indirect.gather [hbm4b:s3+s6], $0x1, s0, s6, $0xb8;
	[tilespmem:$0x4000] =	vst v63  }
0x78: {  	s0 =	rddreg [dreg:$0x9]  }
0x79: {  	s8 =	rddreg [dreg:$0xa]  }
0x7a: {  	[tilespmem:s10], [sflag:$0x1] =	stream.indirect.gather [hbm4b:s3+s6], $0x1, s9, s6, $0xb8;
	[tilespmem:$0x4000] =	vst v63  }
0x7b: {  	s9 =	rddreg [dreg:$0xb]  }
0x7c: {  	s10 =	rddreg [dreg:$0xc]  }
0x7d: {  	[tilespmem:s8], [sflag:$0x1] =	stream.indirect.gather [hbm4b:s3+s6], $0x1, s0, s6, $0xb8;
	[tilespmem:$0x4000] =	vst v63  }
0x7e: {  	s0 =	rddreg [dreg:$0xd]  }
0x7f: {  	s8 =	rddreg [dreg:$0xe]  }
0x80: {  	[tilespmem:s10], [sflag:$0x1] =	stream.indirect.gather [hbm4b:s3+s6], $0x1, s9, s6, $0xb8;
	[tilespmem:$0x4000] =	vst v63  }
0x81: {  	s9 =	rddreg [dreg:$0xf]  }
0x82: {  	s10 =	rddreg [dreg:$0x10]  }
0x83: {  	[tilespmem:s8], [sflag:$0x1] =	stream.indirect.gather [hbm4b:s3+s6], $0x1, s0, s6, $0xb8;
	[tilespmem:$0x4000] =	vst v63  }
0x84: {  	s0 =	rddreg [dreg:$0x11]  }
0x85: {  	s8 =	rddreg [dreg:$0x12]  }
0x86: {  	[tilespmem:s10], [sflag:$0x1] =	stream.indirect.gather [hbm4b:s3+s6], $0x1, s9, s6, $0xb8;
	[tilespmem:$0x4000] =	vst v63  }
0x87: {  	s9 =	rddreg [dreg:$0x13]  }
0x88: {  	s10 =	rddreg [dreg:$0x14]  }
0x89: {  	[tilespmem:s8], [sflag:$0x1] =	stream.indirect.gather [hbm4b:s3+s6], $0x1, s0, s6, $0xb8;
	[tilespmem:$0x4000] =	vst v63  }
0x8a: {  	s0 =	rddreg [dreg:$0x15]  }
0x8b: {  	s8 =	rddreg [dreg:$0x16]  }
0x8c: {  	[tilespmem:s10], [sflag:$0x1] =	stream.indirect.gather [hbm4b:s3+s6], $0x1, s9, s6, $0xb8;
	[tilespmem:$0x4000] =	vst v63  }
0x8d: {  	s9 =	rddreg [dreg:$0x17]  }
0x8e: {  	s10 =	rddreg [dreg:$0x18]  }
0x8f: {  	[tilespmem:s8], [sflag:$0x1] =	stream.indirect.gather [hbm4b:s3+s6], $0x1, s0, s6, $0xb8;
	[tilespmem:$0x4000] =	vst v63  }
0x90: {  	s0 =	rddreg [dreg:$0x19]  }
0x91: {  	s8 =	rddreg [dreg:$0x1a]  }
0x92: {  	[tilespmem:s10], [sflag:$0x1] =	stream.indirect.gather [hbm4b:s3+s6], $0x1, s9, s6, $0xb8;
	[tilespmem:$0x4000] =	vst v63  }
0x93: {  	s9 =	rddreg [dreg:$0x1b]  }
0x94: {  	s10 =	rddreg [dreg:$0x1c]  }
0x95: {  	[tilespmem:s8], [sflag:$0x1] =	stream.indirect.gather [hbm4b:s3+s6], $0x1, s0, s6, $0xb8;
	[tilespmem:$0x4000] =	vst v63  }
0x96: {  	s0 =	rddreg [dreg:$0x1d]  }
0x97: {  	s8 =	rddreg [dreg:$0x1e]  }
0x98: {  	[tilespmem:s10], [sflag:$0x1] =	stream.indirect.gather [hbm4b:s3+s6], $0x1, s9, s6, $0xb8;
	[tilespmem:$0x4000] =	vst v63  }
0x99: {  	s9 =	rddreg [dreg:$0x1f]  }
0x9a: {  	s10 =	sld [smem:$0x7B4]  }
0x9b: {  	[tilespmem:s8], [sflag:$0x1] =	stream.indirect.gather [hbm4b:s3+s6], $0x1, s0, s6, $0xb8;
	[tilespmem:$0x4000] =	vst v63  }
0x9c: {  	s0 =	sld [smem:$0x7B5]  }
0x9d: {  	s8 =	sld [smem:$0x7B6]  }
0x9e: {  	[tilespmem:s10], [sflag:$0x1] =	stream.indirect.gather [hbm4b:s3+s6], $0x1, s9, s6, $0xb8;
	[tilespmem:$0x4000] =	vst v63  }
0x9f: {  	s9 =	sld [smem:$0x7B7]  }
0xa0: {  	s10 =	sld [smem:$0x7B8]  }
0xa1: {  	[tilespmem:s8], [sflag:$0x1] =	stream.indirect.gather [hbm4b:s3+s6], $0x1, s0, s6, $0xb8;
	[tilespmem:$0x4000] =	vst v63  }
0xa2: {  	s0 =	sld [smem:$0x7B9]  }
0xa3: {  	s8 =	sld [smem:$0x7BA]  }
0xa4: {  	[tilespmem:s10], [sflag:$0x1] =	stream.indirect.gather [hbm4b:s3+s6], $0x1, s9, s6, $0xb8;
	[tilespmem:$0x4000] =	vst v63  }
0xa5: {  	s9 =	sld [smem:$0x7BB]  }
0xa6: {  	s10 =	sld [smem:$0x7BC]  }
0xa7: {  	[tilespmem:s8], [sflag:$0x1] =	stream.indirect.gather [hbm4b:s3+s6], $0x1, s0, s6, $0xb8;
	[tilespmem:$0x4000] =	vst v63  }
0xa8: {  	s0 =	sld [smem:$0x7BD]  }
0xa9: {  	s8 =	sld [smem:$0x7BE]  }
0xaa: {  	[tilespmem:s10], [sflag:$0x1] =	stream.indirect.gather [hbm4b:s3+s6], $0x1, s9, s6, $0xb8;
	[tilespmem:$0x4000] =	vst v63  }
0xab: {  	s9 =	sld [smem:$0x7BF]  }
0xac: {  	s10 =	sld [smem:$0x7C0]  }
0xad: {  	[tilespmem:s8], [sflag:$0x1] =	stream.indirect.gather [hbm4b:s3+s6], $0x1, s0, s6, $0xb8;
	[tilespmem:$0x4000] =	vst v63  }
0xae: {  	s0 =	sld [smem:$0x7C1]  }
0xaf: {  	s8 =	sld [smem:$0x7C2]  }
0xb0: {  	[tilespmem:s10], [sflag:$0x1] =	stream.indirect.gather [hbm4b:s3+s6], $0x1, s9, s6, $0xb8;
	[tilespmem:$0x4000] =	vst v63  }
0xb1: {  	s9 =	sld [smem:$0x7C3]  }
0xb2: {  	s10 =	sld [smem:$0x7C4]  }
0xb3: {  	[tilespmem:s8], [sflag:$0x1] =	stream.indirect.gather [hbm4b:s3+s6], $0x1, s0, s6, $0xb8;
	[tilespmem:$0x4000] =	vst v63  }
0xb4: {  	s0 =	sld [smem:$0x7C5]  }
0xb5: {  	s8 =	sld [smem:$0x7C6]  }
0xb6: {  	[tilespmem:s10], [sflag:$0x1] =	stream.indirect.gather [hbm4b:s3+s6], $0x1, s9, s6, $0xb8;
	[tilespmem:$0x4000] =	vst v63  }
0xb7: {  	s9 =	sld [smem:$0x7C7]  }
0xb8: {  	s10 =	sld [smem:$0x7C8]  }
0xb9: {  	[tilespmem:s8], [sflag:$0x1] =	stream.indirect.gather [hbm4b:s3+s6], $0x1, s0, s6, $0xb8;
	[tilespmem:$0x4000] =	vst v63  }
0xba: {  	s0 =	sld [smem:$0x7C9]  }
0xbb: {  	s8 =	sld [smem:$0x7CA]  }
0xbc: {  	[tilespmem:s10], [sflag:$0x1] =	stream.indirect.gather [hbm4b:s3+s6], $0x1, s9, s6, $0xb8;
	[tilespmem:$0x4000] =	vst v63  }
0xbd: {  	s9 =	sld [smem:$0x7CB]  }
0xbe: {  	s10 =	sld [smem:$0x7CC]  }
0xbf: {  	[tilespmem:s8], [sflag:$0x1] =	stream.indirect.gather [hbm4b:s3+s6], $0x1, s0, s6, $0xb8;
	[tilespmem:$0x4000] =	vst v63  }
0xc0: {  	s0 =	sld [smem:$0x7CD]  }
0xc1: {  	s8 =	sld [smem:$0x7CE]  }
0xc2: {  	[tilespmem:s10], [sflag:$0x1] =	stream.indirect.gather [hbm4b:s3+s6], $0x1, s9, s6, $0xb8;
	[tilespmem:$0x4000] =	vst v63  }
0xc3: {  	s9 =	sld [smem:$0x7CF]  }
0xc4: {  	s10 =	sld [smem:$0x7D0]  }
0xc5: {  	[tilespmem:s8], [sflag:$0x1] =	stream.indirect.gather [hbm4b:s3+s6], $0x1, s0, s6, $0xb8;
	[tilespmem:$0x4000] =	vst v63  }
0xc6: {  	s0 =	sld [smem:$0x7D1]  }
0xc7: {  	s8 =	sld [smem:$0x7D2]  }
0xc8: {  	[tilespmem:s10], [sflag:$0x1] =	stream.indirect.gather [hbm4b:s3+s6], $0x1, s9, s6, $0xb8;
	[tilespmem:$0x4000] =	vst v63  }
0xc9: {  	s9 =	sld [smem:$0x7D3]  }
0xca: {  	s10 =	sld [smem:$0x7D4]  }
0xcb: {  	[tilespmem:s8], [sflag:$0x1] =	stream.indirect.gather [hbm4b:s3+s6], $0x1, s0, s6, $0xb8;
	[tilespmem:$0x4000] =	vst v63  }
0xcc: {  	s0 =	sld [smem:$0x7D5]  }
0xcd: {  	s8 =	sld [smem:$0x7D6]  }
0xce: {  	[tilespmem:s10], [sflag:$0x1] =	stream.indirect.gather [hbm4b:s3+s6], $0x1, s9, s6, $0xb8;
	[tilespmem:$0x4000] =	vst v63  }
0xcf: {  	s9 =	sld [smem:$0x7D7]  }
0xd0: {  	s10 =	sld [smem:$0x7D8]  }
0xd1: {  	[tilespmem:s8], [sflag:$0x1] =	stream.indirect.gather [hbm4b:s3+s6], $0x1, s0, s6, $0xb8;
	[tilespmem:$0x4000] =	vst v63  }
0xd2: {  	s0 =	sld [smem:$0x7D9]  }
0xd3: {  	s8 =	sld [smem:$0x7DA]  }
0xd4: {  	[tilespmem:s10], [sflag:$0x1] =	stream.indirect.gather [hbm4b:s3+s6], $0x1, s9, s6, $0xb8;
	[tilespmem:$0x4000] =	vst v63  }
0xd5: {  	s9 =	sld [smem:$0x7DB]  }
0xd6: {  	s10 =	sld [smem:$0x7DC]  }
0xd7: {  	[tilespmem:s8], [sflag:$0x1] =	stream.indirect.gather [hbm4b:s3+s6], $0x1, s0, s6, $0xb8;
	[tilespmem:$0x4000] =	vst v63  }
0xd8: {  	s0 =	sld [smem:$0x7DD]  }
0xd9: {  	s8 =	sld [smem:$0x7DE]  }
0xda: {  	[tilespmem:s10], [sflag:$0x1] =	stream.indirect.gather [hbm4b:s3+s6], $0x1, s9, s6, $0xb8;
	[tilespmem:$0x4000] =	vst v63  }
0xdb: {  	s9 =	sld [smem:$0x7DF]  }
0xdc: {  	s10 =	sld [smem:$0x7E0]  }
0xdd: {  	[tilespmem:s8], [sflag:$0x1] =	stream.indirect.gather [hbm4b:s3+s6], $0x1, s0, s6, $0xb8;
	[tilespmem:$0x4000] =	vst v63  }
0xde: {  	s0 =	sld [smem:$0x7E1]  }
0xdf: {  	s8 =	sld [smem:$0x7E2]  }
0xe0: {  	[tilespmem:s10], [sflag:$0x1] =	stream.indirect.gather [hbm4b:s3+s6], $0x1, s9, s6, $0xb8;
	[tilespmem:$0x4000] =	vst v63  }
0xe1: {  	s9 =	sld [smem:$0x7E3]  }
0xe2: {  	s10 =	sld [smem:$0x7E4]  }
0xe3: {  	[tilespmem:s8], [sflag:$0x1] =	stream.indirect.gather [hbm4b:s3+s6], $0x1, s0, s6, $0xb8;
	[tilespmem:$0x4000] =	vst v63  }
0xe4: {  	s0 =	sld [smem:$0x7E5]  }
0xe5: {  	s8 =	sld [smem:$0x7E6]  }
0xe6: {  	[tilespmem:s10], [sflag:$0x1] =	stream.indirect.gather [hbm4b:s3+s6], $0x1, s9, s6, $0xb8;
	[tilespmem:$0x4000] =	vst v63  }
0xe7: {  	s9 =	sld [smem:$0x7E7]  }
0xe8: {  	s10 =	sld [smem:$0x7E8]  }
0xe9: {  	[tilespmem:s8], [sflag:$0x1] =	stream.indirect.gather [hbm4b:s3+s6], $0x1, s0, s6, $0xb8;
	[tilespmem:$0x4000] =	vst v63  }
0xea: {  	s0 =	sld [smem:$0x7E9]  }
0xeb: {  	s8 =	sld [smem:$0x7EA]  }
0xec: {  	[tilespmem:s10], [sflag:$0x1] =	stream.indirect.gather [hbm4b:s3+s6], $0x1, s9, s6, $0xb8;
	[tilespmem:$0x4000] =	vst v63  }
0xed: {  	s9 =	sld [smem:$0x7EB]  }
0xee: {  	s10 =	sld [smem:$0x7EC]  }
0xef: {  	[tilespmem:s8], [sflag:$0x1] =	stream.indirect.gather [hbm4b:s3+s6], $0x1, s0, s6, $0xb8;
	[tilespmem:$0x4000] =	vst v63  }
0xf0: {  	s0 =	sld [smem:$0x7ED]  }
0xf1: {  	s8 =	sld [smem:$0x7EE]  }
0xf2: {  	[tilespmem:s10], [sflag:$0x1] =	stream.indirect.gather [hbm4b:s3+s6], $0x1, s9, s6, $0xb8;
	[tilespmem:$0x4000] =	vst v63  }
0xf3: {  	s9 =	sld [smem:$0x7EF]  }
0xf4: {  	s10 =	sld [smem:$0x7F0]  }
0xf5: {  	[tilespmem:s8], [sflag:$0x1] =	stream.indirect.gather [hbm4b:s3+s6], $0x1, s0, s6, $0xb8;
	[tilespmem:$0x4000] =	vst v63  }
0xf6: {  	s0 =	sld [smem:$0x7F1]  }
0xf7: {  	s8 =	sld [smem:$0x7F2]  }
0xf8: {  	[tilespmem:s10], [sflag:$0x1] =	stream.indirect.gather [hbm4b:s3+s6], $0x1, s9, s6, $0xb8;
	[tilespmem:$0x4000] =	vst v63  }
0xf9: {  	s9 =	sld [smem:$0x7F3]  }
0xfa: {  	s10 =	sld [smem:$0x7F4]  }
0xfb: {  	[tilespmem:s8], [sflag:$0x1] =	stream.indirect.gather [hbm4b:s3+s6], $0x1, s0, s6, $0xb8;
	[tilespmem:$0x4000] =	vst v63  }
0xfc: {  	s0 =	sld [smem:$0x7F5]  }
0xfd: {  	s8 =	sld [smem:$0x7F6]  }
0xfe: {  	[tilespmem:s10], [sflag:$0x1] =	stream.indirect.gather [hbm4b:s3+s6], $0x1, s9, s6, $0xb8;
	[tilespmem:$0x4000] =	vst v63  }
0xff: {  	s9 =	sld [smem:$0x7F7]  }
0x100: {  	s10 =	sld [smem:$0x7F8]  }
0x101: {  	[tilespmem:s8], [sflag:$0x1] =	stream.indirect.gather [hbm4b:s3+s6], $0x1, s0, s6, $0xb8;
	[tilespmem:$0x4000] =	vst v63  }
0x102: {  	s0 =	sld [smem:$0x7F9]  }
0x103: {  	s8 =	sld [smem:$0x7FA]  }
0x104: {  	[tilespmem:s10], [sflag:$0x1] =	stream.indirect.gather [hbm4b:s3+s6], $0x1, s9, s6, $0xb8;
	[tilespmem:$0x4000] =	vst v63  }
0x105: {  	s9 =	sld [smem:$0x7FB]  }
0x106: {  	s10 =	sld [smem:$0x7FC]  }
0x107: {  	[tilespmem:s8], [sflag:$0x1] =	stream.indirect.gather [hbm4b:s3+s6], $0x1, s0, s6, $0xb8;
	[tilespmem:$0x4000] =	vst v63  }
0x108: {  	s8 =	sld [smem:$0x7FD]  }
0x109: {  	[tilespmem:s10], [sflag:$0x1] =	stream.indirect.gather [hbm4b:s3+s6], $0x1, s9, s6, $0xb8;
	[tilespmem:$0x4000] =	vst v63  }
0x10a: {  	s10 =	simm.s32 $0x3A00  }
0x10b: {  	[tilespmem:s10], [sflag:$0x1] =	stream.indirect.gather [hbm4b:s3+s6], $0x1, s8, s6, $0xb8;
	[tilespmem:$0x4000] =	vst v63  }
0x10c: {  	s9 =	simm.s32 $0x3A80;
	s8 =	simm.s32 $0x1A80  }
0x10d: {  	[tilespmem:s9], [sflag:$0x1] =	stream.indirect.gather [hbm4b:s3+s6], $0x1, s8, s6, $0xb8;
	[tilespmem:$0x4000] =	vst v63  }
0x10e: {  	_ = 	snop  }
0x10f: {  	[tilespmem:s12], [sflag:$0x1] =	stream.indirect.gather [hbm4b:s3+s6], $0x1, s11, s6, $0xb8;
	[tilespmem:$0x4000] =	vst v63  }
0x110: {  	_ = 	snop  }
0x111: {  	[tilespmem:s14], [sflag:$0x1] =	stream.indirect.gather [hbm4b:s3+s6], $0x1, s13, s6, $0xb8;
	[tilespmem:$0x4000] =	vst v63  }
0x112: {  	_ = 	snop  }
0x113: {  	[tilespmem:s16], [sflag:$0x1] =	stream.indirect.gather [hbm4b:s3+s6], $0x1, s15, s6, $0xb8;
	[tilespmem:$0x4000] =	vst v63  }
0x114: {  	_ = 	snop  }
0x115: {  	[tilespmem:s18], [sflag:$0x1] =	stream.indirect.gather [hbm4b:s3+s6], $0x1, s17, s6, $0xb8;
	[tilespmem:$0x4000] =	vst v63  }
0x116: {  	_ = 	snop  }
0x117: {  	[tilespmem:s20], [sflag:$0x1] =	stream.indirect.gather [hbm4b:s3+s6], $0x1, s19, s6, $0xb8;
	[tilespmem:$0x4000] =	vst v63  }
0x118: {  	_ = 	snop  }
0x119: {  	[tilespmem:s22], [sflag:$0x1] =	stream.indirect.gather [hbm4b:s3+s6], $0x1, s21, s6, $0xb8;
	[tilespmem:$0x4000] =	vst v63  }
0x11a: {  	_ = 	snop  }
0x11b: {  	[tilespmem:s24], [sflag:$0x1] =	stream.indirect.gather [hbm4b:s3+s6], $0x1, s23, s6, $0xb8;
	[tilespmem:$0x4000] =	vst v63  }
0x11c: {  	_ = 	snop  }
0x11d: {  	[tilespmem:s26], [sflag:$0x1] =	stream.indirect.gather [hbm4b:s3+s6], $0x1, s25, s6, $0xb8;
	[tilespmem:$0x4000] =	vst v63  }
0x11e: {  	_ = 	snop  }
0x11f: {  	[tilespmem:s29], [sflag:$0x1] =	stream.indirect.gather [hbm4b:s3+s6], $0x1, s28, s6, $0xb8;
	[tilespmem:$0x4000] =	vst v63  }
0x120: {  	_ = 	snop  }
0x121: {  	[tilespmem:s31], [sflag:$0x1] =	stream.indirect.gather [hbm4b:s3+s6], $0x1, s30, s6, $0xb8;
	[tilespmem:$0x4000] =	vst v63  }
0x122: {  	_ =	swait.ge [sflag:s1], $0x80  }
0x123: {  	[sflag:s1] =	ssyncset.done $0x0  }
0x124: {  	[sflag:s1] =	ssyncadd.s32 $0xFFFFFF80  }
0x125: {  	_ =	swait.ge [sflag:s1], $0x80  }
0x126: {  	[sflag:s1] =	ssyncset.done $0x0  }
0x127: {  	[sflag:s1] =	ssyncadd.s32 $0xFFFFFF80  }
0x128: {  	_ =	swait.ge [sflag:s1], $0x80  }
0x129: {  	[sflag:s1] =	ssyncset.done $0x0  }
0x12a: {  	[sflag:s1] =	ssyncadd.s32 $0xFFFFFF80  }
0x12b: {  	_ =	swait.ge [sflag:s1], $0x80  }
0x12c: {  	[sflag:s1] =	ssyncset.done $0x0  }
0x12d: {  	[sflag:s1] =	ssyncadd.s32 $0xFFFFFF80  }
0x12e: {  	_ =	swait.ge [sflag:s1], $0x80  }
0x12f: {  	[sflag:s1] =	ssyncset.done $0x0  }
0x130: {  	[sflag:s1] =	ssyncadd.s32 $0xFFFFFF80  }
0x131: {  	_ =	swait.ge [sflag:s1], $0x80  }
0x132: {  	[sflag:s1] =	ssyncset.done $0x0  }
0x133: {  	[sflag:s1] =	ssyncadd.s32 $0xFFFFFF80  }
0x134: {  	_ =	swait.ge [sflag:s1], $0x80  }
0x135: {  	[sflag:s1] =	ssyncset.done $0x0  }
0x136: {  	[sflag:s1] =	ssyncadd.s32 $0xFFFFFF80  }
0x137: {  	_ =	swait.ge [sflag:s1], $0x80  }
0x138: {  	[sflag:s1] =	ssyncset.done $0x0  }
0x139: {  	[sflag:s1] =	ssyncadd.s32 $0xFFFFFF80  }
0x13a: {  	_ =	swait.ge [sflag:s1], $0x80  }
0x13b: {  	[sflag:s1] =	ssyncset.done $0x0  }
0x13c: {  	[sflag:s1] =	ssyncadd.s32 $0xFFFFFF80  }
0x13d: {  	_ =	swait.ge [sflag:s1], $0x80  }
0x13e: {  	[sflag:s1] =	ssyncset.done $0x0  }
0x13f: {  	[sflag:s1] =	ssyncadd.s32 $0xFFFFFF80  }
0x140: {  	_ =	swait.ge [sflag:s1], $0x80  }
0x141: {  	[sflag:s1] =	ssyncset.done $0x0  }
0x142: {  	[sflag:s1] =	ssyncadd.s32 $0xFFFFFF80  }
0x143: {  	_ =	swait.ge [sflag:s1], $0x80  }
0x144: {  	[sflag:s1] =	ssyncset.done $0x0  }
0x145: {  	[sflag:s1] =	ssyncadd.s32 $0xFFFFFF80  }
0x146: {  	_ =	swait.ge [sflag:s1], $0x80  }
0x147: {  	[sflag:s1] =	ssyncset.done $0x0  }
0x148: {  	[sflag:s1] =	ssyncadd.s32 $0xFFFFFF80  }
0x149: {  	_ =	swait.ge [sflag:s1], $0x80  }
0x14a: {  	[sflag:s1] =	ssyncset.done $0x0  }
0x14b: {  	[sflag:s1] =	ssyncadd.s32 $0xFFFFFF80  }
0x14c: {  	_ =	swait.ge [sflag:s1], $0x80  }
0x14d: {  	[sflag:s1] =	ssyncset.done $0x0  }
0x14e: {  	[sflag:s1] =	ssyncadd.s32 $0xFFFFFF80  }
0x14f: {  	_ =	swait.ge [sflag:s1], $0x80  }
0x150: {  	[sflag:s1] =	ssyncset.done $0x0  }
0x151: {  	[sflag:s1] =	ssyncadd.s32 $0xFFFFFF80  }
0x152: {  	_ =	swait.ge [sflag:s1], $0x80  }
0x153: {  	[sflag:s1] =	ssyncset.done $0x0  }
0x154: {  	[sflag:s1] =	ssyncadd.s32 $0xFFFFFF80  }
0x155: {  	_ =	swait.ge [sflag:s1], $0x80  }
0x156: {  	[sflag:s1] =	ssyncset.done $0x0  }
0x157: {  	[sflag:s1] =	ssyncadd.s32 $0xFFFFFF80  }
0x158: {  	_ =	swait.ge [sflag:s1], $0x80  }
0x159: {  	[sflag:s1] =	ssyncset.done $0x0  }
0x15a: {  	[sflag:s1] =	ssyncadd.s32 $0xFFFFFF80  }
0x15b: {  	_ =	swait.ge [sflag:s1], $0x80  }
0x15c: {  	[sflag:s1] =	ssyncset.done $0x0  }
0x15d: {  	[sflag:s1] =	ssyncadd.s32 $0xFFFFFF80  }
0x15e: {  	_ =	swait.ge [sflag:s1], $0x80  }
0x15f: {  	[sflag:s1] =	ssyncset.done $0x0  }
0x160: {  	[sflag:s1] =	ssyncadd.s32 $0xFFFFFF80  }
0x161: {  	_ =	swait.ge [sflag:s1], $0x80  }
0x162: {  	[sflag:s1] =	ssyncset.done $0x0  }
0x163: {  	[sflag:s1] =	ssyncadd.s32 $0xFFFFFF80  }
0x164: {  	_ =	swait.ge [sflag:s1], $0x80  }
0x165: {  	[sflag:s1] =	ssyncset.done $0x0  }
0x166: {  	[sflag:s1] =	ssyncadd.s32 $0xFFFFFF80  }
0x167: {  	_ =	swait.ge [sflag:s1], $0x80  }
0x168: {  	[sflag:s1] =	ssyncset.done $0x0  }
0x169: {  	[sflag:s1] =	ssyncadd.s32 $0xFFFFFF80  }
0x16a: {  	_ =	swait.ge [sflag:s1], $0x80  }
0x16b: {  	[sflag:s1] =	ssyncset.done $0x0  }
0x16c: {  	[sflag:s1] =	ssyncadd.s32 $0xFFFFFF80  }
0x16d: {  	_ =	swait.ge [sflag:s1], $0x80  }
0x16e: {  	[sflag:s1] =	ssyncset.done $0x0  }
0x16f: {  	[sflag:s1] =	ssyncadd.s32 $0xFFFFFF80  }
0x170: {  	_ =	swait.ge [sflag:s1], $0x80  }
0x171: {  	[sflag:s1] =	ssyncset.done $0x0  }
0x172: {  	[sflag:s1] =	ssyncadd.s32 $0xFFFFFF80  }
0x173: {  	_ =	swait.ge [sflag:s1], $0x80  }
0x174: {  	[sflag:s1] =	ssyncset.done $0x0  }
0x175: {  	[sflag:s1] =	ssyncadd.s32 $0xFFFFFF80  }
0x176: {  	_ =	swait.ge [sflag:s1], $0x80  }
0x177: {  	[sflag:s1] =	ssyncset.done $0x0  }
0x178: {  	[sflag:s1] =	ssyncadd.s32 $0xFFFFFF80  }
0x179: {  	_ =	swait.ge [sflag:s1], $0x80  }
0x17a: {  	[sflag:s1] =	ssyncset.done $0x0  }
0x17b: {  	[sflag:s1] =	ssyncadd.s32 $0xFFFFFF80  }
0x17c: {  	_ =	swait.ge [sflag:s1], $0x80  }
0x17d: {  	[sflag:s1] =	ssyncset.done $0x0  }
0x17e: {  	[sflag:s1] =	ssyncadd.s32 $0xFFFFFF80  }
0x17f: {  	_ =	swait.ge [sflag:s1], $0x80  }
0x180: {  	[sflag:s1] =	ssyncset.done $0x0  }
0x181: {  	[sflag:s1] =	ssyncadd.s32 $0xFFFFFF80  }
0x182: {  	_ =	swait.ge [sflag:s1], $0x80  }
0x183: {  	[sflag:s1] =	ssyncset.done $0x0  }
0x184: {  	[sflag:s1] =	ssyncadd.s32 $0xFFFFFF80  }
0x185: {  	_ =	swait.ge [sflag:s1], $0x80  }
0x186: {  	[sflag:s1] =	ssyncset.done $0x0  }
0x187: {  	[sflag:s1] =	ssyncadd.s32 $0xFFFFFF80  }
0x188: {  	_ =	swait.ge [sflag:s1], $0x80  }
0x189: {  	[sflag:s1] =	ssyncset.done $0x0  }
0x18a: {  	[sflag:s1] =	ssyncadd.s32 $0xFFFFFF80  }
0x18b: {  	_ =	swait.ge [sflag:s1], $0x80  }
0x18c: {  	[sflag:s1] =	ssyncset.done $0x0  }
0x18d: {  	[sflag:s1] =	ssyncadd.s32 $0xFFFFFF80  }
0x18e: {  	_ =	swait.ge [sflag:s1], $0x80  }
0x18f: {  	[sflag:s1] =	ssyncset.done $0x0  }
0x190: {  	[sflag:s1] =	ssyncadd.s32 $0xFFFFFF80  }
0x191: {  	_ =	swait.ge [sflag:s1], $0x80  }
0x192: {  	[sflag:s1] =	ssyncset.done $0x0  }
0x193: {  	[sflag:s1] =	ssyncadd.s32 $0xFFFFFF80  }
0x194: {  	_ =	swait.ge [sflag:s1], $0x80  }
0x195: {  	[sflag:s1] =	ssyncset.done $0x0  }
0x196: {  	[sflag:s1] =	ssyncadd.s32 $0xFFFFFF80  }
0x197: {  	_ =	swait.ge [sflag:s1], $0x80  }
0x198: {  	[sflag:s1] =	ssyncset.done $0x0  }
0x199: {  	[sflag:s1] =	ssyncadd.s32 $0xFFFFFF80  }
0x19a: {  	_ =	swait.ge [sflag:s1], $0x80  }
0x19b: {  	[sflag:s1] =	ssyncset.done $0x0  }
0x19c: {  	[sflag:s1] =	ssyncadd.s32 $0xFFFFFF80  }
0x19d: {  	_ =	swait.ge [sflag:s1], $0x80  }
0x19e: {  	[sflag:s1] =	ssyncset.done $0x0  }
0x19f: {  	[sflag:s1] =	ssyncadd.s32 $0xFFFFFF80  }
0x1a0: {  	_ =	swait.ge [sflag:s1], $0x80  }
0x1a1: {  	[sflag:s1] =	ssyncset.done $0x0  }
0x1a2: {  	[sflag:s1] =	ssyncadd.s32 $0xFFFFFF80  }
0x1a3: {  	_ =	swait.ge [sflag:s1], $0x80  }
0x1a4: {  	[sflag:s1] =	ssyncset.done $0x0  }
0x1a5: {  	[sflag:s1] =	ssyncadd.s32 $0xFFFFFF80  }
0x1a6: {  	_ =	swait.ge [sflag:s1], $0x80  }
0x1a7: {  	[sflag:s1] =	ssyncset.done $0x0  }
0x1a8: {  	[sflag:s1] =	ssyncadd.s32 $0xFFFFFF80  }
0x1a9: {  	_ =	swait.ge [sflag:s1], $0x80  }
0x1aa: {  	[sflag:s1] =	ssyncset.done $0x0  }
0x1ab: {  	[sflag:s1] =	ssyncadd.s32 $0xFFFFFF80  }
0x1ac: {  	_ =	swait.ge [sflag:s1], $0x80  }
0x1ad: {  	[sflag:s1] =	ssyncset.done $0x0  }
0x1ae: {  	[sflag:s1] =	ssyncadd.s32 $0xFFFFFF80  }
0x1af: {  	_ =	swait.ge [sflag:s1], $0x80  }
0x1b0: {  	[sflag:s1] =	ssyncset.done $0x0  }
0x1b1: {  	[sflag:s1] =	ssyncadd.s32 $0xFFFFFF80  }
0x1b2: {  	_ =	swait.ge [sflag:s1], $0x80  }
0x1b3: {  	[sflag:s1] =	ssyncset.done $0x0  }
0x1b4: {  	[sflag:s1] =	ssyncadd.s32 $0xFFFFFF80  }
0x1b5: {  	_ =	swait.ge [sflag:s1], $0x80  }
0x1b6: {  	[sflag:s1] =	ssyncset.done $0x0  }
0x1b7: {  	[sflag:s1] =	ssyncadd.s32 $0xFFFFFF80  }
0x1b8: {  	_ =	swait.ge [sflag:s1], $0x80  }
0x1b9: {  	[sflag:s1] =	ssyncset.done $0x0  }
0x1ba: {  	[sflag:s1] =	ssyncadd.s32 $0xFFFFFF80  }
0x1bb: {  	_ =	swait.ge [sflag:s1], $0x80  }
0x1bc: {  	[sflag:s1] =	ssyncset.done $0x0  }
0x1bd: {  	[sflag:s1] =	ssyncadd.s32 $0xFFFFFF80  }
0x1be: {  	_ =	swait.ge [sflag:s1], $0x80  }
0x1bf: {  	[sflag:s1] =	ssyncset.done $0x0  }
0x1c0: {  	[sflag:s1] =	ssyncadd.s32 $0xFFFFFF80  }
0x1c1: {  	_ =	swait.ge [sflag:s1], $0x80  }
0x1c2: {  	[sflag:s1] =	ssyncset.done $0x0  }
0x1c3: {  	[sflag:s1] =	ssyncadd.s32 $0xFFFFFF80  }
0x1c4: {  	_ =	swait.ge [sflag:s1], $0x80  }
0x1c5: {  	[sflag:s1] =	ssyncset.done $0x0  }
0x1c6: {  	[sflag:s1] =	ssyncadd.s32 $0xFFFFFF80  }
0x1c7: {  	_ =	swait.ge [sflag:s1], $0x80  }
0x1c8: {  	[sflag:s1] =	ssyncset.done $0x0  }
0x1c9: {  	[sflag:s1] =	ssyncadd.s32 $0xFFFFFF80  }
0x1ca: {  	_ =	swait.ge [sflag:s1], $0x80  }
0x1cb: {  	[sflag:s1] =	ssyncset.done $0x0  }
0x1cc: {  	[sflag:s1] =	ssyncadd.s32 $0xFFFFFF80  }
0x1cd: {  	_ =	swait.ge [sflag:s1], $0x80  }
0x1ce: {  	[sflag:s1] =	ssyncset.done $0x0  }
0x1cf: {  	[sflag:s1] =	ssyncadd.s32 $0xFFFFFF80  }
0x1d0: {  	_ =	swait.ge [sflag:s1], $0x80  }
0x1d1: {  	[sflag:s1] =	ssyncset.done $0x0  }
0x1d2: {  	[sflag:s1] =	ssyncadd.s32 $0xFFFFFF80  }
0x1d3: {  	_ =	swait.ge [sflag:s1], $0x80  }
0x1d4: {  	[sflag:s1] =	ssyncset.done $0x0  }
0x1d5: {  	[sflag:s1] =	ssyncadd.s32 $0xFFFFFF80  }
0x1d6: {  	_ =	swait.ge [sflag:s1], $0x80  }
0x1d7: {  	[sflag:s1] =	ssyncset.done $0x0  }
0x1d8: {  	[sflag:s1] =	ssyncadd.s32 $0xFFFFFF80  }
0x1d9: {  	_ =	swait.ge [sflag:s1], $0x80  }
0x1da: {  	[sflag:s1] =	ssyncset.done $0x0  }
0x1db: {  	[sflag:s1] =	ssyncadd.s32 $0xFFFFFF80  }
0x1dc: {  	_ =	swait.ge [sflag:s1], $0x80  }
0x1dd: {  	[sflag:s1] =	ssyncset.done $0x0  }
0x1de: {  	[sflag:s1] =	ssyncadd.s32 $0xFFFFFF80  }
0x1df: {  	_ =	swait.ge [sflag:s1], $0x80  }
0x1e0: {  	p0 =	sne.s32 s4, $0x1;
	[sflag:s1] =	ssyncset.done $0x0  }
.Ltmp0:
0x1e1: {  	s10 =	rddreg [dreg:$0x3];
	[sflag:s1] =	ssyncadd.s32 $0xFFFFFF80;
	(pc) =	sbr.rel @p0 .LBB2_1-.Ltmp0, $4  }
0x1e2: {  	[hbm4b:s10+s2] =	stream.linear.scatter [tilespmem:s7], [sflag:$0x2], $0x2000, $0x38;
	[tilespmem:$0x4000] =	vst v63  }
0x1e3: {  	_ =	swait.ge [sflag:s5], $0x2000  }
0x1e4: {  	[sflag:s5] =	ssyncset.done $0x0  }
0x1e5: {  	s4 =	sadd.s32 $0xFFFFFFFF, s4;
	[sflag:s5] =	ssyncadd.s32 $0xFFFFE000  }
0x1e6: {  	_ =	sfence.sel $0x180000  }
0x1e7: {  	[bflag:$0x0] =	sbarrier.arrive $0xFFFF  }
0x1e8: {  	_ =	strace $0x90000047  }
0x1e9: {  	s0 =	stileid.u32;
	[bflag:$0x2] =	sbarrier.arrive $0xFFFF  }
0x1ea: {  	p0 =	sne.s32 s0, $0x0;
	s0 =	rddreg [dreg:$0x1]  }
0x1eb: {  	s0 =	sadd.s32 @!p0 $0x100000, s0  }
0x1ec: {  	[sflag:s0] =	ssyncadd.tile.s32 @!p0 $0x1;
	_ =	shalt  }
.Lfunc_end2:
_tile_overlayer_lowered:
.L_overlay_start_2:
0x1ed: {  	(tag) =	ssettag $0x2  }
0x1ee: {  	s0 =	rddreg [dreg:$0x0];
	s2 =	stileid.u32  }
0x1ef: {  	s1 =	rddreg [dreg:$0x1];
	p0 =	sne.s32 s2, $0x0  }
0x1f0: {  	s3 =	rddreg [dreg:$0x2];
	[bflag:$0x3] =	sbarrier.arrive $0xFFFF;
	s2 =	simm.s32 @!p0 $0x1C02  }
0x1f1: {  	[timem:s3], [sflag:s2] =	dma.local @!p0 [hbm:s0], s1  }
0x1f2: {  	s0 =	simm.s32 @!p0 $0x2  }
0x1f3: {  	_ =	swait.ge @!p0 [sflag:s0], s1  }
0x1f4: {  	s1 =	ssub.s32 @!p0 $0x0, s1;
	[sflag:s0] =	ssyncset.done @!p0 $0x0  }
0x1f5: {  	[sflag:s0] =	ssyncadd.s32 @!p0 s1  }
0x1f6: {  	[bflag:$0x3] =	sbarrier.arrive $0xFFFF  }
0x1f7: {  	_ =	shalt  }

// kernel: kernel.13.cloned.1.call-start
scs
__scs_entry_jumppad:
0x0: {  	(pc) =	sbr.rel $0x88, $3  }
0x1: {  	(tag) =	ssettag $0x0;
	lr =	simm.s32 $0x1  }
0x2: {  	[smem:$0x3F9A] =	sst lr;
	_ =	strace $0xD0000000  }
0x3: {  	_ = 	snop  }
0x4: {  	_ = 	snop  }
0x5: {  	_ = 	snop  }
0x6: {  	_ = 	snop  }
0x7: {  	_ = 	snop  }
__scs_overlays_trampoline_lowered:
0x8: {  	[smem:$0x3FA9] =	sst s0  }
0x9: {  	[smem:$0x3FAA] =	sst s1  }
0xa: {  	[smem:$0x3FAB] =	sst s2  }
0xb: {  	[smem:$0x3FAC] =	sst s3  }
0xc: {  	[smem:$0x3FAD] =	sst s4  }
0xd: {  	[smem:$0x3FAE] =	sst s5  }
0xe: {  	[smem:$0x3FAF] =	sst s6  }
0xf: {  	[smem:$0x3FB0] =	sst s7  }
0x10: {  	[smem:$0x3FB1] =	sst s8  }
0x11: {  	[smem:$0x3FB2] =	sst s9;
	s0 =	simm.s32 @!p0 $0x0  }
0x12: {  	s1 =	sld [smem:$0x3F98];
	s0 =	simm.s32 @p0 $0x1  }
0x13: {  	[smem:$0x3FB3] =	sst s0;
	s0 =	simm.s32 @!p1 $0x0  }
0x14: {  	s2 =	sld [smem:$0x3F97];
	s0 =	simm.s32 @p1 $0x1  }
0x15: {  	[smem:$0x3FB4] =	sst s0;
	s0 =	simm.s32 @!p2 $0x0  }
0x16: {  	s3 =	sld [smem:$0x3FDB];
	s0 =	simm.s32 @p2 $0x1  }
0x17: {  	s4 =	simm.s32 $0x1BF5;
	[smem:$0x3FB6] =	sst s0  }
0x18: {  	s0 =	sld [smem:$0x3F99];
	_ =	swait.ge [sflag:s4], $0x0  }
0x19: {  	s7 =	sld [smem:$0x3F9A]  }
0x1a: {  	s8 =	sadd.s32 $0xFFFFE003, lr  }
0x1b: {  	s9 =	sadd.s32 $0xFFFFFEF7, lr;
	s5 =	simm.s32 $0xFFFFFFFF;
	p2 =	slt.u32 s8, $0xFFFFF086  }
0x1c: {  	p1 =	slt.u32 s9, $0xF7A;
	s5 =	simm.s32 @!p2 $0x0  }
0x1d: {  	s5 =	simm.s32 @p1 $0x1;
	p0 =	seq.s32 s7, s2  }
0x1e: {  	s7 =	smul.u32 @!p0 $0xF7A, s2;
	p2 =	seq.s32 @!p0 s5, $0x0  }
0x1f: {  	s9 =	smul.u32 $0xF7A, s1;
	s8 =	simm.s32 @!p0 $0x1BF5;
	p2 =	por !p2, p0  }
0x20: {  	[sflag:s8] =	ssyncset.s32 @!p0 $0xFFFFF086;
	s6 =	sadd.s32 @!p0 s3, s7;
	s7 =	simm.s32 @!p0 $0x108  }
0x21: {  	s3 =	sadd.s32 s3, s9;
	s6 =	sadd.s32 @!p0 $0x88, s6;
	s7 =	simm.s32 @p2 $0x1082  }
0x22: {  	[simem:s7], [sflag:s8] =	dma.local @!p0 [hbm:s6], $0xF7A  }
0x23: {  	s9 =	sor.u32 $0xD0000000, s2;
	s6 =	simm.s32 $0x108;
	_ =	swait.ge @!p0 [sflag:s8], $0x0  }
0x24: {  	s3 =	sadd.s32 $0x88, s3;
	s6 =	simm.s32 @!p1 $0x1082;
	[sflag:s4] =	ssyncset.s32 $0xFFFFF086  }
0x25: {  	[simem:s6], [sflag:s4] =	dma.local [hbm:s3], $0xF7A  }
0x26: {  	[smem:$0x3F9A] =	sst s1;
	(tag) =	ssettag s2;
	_ =	strace s9  }
0x27: {  	s1 =	sld [smem:$0x3FAA]  }
0x28: {  	s2 =	sld [smem:$0x3FAB]  }
0x29: {  	s4 =	sld [smem:$0x3FAD]  }
0x2a: {  	p0 =	seq.s32 s5, $0x0;
	s5 =	sld [smem:$0x3FAE]  }
0x2b: {  	s6 =	sld [smem:$0x3FAF]  }
0x2c: {  	s7 =	sld [smem:$0x3FB0]  }
0x2d: {  	s3 =	simm.s32 $0x108;
	s8 =	sld [smem:$0x3FB1]  }
0x2e: {  	s3 =	simm.s32 @!p0 $0x1082;
	s9 =	sld [smem:$0x3FB2]  }
0x2f: {  	lr =	sadd.s32 s0, s3;
	s0 =	sld [smem:$0x3FA9]  }
0x30: {  	s3 =	sld [smem:$0x3FAC]  }
0x31: {  	[smem:$0x3FB5] =	sst s10  }
0x32: {  	s10 =	sld [smem:$0x3FB3];
	_ =	sdelay $0x3  }
0x33: {  	p0 =	seq.s32 s10, $0x1;
	s10 =	sld [smem:$0x3FB5];
	_ =	sdelay $0x3  }
0x34: {  	[smem:$0x3FB5] =	sst s10  }
0x35: {  	s10 =	sld [smem:$0x3FB4];
	_ =	sdelay $0x3  }
0x36: {  	p1 =	seq.s32 s10, $0x1;
	s10 =	sld [smem:$0x3FB5];
	_ =	sdelay $0x3  }
0x37: {  	[smem:$0x3FB5] =	sst s10  }
0x38: {  	s10 =	sld [smem:$0x3FB6]  }
0x39: {  	_ = 	snop;
	(pc) =	sbr.ind lr, $3  }
0x3a: {  	_ = 	snop  }
0x3b: {  	_ = 	snop  }
0x3c: {  	p2 =	seq.s32 s10, $0x1;
	s10 =	sld [smem:$0x3FB5]  }
0x3d: {  	_ =	shalt  }
0x3e: {  	_ =	shalt  }
0x3f: {  	_ =	shalt  }
0x40: {  	_ =	shalt  }
0x41: {  	_ =	shalt  }
0x42: {  	_ =	shalt  }
0x43: {  	_ =	shalt  }
0x44: {  	_ =	shalt  }
0x45: {  	_ =	shalt  }
0x46: {  	_ =	shalt  }
0x47: {  	_ =	shalt  }
0x48: {  	_ =	shalt  }
0x49: {  	_ =	shalt  }
0x4a: {  	_ =	shalt  }
0x4b: {  	_ =	shalt  }
0x4c: {  	_ =	shalt  }
0x4d: {  	_ =	shalt  }
0x4e: {  	_ =	shalt  }
0x4f: {  	_ =	shalt  }
0x50: {  	_ =	shalt  }
0x51: {  	_ =	shalt  }
0x52: {  	_ =	shalt  }
0x53: {  	_ =	shalt  }
0x54: {  	_ =	shalt  }
0x55: {  	_ =	shalt  }
0x56: {  	_ =	shalt  }
0x57: {  	_ =	shalt  }
0x58: {  	_ =	shalt  }
0x59: {  	_ =	shalt  }
0x5a: {  	_ =	shalt  }
0x5b: {  	_ =	shalt  }
0x5c: {  	_ =	shalt  }
0x5d: {  	_ =	shalt  }
0x5e: {  	_ =	shalt  }
0x5f: {  	_ =	shalt  }
0x60: {  	_ =	shalt  }
0x61: {  	_ =	shalt  }
0x62: {  	_ =	shalt  }
0x63: {  	_ =	shalt  }
0x64: {  	_ =	shalt  }
0x65: {  	_ =	shalt  }
0x66: {  	_ =	shalt  }
0x67: {  	_ =	shalt  }
0x68: {  	_ =	shalt  }
0x69: {  	_ =	shalt  }
0x6a: {  	_ =	shalt  }
0x6b: {  	_ =	shalt  }
0x6c: {  	_ =	shalt  }
0x6d: {  	_ =	shalt  }
0x6e: {  	_ =	shalt  }
0x6f: {  	_ =	shalt  }
0x70: {  	_ =	shalt  }
0x71: {  	_ =	shalt  }
0x72: {  	_ =	shalt  }
0x73: {  	_ =	shalt  }
0x74: {  	_ =	shalt  }
0x75: {  	_ =	shalt  }
0x76: {  	_ =	shalt  }
0x77: {  	_ =	shalt  }
0x78: {  	_ =	shalt  }
0x79: {  	_ =	shalt  }
0x7a: {  	_ =	shalt  }
0x7b: {  	_ =	shalt  }
0x7c: {  	_ =	shalt  }
0x7d: {  	_ =	shalt  }
0x7e: {  	_ =	shalt  }
0x7f: {  	_ =	shalt  }
0x80: {  	_ =	shalt  }
0x81: {  	_ =	shalt  }
0x82: {  	_ =	shalt  }
0x83: {  	_ =	shalt  }
0x84: {  	_ =	shalt  }
0x85: {  	_ =	shalt  }
0x86: {  	_ =	shalt  }
0x87: {  	_ =	shalt  }
.Lfunc_end0:
.L_simem_size_0:
called_computation.1_lowered:
.L_overlay_start_0:
0x88: {  	s2 =	sld [smem:$0x3FD9]  }
0x89: {  	s3 =	sld [smem:$0x3FFE];
	_ =	sdelay $0x1  }
0x8a: {  	s1 =	srdreg.scid  }
0x8b: {  	s0 =	sand.u32 $0x1, s1  }
0x8c: {  	s17 =	sshll.u32 s0, $0xA;
	s2 =	sadd.s32 s3, s2  }
0x8d: {  	s2 =	sadd.s32 s2, s17  }
0x8e: {  	[smem:$0x3FC1] =	sst s2  }
0x8f: {  	_ = 	snop  }
0x90: {  	(tm) =	ssettm $0x1  }
0x91: {  	s18 =	sld [smem:$0x3FFB];
	_ =	sdelay $0x3  }
0x92: {  	_ =	strace s18  }
0x93: {  	s2 =	sld [smem:$0x3FFC];
	_ =	sdelay $0x3  }
0x94: {  	_ =	strace s2  }
0x95: {  	s2 =	sld [smem:$0x3FFD];
	_ =	sdelay $0x3  }
0x96: {  	_ =	strace s2  }
0x97: {  	_ =	strace $0x8FFFFFFF  }
0x98: {  	s19 =	sld [smem:$0x3FDB];
	_ =	sdelay $0x1  }
0x99: {  	s20 =	simm.s32 $_scs_section_size  }
0x9a: {  	s4 =	simm.s32 $_size__tile_overlayer_lowered;
	s5 =	simm.s32 $_tile_overlayer_lowered  }
0x9b: {  	s6 =	simm.s32 $0x1BFF;
	s21 =	sshll.u32 s5, $0x1;
	s3 =	sadd.s32 s20, s19  }
0x9c: {  	s22 =	simm.s32 $0x0;
	s4 =	sshll.u32 s4, $0x1;
	s5 =	sadd.s32 s21, s3  }
0x9d: {  	[timem:s22], [sflag:s6] =	dma.local [hbm:s5], s4  }
0x9e: {  	_ =	swait.ge [sflag:s6], s4  }
0x9f: {  	s4 =	ssub.s32 $0x0, s4;
	[sflag:s6] =	ssyncset.done $0x0  }
0xa0: {  	[sflag:s6] =	ssyncadd.s32 s4;
	_ =	sdelay $0x1  }
0xa1: {  	s23 =	simm.s32 $0x1B8B  }
0xa2: {  	_ =	swait.ge [sflag:s23], $0x1  }
0xa3: {  	[sflag:s23] =	ssyncset.done $0x0  }
0xa4: {  	[sflag:s23] =	ssyncadd.s32 $0xFFFFFFFF  }
0xa5: {  	s4 =	sld [smem:$0x0]  }
0xa6: {  	s5 =	sand.u32 $0xFFFFFFFE, s1  }
0xa7: {  	p0 =	sne.s32 s1, s5  }
0xa8: {  	s5 =	sshll.u32 @p0 s5, $0xE  }
0xa9: {  	s5 =	sadd.s32 @p0 $0x11B8D, s5;
	s6 =	sshll.u32 @p0 s4, $0x11  }
0xaa: {  	s5 =	sor.u32 @p0 s6, s5  }
0xab: {  	[sflag:s5] =	ssyncadd.remote.s32 @p0 $0x1;
	_ =	sdelay $0x1  }
0xac: {  	s5 =	simm.s32 @p0 $0x1B8D  }
0xad: {  	_ =	swait.eq @p0 [sflag:s5], $0x1  }
0xae: {  	[sflag:s5] =	ssyncadd.s32 @p0 $0xFFFFFFFF  }
0xaf: {  	s6 =	sshll.u32 @!p0 s1, $0xE  }
0xb0: {  	s6 =	sor.u32 @!p0 $0x4000, s6;
	s5 =	simm.s32 @!p0 $0x1B8D  }
0xb1: {  	s4 =	sshll.u32 @!p0 s4, $0x11;
	s6 =	sadd.s32 @!p0 $0x11B8D, s6;
	_ =	swait.eq @!p0 [sflag:s5], $0x1  }
0xb2: {  	s4 =	sor.u32 @!p0 s4, s6;
	[sflag:s5] =	ssyncadd.s32 @!p0 $0xFFFFFFFF  }
0xb3: {  	s25 =	simm.s32 $0x1B8E;
	s24 =	sld [smem:$0x3FFE];
	[sflag:s4] =	ssyncadd.remote.s32 @!p0 $0x1  }
0xb4: {  	s26 =	simm.s32 $execute0_lowered;
	[smem:$0x3FD2] =	sst s25  }
0xb5: {  	s5 =	sshll.u32 s26, $0x1;
	_ =	strace $0x80000049;
	[dreg:$0x1] =	wrdreg $0xFFFFFFFF  }
0xb6: {  	s28 =	simm.s32 $_size_execute0_lowered;
	s3 =	sadd.s32 s3, s5;
	[dreg:$0x0] =	wrdreg $0x0  }
0xb7: {  	s5 =	sshll.u32 s28, $0x1;
	[dreg:$0x2] =	wrdreg s3  }
0xb8: {  	[dreg:$0x3] =	wrdreg s5  }
0xb9: {  	[dreg:$0x4] =	wrdreg $0xC0  }
0xba: {  	_ =	task [dreg:s22], $0x5FFFF  }
0xbb: {  	[dreg:$0x1] =	wrdreg $0xFFFFFFFF  }
0xbc: {  	[dreg:$0x0] =	wrdreg $0x60  }
0xbd: {  	[dreg:$0x2] =	wrdreg s24  }
0xbe: {  	[dreg:$0x3] =	wrdreg $0xA  }
0xbf: {  	_ =	task.clear_ibuf [dreg:s22], $0x4FFFF;
	_ =	strace $0x90000049  }
0xc0: {  	s29 =	simm.s32 $0xA;
	_ =	strace $0x8000004B  }
0xc1: {  	_ =	swait.ge [sflag:s29], $0x1  }
0xc2: {  	[sflag:s29] =	ssyncadd.s32 $0xFFFFFFFF  }
0xc3: {  	_ =	strace $0x9000004B  }
0xc4: {  	_ =	sfence  }
0xc5: {  	s30 =	sld [smem:$0x0];
	_ =	sdelay $0x2  }
0xc6: {  	s31 =	sshll.u32 s1, $0xD;
	s1 =	sshrl.u32 s1, $0x2  }
0xc7: {  	s4 =	sand.u32 $0x4000, s31;
	s1 =	sadd.s32 s1, s30  }
0xc8: {  	s0 =	sor.u32 s4, s0;
	s1 =	sshll.u32 s1, $0x11  }
0xc9: {  	s0 =	sor.u32 s1, s0  }
0xca: {  	s0 =	sadd.s32 $0x8F2B, s0  }
0xcb: {  	[sflag:s0] =	ssyncadd.remote.s32 $0x1  }
0xcc: {  	_ =	sfence.sel $0xFFFF  }
0xcd: {  	[dreg:$0x0] =	wrdreg $0xFFFFFFFF;
	(pc) =	sbr.abs _section_cstart, $3  }
0xce: {  	[dreg:$0x1] =	wrdreg $0xFFFFFFFF  }
0xcf: {  	_ =	task.clear_ibuf [dreg:s22], $0x2FFFF;
	_ =	strace $0x9FFFFFFF  }
0xd0: {  	(tm) =	ssettm $0x7FFFFFFF  }
0xd1: {  	_ =	shalt  }
tec
execute0_lowered:
.L_overlay_start_1:
0x0: {  	(tag) =	ssettag $0x1  }
0x1: {  	s3 =	rddreg [dreg:$0x0];
	s2 =	simm.s32 $0x0  }
0x2: {  	s16 =	simm.s32 $0x2080;
	[smem:$0x7FF] =	sst s2  }
0x3: {  	s17 =	simm.s32 $0x100;
	_ =	strace $0x8000004A;
	[dreg:$0x4] =	wrdreg s16  }
0x4: {  	s18 =	simm.s32 $0x2100;
	[dreg:$0x5] =	wrdreg s17  }
0x5: {  	s19 =	simm.s32 $0x180;
	[dreg:$0x6] =	wrdreg s18  }
0x6: {  	s20 =	simm.s32 $0x2180;
	[dreg:$0x7] =	wrdreg s19  }
0x7: {  	s21 =	simm.s32 $0x200;
	[dreg:$0x8] =	wrdreg s20  }
0x8: {  	s22 =	simm.s32 $0x2200;
	[dreg:$0x9] =	wrdreg s21  }
0x9: {  	s23 =	simm.s32 $0x280;
	[dreg:$0xa] =	wrdreg s22  }
0xa: {  	s24 =	simm.s32 $0x2280;
	[dreg:$0xb] =	wrdreg s23  }
0xb: {  	s25 =	simm.s32 $0x300;
	[dreg:$0xc] =	wrdreg s24  }
0xc: {  	s0 =	stileid.u32;
	s26 =	simm.s32 $0x2300;
	[dreg:$0xd] =	wrdreg s25  }
0xd: {  	s4 =	sshll.u32 s0, $0xB;
	s0 =	simm.s32 $0x380;
	[dreg:$0xe] =	wrdreg s26  }
0xe: {  	s6 =	simm.s32 $0x400;
	[dreg:$0xf] =	wrdreg s0  }
0xf: {  	s7 =	simm.s32 $0x2400;
	[dreg:$0x11] =	wrdreg s6  }
0x10: {  	s8 =	simm.s32 $0x480;
	[dreg:$0x12] =	wrdreg s7  }
0x11: {  	s9 =	simm.s32 $0x2480;
	[dreg:$0x13] =	wrdreg s8  }
0x12: {  	s10 =	simm.s32 $0x500;
	[dreg:$0x14] =	wrdreg s9  }
0x13: {  	s11 =	simm.s32 $0x2500;
	[dreg:$0x15] =	wrdreg s10  }
0x14: {  	s12 =	simm.s32 $0x580;
	[dreg:$0x16] =	wrdreg s11  }
0x15: {  	s13 =	simm.s32 $0x2580;
	[dreg:$0x17] =	wrdreg s12  }
0x16: {  	s14 =	simm.s32 $0x600;
	[dreg:$0x18] =	wrdreg s13  }
0x17: {  	[dreg:$0x19] =	wrdreg s14;
	s16 =	simm.s32 $0x680  }
0x18: {  	s17 =	simm.s32 $0x2680;
	[dreg:$0x1b] =	wrdreg s16  }
0x19: {  	s18 =	simm.s32 $0x700;
	[dreg:$0x1c] =	wrdreg s17  }
0x1a: {  	s19 =	simm.s32 $0x2700;
	[dreg:$0x1d] =	wrdreg s18  }
0x1b: {  	s20 =	simm.s32 $0x780;
	[dreg:$0x1e] =	wrdreg s19  }
0x1c: {  	s21 =	simm.s32 $0x2780;
	[dreg:$0x1f] =	wrdreg s20  }
0x1d: {  	s22 =	simm.s32 $0x800;
	[smem:$0x7B4] =	sst s21  }
0x1e: {  	s23 =	simm.s32 $0x2800;
	[smem:$0x7B5] =	sst s22  }
0x1f: {  	s24 =	simm.s32 $0x880;
	[smem:$0x7B6] =	sst s23  }
0x20: {  	s25 =	simm.s32 $0x2880;
	[smem:$0x7B7] =	sst s24  }
0x21: {  	s26 =	simm.s32 $0x900;
	[smem:$0x7B8] =	sst s25  }
0x22: {  	s0 =	simm.s32 $0x2900;
	[smem:$0x7B9] =	sst s26  }
0x23: {  	s6 =	simm.s32 $0x2980;
	[smem:$0x7BA] =	sst s0  }
0x24: {  	s7 =	simm.s32 $0xA00;
	[smem:$0x7BC] =	sst s6  }
0x25: {  	s8 =	simm.s32 $0x2A00;
	[smem:$0x7BD] =	sst s7  }
0x26: {  	s9 =	simm.s32 $0xA80;
	[smem:$0x7BE] =	sst s8  }
0x27: {  	s10 =	simm.s32 $0x2A80;
	[smem:$0x7BF] =	sst s9  }
0x28: {  	s11 =	simm.s32 $0xB00;
	[smem:$0x7C0] =	sst s10  }
0x29: {  	s1 =	srdreg.scid;
	s12 =	simm.s32 $0x2B00;
	[smem:$0x7C1] =	sst s11  }
0x2a: {  	s1 =	sand.u32 $0x1, s1;
	s13 =	simm.s32 $0xB80;
	[smem:$0x7C2] =	sst s12  }
0x2b: {  	s5 =	sshll.u32 s1, $0xA;
	s14 =	simm.s32 $0x2B80;
	[smem:$0x7C3] =	sst s13  }
0x2c: {  	s4 =	sor.u32 s5, s4;
	s5 =	simm.s32 $0x2380;
	[smem:$0x7C4] =	sst s14  }
0x2d: {  	s16 =	simm.s32 $0x2C00;
	[dreg:$0x10] =	wrdreg s5  }
0x2e: {  	s17 =	simm.s32 $0xC80;
	[smem:$0x7C6] =	sst s16  }
0x2f: {  	s18 =	simm.s32 $0x2C80;
	[smem:$0x7C7] =	sst s17  }
0x30: {  	s19 =	simm.s32 $0xD00;
	[smem:$0x7C8] =	sst s18  }
0x31: {  	s20 =	simm.s32 $0x2D00;
	[smem:$0x7C9] =	sst s19  }
0x32: {  	s21 =	simm.s32 $0xD80;
	[smem:$0x7CA] =	sst s20  }
0x33: {  	s22 =	simm.s32 $0x2D80;
	[smem:$0x7CB] =	sst s21  }
0x34: {  	s23 =	simm.s32 $0xE00;
	[smem:$0x7CC] =	sst s22  }
0x35: {  	s24 =	simm.s32 $0x2E00;
	[smem:$0x7CD] =	sst s23  }
0x36: {  	s25 =	simm.s32 $0xE80;
	[smem:$0x7CE] =	sst s24  }
0x37: {  	s26 =	simm.s32 $0x2E80;
	[smem:$0x7CF] =	sst s25  }
0x38: {  	s0 =	simm.s32 $0xF00;
	[smem:$0x7D0] =	sst s26  }
0x39: {  	s6 =	simm.s32 $0xF80;
	[smem:$0x7D1] =	sst s0  }
0x3a: {  	s7 =	simm.s32 $0x2F80;
	[smem:$0x7D3] =	sst s6  }
0x3b: {  	s8 =	simm.s32 $0x1000;
	[smem:$0x7D4] =	sst s7  }
0x3c: {  	s9 =	simm.s32 $0x3000;
	[smem:$0x7D5] =	sst s8  }
0x3d: {  	s10 =	simm.s32 $0x1080;
	[smem:$0x7D6] =	sst s9  }
0x3e: {  	s11 =	simm.s32 $0x3080;
	[smem:$0x7D7] =	sst s10  }
0x3f: {  	s12 =	simm.s32 $0x1100;
	[smem:$0x7D8] =	sst s11  }
0x40: {  	s13 =	simm.s32 $0x3100;
	[smem:$0x7D9] =	sst s12  }
0x41: {  	s14 =	simm.s32 $0x1180;
	[smem:$0x7DA] =	sst s13  }
0x42: {  	s5 =	simm.s32 $0x980;
	[smem:$0x7DB] =	sst s14  }
0x43: {  	s16 =	simm.s32 $0x1200;
	[smem:$0x7BB] =	sst s5  }
0x44: {  	s17 =	simm.s32 $0x3200;
	[smem:$0x7DD] =	sst s16  }
0x45: {  	s18 =	simm.s32 $0x1280;
	[smem:$0x7DE] =	sst s17  }
0x46: {  	s19 =	simm.s32 $0x3280;
	[smem:$0x7DF] =	sst s18  }
0x47: {  	s20 =	simm.s32 $0x1300;
	[smem:$0x7E0] =	sst s19  }
0x48: {  	s21 =	simm.s32 $0x3300;
	[smem:$0x7E1] =	sst s20  }
0x49: {  	s22 =	simm.s32 $0x1380;
	[smem:$0x7E2] =	sst s21  }
0x4a: {  	s23 =	simm.s32 $0x3380;
	[smem:$0x7E3] =	sst s22  }
0x4b: {  	s24 =	simm.s32 $0x1400;
	[smem:$0x7E4] =	sst s23  }
0x4c: {  	s25 =	simm.s32 $0x3400;
	[smem:$0x7E5] =	sst s24  }
0x4d: {  	s26 =	simm.s32 $0x1480;
	[smem:$0x7E6] =	sst s25  }
0x4e: {  	s0 =	simm.s32 $0x3480;
	[smem:$0x7E7] =	sst s26  }
0x4f: {  	s6 =	simm.s32 $0x3500;
	[smem:$0x7E8] =	sst s0  }
0x50: {  	s7 =	simm.s32 $0x1580;
	[smem:$0x7EA] =	sst s6  }
0x51: {  	s8 =	simm.s32 $0x3580;
	[smem:$0x7EB] =	sst s7  }
0x52: {  	s9 =	simm.s32 $0x1600;
	[smem:$0x7EC] =	sst s8  }
0x53: {  	s10 =	simm.s32 $0x3600;
	[smem:$0x7ED] =	sst s9  }
0x54: {  	s28 =	simm.s32 $0x1F00;
	s11 =	simm.s32 $0x1680;
	[smem:$0x7EE] =	sst s10  }
0x55: {  	s29 =	simm.s32 $0x3F00;
	s12 =	simm.s32 $0x3680;
	[smem:$0x7EF] =	sst s11  }
0x56: {  	s30 =	simm.s32 $0x1F80;
	s13 =	simm.s32 $0x1700;
	[smem:$0x7F0] =	sst s12  }
0x57: {  	s4 =	sadd.s32 s4, s3;
	s14 =	simm.s32 $0x3700;
	[smem:$0x7F1] =	sst s13  }
0x58: {  	s31 =	simm.s32 $0x3F80;
	s15 =	sadd.s32 $0x91800, s4;
	[smem:$0x7F2] =	sst s14  }
0x59: {  	s1 =	ssub.s32 $0x2, s1;
	s4 =	sadd.s32 $0x99800, s4;
	[dreg:$0x2] =	wrdreg s15  }
0x5a: {  	s3 =	sadd.s32 $0x1800, s3;
	s5 =	simm.s32 $0x2F00;
	[dreg:$0x3] =	wrdreg s4  }
0x5b: {  	s16 =	simm.s32 $0x3780;
	s17 =	simm.s32 $0x1800;
	[smem:$0x7D2] =	sst s5  }
0x5c: {  	s18 =	simm.s32 $0x3800;
	s19 =	simm.s32 $0x1880;
	[smem:$0x7F4] =	sst s16  }
0x5d: {  	s20 =	simm.s32 $0x3880;
	s21 =	simm.s32 $0x1900;
	[smem:$0x7F5] =	sst s17  }
0x5e: {  	s22 =	sshrl.u32 s1, $0x1;
	s23 =	simm.s32 $0x3900;
	[smem:$0x7F6] =	sst s18  }
0x5f: {  	s24 =	simm.s32 $0x1980;
	s25 =	simm.s32 $0x3980;
	[smem:$0x7F7] =	sst s19  }
0x60: {  	s26 =	simm.s32 $0x1A00;
	s6 =	simm.s32 $0x80;
	[smem:$0x7F8] =	sst s20  }
0x61: {  	s7 =	simm.s32 $0x2000;
	s11 =	simm.s32 $0x1B00;
	[smem:$0x7F9] =	sst s21  }
0x62: {  	s12 =	simm.s32 $0x3B00;
	s13 =	simm.s32 $0x1B80;
	[smem:$0x7FA] =	sst s23  }
0x63: {  	s14 =	simm.s32 $0x3B80;
	s15 =	simm.s32 $0x2600;
	[smem:$0x7FB] =	sst s24  }
0x64: {  	s5 =	simm.s32 $0x1500;
	s1 =	ssub.s32 s1, s22;
	[smem:$0x7FC] =	sst s25  }
0x65: {  	[smem:$0x7FD] =	sst s26;
	s16 =	simm.s32 $0x3C00;
	s17 =	simm.s32 $0x1C80  }
0x66: {  	s18 =	simm.s32 $0x3C80;
	s19 =	simm.s32 $0x1D00;
	s20 =	simm.s32 $0x3D00  }
0x67: {  	s21 =	simm.s32 $0x1D80;
	s22 =	simm.s32 $0x3D80;
	s23 =	simm.s32 $0x1E00  }
0x68: {  	s24 =	simm.s32 $0x3E00;
	s25 =	simm.s32 $0x1E80;
	[dreg:$0x1a] =	wrdreg s15  }
0x69: {  	s26 =	simm.s32 $0x3E80;
	s15 =	simm.s32 $0xC00;
	[smem:$0x7E9] =	sst s5  }
0x6a: {  	s4 =	smax.u32 s1, $0x1;
	[smem:$0x7C5] =	sst s15;
	s15 =	simm.s32 $0x3180  }
0x6b: {  	s5 =	simm.s32 $0x2;
	[smem:$0x7DC] =	sst s15;
	s15 =	simm.s32 $0x1780  }
0x6c: {  	s1 =	simm.s32 $0x1;
	[smem:$0x7F3] =	sst s15;
	s15 =	simm.s32 $0x1C00  }
.LBB2_1:
0x6d: {  	s0 =	rddreg [dreg:$0x2]  }
0x6e: {  	[tilespmem:s2], [sflag:$0x2] =	stream.linear.gather [hbm4b:s0+s2], $0x2000, $0x38;
	[tilespmem:$0x4000] =	vst v63  }
0x6f: {  	_ =	swait.ge [sflag:s5], $0x2000  }
0x70: {  	s10 =	rddreg [dreg:$0x4]  }
0x71: {  	[sflag:s5] =	ssyncset.done $0x0;
	s0 =	rddreg [dreg:$0x5]  }
0x72: {  	s8 =	rddreg [dreg:$0x6];
	[sflag:s5] =	ssyncadd.s32 $0xFFFFE000  }
0x73: {  	[tilespmem:s7], [sflag:$0x1] =	stream.indirect.gather [hbm4b:s3+s6], $0x1, s2, s6, $0xb8;
	[tilespmem:$0x4000] =	vst v63  }
0x74: {  	s9 =	rddreg [dreg:$0x7]  }
0x75: {  	[tilespmem:s10], [sflag:$0x1] =	stream.indirect.gather [hbm4b:s3+s6], $0x1, s6, s6, $0xb8;
	[tilespmem:$0x4000] =	vst v63  }
0x76: {  	s10 =	rddreg [dreg:$0x8]  }
0x77: {  	[tilespmem:s8], [sflag:$0x1] =	stream.indirect.gather [hbm4b:s3+s6], $0x1, s0, s6, $0xb8;
	[tilespmem:$0x4000] =	vst v63  }
0x78: {  	s0 =	rddreg [dreg:$0x9]  }
0x79: {  	s8 =	rddreg [dreg:$0xa]  }
0x7a: {  	[tilespmem:s10], [sflag:$0x1] =	stream.indirect.gather [hbm4b:s3+s6], $0x1, s9, s6, $0xb8;
	[tilespmem:$0x4000] =	vst v63  }
0x7b: {  	s9 =	rddreg [dreg:$0xb]  }
0x7c: {  	s10 =	rddreg [dreg:$0xc]  }
0x7d: {  	[tilespmem:s8], [sflag:$0x1] =	stream.indirect.gather [hbm4b:s3+s6], $0x1, s0, s6, $0xb8;
	[tilespmem:$0x4000] =	vst v63  }
0x7e: {  	s0 =	rddreg [dreg:$0xd]  }
0x7f: {  	s8 =	rddreg [dreg:$0xe]  }
0x80: {  	[tilespmem:s10], [sflag:$0x1] =	stream.indirect.gather [hbm4b:s3+s6], $0x1, s9, s6, $0xb8;
	[tilespmem:$0x4000] =	vst v63  }
0x81: {  	s9 =	rddreg [dreg:$0xf]  }
0x82: {  	s10 =	rddreg [dreg:$0x10]  }
0x83: {  	[tilespmem:s8], [sflag:$0x1] =	stream.indirect.gather [hbm4b:s3+s6], $0x1, s0, s6, $0xb8;
	[tilespmem:$0x4000] =	vst v63  }
0x84: {  	s0 =	rddreg [dreg:$0x11]  }
0x85: {  	s8 =	rddreg [dreg:$0x12]  }
0x86: {  	[tilespmem:s10], [sflag:$0x1] =	stream.indirect.gather [hbm4b:s3+s6], $0x1, s9, s6, $0xb8;
	[tilespmem:$0x4000] =	vst v63  }
0x87: {  	s9 =	rddreg [dreg:$0x13]  }
0x88: {  	s10 =	rddreg [dreg:$0x14]  }
0x89: {  	[tilespmem:s8], [sflag:$0x1] =	stream.indirect.gather [hbm4b:s3+s6], $0x1, s0, s6, $0xb8;
	[tilespmem:$0x4000] =	vst v63  }
0x8a: {  	s0 =	rddreg [dreg:$0x15]  }
0x8b: {  	s8 =	rddreg [dreg:$0x16]  }
0x8c: {  	[tilespmem:s10], [sflag:$0x1] =	stream.indirect.gather [hbm4b:s3+s6], $0x1, s9, s6, $0xb8;
	[tilespmem:$0x4000] =	vst v63  }
0x8d: {  	s9 =	rddreg [dreg:$0x17]  }
0x8e: {  	s10 =	rddreg [dreg:$0x18]  }
0x8f: {  	[tilespmem:s8], [sflag:$0x1] =	stream.indirect.gather [hbm4b:s3+s6], $0x1, s0, s6, $0xb8;
	[tilespmem:$0x4000] =	vst v63  }
0x90: {  	s0 =	rddreg [dreg:$0x19]  }
0x91: {  	s8 =	rddreg [dreg:$0x1a]  }
0x92: {  	[tilespmem:s10], [sflag:$0x1] =	stream.indirect.gather [hbm4b:s3+s6], $0x1, s9, s6, $0xb8;
	[tilespmem:$0x4000] =	vst v63  }
0x93: {  	s9 =	rddreg [dreg:$0x1b]  }
0x94: {  	s10 =	rddreg [dreg:$0x1c]  }
0x95: {  	[tilespmem:s8], [sflag:$0x1] =	stream.indirect.gather [hbm4b:s3+s6], $0x1, s0, s6, $0xb8;
	[tilespmem:$0x4000] =	vst v63  }
0x96: {  	s0 =	rddreg [dreg:$0x1d]  }
0x97: {  	s8 =	rddreg [dreg:$0x1e]  }
0x98: {  	[tilespmem:s10], [sflag:$0x1] =	stream.indirect.gather [hbm4b:s3+s6], $0x1, s9, s6, $0xb8;
	[tilespmem:$0x4000] =	vst v63  }
0x99: {  	s9 =	rddreg [dreg:$0x1f]  }
0x9a: {  	s10 =	sld [smem:$0x7B4]  }
0x9b: {  	[tilespmem:s8], [sflag:$0x1] =	stream.indirect.gather [hbm4b:s3+s6], $0x1, s0, s6, $0xb8;
	[tilespmem:$0x4000] =	vst v63  }
0x9c: {  	s0 =	sld [smem:$0x7B5]  }
0x9d: {  	s8 =	sld [smem:$0x7B6]  }
0x9e: {  	[tilespmem:s10], [sflag:$0x1] =	stream.indirect.gather [hbm4b:s3+s6], $0x1, s9, s6, $0xb8;
	[tilespmem:$0x4000] =	vst v63  }
0x9f: {  	s9 =	sld [smem:$0x7B7]  }
0xa0: {  	s10 =	sld [smem:$0x7B8]  }
0xa1: {  	[tilespmem:s8], [sflag:$0x1] =	stream.indirect.gather [hbm4b:s3+s6], $0x1, s0, s6, $0xb8;
	[tilespmem:$0x4000] =	vst v63  }
0xa2: {  	s0 =	sld [smem:$0x7B9]  }
0xa3: {  	s8 =	sld [smem:$0x7BA]  }
0xa4: {  	[tilespmem:s10], [sflag:$0x1] =	stream.indirect.gather [hbm4b:s3+s6], $0x1, s9, s6, $0xb8;
	[tilespmem:$0x4000] =	vst v63  }
0xa5: {  	s9 =	sld [smem:$0x7BB]  }
0xa6: {  	s10 =	sld [smem:$0x7BC]  }
0xa7: {  	[tilespmem:s8], [sflag:$0x1] =	stream.indirect.gather [hbm4b:s3+s6], $0x1, s0, s6, $0xb8;
	[tilespmem:$0x4000] =	vst v63  }
0xa8: {  	s0 =	sld [smem:$0x7BD]  }
0xa9: {  	s8 =	sld [smem:$0x7BE]  }
0xaa: {  	[tilespmem:s10], [sflag:$0x1] =	stream.indirect.gather [hbm4b:s3+s6], $0x1, s9, s6, $0xb8;
	[tilespmem:$0x4000] =	vst v63  }
0xab: {  	s9 =	sld [smem:$0x7BF]  }
0xac: {  	s10 =	sld [smem:$0x7C0]  }
0xad: {  	[tilespmem:s8], [sflag:$0x1] =	stream.indirect.gather [hbm4b:s3+s6], $0x1, s0, s6, $0xb8;
	[tilespmem:$0x4000] =	vst v63  }
0xae: {  	s0 =	sld [smem:$0x7C1]  }
0xaf: {  	s8 =	sld [smem:$0x7C2]  }
0xb0: {  	[tilespmem:s10], [sflag:$0x1] =	stream.indirect.gather [hbm4b:s3+s6], $0x1, s9, s6, $0xb8;
	[tilespmem:$0x4000] =	vst v63  }
0xb1: {  	s9 =	sld [smem:$0x7C3]  }
0xb2: {  	s10 =	sld [smem:$0x7C4]  }
0xb3: {  	[tilespmem:s8], [sflag:$0x1] =	stream.indirect.gather [hbm4b:s3+s6], $0x1, s0, s6, $0xb8;
	[tilespmem:$0x4000] =	vst v63  }
0xb4: {  	s0 =	sld [smem:$0x7C5]  }
0xb5: {  	s8 =	sld [smem:$0x7C6]  }
0xb6: {  	[tilespmem:s10], [sflag:$0x1] =	stream.indirect.gather [hbm4b:s3+s6], $0x1, s9, s6, $0xb8;
	[tilespmem:$0x4000] =	vst v63  }
0xb7: {  	s9 =	sld [smem:$0x7C7]  }
0xb8: {  	s10 =	sld [smem:$0x7C8]  }
0xb9: {  	[tilespmem:s8], [sflag:$0x1] =	stream.indirect.gather [hbm4b:s3+s6], $0x1, s0, s6, $0xb8;
	[tilespmem:$0x4000] =	vst v63  }
0xba: {  	s0 =	sld [smem:$0x7C9]  }
0xbb: {  	s8 =	sld [smem:$0x7CA]  }
0xbc: {  	[tilespmem:s10], [sflag:$0x1] =	stream.indirect.gather [hbm4b:s3+s6], $0x1, s9, s6, $0xb8;
	[tilespmem:$0x4000] =	vst v63  }
0xbd: {  	s9 =	sld [smem:$0x7CB]  }
0xbe: {  	s10 =	sld [smem:$0x7CC]  }
0xbf: {  	[tilespmem:s8], [sflag:$0x1] =	stream.indirect.gather [hbm4b:s3+s6], $0x1, s0, s6, $0xb8;
	[tilespmem:$0x4000] =	vst v63  }
0xc0: {  	s0 =	sld [smem:$0x7CD]  }
0xc1: {  	s8 =	sld [smem:$0x7CE]  }
0xc2: {  	[tilespmem:s10], [sflag:$0x1] =	stream.indirect.gather [hbm4b:s3+s6], $0x1, s9, s6, $0xb8;
	[tilespmem:$0x4000] =	vst v63  }
0xc3: {  	s9 =	sld [smem:$0x7CF]  }
0xc4: {  	s10 =	sld [smem:$0x7D0]  }
0xc5: {  	[tilespmem:s8], [sflag:$0x1] =	stream.indirect.gather [hbm4b:s3+s6], $0x1, s0, s6, $0xb8;
	[tilespmem:$0x4000] =	vst v63  }
0xc6: {  	s0 =	sld [smem:$0x7D1]  }
0xc7: {  	s8 =	sld [smem:$0x7D2]  }
0xc8: {  	[tilespmem:s10], [sflag:$0x1] =	stream.indirect.gather [hbm4b:s3+s6], $0x1, s9, s6, $0xb8;
	[tilespmem:$0x4000] =	vst v63  }
0xc9: {  	s9 =	sld [smem:$0x7D3]  }
0xca: {  	s10 =	sld [smem:$0x7D4]  }
0xcb: {  	[tilespmem:s8], [sflag:$0x1] =	stream.indirect.gather [hbm4b:s3+s6], $0x1, s0, s6, $0xb8;
	[tilespmem:$0x4000] =	vst v63  }
0xcc: {  	s0 =	sld [smem:$0x7D5]  }
0xcd: {  	s8 =	sld [smem:$0x7D6]  }
0xce: {  	[tilespmem:s10], [sflag:$0x1] =	stream.indirect.gather [hbm4b:s3+s6], $0x1, s9, s6, $0xb8;
	[tilespmem:$0x4000] =	vst v63  }
0xcf: {  	s9 =	sld [smem:$0x7D7]  }
0xd0: {  	s10 =	sld [smem:$0x7D8]  }
0xd1: {  	[tilespmem:s8], [sflag:$0x1] =	stream.indirect.gather [hbm4b:s3+s6], $0x1, s0, s6, $0xb8;
	[tilespmem:$0x4000] =	vst v63  }
0xd2: {  	s0 =	sld [smem:$0x7D9]  }
0xd3: {  	s8 =	sld [smem:$0x7DA]  }
0xd4: {  	[tilespmem:s10], [sflag:$0x1] =	stream.indirect.gather [hbm4b:s3+s6], $0x1, s9, s6, $0xb8;
	[tilespmem:$0x4000] =	vst v63  }
0xd5: {  	s9 =	sld [smem:$0x7DB]  }
0xd6: {  	s10 =	sld [smem:$0x7DC]  }
0xd7: {  	[tilespmem:s8], [sflag:$0x1] =	stream.indirect.gather [hbm4b:s3+s6], $0x1, s0, s6, $0xb8;
	[tilespmem:$0x4000] =	vst v63  }
0xd8: {  	s0 =	sld [smem:$0x7DD]  }
0xd9: {  	s8 =	sld [smem:$0x7DE]  }
0xda: {  	[tilespmem:s10], [sflag:$0x1] =	stream.indirect.gather [hbm4b:s3+s6], $0x1, s9, s6, $0xb8;
	[tilespmem:$0x4000] =	vst v63  }
0xdb: {  	s9 =	sld [smem:$0x7DF]  }
0xdc: {  	s10 =	sld [smem:$0x7E0]  }
0xdd: {  	[tilespmem:s8], [sflag:$0x1] =	stream.indirect.gather [hbm4b:s3+s6], $0x1, s0, s6, $0xb8;
	[tilespmem:$0x4000] =	vst v63  }
0xde: {  	s0 =	sld [smem:$0x7E1]  }
0xdf: {  	s8 =	sld [smem:$0x7E2]  }
0xe0: {  	[tilespmem:s10], [sflag:$0x1] =	stream.indirect.gather [hbm4b:s3+s6], $0x1, s9, s6, $0xb8;
	[tilespmem:$0x4000] =	vst v63  }
0xe1: {  	s9 =	sld [smem:$0x7E3]  }
0xe2: {  	s10 =	sld [smem:$0x7E4]  }
0xe3: {  	[tilespmem:s8], [sflag:$0x1] =	stream.indirect.gather [hbm4b:s3+s6], $0x1, s0, s6, $0xb8;
	[tilespmem:$0x4000] =	vst v63  }
0xe4: {  	s0 =	sld [smem:$0x7E5]  }
0xe5: {  	s8 =	sld [smem:$0x7E6]  }
0xe6: {  	[tilespmem:s10], [sflag:$0x1] =	stream.indirect.gather [hbm4b:s3+s6], $0x1, s9, s6, $0xb8;
	[tilespmem:$0x4000] =	vst v63  }
0xe7: {  	s9 =	sld [smem:$0x7E7]  }
0xe8: {  	s10 =	sld [smem:$0x7E8]  }
0xe9: {  	[tilespmem:s8], [sflag:$0x1] =	stream.indirect.gather [hbm4b:s3+s6], $0x1, s0, s6, $0xb8;
	[tilespmem:$0x4000] =	vst v63  }
0xea: {  	s0 =	sld [smem:$0x7E9]  }
0xeb: {  	s8 =	sld [smem:$0x7EA]  }
0xec: {  	[tilespmem:s10], [sflag:$0x1] =	stream.indirect.gather [hbm4b:s3+s6], $0x1, s9, s6, $0xb8;
	[tilespmem:$0x4000] =	vst v63  }
0xed: {  	s9 =	sld [smem:$0x7EB]  }
0xee: {  	s10 =	sld [smem:$0x7EC]  }
0xef: {  	[tilespmem:s8], [sflag:$0x1] =	stream.indirect.gather [hbm4b:s3+s6], $0x1, s0, s6, $0xb8;
	[tilespmem:$0x4000] =	vst v63  }
0xf0: {  	s0 =	sld [smem:$0x7ED]  }
0xf1: {  	s8 =	sld [smem:$0x7EE]  }
0xf2: {  	[tilespmem:s10], [sflag:$0x1] =	stream.indirect.gather [hbm4b:s3+s6], $0x1, s9, s6, $0xb8;
	[tilespmem:$0x4000] =	vst v63  }
0xf3: {  	s9 =	sld [smem:$0x7EF]  }
0xf4: {  	s10 =	sld [smem:$0x7F0]  }
0xf5: {  	[tilespmem:s8], [sflag:$0x1] =	stream.indirect.gather [hbm4b:s3+s6], $0x1, s0, s6, $0xb8;
	[tilespmem:$0x4000] =	vst v63  }
0xf6: {  	s0 =	sld [smem:$0x7F1]  }
0xf7: {  	s8 =	sld [smem:$0x7F2]  }
0xf8: {  	[tilespmem:s10], [sflag:$0x1] =	stream.indirect.gather [hbm4b:s3+s6], $0x1, s9, s6, $0xb8;
	[tilespmem:$0x4000] =	vst v63  }
0xf9: {  	s9 =	sld [smem:$0x7F3]  }
0xfa: {  	s10 =	sld [smem:$0x7F4]  }
0xfb: {  	[tilespmem:s8], [sflag:$0x1] =	stream.indirect.gather [hbm4b:s3+s6], $0x1, s0, s6, $0xb8;
	[tilespmem:$0x4000] =	vst v63  }
0xfc: {  	s0 =	sld [smem:$0x7F5]  }
0xfd: {  	s8 =	sld [smem:$0x7F6]  }
0xfe: {  	[tilespmem:s10], [sflag:$0x1] =	stream.indirect.gather [hbm4b:s3+s6], $0x1, s9, s6, $0xb8;
	[tilespmem:$0x4000] =	vst v63  }
0xff: {  	s9 =	sld [smem:$0x7F7]  }
0x100: {  	s10 =	sld [smem:$0x7F8]  }
0x101: {  	[tilespmem:s8], [sflag:$0x1] =	stream.indirect.gather [hbm4b:s3+s6], $0x1, s0, s6, $0xb8;
	[tilespmem:$0x4000] =	vst v63  }
0x102: {  	s0 =	sld [smem:$0x7F9]  }
0x103: {  	s8 =	sld [smem:$0x7FA]  }
0x104: {  	[tilespmem:s10], [sflag:$0x1] =	stream.indirect.gather [hbm4b:s3+s6], $0x1, s9, s6, $0xb8;
	[tilespmem:$0x4000] =	vst v63  }
0x105: {  	s9 =	sld [smem:$0x7FB]  }
0x106: {  	s10 =	sld [smem:$0x7FC]  }
0x107: {  	[tilespmem:s8], [sflag:$0x1] =	stream.indirect.gather [hbm4b:s3+s6], $0x1, s0, s6, $0xb8;
	[tilespmem:$0x4000] =	vst v63  }
0x108: {  	s8 =	sld [smem:$0x7FD]  }
0x109: {  	[tilespmem:s10], [sflag:$0x1] =	stream.indirect.gather [hbm4b:s3+s6], $0x1, s9, s6, $0xb8;
	[tilespmem:$0x4000] =	vst v63  }
0x10a: {  	s10 =	simm.s32 $0x3A00  }
0x10b: {  	[tilespmem:s10], [sflag:$0x1] =	stream.indirect.gather [hbm4b:s3+s6], $0x1, s8, s6, $0xb8;
	[tilespmem:$0x4000] =	vst v63  }
0x10c: {  	s9 =	simm.s32 $0x3A80;
	s8 =	simm.s32 $0x1A80  }
0x10d: {  	[tilespmem:s9], [sflag:$0x1] =	stream.indirect.gather [hbm4b:s3+s6], $0x1, s8, s6, $0xb8;
	[tilespmem:$0x4000] =	vst v63  }
0x10e: {  	_ = 	snop  }
0x10f: {  	[tilespmem:s12], [sflag:$0x1] =	stream.indirect.gather [hbm4b:s3+s6], $0x1, s11, s6, $0xb8;
	[tilespmem:$0x4000] =	vst v63  }
0x110: {  	_ = 	snop  }
0x111: {  	[tilespmem:s14], [sflag:$0x1] =	stream.indirect.gather [hbm4b:s3+s6], $0x1, s13, s6, $0xb8;
	[tilespmem:$0x4000] =	vst v63  }
0x112: {  	_ = 	snop  }
0x113: {  	[tilespmem:s16], [sflag:$0x1] =	stream.indirect.gather [hbm4b:s3+s6], $0x1, s15, s6, $0xb8;
	[tilespmem:$0x4000] =	vst v63  }
0x114: {  	_ = 	snop  }
0x115: {  	[tilespmem:s18], [sflag:$0x1] =	stream.indirect.gather [hbm4b:s3+s6], $0x1, s17, s6, $0xb8;
	[tilespmem:$0x4000] =	vst v63  }
0x116: {  	_ = 	snop  }
0x117: {  	[tilespmem:s20], [sflag:$0x1] =	stream.indirect.gather [hbm4b:s3+s6], $0x1, s19, s6, $0xb8;
	[tilespmem:$0x4000] =	vst v63  }
0x118: {  	_ = 	snop  }
0x119: {  	[tilespmem:s22], [sflag:$0x1] =	stream.indirect.gather [hbm4b:s3+s6], $0x1, s21, s6, $0xb8;
	[tilespmem:$0x4000] =	vst v63  }
0x11a: {  	_ = 	snop  }
0x11b: {  	[tilespmem:s24], [sflag:$0x1] =	stream.indirect.gather [hbm4b:s3+s6], $0x1, s23, s6, $0xb8;
	[tilespmem:$0x4000] =	vst v63  }
0x11c: {  	_ = 	snop  }
0x11d: {  	[tilespmem:s26], [sflag:$0x1] =	stream.indirect.gather [hbm4b:s3+s6], $0x1, s25, s6, $0xb8;
	[tilespmem:$0x4000] =	vst v63  }
0x11e: {  	_ = 	snop  }
0x11f: {  	[tilespmem:s29], [sflag:$0x1] =	stream.indirect.gather [hbm4b:s3+s6], $0x1, s28, s6, $0xb8;
	[tilespmem:$0x4000] =	vst v63  }
0x120: {  	_ = 	snop  }
0x121: {  	[tilespmem:s31], [sflag:$0x1] =	stream.indirect.gather [hbm4b:s3+s6], $0x1, s30, s6, $0xb8;
	[tilespmem:$0x4000] =	vst v63  }
0x122: {  	_ =	swait.ge [sflag:s1], $0x80  }
0x123: {  	[sflag:s1] =	ssyncset.done $0x0  }
0x124: {  	[sflag:s1] =	ssyncadd.s32 $0xFFFFFF80  }
0x125: {  	_ =	swait.ge [sflag:s1], $0x80  }
0x126: {  	[sflag:s1] =	ssyncset.done $0x0  }
0x127: {  	[sflag:s1] =	ssyncadd.s32 $0xFFFFFF80  }
0x128: {  	_ =	swait.ge [sflag:s1], $0x80  }
0x129: {  	[sflag:s1] =	ssyncset.done $0x0  }
0x12a: {  	[sflag:s1] =	ssyncadd.s32 $0xFFFFFF80  }
0x12b: {  	_ =	swait.ge [sflag:s1], $0x80  }
0x12c: {  	[sflag:s1] =	ssyncset.done $0x0  }
0x12d: {  	[sflag:s1] =	ssyncadd.s32 $0xFFFFFF80  }
0x12e: {  	_ =	swait.ge [sflag:s1], $0x80  }
0x12f: {  	[sflag:s1] =	ssyncset.done $0x0  }
0x130: {  	[sflag:s1] =	ssyncadd.s32 $0xFFFFFF80  }
0x131: {  	_ =	swait.ge [sflag:s1], $0x80  }
0x132: {  	[sflag:s1] =	ssyncset.done $0x0  }
0x133: {  	[sflag:s1] =	ssyncadd.s32 $0xFFFFFF80  }
0x134: {  	_ =	swait.ge [sflag:s1], $0x80  }
0x135: {  	[sflag:s1] =	ssyncset.done $0x0  }
0x136: {  	[sflag:s1] =	ssyncadd.s32 $0xFFFFFF80  }
0x137: {  	_ =	swait.ge [sflag:s1], $0x80  }
0x138: {  	[sflag:s1] =	ssyncset.done $0x0  }
0x139: {  	[sflag:s1] =	ssyncadd.s32 $0xFFFFFF80  }
0x13a: {  	_ =	swait.ge [sflag:s1], $0x80  }
0x13b: {  	[sflag:s1] =	ssyncset.done $0x0  }
0x13c: {  	[sflag:s1] =	ssyncadd.s32 $0xFFFFFF80  }
0x13d: {  	_ =	swait.ge [sflag:s1], $0x80  }
0x13e: {  	[sflag:s1] =	ssyncset.done $0x0  }
0x13f: {  	[sflag:s1] =	ssyncadd.s32 $0xFFFFFF80  }
0x140: {  	_ =	swait.ge [sflag:s1], $0x80  }
0x141: {  	[sflag:s1] =	ssyncset.done $0x0  }
0x142: {  	[sflag:s1] =	ssyncadd.s32 $0xFFFFFF80  }
0x143: {  	_ =	swait.ge [sflag:s1], $0x80  }
0x144: {  	[sflag:s1] =	ssyncset.done $0x0  }
0x145: {  	[sflag:s1] =	ssyncadd.s32 $0xFFFFFF80  }
0x146: {  	_ =	swait.ge [sflag:s1], $0x80  }
0x147: {  	[sflag:s1] =	ssyncset.done $0x0  }
0x148: {  	[sflag:s1] =	ssyncadd.s32 $0xFFFFFF80  }
0x149: {  	_ =	swait.ge [sflag:s1], $0x80  }
0x14a: {  	[sflag:s1] =	ssyncset.done $0x0  }
0x14b: {  	[sflag:s1] =	ssyncadd.s32 $0xFFFFFF80  }
0x14c: {  	_ =	swait.ge [sflag:s1], $0x80  }
0x14d: {  	[sflag:s1] =	ssyncset.done $0x0  }
0x14e: {  	[sflag:s1] =	ssyncadd.s32 $0xFFFFFF80  }
0x14f: {  	_ =	swait.ge [sflag:s1], $0x80  }
0x150: {  	[sflag:s1] =	ssyncset.done $0x0  }
0x151: {  	[sflag:s1] =	ssyncadd.s32 $0xFFFFFF80  }
0x152: {  	_ =	swait.ge [sflag:s1], $0x80  }
0x153: {  	[sflag:s1] =	ssyncset.done $0x0  }
0x154: {  	[sflag:s1] =	ssyncadd.s32 $0xFFFFFF80  }
0x155: {  	_ =	swait.ge [sflag:s1], $0x80  }
0x156: {  	[sflag:s1] =	ssyncset.done $0x0  }
0x157: {  	[sflag:s1] =	ssyncadd.s32 $0xFFFFFF80  }
0x158: {  	_ =	swait.ge [sflag:s1], $0x80  }
0x159: {  	[sflag:s1] =	ssyncset.done $0x0  }
0x15a: {  	[sflag:s1] =	ssyncadd.s32 $0xFFFFFF80  }
0x15b: {  	_ =	swait.ge [sflag:s1], $0x80  }
0x15c: {  	[sflag:s1] =	ssyncset.done $0x0  }
0x15d: {  	[sflag:s1] =	ssyncadd.s32 $0xFFFFFF80  }
0x15e: {  	_ =	swait.ge [sflag:s1], $0x80  }
0x15f: {  	[sflag:s1] =	ssyncset.done $0x0  }
0x160: {  	[sflag:s1] =	ssyncadd.s32 $0xFFFFFF80  }
0x161: {  	_ =	swait.ge [sflag:s1], $0x80  }
0x162: {  	[sflag:s1] =	ssyncset.done $0x0  }
0x163: {  	[sflag:s1] =	ssyncadd.s32 $0xFFFFFF80  }
0x164: {  	_ =	swait.ge [sflag:s1], $0x80  }
0x165: {  	[sflag:s1] =	ssyncset.done $0x0  }
0x166: {  	[sflag:s1] =	ssyncadd.s32 $0xFFFFFF80  }
0x167: {  	_ =	swait.ge [sflag:s1], $0x80  }
0x168: {  	[sflag:s1] =	ssyncset.done $0x0  }
0x169: {  	[sflag:s1] =	ssyncadd.s32 $0xFFFFFF80  }
0x16a: {  	_ =	swait.ge [sflag:s1], $0x80  }
0x16b: {  	[sflag:s1] =	ssyncset.done $0x0  }
0x16c: {  	[sflag:s1] =	ssyncadd.s32 $0xFFFFFF80  }
0x16d: {  	_ =	swait.ge [sflag:s1], $0x80  }
0x16e: {  	[sflag:s1] =	ssyncset.done $0x0  }
0x16f: {  	[sflag:s1] =	ssyncadd.s32 $0xFFFFFF80  }
0x170: {  	_ =	swait.ge [sflag:s1], $0x80  }
0x171: {  	[sflag:s1] =	ssyncset.done $0x0  }
0x172: {  	[sflag:s1] =	ssyncadd.s32 $0xFFFFFF80  }
0x173: {  	_ =	swait.ge [sflag:s1], $0x80  }
0x174: {  	[sflag:s1] =	ssyncset.done $0x0  }
0x175: {  	[sflag:s1] =	ssyncadd.s32 $0xFFFFFF80  }
0x176: {  	_ =	swait.ge [sflag:s1], $0x80  }
0x177: {  	[sflag:s1] =	ssyncset.done $0x0  }
0x178: {  	[sflag:s1] =	ssyncadd.s32 $0xFFFFFF80  }
0x179: {  	_ =	swait.ge [sflag:s1], $0x80  }
0x17a: {  	[sflag:s1] =	ssyncset.done $0x0  }
0x17b: {  	[sflag:s1] =	ssyncadd.s32 $0xFFFFFF80  }
0x17c: {  	_ =	swait.ge [sflag:s1], $0x80  }
0x17d: {  	[sflag:s1] =	ssyncset.done $0x0  }
0x17e: {  	[sflag:s1] =	ssyncadd.s32 $0xFFFFFF80  }
0x17f: {  	_ =	swait.ge [sflag:s1], $0x80  }
0x180: {  	[sflag:s1] =	ssyncset.done $0x0  }
0x181: {  	[sflag:s1] =	ssyncadd.s32 $0xFFFFFF80  }
0x182: {  	_ =	swait.ge [sflag:s1], $0x80  }
0x183: {  	[sflag:s1] =	ssyncset.done $0x0  }
0x184: {  	[sflag:s1] =	ssyncadd.s32 $0xFFFFFF80  }
0x185: {  	_ =	swait.ge [sflag:s1], $0x80  }
0x186: {  	[sflag:s1] =	ssyncset.done $0x0  }
0x187: {  	[sflag:s1] =	ssyncadd.s32 $0xFFFFFF80  }
0x188: {  	_ =	swait.ge [sflag:s1], $0x80  }
0x189: {  	[sflag:s1] =	ssyncset.done $0x0  }
0x18a: {  	[sflag:s1] =	ssyncadd.s32 $0xFFFFFF80  }
0x18b: {  	_ =	swait.ge [sflag:s1], $0x80  }
0x18c: {  	[sflag:s1] =	ssyncset.done $0x0  }
0x18d: {  	[sflag:s1] =	ssyncadd.s32 $0xFFFFFF80  }
0x18e: {  	_ =	swait.ge [sflag:s1], $0x80  }
0x18f: {  	[sflag:s1] =	ssyncset.done $0x0  }
0x190: {  	[sflag:s1] =	ssyncadd.s32 $0xFFFFFF80  }
0x191: {  	_ =	swait.ge [sflag:s1], $0x80  }
0x192: {  	[sflag:s1] =	ssyncset.done $0x0  }
0x193: {  	[sflag:s1] =	ssyncadd.s32 $0xFFFFFF80  }
0x194: {  	_ =	swait.ge [sflag:s1], $0x80  }
0x195: {  	[sflag:s1] =	ssyncset.done $0x0  }
0x196: {  	[sflag:s1] =	ssyncadd.s32 $0xFFFFFF80  }
0x197: {  	_ =	swait.ge [sflag:s1], $0x80  }
0x198: {  	[sflag:s1] =	ssyncset.done $0x0  }
0x199: {  	[sflag:s1] =	ssyncadd.s32 $0xFFFFFF80  }
0x19a: {  	_ =	swait.ge [sflag:s1], $0x80  }
0x19b: {  	[sflag:s1] =	ssyncset.done $0x0  }
0x19c: {  	[sflag:s1] =	ssyncadd.s32 $0xFFFFFF80  }
0x19d: {  	_ =	swait.ge [sflag:s1], $0x80  }
0x19e: {  	[sflag:s1] =	ssyncset.done $0x0  }
0x19f: {  	[sflag:s1] =	ssyncadd.s32 $0xFFFFFF80  }
0x1a0: {  	_ =	swait.ge [sflag:s1], $0x80  }
0x1a1: {  	[sflag:s1] =	ssyncset.done $0x0  }
0x1a2: {  	[sflag:s1] =	ssyncadd.s32 $0xFFFFFF80  }
0x1a3: {  	_ =	swait.ge [sflag:s1], $0x80  }
0x1a4: {  	[sflag:s1] =	ssyncset.done $0x0  }
0x1a5: {  	[sflag:s1] =	ssyncadd.s32 $0xFFFFFF80  }
0x1a6: {  	_ =	swait.ge [sflag:s1], $0x80  }
0x1a7: {  	[sflag:s1] =	ssyncset.done $0x0  }
0x1a8: {  	[sflag:s1] =	ssyncadd.s32 $0xFFFFFF80  }
0x1a9: {  	_ =	swait.ge [sflag:s1], $0x80  }
0x1aa: {  	[sflag:s1] =	ssyncset.done $0x0  }
0x1ab: {  	[sflag:s1] =	ssyncadd.s32 $0xFFFFFF80  }
0x1ac: {  	_ =	swait.ge [sflag:s1], $0x80  }
0x1ad: {  	[sflag:s1] =	ssyncset.done $0x0  }
0x1ae: {  	[sflag:s1] =	ssyncadd.s32 $0xFFFFFF80  }
0x1af: {  	_ =	swait.ge [sflag:s1], $0x80  }
0x1b0: {  	[sflag:s1] =	ssyncset.done $0x0  }
0x1b1: {  	[sflag:s1] =	ssyncadd.s32 $0xFFFFFF80  }
0x1b2: {  	_ =	swait.ge [sflag:s1], $0x80  }
0x1b3: {  	[sflag:s1] =	ssyncset.done $0x0  }
0x1b4: {  	[sflag:s1] =	ssyncadd.s32 $0xFFFFFF80  }
0x1b5: {  	_ =	swait.ge [sflag:s1], $0x80  }
0x1b6: {  	[sflag:s1] =	ssyncset.done $0x0  }
0x1b7: {  	[sflag:s1] =	ssyncadd.s32 $0xFFFFFF80  }
0x1b8: {  	_ =	swait.ge [sflag:s1], $0x80  }
0x1b9: {  	[sflag:s1] =	ssyncset.done $0x0  }
0x1ba: {  	[sflag:s1] =	ssyncadd.s32 $0xFFFFFF80  }
0x1bb: {  	_ =	swait.ge [sflag:s1], $0x80  }
0x1bc: {  	[sflag:s1] =	ssyncset.done $0x0  }
0x1bd: {  	[sflag:s1] =	ssyncadd.s32 $0xFFFFFF80  }
0x1be: {  	_ =	swait.ge [sflag:s1], $0x80  }
0x1bf: {  	[sflag:s1] =	ssyncset.done $0x0  }
0x1c0: {  	[sflag:s1] =	ssyncadd.s32 $0xFFFFFF80  }
0x1c1: {  	_ =	swait.ge [sflag:s1], $0x80  }
0x1c2: {  	[sflag:s1] =	ssyncset.done $0x0  }
0x1c3: {  	[sflag:s1] =	ssyncadd.s32 $0xFFFFFF80  }
0x1c4: {  	_ =	swait.ge [sflag:s1], $0x80  }
0x1c5: {  	[sflag:s1] =	ssyncset.done $0x0  }
0x1c6: {  	[sflag:s1] =	ssyncadd.s32 $0xFFFFFF80  }
0x1c7: {  	_ =	swait.ge [sflag:s1], $0x80  }
0x1c8: {  	[sflag:s1] =	ssyncset.done $0x0  }
0x1c9: {  	[sflag:s1] =	ssyncadd.s32 $0xFFFFFF80  }
0x1ca: {  	_ =	swait.ge [sflag:s1], $0x80  }
0x1cb: {  	[sflag:s1] =	ssyncset.done $0x0  }
0x1cc: {  	[sflag:s1] =	ssyncadd.s32 $0xFFFFFF80  }
0x1cd: {  	_ =	swait.ge [sflag:s1], $0x80  }
0x1ce: {  	[sflag:s1] =	ssyncset.done $0x0  }
0x1cf: {  	[sflag:s1] =	ssyncadd.s32 $0xFFFFFF80  }
0x1d0: {  	_ =	swait.ge [sflag:s1], $0x80  }
0x1d1: {  	[sflag:s1] =	ssyncset.done $0x0  }
0x1d2: {  	[sflag:s1] =	ssyncadd.s32 $0xFFFFFF80  }
0x1d3: {  	_ =	swait.ge [sflag:s1], $0x80  }
0x1d4: {  	[sflag:s1] =	ssyncset.done $0x0  }
0x1d5: {  	[sflag:s1] =	ssyncadd.s32 $0xFFFFFF80  }
0x1d6: {  	_ =	swait.ge [sflag:s1], $0x80  }
0x1d7: {  	[sflag:s1] =	ssyncset.done $0x0  }
0x1d8: {  	[sflag:s1] =	ssyncadd.s32 $0xFFFFFF80  }
0x1d9: {  	_ =	swait.ge [sflag:s1], $0x80  }
0x1da: {  	[sflag:s1] =	ssyncset.done $0x0  }
0x1db: {  	[sflag:s1] =	ssyncadd.s32 $0xFFFFFF80  }
0x1dc: {  	_ =	swait.ge [sflag:s1], $0x80  }
0x1dd: {  	[sflag:s1] =	ssyncset.done $0x0  }
0x1de: {  	[sflag:s1] =	ssyncadd.s32 $0xFFFFFF80  }
0x1df: {  	_ =	swait.ge [sflag:s1], $0x80  }
0x1e0: {  	p0 =	sne.s32 s4, $0x1;
	[sflag:s1] =	ssyncset.done $0x0  }
.Ltmp0:
0x1e1: {  	s10 =	rddreg [dreg:$0x3];
	[sflag:s1] =	ssyncadd.s32 $0xFFFFFF80;
	(pc) =	sbr.rel @p0 .LBB2_1-.Ltmp0, $4  }
0x1e2: {  	[hbm4b:s10+s2] =	stream.linear.scatter [tilespmem:s7], [sflag:$0x2], $0x2000, $0x38;
	[tilespmem:$0x4000] =	vst v63  }
0x1e3: {  	_ =	swait.ge [sflag:s5], $0x2000  }
0x1e4: {  	[sflag:s5] =	ssyncset.done $0x0  }
0x1e5: {  	s4 =	sadd.s32 $0xFFFFFFFF, s4;
	[sflag:s5] =	ssyncadd.s32 $0xFFFFE000  }
0x1e6: {  	_ =	sfence.sel $0x180000  }
0x1e7: {  	[bflag:$0x0] =	sbarrier.arrive $0xFFFF  }
0x1e8: {  	_ =	strace $0x9000004A  }
0x1e9: {  	s0 =	stileid.u32;
	[bflag:$0x2] =	sbarrier.arrive $0xFFFF  }
0x1ea: {  	p0 =	sne.s32 s0, $0x0;
	s0 =	rddreg [dreg:$0x1]  }
0x1eb: {  	s0 =	sadd.s32 @!p0 $0x100000, s0  }
0x1ec: {  	[sflag:s0] =	ssyncadd.tile.s32 @!p0 $0x1;
	_ =	shalt  }
.Lfunc_end2:
_tile_overlayer_lowered:
.L_overlay_start_2:
0x1ed: {  	(tag) =	ssettag $0x2  }
0x1ee: {  	s0 =	rddreg [dreg:$0x0];
	s2 =	stileid.u32  }
0x1ef: {  	s1 =	rddreg [dreg:$0x1];
	p0 =	sne.s32 s2, $0x0  }
0x1f0: {  	s3 =	rddreg [dreg:$0x2];
	[bflag:$0x3] =	sbarrier.arrive $0xFFFF;
	s2 =	simm.s32 @!p0 $0x1C02  }
0x1f1: {  	[timem:s3], [sflag:s2] =	dma.local @!p0 [hbm:s0], s1  }
0x1f2: {  	s0 =	simm.s32 @!p0 $0x2  }
0x1f3: {  	_ =	swait.ge @!p0 [sflag:s0], s1  }
0x1f4: {  	s1 =	ssub.s32 @!p0 $0x0, s1;
	[sflag:s0] =	ssyncset.done @!p0 $0x0  }
0x1f5: {  	[sflag:s0] =	ssyncadd.s32 @!p0 s1  }
0x1f6: {  	[bflag:$0x3] =	sbarrier.arrive $0xFFFF  }
0x1f7: {  	_ =	shalt  }

</sc_bundles>
